<compile_context>
chip_gen: v7x
topology: tpu7x:2x2x1
jax: 0.10.2.dev20260603
libtpu: 0.0.44.dev20260713+nightly
codegen_flags: <defaults>
</compile_context>

<pallas_src>
import jax
import jax.numpy as jnp
from jax import lax
from jax.experimental import pallas as pl
from jax.experimental.pallas import tpu as pltpu
from jax.experimental.pallas import tpu_sc as plsc

B = 16384
V = 1000000
GMF_D = 16
MLP_D = 32

NC = 2
NS = 16
NW = NC * NS
BPW = B // NW
GRP = 16
NGRP = BPW // GRP
S = 8
HSTG = BPW // 2


def _sc_gather_body(u_hbm, i_hbm, ugt, igt, umt, imt,
                    ug_out, ig_out, um_out, im_out,
                    idx_u, idx_i, ug_o, ig_o, um_o, im_o,
                    bug, big, bum, bim, sems):
  wid = lax.axis_index("s") * NC + lax.axis_index("c")
  base = wid * BPW
  pltpu.sync_copy(u_hbm.at[pl.ds(base, BPW)], idx_u)
  pltpu.sync_copy(i_hbm.at[pl.ds(base, BPW)], idx_i)
  rows16 = lax.iota(jnp.int32, 16)

  def fetch(slot, su, si):
    cu = pl.ds(pl.multiple_of(su, 128), 128)
    ci = pl.ds(pl.multiple_of(si, 128), 128)
    return [
        pltpu.async_copy(ugt.at[:, cu], bug[slot], sems[slot]),
        pltpu.async_copy(igt.at[:, ci], big[slot], sems[slot]),
        pltpu.async_copy(umt.at[:, cu], bum[slot], sems[slot]),
        pltpu.async_copy(imt.at[:, ci], bim[slot], sems[slot]),
    ]

  def drain(slot):
    pltpu.make_async_copy(ugt.at[:, pl.ds(0, 128)], bug[slot],
                          sems[slot]).wait()
    pltpu.make_async_copy(igt.at[:, pl.ds(0, 128)], big[slot],
                          sems[slot]).wait()
    pltpu.make_async_copy(umt.at[:, pl.ds(0, 128)], bum[slot],
                          sems[slot]).wait()
    pltpu.make_async_copy(imt.at[:, pl.ds(0, 128)], bim[slot],
                          sems[slot]).wait()

  vu0 = idx_u[pl.ds(0, GRP)]
  vi0 = idx_i[pl.ds(0, GRP)]
  for b in range(S):
    fetch(b, (vu0[b] >> 7) << 7, (vi0[b] >> 7) << 7)

  def group(g, carry):
    vu = idx_u[pl.ds(g * GRP, GRP)]
    vi = idx_i[pl.ds(g * GRP, GRP)]
    gn = jnp.minimum(g + 1, NGRP - 1)
    vun = idx_u[pl.ds(gn * GRP, GRP)]
    vin = idx_i[pl.ds(gn * GRP, GRP)]
    au = ((vu >> 7) << 7)
    ai = ((vi >> 7) << 7)
    aun = ((vun >> 7) << 7)
    ain = ((vin >> 7) << 7)
    ku = vu & 127
    ki = vi & 127
    for k in range(GRP):
      b = k % S
      drain(b)
      rr = jnp.broadcast_to((g * GRP + k) & (HSTG - 1), (16,)).astype(
          jnp.int32)
      cku = jnp.broadcast_to(ku[k], (16,))
      cki = jnp.broadcast_to(ki[k], (16,))
      plsc.store_scatter(ug_o, [rows16, rr],
                         plsc.load_gather(bug[b], [rows16, cku]))
      plsc.store_scatter(ig_o, [rows16, rr],
                         plsc.load_gather(big[b], [rows16, cki]))
      plsc.store_scatter(um_o, [rows16, rr],
                         plsc.load_gather(bum[b], [rows16, cku]))
      plsc.store_scatter(um_o, [rows16 + 16, rr],
                         plsc.load_gather(bum[b], [rows16 + 16, cku]))
      plsc.store_scatter(im_o, [rows16, rr],
                         plsc.load_gather(bim[b], [rows16, cki]))
      plsc.store_scatter(im_o, [rows16 + 16, rr],
                         plsc.load_gather(bim[b], [rows16 + 16, cki]))
      if k + S < GRP:
        fetch(b, au[k + S], ai[k + S])
      else:
        fetch(b, aun[k + S - GRP], ain[k + S - GRP])

    @pl.when(g == NGRP // 2 - 1)
    def _flush_first_half():
      cols0 = pl.ds(base, HSTG)
      pltpu.sync_copy(ug_o, ug_out.at[:, cols0])
      pltpu.sync_copy(ig_o, ig_out.at[:, cols0])
      pltpu.sync_copy(um_o, um_out.at[:, cols0])
      pltpu.sync_copy(im_o, im_out.at[:, cols0])

    return carry

  lax.fori_loop(0, NGRP, group, 0)
  for b in range(S):
    drain(b)
  cols = pl.ds(base + HSTG, HSTG)
  pltpu.sync_copy(ug_o, ug_out.at[:, cols])
  pltpu.sync_copy(ig_o, ig_out.at[:, cols])
  pltpu.sync_copy(um_o, um_out.at[:, cols])
  pltpu.sync_copy(im_o, im_out.at[:, cols])


_sc_gather = pl.kernel(
    _sc_gather_body,
    out_type=(
        jax.ShapeDtypeStruct((GMF_D, B), jnp.float32),
        jax.ShapeDtypeStruct((GMF_D, B), jnp.float32),
        jax.ShapeDtypeStruct((MLP_D, B), jnp.float32),
        jax.ShapeDtypeStruct((MLP_D, B), jnp.float32),
    ),
    mesh=plsc.VectorSubcoreMesh(core_axis_name="c", subcore_axis_name="s"),
    scratch_types=[
        pltpu.VMEM((BPW,), jnp.int32),
        pltpu.VMEM((BPW,), jnp.int32),
        pltpu.VMEM((GMF_D, HSTG), jnp.float32),
        pltpu.VMEM((GMF_D, HSTG), jnp.float32),
        pltpu.VMEM((MLP_D, HSTG), jnp.float32),
        pltpu.VMEM((MLP_D, HSTG), jnp.float32),
        [pltpu.VMEM((GMF_D, 128), jnp.float32)] * S,
        [pltpu.VMEM((GMF_D, 128), jnp.float32)] * S,
        [pltpu.VMEM((MLP_D, 128), jnp.float32)] * S,
        [pltpu.VMEM((MLP_D, 128), jnp.float32)] * S,
        [pltpu.SemaphoreType.DMA] * S,
    ],
    compiler_params=pltpu.CompilerParams(needs_layout_passes=False),
)


BLK = 4096


def _tc_mlp_body(ug_ref, ig_ref, um_ref, im_ref,
                 w0_ref, b0_ref, w1_ref, b1_ref, wfc_ref, bfc_ref, o_ref):
  x = jnp.concatenate([um_ref[...], im_ref[...]], axis=0)
  cd = (((0,), (0,)), ((), ()))
  h = lax.dot_general(w0_ref[...], x, cd)
  h = jnp.maximum(h + b0_ref[...].T, 0.0)
  m = lax.dot_general(w1_ref[...], h, cd)
  m = jnp.maximum(m + b1_ref[...].T, 0.0)
  g = ug_ref[...] * ig_ref[...]
  z = jnp.concatenate([g, m], axis=0)
  logit = lax.dot_general(wfc_ref[...], z, cd) + bfc_ref[...]
  o_ref[...] = jax.nn.sigmoid(logit)


def _tc_mlp(ug, ig, um, im, w0, b0, w1, b1, wfc, bfc):
  grid = (B // BLK,)
  col = lambda c: (0, c)
  rep = lambda c: (0, 0)
  return pl.pallas_call(
      _tc_mlp_body,
      grid=grid,
      in_specs=[
          pl.BlockSpec((GMF_D, BLK), col),
          pl.BlockSpec((GMF_D, BLK), col),
          pl.BlockSpec((MLP_D, BLK), col),
          pl.BlockSpec((MLP_D, BLK), col),
          pl.BlockSpec((64, 32), rep),
          pl.BlockSpec((1, 32), rep),
          pl.BlockSpec((32, 16), rep),
          pl.BlockSpec((1, 16), rep),
          pl.BlockSpec((32, 1), rep),
          pl.BlockSpec((1, 1), rep),
      ],
      out_specs=pl.BlockSpec((1, BLK), col),
      out_shape=jax.ShapeDtypeStruct((1, B), jnp.float32),
  )(ug, ig, um, im, w0, b0, w1, b1, wfc, bfc)


@jax.jit
def kernel(u, i, Ugmf, Igmf, Umlp, Imlp, W0, b0, W1, b1, Wfc, bfc):
  ug, ig, um, im = _sc_gather(u.astype(jnp.int32), i.astype(jnp.int32),
                              Ugmf.T, Igmf.T, Umlp.T, Imlp.T)
  out = _tc_mlp(ug, ig, um, im,
                W0, b0.reshape(1, -1), W1, b1.reshape(1, -1),
                Wfc, bfc.reshape(1, 1))
  return out.reshape(B, 1)

# --- scband reference (transcript-rebuilt; emitter-appended) ---
"""Pipeline reference for scband-neu-mf-944892805515 (READ-ONLY COPY).

The authoritative reference and input builder live on the scoring server;
editing this copy changes nothing except your own understanding.
"""

import jax, jax.numpy as jnp
import numpy as np

N_USER = 1000000
N_ITEM = 1000000
GMF_DIM = 16
MLP_DIM = 16
NUM_LAYERS = 2
BATCH = 16384


def setup_inputs(seed: int = 0) -> dict:
    key = jax.random.key(seed)
    ks = jax.random.split(key, 14)
    d_mlp_embed = MLP_DIM * 2 ** (NUM_LAYERS - 1)  # 32
    u = jax.random.randint(ks[0], (BATCH,), 0, N_USER, dtype=jnp.int64 if jax.config.jax_enable_x64 else jnp.int32)
    i = jax.random.randint(ks[1], (BATCH,), 0, N_ITEM, dtype=jnp.int64 if jax.config.jax_enable_x64 else jnp.int32)
    Ugmf = jax.random.normal(ks[2], (N_USER, GMF_DIM), dtype=jnp.float32) * 0.05
    Igmf = jax.random.normal(ks[3], (N_ITEM, GMF_DIM), dtype=jnp.float32) * 0.05
    Umlp = jax.random.normal(ks[4], (N_USER, d_mlp_embed), dtype=jnp.float32) * 0.05
    Imlp = jax.random.normal(ks[5], (N_ITEM, d_mlp_embed), dtype=jnp.float32) * 0.05
    # MLP layers: layer0 in=MLP_DIM*2**NUM_LAYERS=64 -> 32, layer1 32 -> 16
    in0 = MLP_DIM * 2 ** NUM_LAYERS
    W0 = jax.random.normal(ks[6], (in0, in0 // 2), dtype=jnp.float32) * (1.0 / np.sqrt(in0))
    b0 = jnp.zeros((in0 // 2,), dtype=jnp.float32)
    in1 = in0 // 2
    W1 = jax.random.normal(ks[7], (in1, in1 // 2), dtype=jnp.float32) * (1.0 / np.sqrt(in1))
    b1 = jnp.zeros((in1 // 2,), dtype=jnp.float32)
    fc_in = MLP_DIM + GMF_DIM
    Wfc = jax.random.normal(ks[8], (fc_in, 1), dtype=jnp.float32) * (1.0 / np.sqrt(fc_in))
    bfc = jnp.zeros((1,), dtype=jnp.float32)
    return {"u": u, "i": i, "Ugmf": Ugmf, "Igmf": Igmf, "Umlp": Umlp, "Imlp": Imlp,
            "W0": W0, "b0": b0, "W1": W1, "b1": b1, "Wfc": Wfc, "bfc": bfc}


def reference(u, i, Ugmf, Igmf, Umlp, Imlp, W0, b0, W1, b1, Wfc, bfc):
    user_embedding_gmf = jnp.take(Ugmf, u, axis=0)
    item_embedding_gmf = jnp.take(Igmf, i, axis=0)
    user_embedding_mlp = jnp.take(Umlp, u, axis=0)
    item_embedding_mlp = jnp.take(Imlp, i, axis=0)
    interaction_vector = jnp.concatenate([user_embedding_mlp, item_embedding_mlp], axis=-1)
    h = jax.nn.relu(interaction_vector @ W0 + b0)
    output_mlp = jax.nn.relu(h @ W1 + b1)
    element_wise_product = user_embedding_gmf * item_embedding_gmf
    concat_output = jnp.concatenate([element_wise_product, output_mlp], axis=-1)
    final_output_fc = concat_output @ Wfc + bfc
    final_output = jax.nn.sigmoid(final_output_fc)
    return final_output

if __name__ == "__main__":
    import jax
    _d = setup_inputs()
    print(jax.jit(kernel)(*tuple(_d.values())))

</pallas_src>

<mosaic_0001>
#map = affine_map<(d0, d1) -> (0)>
#map1 = affine_map<(d0, d1) -> (0, 0)>
module attributes {stable_mosaic.version = 14 : i64} {
  func.func @_sc_gather_body(%arg0: i32, %arg1: i32, %arg2: memref<16384xi32, #tpu.memory_space<hbm>>, %arg3: memref<16384xi32, #tpu.memory_space<hbm>>, %arg4: memref<16x1000000xf32, #tpu.memory_space<hbm>>, %arg5: memref<16x1000000xf32, #tpu.memory_space<hbm>>, %arg6: memref<32x1000000xf32, #tpu.memory_space<hbm>>, %arg7: memref<32x1000000xf32, #tpu.memory_space<hbm>>, %arg8: memref<16x16384xf32, #tpu.memory_space<hbm>>, %arg9: memref<16x16384xf32, #tpu.memory_space<hbm>>, %arg10: memref<32x16384xf32, #tpu.memory_space<hbm>>, %arg11: memref<32x16384xf32, #tpu.memory_space<hbm>>, %arg12: memref<512xi32, #tpu.memory_space<vmem>>, %arg13: memref<512xi32, #tpu.memory_space<vmem>>, %arg14: memref<16x256xf32, #tpu.memory_space<vmem>>, %arg15: memref<16x256xf32, #tpu.memory_space<vmem>>, %arg16: memref<32x256xf32, #tpu.memory_space<vmem>>, %arg17: memref<32x256xf32, #tpu.memory_space<vmem>>, %arg18: memref<16x128xf32, #tpu.memory_space<vmem>>, %arg19: memref<16x128xf32, #tpu.memory_space<vmem>>, %arg20: memref<16x128xf32, #tpu.memory_space<vmem>>, %arg21: memref<16x128xf32, #tpu.memory_space<vmem>>, %arg22: memref<16x128xf32, #tpu.memory_space<vmem>>, %arg23: memref<16x128xf32, #tpu.memory_space<vmem>>, %arg24: memref<16x128xf32, #tpu.memory_space<vmem>>, %arg25: memref<16x128xf32, #tpu.memory_space<vmem>>, %arg26: memref<16x128xf32, #tpu.memory_space<vmem>>, %arg27: memref<16x128xf32, #tpu.memory_space<vmem>>, %arg28: memref<16x128xf32, #tpu.memory_space<vmem>>, %arg29: memref<16x128xf32, #tpu.memory_space<vmem>>, %arg30: memref<16x128xf32, #tpu.memory_space<vmem>>, %arg31: memref<16x128xf32, #tpu.memory_space<vmem>>, %arg32: memref<16x128xf32, #tpu.memory_space<vmem>>, %arg33: memref<16x128xf32, #tpu.memory_space<vmem>>, %arg34: memref<32x128xf32, #tpu.memory_space<vmem>>, %arg35: memref<32x128xf32, #tpu.memory_space<vmem>>, %arg36: memref<32x128xf32, #tpu.memory_space<vmem>>, %arg37: memref<32x128xf32, #tpu.memory_space<vmem>>, %arg38: memref<32x128xf32, #tpu.memory_space<vmem>>, %arg39: memref<32x128xf32, #tpu.memory_space<vmem>>, %arg40: memref<32x128xf32, #tpu.memory_space<vmem>>, %arg41: memref<32x128xf32, #tpu.memory_space<vmem>>, %arg42: memref<32x128xf32, #tpu.memory_space<vmem>>, %arg43: memref<32x128xf32, #tpu.memory_space<vmem>>, %arg44: memref<32x128xf32, #tpu.memory_space<vmem>>, %arg45: memref<32x128xf32, #tpu.memory_space<vmem>>, %arg46: memref<32x128xf32, #tpu.memory_space<vmem>>, %arg47: memref<32x128xf32, #tpu.memory_space<vmem>>, %arg48: memref<32x128xf32, #tpu.memory_space<vmem>>, %arg49: memref<32x128xf32, #tpu.memory_space<vmem>>, %arg50: memref<!tpu.dma_semaphore, #tpu.memory_space<semaphore_mem>>, %arg51: memref<!tpu.dma_semaphore, #tpu.memory_space<semaphore_mem>>, %arg52: memref<!tpu.dma_semaphore, #tpu.memory_space<semaphore_mem>>, %arg53: memref<!tpu.dma_semaphore, #tpu.memory_space<semaphore_mem>>, %arg54: memref<!tpu.dma_semaphore, #tpu.memory_space<semaphore_mem>>, %arg55: memref<!tpu.dma_semaphore, #tpu.memory_space<semaphore_mem>>, %arg56: memref<!tpu.dma_semaphore, #tpu.memory_space<semaphore_mem>>, %arg57: memref<!tpu.dma_semaphore, #tpu.memory_space<semaphore_mem>>) attributes {dimension_semantics = [#tpu.dimension_semantics<core_parallel>, #tpu.dimension_semantics<subcore_parallel>], iteration_bounds = array<i64: 2, 16>, scalar_prefetch = 0 : i64, scratch_operands = 46 : i64, tpu.core_type = #tpu.core_type<sc_vector_subcore>, window_params = [{transform_indices = #map}, {transform_indices = #map}, {transform_indices = #map1}, {transform_indices = #map1}, {transform_indices = #map1}, {transform_indices = #map1}, {transform_indices = #map1}, {transform_indices = #map1}, {transform_indices = #map1}, {transform_indices = #map1}]} {
    %mul3A = arith.constant 2 : i32
    %mul3A_0 = arith.muli %arg1, %mul3A : i32
    %add3A = arith.addi %mul3A_0, %arg0 : i32
    %mul3A_1 = arith.constant 512 : i32
    %mul3A_2 = arith.muli %add3A, %mul3A_1 : i32
    "tpu.region"() ({
      %run_scoped3A = tpu.sem_alloc : memref<!tpu.dma_semaphore, #tpu.memory_space<semaphore_mem>>
      %dma_start3A_438 = tpu.memref_slice %arg2[%mul3A_2] : memref<16384xi32, #tpu.memory_space<hbm>> -> memref<512xi32, #tpu.memory_space<hbm>>
      %dma_start3A_439 = tpu.memref_slice %arg2[%mul3A_2] : memref<16384xi32, #tpu.memory_space<hbm>> -> memref<512xi32, #tpu.memory_space<hbm>>
      tpu.enqueue_dma source(%dma_start3A_439 : memref<512xi32, #tpu.memory_space<hbm>>) target(%arg12 : memref<512xi32, #tpu.memory_space<vmem>>) target_semaphore(%run_scoped3A : memref<!tpu.dma_semaphore, #tpu.memory_space<semaphore_mem>>)
      %dma_wait3A_440 = tpu.memref_slice %arg2[%mul3A_2] : memref<16384xi32, #tpu.memory_space<hbm>> -> memref<512xi32, #tpu.memory_space<hbm>>
      %dma_wait3A_441 = tpu.memref_slice %arg2[%mul3A_2] : memref<16384xi32, #tpu.memory_space<hbm>> -> memref<512xi32, #tpu.memory_space<hbm>>
      tpu.wait_dma2 semaphore(%run_scoped3A : memref<!tpu.dma_semaphore, #tpu.memory_space<semaphore_mem>>) src(%dma_wait3A_441 : memref<512xi32, #tpu.memory_space<hbm>>) dst(%arg12 : memref<512xi32, #tpu.memory_space<vmem>>)
      tpu.yield
    }) : () -> ()
    "tpu.region"() ({
      %run_scoped3A = tpu.sem_alloc : memref<!tpu.dma_semaphore, #tpu.memory_space<semaphore_mem>>
      %dma_start3A_438 = tpu.memref_slice %arg3[%mul3A_2] : memref<16384xi32, #tpu.memory_space<hbm>> -> memref<512xi32, #tpu.memory_space<hbm>>
      %dma_start3A_439 = tpu.memref_slice %arg3[%mul3A_2] : memref<16384xi32, #tpu.memory_space<hbm>> -> memref<512xi32, #tpu.memory_space<hbm>>
      tpu.enqueue_dma source(%dma_start3A_439 : memref<512xi32, #tpu.memory_space<hbm>>) target(%arg13 : memref<512xi32, #tpu.memory_space<vmem>>) target_semaphore(%run_scoped3A : memref<!tpu.dma_semaphore, #tpu.memory_space<semaphore_mem>>)
      %dma_wait3A_440 = tpu.memref_slice %arg3[%mul3A_2] : memref<16384xi32, #tpu.memory_space<hbm>> -> memref<512xi32, #tpu.memory_space<hbm>>
      %dma_wait3A_441 = tpu.memref_slice %arg3[%mul3A_2] : memref<16384xi32, #tpu.memory_space<hbm>> -> memref<512xi32, #tpu.memory_space<hbm>>
      tpu.wait_dma2 semaphore(%run_scoped3A : memref<!tpu.dma_semaphore, #tpu.memory_space<semaphore_mem>>) src(%dma_wait3A_441 : memref<512xi32, #tpu.memory_space<hbm>>) dst(%arg13 : memref<512xi32, #tpu.memory_space<vmem>>)
      tpu.yield
    }) : () -> ()
    %iota3A = tpu.iota {dimensions = array<i32: 0>} : vector<16xi32>
    %get3A = arith.constant 0 : index
    %get3A_3 = tpu.vector_load %arg12[%get3A] {strides = array<i32>} : memref<512xi32, #tpu.memory_space<vmem>>, vector<16xi32>,
    %get3A_4 = arith.constant 0 : index
    %get3A_5 = tpu.vector_load %arg13[%get3A_4] {strides = array<i32>} : memref<512xi32, #tpu.memory_space<vmem>>, vector<16xi32>,
    %slice3A = vector.extract_strided_slice %get3A_3 {offsets = [0], sizes = [1], strides = [1]} : vector<16xi32> to vector<1xi32>
    %squeeze3A = vector.extract %slice3A[0] : i32 from vector<1xi32>
    %shift_right_arithmetic3A = arith.constant 7 : i32
    %shift_right_arithmetic3A_6 = arith.shrsi %squeeze3A, %shift_right_arithmetic3A : i32
    %shift_left3A = arith.constant 7 : i32
    %shift_left3A_7 = arith.shli %shift_right_arithmetic3A_6, %shift_left3A : i32
    %slice3A_8 = vector.extract_strided_slice %get3A_5 {offsets = [0], sizes = [1], strides = [1]} : vector<16xi32> to vector<1xi32>
    %squeeze3A_9 = vector.extract %slice3A_8[0] : i32 from vector<1xi32>
    %shift_right_arithmetic3A_10 = arith.constant 7 : i32
    %shift_right_arithmetic3A_11 = arith.shrsi %squeeze3A_9, %shift_right_arithmetic3A_10 : i32
    %shift_left3A_12 = arith.constant 7 : i32
    %shift_left3A_13 = arith.shli %shift_right_arithmetic3A_11, %shift_left3A_12 : i32
    %multiple_of3A = tpu.assume_multiple %shift_left3A_7, 128 : i32
    %multiple_of3A_14 = tpu.assume_multiple %shift_left3A_13, 128 : i32
    %dma_start3A = arith.constant 0 : i32
    %dma_start3A_15 = tpu.memref_slice %arg4[%dma_start3A, %multiple_of3A] : memref<16x1000000xf32, #tpu.memory_space<hbm>> -> memref<16x128xf32, #tpu.memory_space<hbm>>
    %dma_start3A_16 = arith.constant 0 : i32
    %dma_start3A_17 = tpu.memref_slice %arg4[%dma_start3A_16, %multiple_of3A] : memref<16x1000000xf32, #tpu.memory_space<hbm>> -> memref<16x128xf32, #tpu.memory_space<hbm>>
    tpu.enqueue_dma source(%dma_start3A_17 : memref<16x128xf32, #tpu.memory_space<hbm>>) target(%arg18 : memref<16x128xf32, #tpu.memory_space<vmem>>) target_semaphore(%arg50 : memref<!tpu.dma_semaphore, #tpu.memory_space<semaphore_mem>>)
    %dma_start3A_18 = arith.constant 0 : i32
    %dma_start3A_19 = tpu.memref_slice %arg5[%dma_start3A_18, %multiple_of3A_14] : memref<16x1000000xf32, #tpu.memory_space<hbm>> -> memref<16x128xf32, #tpu.memory_space<hbm>>
    %dma_start3A_20 = arith.constant 0 : i32
    %dma_start3A_21 = tpu.memref_slice %arg5[%dma_start3A_20, %multiple_of3A_14] : memref<16x1000000xf32, #tpu.memory_space<hbm>> -> memref<16x128xf32, #tpu.memory_space<hbm>>
    tpu.enqueue_dma source(%dma_start3A_21 : memref<16x128xf32, #tpu.memory_space<hbm>>) target(%arg26 : memref<16x128xf32, #tpu.memory_space<vmem>>) target_semaphore(%arg50 : memref<!tpu.dma_semaphore, #tpu.memory_space<semaphore_mem>>)
    %dma_start3A_22 = arith.constant 0 : i32
    %dma_start3A_23 = tpu.memref_slice %arg6[%dma_start3A_22, %multiple_of3A] : memref<32x1000000xf32, #tpu.memory_space<hbm>> -> memref<32x128xf32, #tpu.memory_space<hbm>>
    %dma_start3A_24 = arith.constant 0 : i32
    %dma_start3A_25 = tpu.memref_slice %arg6[%dma_start3A_24, %multiple_of3A] : memref<32x1000000xf32, #tpu.memory_space<hbm>> -> memref<32x128xf32, #tpu.memory_space<hbm>>
    tpu.enqueue_dma source(%dma_start3A_25 : memref<32x128xf32, #tpu.memory_space<hbm>>) target(%arg34 : memref<32x128xf32, #tpu.memory_space<vmem>>) target_semaphore(%arg50 : memref<!tpu.dma_semaphore, #tpu.memory_space<semaphore_mem>>)
    %dma_start3A_26 = arith.constant 0 : i32
    %dma_start3A_27 = tpu.memref_slice %arg7[%dma_start3A_26, %multiple_of3A_14] : memref<32x1000000xf32, #tpu.memory_space<hbm>> -> memref<32x128xf32, #tpu.memory_space<hbm>>
    %dma_start3A_28 = arith.constant 0 : i32
    %dma_start3A_29 = tpu.memref_slice %arg7[%dma_start3A_28, %multiple_of3A_14] : memref<32x1000000xf32, #tpu.memory_space<hbm>> -> memref<32x128xf32, #tpu.memory_space<hbm>>
    tpu.enqueue_dma source(%dma_start3A_29 : memref<32x128xf32, #tpu.memory_space<hbm>>) target(%arg42 : memref<32x128xf32, #tpu.memory_space<vmem>>) target_semaphore(%arg50 : memref<!tpu.dma_semaphore, #tpu.memory_space<semaphore_mem>>)
    %slice3A_30 = vector.extract_strided_slice %get3A_3 {offsets = [1], sizes = [1], strides = [1]} : vector<16xi32> to vector<1xi32>
    %squeeze3A_31 = vector.extract %slice3A_30[0] : i32 from vector<1xi32>
    %shift_right_arithmetic3A_32 = arith.constant 7 : i32
    %shift_right_arithmetic3A_33 = arith.shrsi %squeeze3A_31, %shift_right_arithmetic3A_32 : i32
    %shift_left3A_34 = arith.constant 7 : i32
    %shift_left3A_35 = arith.shli %shift_right_arithmetic3A_33, %shift_left3A_34 : i32
    %slice3A_36 = vector.extract_strided_slice %get3A_5 {offsets = [1], sizes = [1], strides = [1]} : vector<16xi32> to vector<1xi32>
    %squeeze3A_37 = vector.extract %slice3A_36[0] : i32 from vector<1xi32>
    %shift_right_arithmetic3A_38 = arith.constant 7 : i32
    %shift_right_arithmetic3A_39 = arith.shrsi %squeeze3A_37, %shift_right_arithmetic3A_38 : i32
    %shift_left3A_40 = arith.constant 7 : i32
    %shift_left3A_41 = arith.shli %shift_right_arithmetic3A_39, %shift_left3A_40 : i32
    %multiple_of3A_42 = tpu.assume_multiple %shift_left3A_35, 128 : i32
    %multiple_of3A_43 = tpu.assume_multiple %shift_left3A_41, 128 : i32
    %dma_start3A_44 = arith.constant 0 : i32
    %dma_start3A_45 = tpu.memref_slice %arg4[%dma_start3A_44, %multiple_of3A_42] : memref<16x1000000xf32, #tpu.memory_space<hbm>> -> memref<16x128xf32, #tpu.memory_space<hbm>>
    %dma_start3A_46 = arith.constant 0 : i32
    %dma_start3A_47 = tpu.memref_slice %arg4[%dma_start3A_46, %multiple_of3A_42] : memref<16x1000000xf32, #tpu.memory_space<hbm>> -> memref<16x128xf32, #tpu.memory_space<hbm>>
    tpu.enqueue_dma source(%dma_start3A_47 : memref<16x128xf32, #tpu.memory_space<hbm>>) target(%arg19 : memref<16x128xf32, #tpu.memory_space<vmem>>) target_semaphore(%arg51 : memref<!tpu.dma_semaphore, #tpu.memory_space<semaphore_mem>>)
    %dma_start3A_48 = arith.constant 0 : i32
    %dma_start3A_49 = tpu.memref_slice %arg5[%dma_start3A_48, %multiple_of3A_43] : memref<16x1000000xf32, #tpu.memory_space<hbm>> -> memref<16x128xf32, #tpu.memory_space<hbm>>
    %dma_start3A_50 = arith.constant 0 : i32
    %dma_start3A_51 = tpu.memref_slice %arg5[%dma_start3A_50, %multiple_of3A_43] : memref<16x1000000xf32, #tpu.memory_space<hbm>> -> memref<16x128xf32, #tpu.memory_space<hbm>>
    tpu.enqueue_dma source(%dma_start3A_51 : memref<16x128xf32, #tpu.memory_space<hbm>>) target(%arg27 : memref<16x128xf32, #tpu.memory_space<vmem>>) target_semaphore(%arg51 : memref<!tpu.dma_semaphore, #tpu.memory_space<semaphore_mem>>)
    %dma_start3A_52 = arith.constant 0 : i32
    %dma_start3A_53 = tpu.memref_slice %arg6[%dma_start3A_52, %multiple_of3A_42] : memref<32x1000000xf32, #tpu.memory_space<hbm>> -> memref<32x128xf32, #tpu.memory_space<hbm>>
    %dma_start3A_54 = arith.constant 0 : i32
    %dma_start3A_55 = tpu.memref_slice %arg6[%dma_start3A_54, %multiple_of3A_42] : memref<32x1000000xf32, #tpu.memory_space<hbm>> -> memref<32x128xf32, #tpu.memory_space<hbm>>
    tpu.enqueue_dma source(%dma_start3A_55 : memref<32x128xf32, #tpu.memory_space<hbm>>) target(%arg35 : memref<32x128xf32, #tpu.memory_space<vmem>>) target_semaphore(%arg51 : memref<!tpu.dma_semaphore, #tpu.memory_space<semaphore_mem>>)
    %dma_start3A_56 = arith.constant 0 : i32
    %dma_start3A_57 = tpu.memref_slice %arg7[%dma_start3A_56, %multiple_of3A_43] : memref<32x1000000xf32, #tpu.memory_space<hbm>> -> memref<32x128xf32, #tpu.memory_space<hbm>>
    %dma_start3A_58 = arith.constant 0 : i32
    %dma_start3A_59 = tpu.memref_slice %arg7[%dma_start3A_58, %multiple_of3A_43] : memref<32x1000000xf32, #tpu.memory_space<hbm>> -> memref<32x128xf32, #tpu.memory_space<hbm>>
    tpu.enqueue_dma source(%dma_start3A_59 : memref<32x128xf32, #tpu.memory_space<hbm>>) target(%arg43 : memref<32x128xf32, #tpu.memory_space<vmem>>) target_semaphore(%arg51 : memref<!tpu.dma_semaphore, #tpu.memory_space<semaphore_mem>>)
    %slice3A_60 = vector.extract_strided_slice %get3A_3 {offsets = [2], sizes = [1], strides = [1]} : vector<16xi32> to vector<1xi32>
    %squeeze3A_61 = vector.extract %slice3A_60[0] : i32 from vector<1xi32>
    %shift_right_arithmetic3A_62 = arith.constant 7 : i32
    %shift_right_arithmetic3A_63 = arith.shrsi %squeeze3A_61, %shift_right_arithmetic3A_62 : i32
    %shift_left3A_64 = arith.constant 7 : i32
    %shift_left3A_65 = arith.shli %shift_right_arithmetic3A_63, %shift_left3A_64 : i32
    %slice3A_66 = vector.extract_strided_slice %get3A_5 {offsets = [2], sizes = [1], strides = [1]} : vector<16xi32> to vector<1xi32>
    %squeeze3A_67 = vector.extract %slice3A_66[0] : i32 from vector<1xi32>
    %shift_right_arithmetic3A_68 = arith.constant 7 : i32
    %shift_right_arithmetic3A_69 = arith.shrsi %squeeze3A_67, %shift_right_arithmetic3A_68 : i32
    %shift_left3A_70 = arith.constant 7 : i32
    %shift_left3A_71 = arith.shli %shift_right_arithmetic3A_69, %shift_left3A_70 : i32
    %multiple_of3A_72 = tpu.assume_multiple %shift_left3A_65, 128 : i32
    %multiple_of3A_73 = tpu.assume_multiple %shift_left3A_71, 128 : i32
    %dma_start3A_74 = arith.constant 0 : i32
    %dma_start3A_75 = tpu.memref_slice %arg4[%dma_start3A_74, %multiple_of3A_72] : memref<16x1000000xf32, #tpu.memory_space<hbm>> -> memref<16x128xf32, #tpu.memory_space<hbm>>
    %dma_start3A_76 = arith.constant 0 : i32
    %dma_start3A_77 = tpu.memref_slice %arg4[%dma_start3A_76, %multiple_of3A_72] : memref<16x1000000xf32, #tpu.memory_space<hbm>> -> memref<16x128xf32, #tpu.memory_space<hbm>>
    tpu.enqueue_dma source(%dma_start3A_77 : memref<16x128xf32, #tpu.memory_space<hbm>>) target(%arg20 : memref<16x128xf32, #tpu.memory_space<vmem>>) target_semaphore(%arg52 : memref<!tpu.dma_semaphore, #tpu.memory_space<semaphore_mem>>)
    %dma_start3A_78 = arith.constant 0 : i32
    %dma_start3A_79 = tpu.memref_slice %arg5[%dma_start3A_78, %multiple_of3A_73] : memref<16x1000000xf32, #tpu.memory_space<hbm>> -> memref<16x128xf32, #tpu.memory_space<hbm>>
    %dma_start3A_80 = arith.constant 0 : i32
    %dma_start3A_81 = tpu.memref_slice %arg5[%dma_start3A_80, %multiple_of3A_73] : memref<16x1000000xf32, #tpu.memory_space<hbm>> -> memref<16x128xf32, #tpu.memory_space<hbm>>
    tpu.enqueue_dma source(%dma_start3A_81 : memref<16x128xf32, #tpu.memory_space<hbm>>) target(%arg28 : memref<16x128xf32, #tpu.memory_space<vmem>>) target_semaphore(%arg52 : memref<!tpu.dma_semaphore, #tpu.memory_space<semaphore_mem>>)
    %dma_start3A_82 = arith.constant 0 : i32
    %dma_start3A_83 = tpu.memref_slice %arg6[%dma_start3A_82, %multiple_of3A_72] : memref<32x1000000xf32, #tpu.memory_space<hbm>> -> memref<32x128xf32, #tpu.memory_space<hbm>>
    %dma_start3A_84 = arith.constant 0 : i32
    %dma_start3A_85 = tpu.memref_slice %arg6[%dma_start3A_84, %multiple_of3A_72] : memref<32x1000000xf32, #tpu.memory_space<hbm>> -> memref<32x128xf32, #tpu.memory_space<hbm>>
    tpu.enqueue_dma source(%dma_start3A_85 : memref<32x128xf32, #tpu.memory_space<hbm>>) target(%arg36 : memref<32x128xf32, #tpu.memory_space<vmem>>) target_semaphore(%arg52 : memref<!tpu.dma_semaphore, #tpu.memory_space<semaphore_mem>>)
    %dma_start3A_86 = arith.constant 0 : i32
    %dma_start3A_87 = tpu.memref_slice %arg7[%dma_start3A_86, %multiple_of3A_73] : memref<32x1000000xf32, #tpu.memory_space<hbm>> -> memref<32x128xf32, #tpu.memory_space<hbm>>
    %dma_start3A_88 = arith.constant 0 : i32
    %dma_start3A_89 = tpu.memref_slice %arg7[%dma_start3A_88, %multiple_of3A_73] : memref<32x1000000xf32, #tpu.memory_space<hbm>> -> memref<32x128xf32, #tpu.memory_space<hbm>>
    tpu.enqueue_dma source(%dma_start3A_89 : memref<32x128xf32, #tpu.memory_space<hbm>>) target(%arg44 : memref<32x128xf32, #tpu.memory_space<vmem>>) target_semaphore(%arg52 : memref<!tpu.dma_semaphore, #tpu.memory_space<semaphore_mem>>)
    %slice3A_90 = vector.extract_strided_slice %get3A_3 {offsets = [3], sizes = [1], strides = [1]} : vector<16xi32> to vector<1xi32>
    %squeeze3A_91 = vector.extract %slice3A_90[0] : i32 from vector<1xi32>
    %shift_right_arithmetic3A_92 = arith.constant 7 : i32
    %shift_right_arithmetic3A_93 = arith.shrsi %squeeze3A_91, %shift_right_arithmetic3A_92 : i32
    %shift_left3A_94 = arith.constant 7 : i32
    %shift_left3A_95 = arith.shli %shift_right_arithmetic3A_93, %shift_left3A_94 : i32
    %slice3A_96 = vector.extract_strided_slice %get3A_5 {offsets = [3], sizes = [1], strides = [1]} : vector<16xi32> to vector<1xi32>
    %squeeze3A_97 = vector.extract %slice3A_96[0] : i32 from vector<1xi32>
    %shift_right_arithmetic3A_98 = arith.constant 7 : i32
    %shift_right_arithmetic3A_99 = arith.shrsi %squeeze3A_97, %shift_right_arithmetic3A_98 : i32
    %shift_left3A_100 = arith.constant 7 : i32
    %shift_left3A_101 = arith.shli %shift_right_arithmetic3A_99, %shift_left3A_100 : i32
    %multiple_of3A_102 = tpu.assume_multiple %shift_left3A_95, 128 : i32
    %multiple_of3A_103 = tpu.assume_multiple %shift_left3A_101, 128 : i32
    %dma_start3A_104 = arith.constant 0 : i32
    %dma_start3A_105 = tpu.memref_slice %arg4[%dma_start3A_104, %multiple_of3A_102] : memref<16x1000000xf32, #tpu.memory_space<hbm>> -> memref<16x128xf32, #tpu.memory_space<hbm>>
    %dma_start3A_106 = arith.constant 0 : i32
    %dma_start3A_107 = tpu.memref_slice %arg4[%dma_start3A_106, %multiple_of3A_102] : memref<16x1000000xf32, #tpu.memory_space<hbm>> -> memref<16x128xf32, #tpu.memory_space<hbm>>
    tpu.enqueue_dma source(%dma_start3A_107 : memref<16x128xf32, #tpu.memory_space<hbm>>) target(%arg21 : memref<16x128xf32, #tpu.memory_space<vmem>>) target_semaphore(%arg53 : memref<!tpu.dma_semaphore, #tpu.memory_space<semaphore_mem>>)
    %dma_start3A_108 = arith.constant 0 : i32
    %dma_start3A_109 = tpu.memref_slice %arg5[%dma_start3A_108, %multiple_of3A_103] : memref<16x1000000xf32, #tpu.memory_space<hbm>> -> memref<16x128xf32, #tpu.memory_space<hbm>>
    %dma_start3A_110 = arith.constant 0 : i32
    %dma_start3A_111 = tpu.memref_slice %arg5[%dma_start3A_110, %multiple_of3A_103] : memref<16x1000000xf32, #tpu.memory_space<hbm>> -> memref<16x128xf32, #tpu.memory_space<hbm>>
    tpu.enqueue_dma source(%dma_start3A_111 : memref<16x128xf32, #tpu.memory_space<hbm>>) target(%arg29 : memref<16x128xf32, #tpu.memory_space<vmem>>) target_semaphore(%arg53 : memref<!tpu.dma_semaphore, #tpu.memory_space<semaphore_mem>>)
    %dma_start3A_112 = arith.constant 0 : i32
    %dma_start3A_113 = tpu.memref_slice %arg6[%dma_start3A_112, %multiple_of3A_102] : memref<32x1000000xf32, #tpu.memory_space<hbm>> -> memref<32x128xf32, #tpu.memory_space<hbm>>
    %dma_start3A_114 = arith.constant 0 : i32
    %dma_start3A_115 = tpu.memref_slice %arg6[%dma_start3A_114, %multiple_of3A_102] : memref<32x1000000xf32, #tpu.memory_space<hbm>> -> memref<32x128xf32, #tpu.memory_space<hbm>>
    tpu.enqueue_dma source(%dma_start3A_115 : memref<32x128xf32, #tpu.memory_space<hbm>>) target(%arg37 : memref<32x128xf32, #tpu.memory_space<vmem>>) target_semaphore(%arg53 : memref<!tpu.dma_semaphore, #tpu.memory_space<semaphore_mem>>)
    %dma_start3A_116 = arith.constant 0 : i32
    %dma_start3A_117 = tpu.memref_slice %arg7[%dma_start3A_116, %multiple_of3A_103] : memref<32x1000000xf32, #tpu.memory_space<hbm>> -> memref<32x128xf32, #tpu.memory_space<hbm>>
    %dma_start3A_118 = arith.constant 0 : i32
    %dma_start3A_119 = tpu.memref_slice %arg7[%dma_start3A_118, %multiple_of3A_103] : memref<32x1000000xf32, #tpu.memory_space<hbm>> -> memref<32x128xf32, #tpu.memory_space<hbm>>
    tpu.enqueue_dma source(%dma_start3A_119 : memref<32x128xf32, #tpu.memory_space<hbm>>) target(%arg45 : memref<32x128xf32, #tpu.memory_space<vmem>>) target_semaphore(%arg53 : memref<!tpu.dma_semaphore, #tpu.memory_space<semaphore_mem>>)
    %slice3A_120 = vector.extract_strided_slice %get3A_3 {offsets = [4], sizes = [1], strides = [1]} : vector<16xi32> to vector<1xi32>
    %squeeze3A_121 = vector.extract %slice3A_120[0] : i32 from vector<1xi32>
    %shift_right_arithmetic3A_122 = arith.constant 7 : i32
    %shift_right_arithmetic3A_123 = arith.shrsi %squeeze3A_121, %shift_right_arithmetic3A_122 : i32
    %shift_left3A_124 = arith.constant 7 : i32
    %shift_left3A_125 = arith.shli %shift_right_arithmetic3A_123, %shift_left3A_124 : i32
    %slice3A_126 = vector.extract_strided_slice %get3A_5 {offsets = [4], sizes = [1], strides = [1]} : vector<16xi32> to vector<1xi32>
    %squeeze3A_127 = vector.extract %slice3A_126[0] : i32 from vector<1xi32>
    %shift_right_arithmetic3A_128 = arith.constant 7 : i32
    %shift_right_arithmetic3A_129 = arith.shrsi %squeeze3A_127, %shift_right_arithmetic3A_128 : i32
    %shift_left3A_130 = arith.constant 7 : i32
    %shift_left3A_131 = arith.shli %shift_right_arithmetic3A_129, %shift_left3A_130 : i32
    %multiple_of3A_132 = tpu.assume_multiple %shift_left3A_125, 128 : i32
    %multiple_of3A_133 = tpu.assume_multiple %shift_left3A_131, 128 : i32
    %dma_start3A_134 = arith.constant 0 : i32
    %dma_start3A_135 = tpu.memref_slice %arg4[%dma_start3A_134, %multiple_of3A_132] : memref<16x1000000xf32, #tpu.memory_space<hbm>> -> memref<16x128xf32, #tpu.memory_space<hbm>>
    %dma_start3A_136 = arith.constant 0 : i32
    %dma_start3A_137 = tpu.memref_slice %arg4[%dma_start3A_136, %multiple_of3A_132] : memref<16x1000000xf32, #tpu.memory_space<hbm>> -> memref<16x128xf32, #tpu.memory_space<hbm>>
    tpu.enqueue_dma source(%dma_start3A_137 : memref<16x128xf32, #tpu.memory_space<hbm>>) target(%arg22 : memref<16x128xf32, #tpu.memory_space<vmem>>) target_semaphore(%arg54 : memref<!tpu.dma_semaphore, #tpu.memory_space<semaphore_mem>>)
    %dma_start3A_138 = arith.constant 0 : i32
    %dma_start3A_139 = tpu.memref_slice %arg5[%dma_start3A_138, %multiple_of3A_133] : memref<16x1000000xf32, #tpu.memory_space<hbm>> -> memref<16x128xf32, #tpu.memory_space<hbm>>
    %dma_start3A_140 = arith.constant 0 : i32
    %dma_start3A_141 = tpu.memref_slice %arg5[%dma_start3A_140, %multiple_of3A_133] : memref<16x1000000xf32, #tpu.memory_space<hbm>> -> memref<16x128xf32, #tpu.memory_space<hbm>>
    tpu.enqueue_dma source(%dma_start3A_141 : memref<16x128xf32, #tpu.memory_space<hbm>>) target(%arg30 : memref<16x128xf32, #tpu.memory_space<vmem>>) target_semaphore(%arg54 : memref<!tpu.dma_semaphore, #tpu.memory_space<semaphore_mem>>)
    %dma_start3A_142 = arith.constant 0 : i32
    %dma_start3A_143 = tpu.memref_slice %arg6[%dma_start3A_142, %multiple_of3A_132] : memref<32x1000000xf32, #tpu.memory_space<hbm>> -> memref<32x128xf32, #tpu.memory_space<hbm>>
    %dma_start3A_144 = arith.constant 0 : i32
    %dma_start3A_145 = tpu.memref_slice %arg6[%dma_start3A_144, %multiple_of3A_132] : memref<32x1000000xf32, #tpu.memory_space<hbm>> -> memref<32x128xf32, #tpu.memory_space<hbm>>
    tpu.enqueue_dma source(%dma_start3A_145 : memref<32x128xf32, #tpu.memory_space<hbm>>) target(%arg38 : memref<32x128xf32, #tpu.memory_space<vmem>>) target_semaphore(%arg54 : memref<!tpu.dma_semaphore, #tpu.memory_space<semaphore_mem>>)
    %dma_start3A_146 = arith.constant 0 : i32
    %dma_start3A_147 = tpu.memref_slice %arg7[%dma_start3A_146, %multiple_of3A_133] : memref<32x1000000xf32, #tpu.memory_space<hbm>> -> memref<32x128xf32, #tpu.memory_space<hbm>>
    %dma_start3A_148 = arith.constant 0 : i32
    %dma_start3A_149 = tpu.memref_slice %arg7[%dma_start3A_148, %multiple_of3A_133] : memref<32x1000000xf32, #tpu.memory_space<hbm>> -> memref<32x128xf32, #tpu.memory_space<hbm>>
    tpu.enqueue_dma source(%dma_start3A_149 : memref<32x128xf32, #tpu.memory_space<hbm>>) target(%arg46 : memref<32x128xf32, #tpu.memory_space<vmem>>) target_semaphore(%arg54 : memref<!tpu.dma_semaphore, #tpu.memory_space<semaphore_mem>>)
    %slice3A_150 = vector.extract_strided_slice %get3A_3 {offsets = [5], sizes = [1], strides = [1]} : vector<16xi32> to vector<1xi32>
    %squeeze3A_151 = vector.extract %slice3A_150[0] : i32 from vector<1xi32>
    %shift_right_arithmetic3A_152 = arith.constant 7 : i32
    %shift_right_arithmetic3A_153 = arith.shrsi %squeeze3A_151, %shift_right_arithmetic3A_152 : i32
    %shift_left3A_154 = arith.constant 7 : i32
    %shift_left3A_155 = arith.shli %shift_right_arithmetic3A_153, %shift_left3A_154 : i32
    %slice3A_156 = vector.extract_strided_slice %get3A_5 {offsets = [5], sizes = [1], strides = [1]} : vector<16xi32> to vector<1xi32>
    %squeeze3A_157 = vector.extract %slice3A_156[0] : i32 from vector<1xi32>
    %shift_right_arithmetic3A_158 = arith.constant 7 : i32
    %shift_right_arithmetic3A_159 = arith.shrsi %squeeze3A_157, %shift_right_arithmetic3A_158 : i32
    %shift_left3A_160 = arith.constant 7 : i32
    %shift_left3A_161 = arith.shli %shift_right_arithmetic3A_159, %shift_left3A_160 : i32
    %multiple_of3A_162 = tpu.assume_multiple %shift_left3A_155, 128 : i32
    %multiple_of3A_163 = tpu.assume_multiple %shift_left3A_161, 128 : i32
    %dma_start3A_164 = arith.constant 0 : i32
    %dma_start3A_165 = tpu.memref_slice %arg4[%dma_start3A_164, %multiple_of3A_162] : memref<16x1000000xf32, #tpu.memory_space<hbm>> -> memref<16x128xf32, #tpu.memory_space<hbm>>
    %dma_start3A_166 = arith.constant 0 : i32
    %dma_start3A_167 = tpu.memref_slice %arg4[%dma_start3A_166, %multiple_of3A_162] : memref<16x1000000xf32, #tpu.memory_space<hbm>> -> memref<16x128xf32, #tpu.memory_space<hbm>>
    tpu.enqueue_dma source(%dma_start3A_167 : memref<16x128xf32, #tpu.memory_space<hbm>>) target(%arg23 : memref<16x128xf32, #tpu.memory_space<vmem>>) target_semaphore(%arg55 : memref<!tpu.dma_semaphore, #tpu.memory_space<semaphore_mem>>)
    %dma_start3A_168 = arith.constant 0 : i32
    %dma_start3A_169 = tpu.memref_slice %arg5[%dma_start3A_168, %multiple_of3A_163] : memref<16x1000000xf32, #tpu.memory_space<hbm>> -> memref<16x128xf32, #tpu.memory_space<hbm>>
    %dma_start3A_170 = arith.constant 0 : i32
    %dma_start3A_171 = tpu.memref_slice %arg5[%dma_start3A_170, %multiple_of3A_163] : memref<16x1000000xf32, #tpu.memory_space<hbm>> -> memref<16x128xf32, #tpu.memory_space<hbm>>
    tpu.enqueue_dma source(%dma_start3A_171 : memref<16x128xf32, #tpu.memory_space<hbm>>) target(%arg31 : memref<16x128xf32, #tpu.memory_space<vmem>>) target_semaphore(%arg55 : memref<!tpu.dma_semaphore, #tpu.memory_space<semaphore_mem>>)
    %dma_start3A_172 = arith.constant 0 : i32
    %dma_start3A_173 = tpu.memref_slice %arg6[%dma_start3A_172, %multiple_of3A_162] : memref<32x1000000xf32, #tpu.memory_space<hbm>> -> memref<32x128xf32, #tpu.memory_space<hbm>>
    %dma_start3A_174 = arith.constant 0 : i32
    %dma_start3A_175 = tpu.memref_slice %arg6[%dma_start3A_174, %multiple_of3A_162] : memref<32x1000000xf32, #tpu.memory_space<hbm>> -> memref<32x128xf32, #tpu.memory_space<hbm>>
    tpu.enqueue_dma source(%dma_start3A_175 : memref<32x128xf32, #tpu.memory_space<hbm>>) target(%arg39 : memref<32x128xf32, #tpu.memory_space<vmem>>) target_semaphore(%arg55 : memref<!tpu.dma_semaphore, #tpu.memory_space<semaphore_mem>>)
    %dma_start3A_176 = arith.constant 0 : i32
    %dma_start3A_177 = tpu.memref_slice %arg7[%dma_start3A_176, %multiple_of3A_163] : memref<32x1000000xf32, #tpu.memory_space<hbm>> -> memref<32x128xf32, #tpu.memory_space<hbm>>
    %dma_start3A_178 = arith.constant 0 : i32
    %dma_start3A_179 = tpu.memref_slice %arg7[%dma_start3A_178, %multiple_of3A_163] : memref<32x1000000xf32, #tpu.memory_space<hbm>> -> memref<32x128xf32, #tpu.memory_space<hbm>>
    tpu.enqueue_dma source(%dma_start3A_179 : memref<32x128xf32, #tpu.memory_space<hbm>>) target(%arg47 : memref<32x128xf32, #tpu.memory_space<vmem>>) target_semaphore(%arg55 : memref<!tpu.dma_semaphore, #tpu.memory_space<semaphore_mem>>)
    %slice3A_180 = vector.extract_strided_slice %get3A_3 {offsets = [6], sizes = [1], strides = [1]} : vector<16xi32> to vector<1xi32>
    %squeeze3A_181 = vector.extract %slice3A_180[0] : i32 from vector<1xi32>
    %shift_right_arithmetic3A_182 = arith.constant 7 : i32
    %shift_right_arithmetic3A_183 = arith.shrsi %squeeze3A_181, %shift_right_arithmetic3A_182 : i32
    %shift_left3A_184 = arith.constant 7 : i32
    %shift_left3A_185 = arith.shli %shift_right_arithmetic3A_183, %shift_left3A_184 : i32
    %slice3A_186 = vector.extract_strided_slice %get3A_5 {offsets = [6], sizes = [1], strides = [1]} : vector<16xi32> to vector<1xi32>
    %squeeze3A_187 = vector.extract %slice3A_186[0] : i32 from vector<1xi32>
    %shift_right_arithmetic3A_188 = arith.constant 7 : i32
    %shift_right_arithmetic3A_189 = arith.shrsi %squeeze3A_187, %shift_right_arithmetic3A_188 : i32
    %shift_left3A_190 = arith.constant 7 : i32
    %shift_left3A_191 = arith.shli %shift_right_arithmetic3A_189, %shift_left3A_190 : i32
    %multiple_of3A_192 = tpu.assume_multiple %shift_left3A_185, 128 : i32
    %multiple_of3A_193 = tpu.assume_multiple %shift_left3A_191, 128 : i32
    %dma_start3A_194 = arith.constant 0 : i32
    %dma_start3A_195 = tpu.memref_slice %arg4[%dma_start3A_194, %multiple_of3A_192] : memref<16x1000000xf32, #tpu.memory_space<hbm>> -> memref<16x128xf32, #tpu.memory_space<hbm>>
    %dma_start3A_196 = arith.constant 0 : i32
    %dma_start3A_197 = tpu.memref_slice %arg4[%dma_start3A_196, %multiple_of3A_192] : memref<16x1000000xf32, #tpu.memory_space<hbm>> -> memref<16x128xf32, #tpu.memory_space<hbm>>
    tpu.enqueue_dma source(%dma_start3A_197 : memref<16x128xf32, #tpu.memory_space<hbm>>) target(%arg24 : memref<16x128xf32, #tpu.memory_space<vmem>>) target_semaphore(%arg56 : memref<!tpu.dma_semaphore, #tpu.memory_space<semaphore_mem>>)
    %dma_start3A_198 = arith.constant 0 : i32
    %dma_start3A_199 = tpu.memref_slice %arg5[%dma_start3A_198, %multiple_of3A_193] : memref<16x1000000xf32, #tpu.memory_space<hbm>> -> memref<16x128xf32, #tpu.memory_space<hbm>>
    %dma_start3A_200 = arith.constant 0 : i32
    %dma_start3A_201 = tpu.memref_slice %arg5[%dma_start3A_200, %multiple_of3A_193] : memref<16x1000000xf32, #tpu.memory_space<hbm>> -> memref<16x128xf32, #tpu.memory_space<hbm>>
    tpu.enqueue_dma source(%dma_start3A_201 : memref<16x128xf32, #tpu.memory_space<hbm>>) target(%arg32 : memref<16x128xf32, #tpu.memory_space<vmem>>) target_semaphore(%arg56 : memref<!tpu.dma_semaphore, #tpu.memory_space<semaphore_mem>>)
    %dma_start3A_202 = arith.constant 0 : i32
    %dma_start3A_203 = tpu.memref_slice %arg6[%dma_start3A_202, %multiple_of3A_192] : memref<32x1000000xf32, #tpu.memory_space<hbm>> -> memref<32x128xf32, #tpu.memory_space<hbm>>
    %dma_start3A_204 = arith.constant 0 : i32
    %dma_start3A_205 = tpu.memref_slice %arg6[%dma_start3A_204, %multiple_of3A_192] : memref<32x1000000xf32, #tpu.memory_space<hbm>> -> memref<32x128xf32, #tpu.memory_space<hbm>>
    tpu.enqueue_dma source(%dma_start3A_205 : memref<32x128xf32, #tpu.memory_space<hbm>>) target(%arg40 : memref<32x128xf32, #tpu.memory_space<vmem>>) target_semaphore(%arg56 : memref<!tpu.dma_semaphore, #tpu.memory_space<semaphore_mem>>)
    %dma_start3A_206 = arith.constant 0 : i32
    %dma_start3A_207 = tpu.memref_slice %arg7[%dma_start3A_206, %multiple_of3A_193] : memref<32x1000000xf32, #tpu.memory_space<hbm>> -> memref<32x128xf32, #tpu.memory_space<hbm>>
    %dma_start3A_208 = arith.constant 0 : i32
    %dma_start3A_209 = tpu.memref_slice %arg7[%dma_start3A_208, %multiple_of3A_193] : memref<32x1000000xf32, #tpu.memory_space<hbm>> -> memref<32x128xf32, #tpu.memory_space<hbm>>
    tpu.enqueue_dma source(%dma_start3A_209 : memref<32x128xf32, #tpu.memory_space<hbm>>) target(%arg48 : memref<32x128xf32, #tpu.memory_space<vmem>>) target_semaphore(%arg56 : memref<!tpu.dma_semaphore, #tpu.memory_space<semaphore_mem>>)
    %slice3A_210 = vector.extract_strided_slice %get3A_3 {offsets = [7], sizes = [1], strides = [1]} : vector<16xi32> to vector<1xi32>
    %squeeze3A_211 = vector.extract %slice3A_210[0] : i32 from vector<1xi32>
    %shift_right_arithmetic3A_212 = arith.constant 7 : i32
    %shift_right_arithmetic3A_213 = arith.shrsi %squeeze3A_211, %shift_right_arithmetic3A_212 : i32
    %shift_left3A_214 = arith.constant 7 : i32
    %shift_left3A_215 = arith.shli %shift_right_arithmetic3A_213, %shift_left3A_214 : i32
    %slice3A_216 = vector.extract_strided_slice %get3A_5 {offsets = [7], sizes = [1], strides = [1]} : vector<16xi32> to vector<1xi32>
    %squeeze3A_217 = vector.extract %slice3A_216[0] : i32 from vector<1xi32>
    %shift_right_arithmetic3A_218 = arith.constant 7 : i32
    %shift_right_arithmetic3A_219 = arith.shrsi %squeeze3A_217, %shift_right_arithmetic3A_218 : i32
    %shift_left3A_220 = arith.constant 7 : i32
    %shift_left3A_221 = arith.shli %shift_right_arithmetic3A_219, %shift_left3A_220 : i32
    %multiple_of3A_222 = tpu.assume_multiple %shift_left3A_215, 128 : i32
    %multiple_of3A_223 = tpu.assume_multiple %shift_left3A_221, 128 : i32
    %dma_start3A_224 = arith.constant 0 : i32
    %dma_start3A_225 = tpu.memref_slice %arg4[%dma_start3A_224, %multiple_of3A_222] : memref<16x1000000xf32, #tpu.memory_space<hbm>> -> memref<16x128xf32, #tpu.memory_space<hbm>>
    %dma_start3A_226 = arith.constant 0 : i32
    %dma_start3A_227 = tpu.memref_slice %arg4[%dma_start3A_226, %multiple_of3A_222] : memref<16x1000000xf32, #tpu.memory_space<hbm>> -> memref<16x128xf32, #tpu.memory_space<hbm>>
    tpu.enqueue_dma source(%dma_start3A_227 : memref<16x128xf32, #tpu.memory_space<hbm>>) target(%arg25 : memref<16x128xf32, #tpu.memory_space<vmem>>) target_semaphore(%arg57 : memref<!tpu.dma_semaphore, #tpu.memory_space<semaphore_mem>>)
    %dma_start3A_228 = arith.constant 0 : i32
    %dma_start3A_229 = tpu.memref_slice %arg5[%dma_start3A_228, %multiple_of3A_223] : memref<16x1000000xf32, #tpu.memory_space<hbm>> -> memref<16x128xf32, #tpu.memory_space<hbm>>
    %dma_start3A_230 = arith.constant 0 : i32
    %dma_start3A_231 = tpu.memref_slice %arg5[%dma_start3A_230, %multiple_of3A_223] : memref<16x1000000xf32, #tpu.memory_space<hbm>> -> memref<16x128xf32, #tpu.memory_space<hbm>>
    tpu.enqueue_dma source(%dma_start3A_231 : memref<16x128xf32, #tpu.memory_space<hbm>>) target(%arg33 : memref<16x128xf32, #tpu.memory_space<vmem>>) target_semaphore(%arg57 : memref<!tpu.dma_semaphore, #tpu.memory_space<semaphore_mem>>)
    %dma_start3A_232 = arith.constant 0 : i32
    %dma_start3A_233 = tpu.memref_slice %arg6[%dma_start3A_232, %multiple_of3A_222] : memref<32x1000000xf32, #tpu.memory_space<hbm>> -> memref<32x128xf32, #tpu.memory_space<hbm>>
    %dma_start3A_234 = arith.constant 0 : i32
    %dma_start3A_235 = tpu.memref_slice %arg6[%dma_start3A_234, %multiple_of3A_222] : memref<32x1000000xf32, #tpu.memory_space<hbm>> -> memref<32x128xf32, #tpu.memory_space<hbm>>
    tpu.enqueue_dma source(%dma_start3A_235 : memref<32x128xf32, #tpu.memory_space<hbm>>) target(%arg41 : memref<32x128xf32, #tpu.memory_space<vmem>>) target_semaphore(%arg57 : memref<!tpu.dma_semaphore, #tpu.memory_space<semaphore_mem>>)
    %dma_start3A_236 = arith.constant 0 : i32
    %dma_start3A_237 = tpu.memref_slice %arg7[%dma_start3A_236, %multiple_of3A_223] : memref<32x1000000xf32, #tpu.memory_space<hbm>> -> memref<32x128xf32, #tpu.memory_space<hbm>>
    %dma_start3A_238 = arith.constant 0 : i32
    %dma_start3A_239 = tpu.memref_slice %arg7[%dma_start3A_238, %multiple_of3A_223] : memref<32x1000000xf32, #tpu.memory_space<hbm>> -> memref<32x128xf32, #tpu.memory_space<hbm>>
    tpu.enqueue_dma source(%dma_start3A_239 : memref<32x128xf32, #tpu.memory_space<hbm>>) target(%arg49 : memref<32x128xf32, #tpu.memory_space<vmem>>) target_semaphore(%arg57 : memref<!tpu.dma_semaphore, #tpu.memory_space<semaphore_mem>>)
    %scan3A = arith.constant 0 : i32
    %scan3A_240 = arith.constant 0 : i32
    %scan3A_241 = arith.constant 32 : i32
    %scan3A_242 = arith.addi %scan3A_240, %scan3A_241 : i32
    %scan3A_243 = arith.constant 1 : i32
    scf.for %scan3A_438 = %scan3A_240 to %scan3A_242 step %scan3A_243  : i32 {
      %mul3A_439 = arith.constant 16 : i32
      %mul3A_440 = arith.muli %scan3A_438, %mul3A_439 : i32
      %get3A_441 = arith.index_cast %mul3A_440 : i32 to index
      %get3A_442 = tpu.vector_load %arg12[%get3A_441] {strides = array<i32>} : memref<512xi32, #tpu.memory_space<vmem>>, vector<16xi32>,
      %mul3A_443 = arith.constant 16 : i32
      %mul3A_444 = arith.muli %scan3A_438, %mul3A_443 : i32
      %get3A_445 = arith.index_cast %mul3A_444 : i32 to index
      %get3A_446 = tpu.vector_load %arg13[%get3A_445] {strides = array<i32>} : memref<512xi32, #tpu.memory_space<vmem>>, vector<16xi32>,
      %add3A_447 = arith.constant 1 : i32
      %add3A_448 = arith.addi %scan3A_438, %add3A_447 : i32
      %min3A = arith.constant 31 : i32
      %min3A_449 = arith.minsi %add3A_448, %min3A : i32
      %mul3A_450 = arith.constant 16 : i32
      %mul3A_451 = arith.muli %min3A_449, %mul3A_450 : i32
      %get3A_452 = arith.index_cast %mul3A_451 : i32 to index
      %get3A_453 = tpu.vector_load %arg12[%get3A_452] {strides = array<i32>} : memref<512xi32, #tpu.memory_space<vmem>>, vector<16xi32>,
      %mul3A_454 = arith.constant 16 : i32
      %mul3A_455 = arith.muli %min3A_449, %mul3A_454 : i32
      %get3A_456 = arith.index_cast %mul3A_455 : i32 to index
      %get3A_457 = tpu.vector_load %arg13[%get3A_456] {strides = array<i32>} : memref<512xi32, #tpu.memory_space<vmem>>, vector<16xi32>,
      %shift_right_arithmetic3A_458 = arith.constant 7 : i32
      %shift_right_arithmetic3A_459 = vector.broadcast %shift_right_arithmetic3A_458 : i32 to vector<16xi32>
      %shift_right_arithmetic3A_460 = arith.shrsi %get3A_442, %shift_right_arithmetic3A_459 : vector<16xi32>
      %shift_left3A_461 = arith.constant 7 : i32
      %shift_left3A_462 = vector.broadcast %shift_left3A_461 : i32 to vector<16xi32>
      %shift_left3A_463 = arith.shli %shift_right_arithmetic3A_460, %shift_left3A_462 : vector<16xi32>
      %shift_right_arithmetic3A_464 = arith.constant 7 : i32
      %shift_right_arithmetic3A_465 = vector.broadcast %shift_right_arithmetic3A_464 : i32 to vector<16xi32>
      %shift_right_arithmetic3A_466 = arith.shrsi %get3A_446, %shift_right_arithmetic3A_465 : vector<16xi32>
      %shift_left3A_467 = arith.constant 7 : i32
      %shift_left3A_468 = vector.broadcast %shift_left3A_467 : i32 to vector<16xi32>
      %shift_left3A_469 = arith.shli %shift_right_arithmetic3A_466, %shift_left3A_468 : vector<16xi32>
      %shift_right_arithmetic3A_470 = arith.constant 7 : i32
      %shift_right_arithmetic3A_471 = vector.broadcast %shift_right_arithmetic3A_470 : i32 to vector<16xi32>
      %shift_right_arithmetic3A_472 = arith.shrsi %get3A_453, %shift_right_arithmetic3A_471 : vector<16xi32>
      %shift_left3A_473 = arith.constant 7 : i32
      %shift_left3A_474 = vector.broadcast %shift_left3A_473 : i32 to vector<16xi32>
      %shift_left3A_475 = arith.shli %shift_right_arithmetic3A_472, %shift_left3A_474 : vector<16xi32>
      %shift_right_arithmetic3A_476 = arith.constant 7 : i32
      %shift_right_arithmetic3A_477 = vector.broadcast %shift_right_arithmetic3A_476 : i32 to vector<16xi32>
      %shift_right_arithmetic3A_478 = arith.shrsi %get3A_457, %shift_right_arithmetic3A_477 : vector<16xi32>
      %shift_left3A_479 = arith.constant 7 : i32
      %shift_left3A_480 = vector.broadcast %shift_left3A_479 : i32 to vector<16xi32>
      %shift_left3A_481 = arith.shli %shift_right_arithmetic3A_478, %shift_left3A_480 : vector<16xi32>
      %and3A = arith.constant 127 : i32
      %and3A_482 = vector.broadcast %and3A : i32 to vector<16xi32>
      %and3A_483 = arith.andi %get3A_442, %and3A_482 : vector<16xi32>
      %and3A_484 = arith.constant 127 : i32
      %and3A_485 = vector.broadcast %and3A_484 : i32 to vector<16xi32>
      %and3A_486 = arith.andi %get3A_446, %and3A_485 : vector<16xi32>
      %dma_wait3A_487 = arith.constant 0 : i32
      %dma_wait3A_488 = arith.constant 0 : i32
      %dma_wait3A_489 = tpu.memref_slice %arg4[%dma_wait3A_487, %dma_wait3A_488] : memref<16x1000000xf32, #tpu.memory_space<hbm>> -> memref<16x128xf32, #tpu.memory_space<hbm>>
      %dma_wait3A_490 = arith.constant 0 : i32
      %dma_wait3A_491 = arith.constant 0 : i32
      %dma_wait3A_492 = tpu.memref_slice %arg4[%dma_wait3A_490, %dma_wait3A_491] : memref<16x1000000xf32, #tpu.memory_space<hbm>> -> memref<16x128xf32, #tpu.memory_space<hbm>>
      tpu.wait_dma2 semaphore(%arg50 : memref<!tpu.dma_semaphore, #tpu.memory_space<semaphore_mem>>) src(%dma_wait3A_492 : memref<16x128xf32, #tpu.memory_space<hbm>>) dst(%arg18 : memref<16x128xf32, #tpu.memory_space<vmem>>)
      %dma_wait3A_493 = arith.constant 0 : i32
      %dma_wait3A_494 = arith.constant 0 : i32
      %dma_wait3A_495 = tpu.memref_slice %arg5[%dma_wait3A_493, %dma_wait3A_494] : memref<16x1000000xf32, #tpu.memory_space<hbm>> -> memref<16x128xf32, #tpu.memory_space<hbm>>
      %dma_wait3A_496 = arith.constant 0 : i32
      %dma_wait3A_497 = arith.constant 0 : i32
      %dma_wait3A_498 = tpu.memref_slice %arg5[%dma_wait3A_496, %dma_wait3A_497] : memref<16x1000000xf32, #tpu.memory_space<hbm>> -> memref<16x128xf32, #tpu.memory_space<hbm>>
      tpu.wait_dma2 semaphore(%arg50 : memref<!tpu.dma_semaphore, #tpu.memory_space<semaphore_mem>>) src(%dma_wait3A_498 : memref<16x128xf32, #tpu.memory_space<hbm>>) dst(%arg26 : memref<16x128xf32, #tpu.memory_space<vmem>>)
      %dma_wait3A_499 = arith.constant 0 : i32
      %dma_wait3A_500 = arith.constant 0 : i32
      %dma_wait3A_501 = tpu.memref_slice %arg6[%dma_wait3A_499, %dma_wait3A_500] : memref<32x1000000xf32, #tpu.memory_space<hbm>> -> memref<32x128xf32, #tpu.memory_space<hbm>>
      %dma_wait3A_502 = arith.constant 0 : i32
      %dma_wait3A_503 = arith.constant 0 : i32
      %dma_wait3A_504 = tpu.memref_slice %arg6[%dma_wait3A_502, %dma_wait3A_503] : memref<32x1000000xf32, #tpu.memory_space<hbm>> -> memref<32x128xf32, #tpu.memory_space<hbm>>
      tpu.wait_dma2 semaphore(%arg50 : memref<!tpu.dma_semaphore, #tpu.memory_space<semaphore_mem>>) src(%dma_wait3A_504 : memref<32x128xf32, #tpu.memory_space<hbm>>) dst(%arg34 : memref<32x128xf32, #tpu.memory_space<vmem>>)
      %dma_wait3A_505 = arith.constant 0 : i32
      %dma_wait3A_506 = arith.constant 0 : i32
      %dma_wait3A_507 = tpu.memref_slice %arg7[%dma_wait3A_505, %dma_wait3A_506] : memref<32x1000000xf32, #tpu.memory_space<hbm>> -> memref<32x128xf32, #tpu.memory_space<hbm>>
      %dma_wait3A_508 = arith.constant 0 : i32
      %dma_wait3A_509 = arith.constant 0 : i32
      %dma_wait3A_510 = tpu.memref_slice %arg7[%dma_wait3A_508, %dma_wait3A_509] : memref<32x1000000xf32, #tpu.memory_space<hbm>> -> memref<32x128xf32, #tpu.memory_space<hbm>>
      tpu.wait_dma2 semaphore(%arg50 : memref<!tpu.dma_semaphore, #tpu.memory_space<semaphore_mem>>) src(%dma_wait3A_510 : memref<32x128xf32, #tpu.memory_space<hbm>>) dst(%arg42 : memref<32x128xf32, #tpu.memory_space<vmem>>)
      %mul3A_511 = arith.constant 16 : i32
      %mul3A_512 = arith.muli %scan3A_438, %mul3A_511 : i32
      %add3A_513 = arith.constant 0 : i32
      %add3A_514 = arith.addi %mul3A_512, %add3A_513 : i32
      %and3A_515 = arith.constant 255 : i32
      %and3A_516 = arith.andi %add3A_514, %and3A_515 : i32
      %broadcast_in_dim3A = vector.broadcast %and3A_516 : i32 to vector<16xi32>
      %slice3A_517 = vector.extract_strided_slice %and3A_483 {offsets = [0], sizes = [1], strides = [1]} : vector<16xi32> to vector<1xi32>
      %squeeze3A_518 = vector.extract %slice3A_517[0] : i32 from vector<1xi32>
      %broadcast_in_dim3A_519 = vector.broadcast %squeeze3A_518 : i32 to vector<16xi32>
      %slice3A_520 = vector.extract_strided_slice %and3A_486 {offsets = [0], sizes = [1], strides = [1]} : vector<16xi32> to vector<1xi32>
      %squeeze3A_521 = vector.extract %slice3A_520[0] : i32 from vector<1xi32>
      %broadcast_in_dim3A_522 = vector.broadcast %squeeze3A_521 : i32 to vector<16xi32>
      %gather3A = tpu.vector_load_idx %arg18[%iota3A, %broadcast_in_dim3A_519] : memref<16x128xf32, #tpu.memory_space<vmem>>[vector<16xi32>, vector<16xi32>], vector<16xf32>,
      tpu.vector_store_idx %arg14[%iota3A, %broadcast_in_dim3A], %gather3A : memref<16x256xf32, #tpu.memory_space<vmem>>[vector<16xi32>, vector<16xi32>], vector<16xf32>,
      %gather3A_523 = tpu.vector_load_idx %arg26[%iota3A, %broadcast_in_dim3A_522] : memref<16x128xf32, #tpu.memory_space<vmem>>[vector<16xi32>, vector<16xi32>], vector<16xf32>,
      tpu.vector_store_idx %arg15[%iota3A, %broadcast_in_dim3A], %gather3A_523 : memref<16x256xf32, #tpu.memory_space<vmem>>[vector<16xi32>, vector<16xi32>], vector<16xf32>,
      %gather3A_524 = tpu.vector_load_idx %arg34[%iota3A, %broadcast_in_dim3A_519] : memref<32x128xf32, #tpu.memory_space<vmem>>[vector<16xi32>, vector<16xi32>], vector<16xf32>,
      tpu.vector_store_idx %arg16[%iota3A, %broadcast_in_dim3A], %gather3A_524 : memref<32x256xf32, #tpu.memory_space<vmem>>[vector<16xi32>, vector<16xi32>], vector<16xf32>,
      %add3A_525 = arith.constant 16 : i32
      %add3A_526 = vector.broadcast %add3A_525 : i32 to vector<16xi32>
      %add3A_527 = arith.addi %iota3A, %add3A_526 : vector<16xi32>
      %add3A_528 = arith.constant 16 : i32
      %add3A_529 = vector.broadcast %add3A_528 : i32 to vector<16xi32>
      %add3A_530 = arith.addi %iota3A, %add3A_529 : vector<16xi32>
      %gather3A_531 = tpu.vector_load_idx %arg34[%add3A_530, %broadcast_in_dim3A_519] : memref<32x128xf32, #tpu.memory_space<vmem>>[vector<16xi32>, vector<16xi32>], vector<16xf32>,
      tpu.vector_store_idx %arg16[%add3A_527, %broadcast_in_dim3A], %gather3A_531 : memref<32x256xf32, #tpu.memory_space<vmem>>[vector<16xi32>, vector<16xi32>], vector<16xf32>,
      %gather3A_532 = tpu.vector_load_idx %arg42[%iota3A, %broadcast_in_dim3A_522] : memref<32x128xf32, #tpu.memory_space<vmem>>[vector<16xi32>, vector<16xi32>], vector<16xf32>,
      tpu.vector_store_idx %arg17[%iota3A, %broadcast_in_dim3A], %gather3A_532 : memref<32x256xf32, #tpu.memory_space<vmem>>[vector<16xi32>, vector<16xi32>], vector<16xf32>,
      %add3A_533 = arith.constant 16 : i32
      %add3A_534 = vector.broadcast %add3A_533 : i32 to vector<16xi32>
      %add3A_535 = arith.addi %iota3A, %add3A_534 : vector<16xi32>
      %add3A_536 = arith.constant 16 : i32
      %add3A_537 = vector.broadcast %add3A_536 : i32 to vector<16xi32>
      %add3A_538 = arith.addi %iota3A, %add3A_537 : vector<16xi32>
      %gather3A_539 = tpu.vector_load_idx %arg42[%add3A_538, %broadcast_in_dim3A_522] : memref<32x128xf32, #tpu.memory_space<vmem>>[vector<16xi32>, vector<16xi32>], vector<16xf32>,
      tpu.vector_store_idx %arg17[%add3A_535, %broadcast_in_dim3A], %gather3A_539 : memref<32x256xf32, #tpu.memory_space<vmem>>[vector<16xi32>, vector<16xi32>], vector<16xf32>,
      %slice3A_540 = vector.extract_strided_slice %shift_left3A_463 {offsets = [8], sizes = [1], strides = [1]} : vector<16xi32> to vector<1xi32>
      %squeeze3A_541 = vector.extract %slice3A_540[0] : i32 from vector<1xi32>
      %slice3A_542 = vector.extract_strided_slice %shift_left3A_469 {offsets = [8], sizes = [1], strides = [1]} : vector<16xi32> to vector<1xi32>
      %squeeze3A_543 = vector.extract %slice3A_542[0] : i32 from vector<1xi32>
      %multiple_of3A_544 = tpu.assume_multiple %squeeze3A_541, 128 : i32
      %multiple_of3A_545 = tpu.assume_multiple %squeeze3A_543, 128 : i32
      %dma_start3A_546 = arith.constant 0 : i32
      %dma_start3A_547 = tpu.memref_slice %arg4[%dma_start3A_546, %multiple_of3A_544] : memref<16x1000000xf32, #tpu.memory_space<hbm>> -> memref<16x128xf32, #tpu.memory_space<hbm>>
      %dma_start3A_548 = arith.constant 0 : i32
      %dma_start3A_549 = tpu.memref_slice %arg4[%dma_start3A_548, %multiple_of3A_544] : memref<16x1000000xf32, #tpu.memory_space<hbm>> -> memref<16x128xf32, #tpu.memory_space<hbm>>
      tpu.enqueue_dma source(%dma_start3A_549 : memref<16x128xf32, #tpu.memory_space<hbm>>) target(%arg18 : memref<16x128xf32, #tpu.memory_space<vmem>>) target_semaphore(%arg50 : memref<!tpu.dma_semaphore, #tpu.memory_space<semaphore_mem>>)
      %dma_start3A_550 = arith.constant 0 : i32
      %dma_start3A_551 = tpu.memref_slice %arg5[%dma_start3A_550, %multiple_of3A_545] : memref<16x1000000xf32, #tpu.memory_space<hbm>> -> memref<16x128xf32, #tpu.memory_space<hbm>>
      %dma_start3A_552 = arith.constant 0 : i32
      %dma_start3A_553 = tpu.memref_slice %arg5[%dma_start3A_552, %multiple_of3A_545] : memref<16x1000000xf32, #tpu.memory_space<hbm>> -> memref<16x128xf32, #tpu.memory_space<hbm>>
      tpu.enqueue_dma source(%dma_start3A_553 : memref<16x128xf32, #tpu.memory_space<hbm>>) target(%arg26 : memref<16x128xf32, #tpu.memory_space<vmem>>) target_semaphore(%arg50 : memref<!tpu.dma_semaphore, #tpu.memory_space<semaphore_mem>>)
      %dma_start3A_554 = arith.constant 0 : i32
      %dma_start3A_555 = tpu.memref_slice %arg6[%dma_start3A_554, %multiple_of3A_544] : memref<32x1000000xf32, #tpu.memory_space<hbm>> -> memref<32x128xf32, #tpu.memory_space<hbm>>
      %dma_start3A_556 = arith.constant 0 : i32
      %dma_start3A_557 = tpu.memref_slice %arg6[%dma_start3A_556, %multiple_of3A_544] : memref<32x1000000xf32, #tpu.memory_space<hbm>> -> memref<32x128xf32, #tpu.memory_space<hbm>>
      tpu.enqueue_dma source(%dma_start3A_557 : memref<32x128xf32, #tpu.memory_space<hbm>>) target(%arg34 : memref<32x128xf32, #tpu.memory_space<vmem>>) target_semaphore(%arg50 : memref<!tpu.dma_semaphore, #tpu.memory_space<semaphore_mem>>)
      %dma_start3A_558 = arith.constant 0 : i32
      %dma_start3A_559 = tpu.memref_slice %arg7[%dma_start3A_558, %multiple_of3A_545] : memref<32x1000000xf32, #tpu.memory_space<hbm>> -> memref<32x128xf32, #tpu.memory_space<hbm>>
      %dma_start3A_560 = arith.constant 0 : i32
      %dma_start3A_561 = tpu.memref_slice %arg7[%dma_start3A_560, %multiple_of3A_545] : memref<32x1000000xf32, #tpu.memory_space<hbm>> -> memref<32x128xf32, #tpu.memory_space<hbm>>
      tpu.enqueue_dma source(%dma_start3A_561 : memref<32x128xf32, #tpu.memory_space<hbm>>) target(%arg42 : memref<32x128xf32, #tpu.memory_space<vmem>>) target_semaphore(%arg50 : memref<!tpu.dma_semaphore, #tpu.memory_space<semaphore_mem>>)
      %dma_wait3A_562 = arith.constant 0 : i32
      %dma_wait3A_563 = arith.constant 0 : i32
      %dma_wait3A_564 = tpu.memref_slice %arg4[%dma_wait3A_562, %dma_wait3A_563] : memref<16x1000000xf32, #tpu.memory_space<hbm>> -> memref<16x128xf32, #tpu.memory_space<hbm>>
      %dma_wait3A_565 = arith.constant 0 : i32
      %dma_wait3A_566 = arith.constant 0 : i32
      %dma_wait3A_567 = tpu.memref_slice %arg4[%dma_wait3A_565, %dma_wait3A_566] : memref<16x1000000xf32, #tpu.memory_space<hbm>> -> memref<16x128xf32, #tpu.memory_space<hbm>>
      tpu.wait_dma2 semaphore(%arg51 : memref<!tpu.dma_semaphore, #tpu.memory_space<semaphore_mem>>) src(%dma_wait3A_567 : memref<16x128xf32, #tpu.memory_space<hbm>>) dst(%arg19 : memref<16x128xf32, #tpu.memory_space<vmem>>)
      %dma_wait3A_568 = arith.constant 0 : i32
      %dma_wait3A_569 = arith.constant 0 : i32
      %dma_wait3A_570 = tpu.memref_slice %arg5[%dma_wait3A_568, %dma_wait3A_569] : memref<16x1000000xf32, #tpu.memory_space<hbm>> -> memref<16x128xf32, #tpu.memory_space<hbm>>
      %dma_wait3A_571 = arith.constant 0 : i32
      %dma_wait3A_572 = arith.constant 0 : i32
      %dma_wait3A_573 = tpu.memref_slice %arg5[%dma_wait3A_571, %dma_wait3A_572] : memref<16x1000000xf32, #tpu.memory_space<hbm>> -> memref<16x128xf32, #tpu.memory_space<hbm>>
      tpu.wait_dma2 semaphore(%arg51 : memref<!tpu.dma_semaphore, #tpu.memory_space<semaphore_mem>>) src(%dma_wait3A_573 : memref<16x128xf32, #tpu.memory_space<hbm>>) dst(%arg27 : memref<16x128xf32, #tpu.memory_space<vmem>>)
      %dma_wait3A_574 = arith.constant 0 : i32
      %dma_wait3A_575 = arith.constant 0 : i32
      %dma_wait3A_576 = tpu.memref_slice %arg6[%dma_wait3A_574, %dma_wait3A_575] : memref<32x1000000xf32, #tpu.memory_space<hbm>> -> memref<32x128xf32, #tpu.memory_space<hbm>>
      %dma_wait3A_577 = arith.constant 0 : i32
      %dma_wait3A_578 = arith.constant 0 : i32
      %dma_wait3A_579 = tpu.memref_slice %arg6[%dma_wait3A_577, %dma_wait3A_578] : memref<32x1000000xf32, #tpu.memory_space<hbm>> -> memref<32x128xf32, #tpu.memory_space<hbm>>
      tpu.wait_dma2 semaphore(%arg51 : memref<!tpu.dma_semaphore, #tpu.memory_space<semaphore_mem>>) src(%dma_wait3A_579 : memref<32x128xf32, #tpu.memory_space<hbm>>) dst(%arg35 : memref<32x128xf32, #tpu.memory_space<vmem>>)
      %dma_wait3A_580 = arith.constant 0 : i32
      %dma_wait3A_581 = arith.constant 0 : i32
      %dma_wait3A_582 = tpu.memref_slice %arg7[%dma_wait3A_580, %dma_wait3A_581] : memref<32x1000000xf32, #tpu.memory_space<hbm>> -> memref<32x128xf32, #tpu.memory_space<hbm>>
      %dma_wait3A_583 = arith.constant 0 : i32
      %dma_wait3A_584 = arith.constant 0 : i32
      %dma_wait3A_585 = tpu.memref_slice %arg7[%dma_wait3A_583, %dma_wait3A_584] : memref<32x1000000xf32, #tpu.memory_space<hbm>> -> memref<32x128xf32, #tpu.memory_space<hbm>>
      tpu.wait_dma2 semaphore(%arg51 : memref<!tpu.dma_semaphore, #tpu.memory_space<semaphore_mem>>) src(%dma_wait3A_585 : memref<32x128xf32, #tpu.memory_space<hbm>>) dst(%arg43 : memref<32x128xf32, #tpu.memory_space<vmem>>)
      %mul3A_586 = arith.constant 16 : i32
      %mul3A_587 = arith.muli %scan3A_438, %mul3A_586 : i32
      %add3A_588 = arith.constant 1 : i32
      %add3A_589 = arith.addi %mul3A_587, %add3A_588 : i32
      %and3A_590 = arith.constant 255 : i32
      %and3A_591 = arith.andi %add3A_589, %and3A_590 : i32
      %broadcast_in_dim3A_592 = vector.broadcast %and3A_591 : i32 to vector<16xi32>
      %slice3A_593 = vector.extract_strided_slice %and3A_483 {offsets = [1], sizes = [1], strides = [1]} : vector<16xi32> to vector<1xi32>
      %squeeze3A_594 = vector.extract %slice3A_593[0] : i32 from vector<1xi32>
      %broadcast_in_dim3A_595 = vector.broadcast %squeeze3A_594 : i32 to vector<16xi32>
      %slice3A_596 = vector.extract_strided_slice %and3A_486 {offsets = [1], sizes = [1], strides = [1]} : vector<16xi32> to vector<1xi32>
      %squeeze3A_597 = vector.extract %slice3A_596[0] : i32 from vector<1xi32>
      %broadcast_in_dim3A_598 = vector.broadcast %squeeze3A_597 : i32 to vector<16xi32>
      %gather3A_599 = tpu.vector_load_idx %arg19[%iota3A, %broadcast_in_dim3A_595] : memref<16x128xf32, #tpu.memory_space<vmem>>[vector<16xi32>, vector<16xi32>], vector<16xf32>,
      tpu.vector_store_idx %arg14[%iota3A, %broadcast_in_dim3A_592], %gather3A_599 : memref<16x256xf32, #tpu.memory_space<vmem>>[vector<16xi32>, vector<16xi32>], vector<16xf32>,
      %gather3A_600 = tpu.vector_load_idx %arg27[%iota3A, %broadcast_in_dim3A_598] : memref<16x128xf32, #tpu.memory_space<vmem>>[vector<16xi32>, vector<16xi32>], vector<16xf32>,
      tpu.vector_store_idx %arg15[%iota3A, %broadcast_in_dim3A_592], %gather3A_600 : memref<16x256xf32, #tpu.memory_space<vmem>>[vector<16xi32>, vector<16xi32>], vector<16xf32>,
      %gather3A_601 = tpu.vector_load_idx %arg35[%iota3A, %broadcast_in_dim3A_595] : memref<32x128xf32, #tpu.memory_space<vmem>>[vector<16xi32>, vector<16xi32>], vector<16xf32>,
      tpu.vector_store_idx %arg16[%iota3A, %broadcast_in_dim3A_592], %gather3A_601 : memref<32x256xf32, #tpu.memory_space<vmem>>[vector<16xi32>, vector<16xi32>], vector<16xf32>,
      %add3A_602 = arith.constant 16 : i32
      %add3A_603 = vector.broadcast %add3A_602 : i32 to vector<16xi32>
      %add3A_604 = arith.addi %iota3A, %add3A_603 : vector<16xi32>
      %add3A_605 = arith.constant 16 : i32
      %add3A_606 = vector.broadcast %add3A_605 : i32 to vector<16xi32>
      %add3A_607 = arith.addi %iota3A, %add3A_606 : vector<16xi32>
      %gather3A_608 = tpu.vector_load_idx %arg35[%add3A_607, %broadcast_in_dim3A_595] : memref<32x128xf32, #tpu.memory_space<vmem>>[vector<16xi32>, vector<16xi32>], vector<16xf32>,
      tpu.vector_store_idx %arg16[%add3A_604, %broadcast_in_dim3A_592], %gather3A_608 : memref<32x256xf32, #tpu.memory_space<vmem>>[vector<16xi32>, vector<16xi32>], vector<16xf32>,
      %gather3A_609 = tpu.vector_load_idx %arg43[%iota3A, %broadcast_in_dim3A_598] : memref<32x128xf32, #tpu.memory_space<vmem>>[vector<16xi32>, vector<16xi32>], vector<16xf32>,
      tpu.vector_store_idx %arg17[%iota3A, %broadcast_in_dim3A_592], %gather3A_609 : memref<32x256xf32, #tpu.memory_space<vmem>>[vector<16xi32>, vector<16xi32>], vector<16xf32>,
      %add3A_610 = arith.constant 16 : i32
      %add3A_611 = vector.broadcast %add3A_610 : i32 to vector<16xi32>
      %add3A_612 = arith.addi %iota3A, %add3A_611 : vector<16xi32>
      %add3A_613 = arith.constant 16 : i32
      %add3A_614 = vector.broadcast %add3A_613 : i32 to vector<16xi32>
      %add3A_615 = arith.addi %iota3A, %add3A_614 : vector<16xi32>
      %gather3A_616 = tpu.vector_load_idx %arg43[%add3A_615, %broadcast_in_dim3A_598] : memref<32x128xf32, #tpu.memory_space<vmem>>[vector<16xi32>, vector<16xi32>], vector<16xf32>,
      tpu.vector_store_idx %arg17[%add3A_612, %broadcast_in_dim3A_592], %gather3A_616 : memref<32x256xf32, #tpu.memory_space<vmem>>[vector<16xi32>, vector<16xi32>], vector<16xf32>,
      %slice3A_617 = vector.extract_strided_slice %shift_left3A_463 {offsets = [9], sizes = [1], strides = [1]} : vector<16xi32> to vector<1xi32>
      %squeeze3A_618 = vector.extract %slice3A_617[0] : i32 from vector<1xi32>
      %slice3A_619 = vector.extract_strided_slice %shift_left3A_469 {offsets = [9], sizes = [1], strides = [1]} : vector<16xi32> to vector<1xi32>
      %squeeze3A_620 = vector.extract %slice3A_619[0] : i32 from vector<1xi32>
      %multiple_of3A_621 = tpu.assume_multiple %squeeze3A_618, 128 : i32
      %multiple_of3A_622 = tpu.assume_multiple %squeeze3A_620, 128 : i32
      %dma_start3A_623 = arith.constant 0 : i32
      %dma_start3A_624 = tpu.memref_slice %arg4[%dma_start3A_623, %multiple_of3A_621] : memref<16x1000000xf32, #tpu.memory_space<hbm>> -> memref<16x128xf32, #tpu.memory_space<hbm>>
      %dma_start3A_625 = arith.constant 0 : i32
      %dma_start3A_626 = tpu.memref_slice %arg4[%dma_start3A_625, %multiple_of3A_621] : memref<16x1000000xf32, #tpu.memory_space<hbm>> -> memref<16x128xf32, #tpu.memory_space<hbm>>
      tpu.enqueue_dma source(%dma_start3A_626 : memref<16x128xf32, #tpu.memory_space<hbm>>) target(%arg19 : memref<16x128xf32, #tpu.memory_space<vmem>>) target_semaphore(%arg51 : memref<!tpu.dma_semaphore, #tpu.memory_space<semaphore_mem>>)
      %dma_start3A_627 = arith.constant 0 : i32
      %dma_start3A_628 = tpu.memref_slice %arg5[%dma_start3A_627, %multiple_of3A_622] : memref<16x1000000xf32, #tpu.memory_space<hbm>> -> memref<16x128xf32, #tpu.memory_space<hbm>>
      %dma_start3A_629 = arith.constant 0 : i32
      %dma_start3A_630 = tpu.memref_slice %arg5[%dma_start3A_629, %multiple_of3A_622] : memref<16x1000000xf32, #tpu.memory_space<hbm>> -> memref<16x128xf32, #tpu.memory_space<hbm>>
      tpu.enqueue_dma source(%dma_start3A_630 : memref<16x128xf32, #tpu.memory_space<hbm>>) target(%arg27 : memref<16x128xf32, #tpu.memory_space<vmem>>) target_semaphore(%arg51 : memref<!tpu.dma_semaphore, #tpu.memory_space<semaphore_mem>>)
      %dma_start3A_631 = arith.constant 0 : i32
      %dma_start3A_632 = tpu.memref_slice %arg6[%dma_start3A_631, %multiple_of3A_621] : memref<32x1000000xf32, #tpu.memory_space<hbm>> -> memref<32x128xf32, #tpu.memory_space<hbm>>
      %dma_start3A_633 = arith.constant 0 : i32
      %dma_start3A_634 = tpu.memref_slice %arg6[%dma_start3A_633, %multiple_of3A_621] : memref<32x1000000xf32, #tpu.memory_space<hbm>> -> memref<32x128xf32, #tpu.memory_space<hbm>>
      tpu.enqueue_dma source(%dma_start3A_634 : memref<32x128xf32, #tpu.memory_space<hbm>>) target(%arg35 : memref<32x128xf32, #tpu.memory_space<vmem>>) target_semaphore(%arg51 : memref<!tpu.dma_semaphore, #tpu.memory_space<semaphore_mem>>)
      %dma_start3A_635 = arith.constant 0 : i32
      %dma_start3A_636 = tpu.memref_slice %arg7[%dma_start3A_635, %multiple_of3A_622] : memref<32x1000000xf32, #tpu.memory_space<hbm>> -> memref<32x128xf32, #tpu.memory_space<hbm>>
      %dma_start3A_637 = arith.constant 0 : i32
      %dma_start3A_638 = tpu.memref_slice %arg7[%dma_start3A_637, %multiple_of3A_622] : memref<32x1000000xf32, #tpu.memory_space<hbm>> -> memref<32x128xf32, #tpu.memory_space<hbm>>
      tpu.enqueue_dma source(%dma_start3A_638 : memref<32x128xf32, #tpu.memory_space<hbm>>) target(%arg43 : memref<32x128xf32, #tpu.memory_space<vmem>>) target_semaphore(%arg51 : memref<!tpu.dma_semaphore, #tpu.memory_space<semaphore_mem>>)
      %dma_wait3A_639 = arith.constant 0 : i32
      %dma_wait3A_640 = arith.constant 0 : i32
      %dma_wait3A_641 = tpu.memref_slice %arg4[%dma_wait3A_639, %dma_wait3A_640] : memref<16x1000000xf32, #tpu.memory_space<hbm>> -> memref<16x128xf32, #tpu.memory_space<hbm>>
      %dma_wait3A_642 = arith.constant 0 : i32
      %dma_wait3A_643 = arith.constant 0 : i32
      %dma_wait3A_644 = tpu.memref_slice %arg4[%dma_wait3A_642, %dma_wait3A_643] : memref<16x1000000xf32, #tpu.memory_space<hbm>> -> memref<16x128xf32, #tpu.memory_space<hbm>>
      tpu.wait_dma2 semaphore(%arg52 : memref<!tpu.dma_semaphore, #tpu.memory_space<semaphore_mem>>) src(%dma_wait3A_644 : memref<16x128xf32, #tpu.memory_space<hbm>>) dst(%arg20 : memref<16x128xf32, #tpu.memory_space<vmem>>)
      %dma_wait3A_645 = arith.constant 0 : i32
      %dma_wait3A_646 = arith.constant 0 : i32
      %dma_wait3A_647 = tpu.memref_slice %arg5[%dma_wait3A_645, %dma_wait3A_646] : memref<16x1000000xf32, #tpu.memory_space<hbm>> -> memref<16x128xf32, #tpu.memory_space<hbm>>
      %dma_wait3A_648 = arith.constant 0 : i32
      %dma_wait3A_649 = arith.constant 0 : i32
      %dma_wait3A_650 = tpu.memref_slice %arg5[%dma_wait3A_648, %dma_wait3A_649] : memref<16x1000000xf32, #tpu.memory_space<hbm>> -> memref<16x128xf32, #tpu.memory_space<hbm>>
      tpu.wait_dma2 semaphore(%arg52 : memref<!tpu.dma_semaphore, #tpu.memory_space<semaphore_mem>>) src(%dma_wait3A_650 : memref<16x128xf32, #tpu.memory_space<hbm>>) dst(%arg28 : memref<16x128xf32, #tpu.memory_space<vmem>>)
      %dma_wait3A_651 = arith.constant 0 : i32
      %dma_wait3A_652 = arith.constant 0 : i32
      %dma_wait3A_653 = tpu.memref_slice %arg6[%dma_wait3A_651, %dma_wait3A_652] : memref<32x1000000xf32, #tpu.memory_space<hbm>> -> memref<32x128xf32, #tpu.memory_space<hbm>>
      %dma_wait3A_654 = arith.constant 0 : i32
      %dma_wait3A_655 = arith.constant 0 : i32
      %dma_wait3A_656 = tpu.memref_slice %arg6[%dma_wait3A_654, %dma_wait3A_655] : memref<32x1000000xf32, #tpu.memory_space<hbm>> -> memref<32x128xf32, #tpu.memory_space<hbm>>
      tpu.wait_dma2 semaphore(%arg52 : memref<!tpu.dma_semaphore, #tpu.memory_space<semaphore_mem>>) src(%dma_wait3A_656 : memref<32x128xf32, #tpu.memory_space<hbm>>) dst(%arg36 : memref<32x128xf32, #tpu.memory_space<vmem>>)
      %dma_wait3A_657 = arith.constant 0 : i32
      %dma_wait3A_658 = arith.constant 0 : i32
      %dma_wait3A_659 = tpu.memref_slice %arg7[%dma_wait3A_657, %dma_wait3A_658] : memref<32x1000000xf32, #tpu.memory_space<hbm>> -> memref<32x128xf32, #tpu.memory_space<hbm>>
      %dma_wait3A_660 = arith.constant 0 : i32
      %dma_wait3A_661 = arith.constant 0 : i32
      %dma_wait3A_662 = tpu.memref_slice %arg7[%dma_wait3A_660, %dma_wait3A_661] : memref<32x1000000xf32, #tpu.memory_space<hbm>> -> memref<32x128xf32, #tpu.memory_space<hbm>>
      tpu.wait_dma2 semaphore(%arg52 : memref<!tpu.dma_semaphore, #tpu.memory_space<semaphore_mem>>) src(%dma_wait3A_662 : memref<32x128xf32, #tpu.memory_space<hbm>>) dst(%arg44 : memref<32x128xf32, #tpu.memory_space<vmem>>)
      %mul3A_663 = arith.constant 16 : i32
      %mul3A_664 = arith.muli %scan3A_438, %mul3A_663 : i32
      %add3A_665 = arith.constant 2 : i32
      %add3A_666 = arith.addi %mul3A_664, %add3A_665 : i32
      %and3A_667 = arith.constant 255 : i32
      %and3A_668 = arith.andi %add3A_666, %and3A_667 : i32
      %broadcast_in_dim3A_669 = vector.broadcast %and3A_668 : i32 to vector<16xi32>
      %slice3A_670 = vector.extract_strided_slice %and3A_483 {offsets = [2], sizes = [1], strides = [1]} : vector<16xi32> to vector<1xi32>
      %squeeze3A_671 = vector.extract %slice3A_670[0] : i32 from vector<1xi32>
      %broadcast_in_dim3A_672 = vector.broadcast %squeeze3A_671 : i32 to vector<16xi32>
      %slice3A_673 = vector.extract_strided_slice %and3A_486 {offsets = [2], sizes = [1], strides = [1]} : vector<16xi32> to vector<1xi32>
      %squeeze3A_674 = vector.extract %slice3A_673[0] : i32 from vector<1xi32>
      %broadcast_in_dim3A_675 = vector.broadcast %squeeze3A_674 : i32 to vector<16xi32>
      %gather3A_676 = tpu.vector_load_idx %arg20[%iota3A, %broadcast_in_dim3A_672] : memref<16x128xf32, #tpu.memory_space<vmem>>[vector<16xi32>, vector<16xi32>], vector<16xf32>,
      tpu.vector_store_idx %arg14[%iota3A, %broadcast_in_dim3A_669], %gather3A_676 : memref<16x256xf32, #tpu.memory_space<vmem>>[vector<16xi32>, vector<16xi32>], vector<16xf32>,
      %gather3A_677 = tpu.vector_load_idx %arg28[%iota3A, %broadcast_in_dim3A_675] : memref<16x128xf32, #tpu.memory_space<vmem>>[vector<16xi32>, vector<16xi32>], vector<16xf32>,
      tpu.vector_store_idx %arg15[%iota3A, %broadcast_in_dim3A_669], %gather3A_677 : memref<16x256xf32, #tpu.memory_space<vmem>>[vector<16xi32>, vector<16xi32>], vector<16xf32>,
      %gather3A_678 = tpu.vector_load_idx %arg36[%iota3A, %broadcast_in_dim3A_672] : memref<32x128xf32, #tpu.memory_space<vmem>>[vector<16xi32>, vector<16xi32>], vector<16xf32>,
      tpu.vector_store_idx %arg16[%iota3A, %broadcast_in_dim3A_669], %gather3A_678 : memref<32x256xf32, #tpu.memory_space<vmem>>[vector<16xi32>, vector<16xi32>], vector<16xf32>,
      %add3A_679 = arith.constant 16 : i32
      %add3A_680 = vector.broadcast %add3A_679 : i32 to vector<16xi32>
      %add3A_681 = arith.addi %iota3A, %add3A_680 : vector<16xi32>
      %add3A_682 = arith.constant 16 : i32
      %add3A_683 = vector.broadcast %add3A_682 : i32 to vector<16xi32>
      %add3A_684 = arith.addi %iota3A, %add3A_683 : vector<16xi32>
      %gather3A_685 = tpu.vector_load_idx %arg36[%add3A_684, %broadcast_in_dim3A_672] : memref<32x128xf32, #tpu.memory_space<vmem>>[vector<16xi32>, vector<16xi32>], vector<16xf32>,
      tpu.vector_store_idx %arg16[%add3A_681, %broadcast_in_dim3A_669], %gather3A_685 : memref<32x256xf32, #tpu.memory_space<vmem>>[vector<16xi32>, vector<16xi32>], vector<16xf32>,
      %gather3A_686 = tpu.vector_load_idx %arg44[%iota3A, %broadcast_in_dim3A_675] : memref<32x128xf32, #tpu.memory_space<vmem>>[vector<16xi32>, vector<16xi32>], vector<16xf32>,
      tpu.vector_store_idx %arg17[%iota3A, %broadcast_in_dim3A_669], %gather3A_686 : memref<32x256xf32, #tpu.memory_space<vmem>>[vector<16xi32>, vector<16xi32>], vector<16xf32>,
      %add3A_687 = arith.constant 16 : i32
      %add3A_688 = vector.broadcast %add3A_687 : i32 to vector<16xi32>
      %add3A_689 = arith.addi %iota3A, %add3A_688 : vector<16xi32>
      %add3A_690 = arith.constant 16 : i32
      %add3A_691 = vector.broadcast %add3A_690 : i32 to vector<16xi32>
      %add3A_692 = arith.addi %iota3A, %add3A_691 : vector<16xi32>
      %gather3A_693 = tpu.vector_load_idx %arg44[%add3A_692, %broadcast_in_dim3A_675] : memref<32x128xf32, #tpu.memory_space<vmem>>[vector<16xi32>, vector<16xi32>], vector<16xf32>,
      tpu.vector_store_idx %arg17[%add3A_689, %broadcast_in_dim3A_669], %gather3A_693 : memref<32x256xf32, #tpu.memory_space<vmem>>[vector<16xi32>, vector<16xi32>], vector<16xf32>,
      %slice3A_694 = vector.extract_strided_slice %shift_left3A_463 {offsets = [10], sizes = [1], strides = [1]} : vector<16xi32> to vector<1xi32>
      %squeeze3A_695 = vector.extract %slice3A_694[0] : i32 from vector<1xi32>
      %slice3A_696 = vector.extract_strided_slice %shift_left3A_469 {offsets = [10], sizes = [1], strides = [1]} : vector<16xi32> to vector<1xi32>
      %squeeze3A_697 = vector.extract %slice3A_696[0] : i32 from vector<1xi32>
      %multiple_of3A_698 = tpu.assume_multiple %squeeze3A_695, 128 : i32
      %multiple_of3A_699 = tpu.assume_multiple %squeeze3A_697, 128 : i32
      %dma_start3A_700 = arith.constant 0 : i32
      %dma_start3A_701 = tpu.memref_slice %arg4[%dma_start3A_700, %multiple_of3A_698] : memref<16x1000000xf32, #tpu.memory_space<hbm>> -> memref<16x128xf32, #tpu.memory_space<hbm>>
      %dma_start3A_702 = arith.constant 0 : i32
      %dma_start3A_703 = tpu.memref_slice %arg4[%dma_start3A_702, %multiple_of3A_698] : memref<16x1000000xf32, #tpu.memory_space<hbm>> -> memref<16x128xf32, #tpu.memory_space<hbm>>
      tpu.enqueue_dma source(%dma_start3A_703 : memref<16x128xf32, #tpu.memory_space<hbm>>) target(%arg20 : memref<16x128xf32, #tpu.memory_space<vmem>>) target_semaphore(%arg52 : memref<!tpu.dma_semaphore, #tpu.memory_space<semaphore_mem>>)
      %dma_start3A_704 = arith.constant 0 : i32
      %dma_start3A_705 = tpu.memref_slice %arg5[%dma_start3A_704, %multiple_of3A_699] : memref<16x1000000xf32, #tpu.memory_space<hbm>> -> memref<16x128xf32, #tpu.memory_space<hbm>>
      %dma_start3A_706 = arith.constant 0 : i32
      %dma_start3A_707 = tpu.memref_slice %arg5[%dma_start3A_706, %multiple_of3A_699] : memref<16x1000000xf32, #tpu.memory_space<hbm>> -> memref<16x128xf32, #tpu.memory_space<hbm>>
      tpu.enqueue_dma source(%dma_start3A_707 : memref<16x128xf32, #tpu.memory_space<hbm>>) target(%arg28 : memref<16x128xf32, #tpu.memory_space<vmem>>) target_semaphore(%arg52 : memref<!tpu.dma_semaphore, #tpu.memory_space<semaphore_mem>>)
      %dma_start3A_708 = arith.constant 0 : i32
      %dma_start3A_709 = tpu.memref_slice %arg6[%dma_start3A_708, %multiple_of3A_698] : memref<32x1000000xf32, #tpu.memory_space<hbm>> -> memref<32x128xf32, #tpu.memory_space<hbm>>
      %dma_start3A_710 = arith.constant 0 : i32
      %dma_start3A_711 = tpu.memref_slice %arg6[%dma_start3A_710, %multiple_of3A_698] : memref<32x1000000xf32, #tpu.memory_space<hbm>> -> memref<32x128xf32, #tpu.memory_space<hbm>>
      tpu.enqueue_dma source(%dma_start3A_711 : memref<32x128xf32, #tpu.memory_space<hbm>>) target(%arg36 : memref<32x128xf32, #tpu.memory_space<vmem>>) target_semaphore(%arg52 : memref<!tpu.dma_semaphore, #tpu.memory_space<semaphore_mem>>)
      %dma_start3A_712 = arith.constant 0 : i32
      %dma_start3A_713 = tpu.memref_slice %arg7[%dma_start3A_712, %multiple_of3A_699] : memref<32x1000000xf32, #tpu.memory_space<hbm>> -> memref<32x128xf32, #tpu.memory_space<hbm>>
      %dma_start3A_714 = arith.constant 0 : i32
      %dma_start3A_715 = tpu.memref_slice %arg7[%dma_start3A_714, %multiple_of3A_699] : memref<32x1000000xf32, #tpu.memory_space<hbm>> -> memref<32x128xf32, #tpu.memory_space<hbm>>
      tpu.enqueue_dma source(%dma_start3A_715 : memref<32x128xf32, #tpu.memory_space<hbm>>) target(%arg44 : memref<32x128xf32, #tpu.memory_space<vmem>>) target_semaphore(%arg52 : memref<!tpu.dma_semaphore, #tpu.memory_space<semaphore_mem>>)
      %dma_wait3A_716 = arith.constant 0 : i32
      %dma_wait3A_717 = arith.constant 0 : i32
      %dma_wait3A_718 = tpu.memref_slice %arg4[%dma_wait3A_716, %dma_wait3A_717] : memref<16x1000000xf32, #tpu.memory_space<hbm>> -> memref<16x128xf32, #tpu.memory_space<hbm>>
      %dma_wait3A_719 = arith.constant 0 : i32
      %dma_wait3A_720 = arith.constant 0 : i32
      %dma_wait3A_721 = tpu.memref_slice %arg4[%dma_wait3A_719, %dma_wait3A_720] : memref<16x1000000xf32, #tpu.memory_space<hbm>> -> memref<16x128xf32, #tpu.memory_space<hbm>>
      tpu.wait_dma2 semaphore(%arg53 : memref<!tpu.dma_semaphore, #tpu.memory_space<semaphore_mem>>) src(%dma_wait3A_721 : memref<16x128xf32, #tpu.memory_space<hbm>>) dst(%arg21 : memref<16x128xf32, #tpu.memory_space<vmem>>)
      %dma_wait3A_722 = arith.constant 0 : i32
      %dma_wait3A_723 = arith.constant 0 : i32
      %dma_wait3A_724 = tpu.memref_slice %arg5[%dma_wait3A_722, %dma_wait3A_723] : memref<16x1000000xf32, #tpu.memory_space<hbm>> -> memref<16x128xf32, #tpu.memory_space<hbm>>
      %dma_wait3A_725 = arith.constant 0 : i32
      %dma_wait3A_726 = arith.constant 0 : i32
      %dma_wait3A_727 = tpu.memref_slice %arg5[%dma_wait3A_725, %dma_wait3A_726] : memref<16x1000000xf32, #tpu.memory_space<hbm>> -> memref<16x128xf32, #tpu.memory_space<hbm>>
      tpu.wait_dma2 semaphore(%arg53 : memref<!tpu.dma_semaphore, #tpu.memory_space<semaphore_mem>>) src(%dma_wait3A_727 : memref<16x128xf32, #tpu.memory_space<hbm>>) dst(%arg29 : memref<16x128xf32, #tpu.memory_space<vmem>>)
      %dma_wait3A_728 = arith.constant 0 : i32
      %dma_wait3A_729 = arith.constant 0 : i32
      %dma_wait3A_730 = tpu.memref_slice %arg6[%dma_wait3A_728, %dma_wait3A_729] : memref<32x1000000xf32, #tpu.memory_space<hbm>> -> memref<32x128xf32, #tpu.memory_space<hbm>>
      %dma_wait3A_731 = arith.constant 0 : i32
      %dma_wait3A_732 = arith.constant 0 : i32
      %dma_wait3A_733 = tpu.memref_slice %arg6[%dma_wait3A_731, %dma_wait3A_732] : memref<32x1000000xf32, #tpu.memory_space<hbm>> -> memref<32x128xf32, #tpu.memory_space<hbm>>
      tpu.wait_dma2 semaphore(%arg53 : memref<!tpu.dma_semaphore, #tpu.memory_space<semaphore_mem>>) src(%dma_wait3A_733 : memref<32x128xf32, #tpu.memory_space<hbm>>) dst(%arg37 : memref<32x128xf32, #tpu.memory_space<vmem>>)
      %dma_wait3A_734 = arith.constant 0 : i32
      %dma_wait3A_735 = arith.constant 0 : i32
      %dma_wait3A_736 = tpu.memref_slice %arg7[%dma_wait3A_734, %dma_wait3A_735] : memref<32x1000000xf32, #tpu.memory_space<hbm>> -> memref<32x128xf32, #tpu.memory_space<hbm>>
      %dma_wait3A_737 = arith.constant 0 : i32
      %dma_wait3A_738 = arith.constant 0 : i32
      %dma_wait3A_739 = tpu.memref_slice %arg7[%dma_wait3A_737, %dma_wait3A_738] : memref<32x1000000xf32, #tpu.memory_space<hbm>> -> memref<32x128xf32, #tpu.memory_space<hbm>>
      tpu.wait_dma2 semaphore(%arg53 : memref<!tpu.dma_semaphore, #tpu.memory_space<semaphore_mem>>) src(%dma_wait3A_739 : memref<32x128xf32, #tpu.memory_space<hbm>>) dst(%arg45 : memref<32x128xf32, #tpu.memory_space<vmem>>)
      %mul3A_740 = arith.constant 16 : i32
      %mul3A_741 = arith.muli %scan3A_438, %mul3A_740 : i32
      %add3A_742 = arith.constant 3 : i32
      %add3A_743 = arith.addi %mul3A_741, %add3A_742 : i32
      %and3A_744 = arith.constant 255 : i32
      %and3A_745 = arith.andi %add3A_743, %and3A_744 : i32
      %broadcast_in_dim3A_746 = vector.broadcast %and3A_745 : i32 to vector<16xi32>
      %slice3A_747 = vector.extract_strided_slice %and3A_483 {offsets = [3], sizes = [1], strides = [1]} : vector<16xi32> to vector<1xi32>
      %squeeze3A_748 = vector.extract %slice3A_747[0] : i32 from vector<1xi32>
      %broadcast_in_dim3A_749 = vector.broadcast %squeeze3A_748 : i32 to vector<16xi32>
      %slice3A_750 = vector.extract_strided_slice %and3A_486 {offsets = [3], sizes = [1], strides = [1]} : vector<16xi32> to vector<1xi32>
      %squeeze3A_751 = vector.extract %slice3A_750[0] : i32 from vector<1xi32>
      %broadcast_in_dim3A_752 = vector.broadcast %squeeze3A_751 : i32 to vector<16xi32>
      %gather3A_753 = tpu.vector_load_idx %arg21[%iota3A, %broadcast_in_dim3A_749] : memref<16x128xf32, #tpu.memory_space<vmem>>[vector<16xi32>, vector<16xi32>], vector<16xf32>,
      tpu.vector_store_idx %arg14[%iota3A, %broadcast_in_dim3A_746], %gather3A_753 : memref<16x256xf32, #tpu.memory_space<vmem>>[vector<16xi32>, vector<16xi32>], vector<16xf32>,
      %gather3A_754 = tpu.vector_load_idx %arg29[%iota3A, %broadcast_in_dim3A_752] : memref<16x128xf32, #tpu.memory_space<vmem>>[vector<16xi32>, vector<16xi32>], vector<16xf32>,
      tpu.vector_store_idx %arg15[%iota3A, %broadcast_in_dim3A_746], %gather3A_754 : memref<16x256xf32, #tpu.memory_space<vmem>>[vector<16xi32>, vector<16xi32>], vector<16xf32>,
      %gather3A_755 = tpu.vector_load_idx %arg37[%iota3A, %broadcast_in_dim3A_749] : memref<32x128xf32, #tpu.memory_space<vmem>>[vector<16xi32>, vector<16xi32>], vector<16xf32>,
      tpu.vector_store_idx %arg16[%iota3A, %broadcast_in_dim3A_746], %gather3A_755 : memref<32x256xf32, #tpu.memory_space<vmem>>[vector<16xi32>, vector<16xi32>], vector<16xf32>,
      %add3A_756 = arith.constant 16 : i32
      %add3A_757 = vector.broadcast %add3A_756 : i32 to vector<16xi32>
      %add3A_758 = arith.addi %iota3A, %add3A_757 : vector<16xi32>
      %add3A_759 = arith.constant 16 : i32
      %add3A_760 = vector.broadcast %add3A_759 : i32 to vector<16xi32>
      %add3A_761 = arith.addi %iota3A, %add3A_760 : vector<16xi32>
      %gather3A_762 = tpu.vector_load_idx %arg37[%add3A_761, %broadcast_in_dim3A_749] : memref<32x128xf32, #tpu.memory_space<vmem>>[vector<16xi32>, vector<16xi32>], vector<16xf32>,
      tpu.vector_store_idx %arg16[%add3A_758, %broadcast_in_dim3A_746], %gather3A_762 : memref<32x256xf32, #tpu.memory_space<vmem>>[vector<16xi32>, vector<16xi32>], vector<16xf32>,
      %gather3A_763 = tpu.vector_load_idx %arg45[%iota3A, %broadcast_in_dim3A_752] : memref<32x128xf32, #tpu.memory_space<vmem>>[vector<16xi32>, vector<16xi32>], vector<16xf32>,
      tpu.vector_store_idx %arg17[%iota3A, %broadcast_in_dim3A_746], %gather3A_763 : memref<32x256xf32, #tpu.memory_space<vmem>>[vector<16xi32>, vector<16xi32>], vector<16xf32>,
      %add3A_764 = arith.constant 16 : i32
      %add3A_765 = vector.broadcast %add3A_764 : i32 to vector<16xi32>
      %add3A_766 = arith.addi %iota3A, %add3A_765 : vector<16xi32>
      %add3A_767 = arith.constant 16 : i32
      %add3A_768 = vector.broadcast %add3A_767 : i32 to vector<16xi32>
      %add3A_769 = arith.addi %iota3A, %add3A_768 : vector<16xi32>
      %gather3A_770 = tpu.vector_load_idx %arg45[%add3A_769, %broadcast_in_dim3A_752] : memref<32x128xf32, #tpu.memory_space<vmem>>[vector<16xi32>, vector<16xi32>], vector<16xf32>,
      tpu.vector_store_idx %arg17[%add3A_766, %broadcast_in_dim3A_746], %gather3A_770 : memref<32x256xf32, #tpu.memory_space<vmem>>[vector<16xi32>, vector<16xi32>], vector<16xf32>,
      %slice3A_771 = vector.extract_strided_slice %shift_left3A_463 {offsets = [11], sizes = [1], strides = [1]} : vector<16xi32> to vector<1xi32>
      %squeeze3A_772 = vector.extract %slice3A_771[0] : i32 from vector<1xi32>
      %slice3A_773 = vector.extract_strided_slice %shift_left3A_469 {offsets = [11], sizes = [1], strides = [1]} : vector<16xi32> to vector<1xi32>
      %squeeze3A_774 = vector.extract %slice3A_773[0] : i32 from vector<1xi32>
      %multiple_of3A_775 = tpu.assume_multiple %squeeze3A_772, 128 : i32
      %multiple_of3A_776 = tpu.assume_multiple %squeeze3A_774, 128 : i32
      %dma_start3A_777 = arith.constant 0 : i32
      %dma_start3A_778 = tpu.memref_slice %arg4[%dma_start3A_777, %multiple_of3A_775] : memref<16x1000000xf32, #tpu.memory_space<hbm>> -> memref<16x128xf32, #tpu.memory_space<hbm>>
      %dma_start3A_779 = arith.constant 0 : i32
      %dma_start3A_780 = tpu.memref_slice %arg4[%dma_start3A_779, %multiple_of3A_775] : memref<16x1000000xf32, #tpu.memory_space<hbm>> -> memref<16x128xf32, #tpu.memory_space<hbm>>
      tpu.enqueue_dma source(%dma_start3A_780 : memref<16x128xf32, #tpu.memory_space<hbm>>) target(%arg21 : memref<16x128xf32, #tpu.memory_space<vmem>>) target_semaphore(%arg53 : memref<!tpu.dma_semaphore, #tpu.memory_space<semaphore_mem>>)
      %dma_start3A_781 = arith.constant 0 : i32
      %dma_start3A_782 = tpu.memref_slice %arg5[%dma_start3A_781, %multiple_of3A_776] : memref<16x1000000xf32, #tpu.memory_space<hbm>> -> memref<16x128xf32, #tpu.memory_space<hbm>>
      %dma_start3A_783 = arith.constant 0 : i32
      %dma_start3A_784 = tpu.memref_slice %arg5[%dma_start3A_783, %multiple_of3A_776] : memref<16x1000000xf32, #tpu.memory_space<hbm>> -> memref<16x128xf32, #tpu.memory_space<hbm>>
      tpu.enqueue_dma source(%dma_start3A_784 : memref<16x128xf32, #tpu.memory_space<hbm>>) target(%arg29 : memref<16x128xf32, #tpu.memory_space<vmem>>) target_semaphore(%arg53 : memref<!tpu.dma_semaphore, #tpu.memory_space<semaphore_mem>>)
      %dma_start3A_785 = arith.constant 0 : i32
      %dma_start3A_786 = tpu.memref_slice %arg6[%dma_start3A_785, %multiple_of3A_775] : memref<32x1000000xf32, #tpu.memory_space<hbm>> -> memref<32x128xf32, #tpu.memory_space<hbm>>
      %dma_start3A_787 = arith.constant 0 : i32
      %dma_start3A_788 = tpu.memref_slice %arg6[%dma_start3A_787, %multiple_of3A_775] : memref<32x1000000xf32, #tpu.memory_space<hbm>> -> memref<32x128xf32, #tpu.memory_space<hbm>>
      tpu.enqueue_dma source(%dma_start3A_788 : memref<32x128xf32, #tpu.memory_space<hbm>>) target(%arg37 : memref<32x128xf32, #tpu.memory_space<vmem>>) target_semaphore(%arg53 : memref<!tpu.dma_semaphore, #tpu.memory_space<semaphore_mem>>)
      %dma_start3A_789 = arith.constant 0 : i32
      %dma_start3A_790 = tpu.memref_slice %arg7[%dma_start3A_789, %multiple_of3A_776] : memref<32x1000000xf32, #tpu.memory_space<hbm>> -> memref<32x128xf32, #tpu.memory_space<hbm>>
      %dma_start3A_791 = arith.constant 0 : i32
      %dma_start3A_792 = tpu.memref_slice %arg7[%dma_start3A_791, %multiple_of3A_776] : memref<32x1000000xf32, #tpu.memory_space<hbm>> -> memref<32x128xf32, #tpu.memory_space<hbm>>
      tpu.enqueue_dma source(%dma_start3A_792 : memref<32x128xf32, #tpu.memory_space<hbm>>) target(%arg45 : memref<32x128xf32, #tpu.memory_space<vmem>>) target_semaphore(%arg53 : memref<!tpu.dma_semaphore, #tpu.memory_space<semaphore_mem>>)
      %dma_wait3A_793 = arith.constant 0 : i32
      %dma_wait3A_794 = arith.constant 0 : i32
      %dma_wait3A_795 = tpu.memref_slice %arg4[%dma_wait3A_793, %dma_wait3A_794] : memref<16x1000000xf32, #tpu.memory_space<hbm>> -> memref<16x128xf32, #tpu.memory_space<hbm>>
      %dma_wait3A_796 = arith.constant 0 : i32
      %dma_wait3A_797 = arith.constant 0 : i32
      %dma_wait3A_798 = tpu.memref_slice %arg4[%dma_wait3A_796, %dma_wait3A_797] : memref<16x1000000xf32, #tpu.memory_space<hbm>> -> memref<16x128xf32, #tpu.memory_space<hbm>>
      tpu.wait_dma2 semaphore(%arg54 : memref<!tpu.dma_semaphore, #tpu.memory_space<semaphore_mem>>) src(%dma_wait3A_798 : memref<16x128xf32, #tpu.memory_space<hbm>>) dst(%arg22 : memref<16x128xf32, #tpu.memory_space<vmem>>)
      %dma_wait3A_799 = arith.constant 0 : i32
      %dma_wait3A_800 = arith.constant 0 : i32
      %dma_wait3A_801 = tpu.memref_slice %arg5[%dma_wait3A_799, %dma_wait3A_800] : memref<16x1000000xf32, #tpu.memory_space<hbm>> -> memref<16x128xf32, #tpu.memory_space<hbm>>
      %dma_wait3A_802 = arith.constant 0 : i32
      %dma_wait3A_803 = arith.constant 0 : i32
      %dma_wait3A_804 = tpu.memref_slice %arg5[%dma_wait3A_802, %dma_wait3A_803] : memref<16x1000000xf32, #tpu.memory_space<hbm>> -> memref<16x128xf32, #tpu.memory_space<hbm>>
      tpu.wait_dma2 semaphore(%arg54 : memref<!tpu.dma_semaphore, #tpu.memory_space<semaphore_mem>>) src(%dma_wait3A_804 : memref<16x128xf32, #tpu.memory_space<hbm>>) dst(%arg30 : memref<16x128xf32, #tpu.memory_space<vmem>>)
      %dma_wait3A_805 = arith.constant 0 : i32
      %dma_wait3A_806 = arith.constant 0 : i32
      %dma_wait3A_807 = tpu.memref_slice %arg6[%dma_wait3A_805, %dma_wait3A_806] : memref<32x1000000xf32, #tpu.memory_space<hbm>> -> memref<32x128xf32, #tpu.memory_space<hbm>>
      %dma_wait3A_808 = arith.constant 0 : i32
      %dma_wait3A_809 = arith.constant 0 : i32
      %dma_wait3A_810 = tpu.memref_slice %arg6[%dma_wait3A_808, %dma_wait3A_809] : memref<32x1000000xf32, #tpu.memory_space<hbm>> -> memref<32x128xf32, #tpu.memory_space<hbm>>
      tpu.wait_dma2 semaphore(%arg54 : memref<!tpu.dma_semaphore, #tpu.memory_space<semaphore_mem>>) src(%dma_wait3A_810 : memref<32x128xf32, #tpu.memory_space<hbm>>) dst(%arg38 : memref<32x128xf32, #tpu.memory_space<vmem>>)
      %dma_wait3A_811 = arith.constant 0 : i32
      %dma_wait3A_812 = arith.constant 0 : i32
      %dma_wait3A_813 = tpu.memref_slice %arg7[%dma_wait3A_811, %dma_wait3A_812] : memref<32x1000000xf32, #tpu.memory_space<hbm>> -> memref<32x128xf32, #tpu.memory_space<hbm>>
      %dma_wait3A_814 = arith.constant 0 : i32
      %dma_wait3A_815 = arith.constant 0 : i32
      %dma_wait3A_816 = tpu.memref_slice %arg7[%dma_wait3A_814, %dma_wait3A_815] : memref<32x1000000xf32, #tpu.memory_space<hbm>> -> memref<32x128xf32, #tpu.memory_space<hbm>>
      tpu.wait_dma2 semaphore(%arg54 : memref<!tpu.dma_semaphore, #tpu.memory_space<semaphore_mem>>) src(%dma_wait3A_816 : memref<32x128xf32, #tpu.memory_space<hbm>>) dst(%arg46 : memref<32x128xf32, #tpu.memory_space<vmem>>)
      %mul3A_817 = arith.constant 16 : i32
      %mul3A_818 = arith.muli %scan3A_438, %mul3A_817 : i32
      %add3A_819 = arith.constant 4 : i32
      %add3A_820 = arith.addi %mul3A_818, %add3A_819 : i32
      %and3A_821 = arith.constant 255 : i32
      %and3A_822 = arith.andi %add3A_820, %and3A_821 : i32
      %broadcast_in_dim3A_823 = vector.broadcast %and3A_822 : i32 to vector<16xi32>
      %slice3A_824 = vector.extract_strided_slice %and3A_483 {offsets = [4], sizes = [1], strides = [1]} : vector<16xi32> to vector<1xi32>
      %squeeze3A_825 = vector.extract %slice3A_824[0] : i32 from vector<1xi32>
      %broadcast_in_dim3A_826 = vector.broadcast %squeeze3A_825 : i32 to vector<16xi32>
      %slice3A_827 = vector.extract_strided_slice %and3A_486 {offsets = [4], sizes = [1], strides = [1]} : vector<16xi32> to vector<1xi32>
      %squeeze3A_828 = vector.extract %slice3A_827[0] : i32 from vector<1xi32>
      %broadcast_in_dim3A_829 = vector.broadcast %squeeze3A_828 : i32 to vector<16xi32>
      %gather3A_830 = tpu.vector_load_idx %arg22[%iota3A, %broadcast_in_dim3A_826] : memref<16x128xf32, #tpu.memory_space<vmem>>[vector<16xi32>, vector<16xi32>], vector<16xf32>,
      tpu.vector_store_idx %arg14[%iota3A, %broadcast_in_dim3A_823], %gather3A_830 : memref<16x256xf32, #tpu.memory_space<vmem>>[vector<16xi32>, vector<16xi32>], vector<16xf32>,
      %gather3A_831 = tpu.vector_load_idx %arg30[%iota3A, %broadcast_in_dim3A_829] : memref<16x128xf32, #tpu.memory_space<vmem>>[vector<16xi32>, vector<16xi32>], vector<16xf32>,
      tpu.vector_store_idx %arg15[%iota3A, %broadcast_in_dim3A_823], %gather3A_831 : memref<16x256xf32, #tpu.memory_space<vmem>>[vector<16xi32>, vector<16xi32>], vector<16xf32>,
      %gather3A_832 = tpu.vector_load_idx %arg38[%iota3A, %broadcast_in_dim3A_826] : memref<32x128xf32, #tpu.memory_space<vmem>>[vector<16xi32>, vector<16xi32>], vector<16xf32>,
      tpu.vector_store_idx %arg16[%iota3A, %broadcast_in_dim3A_823], %gather3A_832 : memref<32x256xf32, #tpu.memory_space<vmem>>[vector<16xi32>, vector<16xi32>], vector<16xf32>,
      %add3A_833 = arith.constant 16 : i32
      %add3A_834 = vector.broadcast %add3A_833 : i32 to vector<16xi32>
      %add3A_835 = arith.addi %iota3A, %add3A_834 : vector<16xi32>
      %add3A_836 = arith.constant 16 : i32
      %add3A_837 = vector.broadcast %add3A_836 : i32 to vector<16xi32>
      %add3A_838 = arith.addi %iota3A, %add3A_837 : vector<16xi32>
      %gather3A_839 = tpu.vector_load_idx %arg38[%add3A_838, %broadcast_in_dim3A_826] : memref<32x128xf32, #tpu.memory_space<vmem>>[vector<16xi32>, vector<16xi32>], vector<16xf32>,
      tpu.vector_store_idx %arg16[%add3A_835, %broadcast_in_dim3A_823], %gather3A_839 : memref<32x256xf32, #tpu.memory_space<vmem>>[vector<16xi32>, vector<16xi32>], vector<16xf32>,
      %gather3A_840 = tpu.vector_load_idx %arg46[%iota3A, %broadcast_in_dim3A_829] : memref<32x128xf32, #tpu.memory_space<vmem>>[vector<16xi32>, vector<16xi32>], vector<16xf32>,
      tpu.vector_store_idx %arg17[%iota3A, %broadcast_in_dim3A_823], %gather3A_840 : memref<32x256xf32, #tpu.memory_space<vmem>>[vector<16xi32>, vector<16xi32>], vector<16xf32>,
      %add3A_841 = arith.constant 16 : i32
      %add3A_842 = vector.broadcast %add3A_841 : i32 to vector<16xi32>
      %add3A_843 = arith.addi %iota3A, %add3A_842 : vector<16xi32>
      %add3A_844 = arith.constant 16 : i32
      %add3A_845 = vector.broadcast %add3A_844 : i32 to vector<16xi32>
      %add3A_846 = arith.addi %iota3A, %add3A_845 : vector<16xi32>
      %gather3A_847 = tpu.vector_load_idx %arg46[%add3A_846, %broadcast_in_dim3A_829] : memref<32x128xf32, #tpu.memory_space<vmem>>[vector<16xi32>, vector<16xi32>], vector<16xf32>,
      tpu.vector_store_idx %arg17[%add3A_843, %broadcast_in_dim3A_823], %gather3A_847 : memref<32x256xf32, #tpu.memory_space<vmem>>[vector<16xi32>, vector<16xi32>], vector<16xf32>,
      %slice3A_848 = vector.extract_strided_slice %shift_left3A_463 {offsets = [12], sizes = [1], strides = [1]} : vector<16xi32> to vector<1xi32>
      %squeeze3A_849 = vector.extract %slice3A_848[0] : i32 from vector<1xi32>
      %slice3A_850 = vector.extract_strided_slice %shift_left3A_469 {offsets = [12], sizes = [1], strides = [1]} : vector<16xi32> to vector<1xi32>
      %squeeze3A_851 = vector.extract %slice3A_850[0] : i32 from vector<1xi32>
      %multiple_of3A_852 = tpu.assume_multiple %squeeze3A_849, 128 : i32
      %multiple_of3A_853 = tpu.assume_multiple %squeeze3A_851, 128 : i32
      %dma_start3A_854 = arith.constant 0 : i32
      %dma_start3A_855 = tpu.memref_slice %arg4[%dma_start3A_854, %multiple_of3A_852] : memref<16x1000000xf32, #tpu.memory_space<hbm>> -> memref<16x128xf32, #tpu.memory_space<hbm>>
      %dma_start3A_856 = arith.constant 0 : i32
      %dma_start3A_857 = tpu.memref_slice %arg4[%dma_start3A_856, %multiple_of3A_852] : memref<16x1000000xf32, #tpu.memory_space<hbm>> -> memref<16x128xf32, #tpu.memory_space<hbm>>
      tpu.enqueue_dma source(%dma_start3A_857 : memref<16x128xf32, #tpu.memory_space<hbm>>) target(%arg22 : memref<16x128xf32, #tpu.memory_space<vmem>>) target_semaphore(%arg54 : memref<!tpu.dma_semaphore, #tpu.memory_space<semaphore_mem>>)
      %dma_start3A_858 = arith.constant 0 : i32
      %dma_start3A_859 = tpu.memref_slice %arg5[%dma_start3A_858, %multiple_of3A_853] : memref<16x1000000xf32, #tpu.memory_space<hbm>> -> memref<16x128xf32, #tpu.memory_space<hbm>>
      %dma_start3A_860 = arith.constant 0 : i32
      %dma_start3A_861 = tpu.memref_slice %arg5[%dma_start3A_860, %multiple_of3A_853] : memref<16x1000000xf32, #tpu.memory_space<hbm>> -> memref<16x128xf32, #tpu.memory_space<hbm>>
      tpu.enqueue_dma source(%dma_start3A_861 : memref<16x128xf32, #tpu.memory_space<hbm>>) target(%arg30 : memref<16x128xf32, #tpu.memory_space<vmem>>) target_semaphore(%arg54 : memref<!tpu.dma_semaphore, #tpu.memory_space<semaphore_mem>>)
      %dma_start3A_862 = arith.constant 0 : i32
      %dma_start3A_863 = tpu.memref_slice %arg6[%dma_start3A_862, %multiple_of3A_852] : memref<32x1000000xf32, #tpu.memory_space<hbm>> -> memref<32x128xf32, #tpu.memory_space<hbm>>
      %dma_start3A_864 = arith.constant 0 : i32
      %dma_start3A_865 = tpu.memref_slice %arg6[%dma_start3A_864, %multiple_of3A_852] : memref<32x1000000xf32, #tpu.memory_space<hbm>> -> memref<32x128xf32, #tpu.memory_space<hbm>>
      tpu.enqueue_dma source(%dma_start3A_865 : memref<32x128xf32, #tpu.memory_space<hbm>>) target(%arg38 : memref<32x128xf32, #tpu.memory_space<vmem>>) target_semaphore(%arg54 : memref<!tpu.dma_semaphore, #tpu.memory_space<semaphore_mem>>)
      %dma_start3A_866 = arith.constant 0 : i32
      %dma_start3A_867 = tpu.memref_slice %arg7[%dma_start3A_866, %multiple_of3A_853] : memref<32x1000000xf32, #tpu.memory_space<hbm>> -> memref<32x128xf32, #tpu.memory_space<hbm>>
      %dma_start3A_868 = arith.constant 0 : i32
      %dma_start3A_869 = tpu.memref_slice %arg7[%dma_start3A_868, %multiple_of3A_853] : memref<32x1000000xf32, #tpu.memory_space<hbm>> -> memref<32x128xf32, #tpu.memory_space<hbm>>
      tpu.enqueue_dma source(%dma_start3A_869 : memref<32x128xf32, #tpu.memory_space<hbm>>) target(%arg46 : memref<32x128xf32, #tpu.memory_space<vmem>>) target_semaphore(%arg54 : memref<!tpu.dma_semaphore, #tpu.memory_space<semaphore_mem>>)
      %dma_wait3A_870 = arith.constant 0 : i32
      %dma_wait3A_871 = arith.constant 0 : i32
      %dma_wait3A_872 = tpu.memref_slice %arg4[%dma_wait3A_870, %dma_wait3A_871] : memref<16x1000000xf32, #tpu.memory_space<hbm>> -> memref<16x128xf32, #tpu.memory_space<hbm>>
      %dma_wait3A_873 = arith.constant 0 : i32
      %dma_wait3A_874 = arith.constant 0 : i32
      %dma_wait3A_875 = tpu.memref_slice %arg4[%dma_wait3A_873, %dma_wait3A_874] : memref<16x1000000xf32, #tpu.memory_space<hbm>> -> memref<16x128xf32, #tpu.memory_space<hbm>>
      tpu.wait_dma2 semaphore(%arg55 : memref<!tpu.dma_semaphore, #tpu.memory_space<semaphore_mem>>) src(%dma_wait3A_875 : memref<16x128xf32, #tpu.memory_space<hbm>>) dst(%arg23 : memref<16x128xf32, #tpu.memory_space<vmem>>)
      %dma_wait3A_876 = arith.constant 0 : i32
      %dma_wait3A_877 = arith.constant 0 : i32
      %dma_wait3A_878 = tpu.memref_slice %arg5[%dma_wait3A_876, %dma_wait3A_877] : memref<16x1000000xf32, #tpu.memory_space<hbm>> -> memref<16x128xf32, #tpu.memory_space<hbm>>
      %dma_wait3A_879 = arith.constant 0 : i32
      %dma_wait3A_880 = arith.constant 0 : i32
      %dma_wait3A_881 = tpu.memref_slice %arg5[%dma_wait3A_879, %dma_wait3A_880] : memref<16x1000000xf32, #tpu.memory_space<hbm>> -> memref<16x128xf32, #tpu.memory_space<hbm>>
      tpu.wait_dma2 semaphore(%arg55 : memref<!tpu.dma_semaphore, #tpu.memory_space<semaphore_mem>>) src(%dma_wait3A_881 : memref<16x128xf32, #tpu.memory_space<hbm>>) dst(%arg31 : memref<16x128xf32, #tpu.memory_space<vmem>>)
      %dma_wait3A_882 = arith.constant 0 : i32
      %dma_wait3A_883 = arith.constant 0 : i32
      %dma_wait3A_884 = tpu.memref_slice %arg6[%dma_wait3A_882, %dma_wait3A_883] : memref<32x1000000xf32, #tpu.memory_space<hbm>> -> memref<32x128xf32, #tpu.memory_space<hbm>>
      %dma_wait3A_885 = arith.constant 0 : i32
      %dma_wait3A_886 = arith.constant 0 : i32
      %dma_wait3A_887 = tpu.memref_slice %arg6[%dma_wait3A_885, %dma_wait3A_886] : memref<32x1000000xf32, #tpu.memory_space<hbm>> -> memref<32x128xf32, #tpu.memory_space<hbm>>
      tpu.wait_dma2 semaphore(%arg55 : memref<!tpu.dma_semaphore, #tpu.memory_space<semaphore_mem>>) src(%dma_wait3A_887 : memref<32x128xf32, #tpu.memory_space<hbm>>) dst(%arg39 : memref<32x128xf32, #tpu.memory_space<vmem>>)
      %dma_wait3A_888 = arith.constant 0 : i32
      %dma_wait3A_889 = arith.constant 0 : i32
      %dma_wait3A_890 = tpu.memref_slice %arg7[%dma_wait3A_888, %dma_wait3A_889] : memref<32x1000000xf32, #tpu.memory_space<hbm>> -> memref<32x128xf32, #tpu.memory_space<hbm>>
      %dma_wait3A_891 = arith.constant 0 : i32
      %dma_wait3A_892 = arith.constant 0 : i32
      %dma_wait3A_893 = tpu.memref_slice %arg7[%dma_wait3A_891, %dma_wait3A_892] : memref<32x1000000xf32, #tpu.memory_space<hbm>> -> memref<32x128xf32, #tpu.memory_space<hbm>>
      tpu.wait_dma2 semaphore(%arg55 : memref<!tpu.dma_semaphore, #tpu.memory_space<semaphore_mem>>) src(%dma_wait3A_893 : memref<32x128xf32, #tpu.memory_space<hbm>>) dst(%arg47 : memref<32x128xf32, #tpu.memory_space<vmem>>)
      %mul3A_894 = arith.constant 16 : i32
      %mul3A_895 = arith.muli %scan3A_438, %mul3A_894 : i32
      %add3A_896 = arith.constant 5 : i32
      %add3A_897 = arith.addi %mul3A_895, %add3A_896 : i32
      %and3A_898 = arith.constant 255 : i32
      %and3A_899 = arith.andi %add3A_897, %and3A_898 : i32
      %broadcast_in_dim3A_900 = vector.broadcast %and3A_899 : i32 to vector<16xi32>
      %slice3A_901 = vector.extract_strided_slice %and3A_483 {offsets = [5], sizes = [1], strides = [1]} : vector<16xi32> to vector<1xi32>
      %squeeze3A_902 = vector.extract %slice3A_901[0] : i32 from vector<1xi32>
      %broadcast_in_dim3A_903 = vector.broadcast %squeeze3A_902 : i32 to vector<16xi32>
      %slice3A_904 = vector.extract_strided_slice %and3A_486 {offsets = [5], sizes = [1], strides = [1]} : vector<16xi32> to vector<1xi32>
      %squeeze3A_905 = vector.extract %slice3A_904[0] : i32 from vector<1xi32>
      %broadcast_in_dim3A_906 = vector.broadcast %squeeze3A_905 : i32 to vector<16xi32>
      %gather3A_907 = tpu.vector_load_idx %arg23[%iota3A, %broadcast_in_dim3A_903] : memref<16x128xf32, #tpu.memory_space<vmem>>[vector<16xi32>, vector<16xi32>], vector<16xf32>,
      tpu.vector_store_idx %arg14[%iota3A, %broadcast_in_dim3A_900], %gather3A_907 : memref<16x256xf32, #tpu.memory_space<vmem>>[vector<16xi32>, vector<16xi32>], vector<16xf32>,
      %gather3A_908 = tpu.vector_load_idx %arg31[%iota3A, %broadcast_in_dim3A_906] : memref<16x128xf32, #tpu.memory_space<vmem>>[vector<16xi32>, vector<16xi32>], vector<16xf32>,
      tpu.vector_store_idx %arg15[%iota3A, %broadcast_in_dim3A_900], %gather3A_908 : memref<16x256xf32, #tpu.memory_space<vmem>>[vector<16xi32>, vector<16xi32>], vector<16xf32>,
      %gather3A_909 = tpu.vector_load_idx %arg39[%iota3A, %broadcast_in_dim3A_903] : memref<32x128xf32, #tpu.memory_space<vmem>>[vector<16xi32>, vector<16xi32>], vector<16xf32>,
      tpu.vector_store_idx %arg16[%iota3A, %broadcast_in_dim3A_900], %gather3A_909 : memref<32x256xf32, #tpu.memory_space<vmem>>[vector<16xi32>, vector<16xi32>], vector<16xf32>,
      %add3A_910 = arith.constant 16 : i32
      %add3A_911 = vector.broadcast %add3A_910 : i32 to vector<16xi32>
      %add3A_912 = arith.addi %iota3A, %add3A_911 : vector<16xi32>
      %add3A_913 = arith.constant 16 : i32
      %add3A_914 = vector.broadcast %add3A_913 : i32 to vector<16xi32>
      %add3A_915 = arith.addi %iota3A, %add3A_914 : vector<16xi32>
      %gather3A_916 = tpu.vector_load_idx %arg39[%add3A_915, %broadcast_in_dim3A_903] : memref<32x128xf32, #tpu.memory_space<vmem>>[vector<16xi32>, vector<16xi32>], vector<16xf32>,
      tpu.vector_store_idx %arg16[%add3A_912, %broadcast_in_dim3A_900], %gather3A_916 : memref<32x256xf32, #tpu.memory_space<vmem>>[vector<16xi32>, vector<16xi32>], vector<16xf32>,
      %gather3A_917 = tpu.vector_load_idx %arg47[%iota3A, %broadcast_in_dim3A_906] : memref<32x128xf32, #tpu.memory_space<vmem>>[vector<16xi32>, vector<16xi32>], vector<16xf32>,
      tpu.vector_store_idx %arg17[%iota3A, %broadcast_in_dim3A_900], %gather3A_917 : memref<32x256xf32, #tpu.memory_space<vmem>>[vector<16xi32>, vector<16xi32>], vector<16xf32>,
      %add3A_918 = arith.constant 16 : i32
      %add3A_919 = vector.broadcast %add3A_918 : i32 to vector<16xi32>
      %add3A_920 = arith.addi %iota3A, %add3A_919 : vector<16xi32>
      %add3A_921 = arith.constant 16 : i32
      %add3A_922 = vector.broadcast %add3A_921 : i32 to vector<16xi32>
      %add3A_923 = arith.addi %iota3A, %add3A_922 : vector<16xi32>
      %gather3A_924 = tpu.vector_load_idx %arg47[%add3A_923, %broadcast_in_dim3A_906] : memref<32x128xf32, #tpu.memory_space<vmem>>[vector<16xi32>, vector<16xi32>], vector<16xf32>,
      tpu.vector_store_idx %arg17[%add3A_920, %broadcast_in_dim3A_900], %gather3A_924 : memref<32x256xf32, #tpu.memory_space<vmem>>[vector<16xi32>, vector<16xi32>], vector<16xf32>,
      %slice3A_925 = vector.extract_strided_slice %shift_left3A_463 {offsets = [13], sizes = [1], strides = [1]} : vector<16xi32> to vector<1xi32>
      %squeeze3A_926 = vector.extract %slice3A_925[0] : i32 from vector<1xi32>
      %slice3A_927 = vector.extract_strided_slice %shift_left3A_469 {offsets = [13], sizes = [1], strides = [1]} : vector<16xi32> to vector<1xi32>
      %squeeze3A_928 = vector.extract %slice3A_927[0] : i32 from vector<1xi32>
      %multiple_of3A_929 = tpu.assume_multiple %squeeze3A_926, 128 : i32
      %multiple_of3A_930 = tpu.assume_multiple %squeeze3A_928, 128 : i32
      %dma_start3A_931 = arith.constant 0 : i32
      %dma_start3A_932 = tpu.memref_slice %arg4[%dma_start3A_931, %multiple_of3A_929] : memref<16x1000000xf32, #tpu.memory_space<hbm>> -> memref<16x128xf32, #tpu.memory_space<hbm>>
      %dma_start3A_933 = arith.constant 0 : i32
      %dma_start3A_934 = tpu.memref_slice %arg4[%dma_start3A_933, %multiple_of3A_929] : memref<16x1000000xf32, #tpu.memory_space<hbm>> -> memref<16x128xf32, #tpu.memory_space<hbm>>
      tpu.enqueue_dma source(%dma_start3A_934 : memref<16x128xf32, #tpu.memory_space<hbm>>) target(%arg23 : memref<16x128xf32, #tpu.memory_space<vmem>>) target_semaphore(%arg55 : memref<!tpu.dma_semaphore, #tpu.memory_space<semaphore_mem>>)
      %dma_start3A_935 = arith.constant 0 : i32
      %dma_start3A_936 = tpu.memref_slice %arg5[%dma_start3A_935, %multiple_of3A_930] : memref<16x1000000xf32, #tpu.memory_space<hbm>> -> memref<16x128xf32, #tpu.memory_space<hbm>>
      %dma_start3A_937 = arith.constant 0 : i32
      %dma_start3A_938 = tpu.memref_slice %arg5[%dma_start3A_937, %multiple_of3A_930] : memref<16x1000000xf32, #tpu.memory_space<hbm>> -> memref<16x128xf32, #tpu.memory_space<hbm>>
      tpu.enqueue_dma source(%dma_start3A_938 : memref<16x128xf32, #tpu.memory_space<hbm>>) target(%arg31 : memref<16x128xf32, #tpu.memory_space<vmem>>) target_semaphore(%arg55 : memref<!tpu.dma_semaphore, #tpu.memory_space<semaphore_mem>>)
      %dma_start3A_939 = arith.constant 0 : i32
      %dma_start3A_940 = tpu.memref_slice %arg6[%dma_start3A_939, %multiple_of3A_929] : memref<32x1000000xf32, #tpu.memory_space<hbm>> -> memref<32x128xf32, #tpu.memory_space<hbm>>
      %dma_start3A_941 = arith.constant 0 : i32
      %dma_start3A_942 = tpu.memref_slice %arg6[%dma_start3A_941, %multiple_of3A_929] : memref<32x1000000xf32, #tpu.memory_space<hbm>> -> memref<32x128xf32, #tpu.memory_space<hbm>>
      tpu.enqueue_dma source(%dma_start3A_942 : memref<32x128xf32, #tpu.memory_space<hbm>>) target(%arg39 : memref<32x128xf32, #tpu.memory_space<vmem>>) target_semaphore(%arg55 : memref<!tpu.dma_semaphore, #tpu.memory_space<semaphore_mem>>)
      %dma_start3A_943 = arith.constant 0 : i32
      %dma_start3A_944 = tpu.memref_slice %arg7[%dma_start3A_943, %multiple_of3A_930] : memref<32x1000000xf32, #tpu.memory_space<hbm>> -> memref<32x128xf32, #tpu.memory_space<hbm>>
      %dma_start3A_945 = arith.constant 0 : i32
      %dma_start3A_946 = tpu.memref_slice %arg7[%dma_start3A_945, %multiple_of3A_930] : memref<32x1000000xf32, #tpu.memory_space<hbm>> -> memref<32x128xf32, #tpu.memory_space<hbm>>
      tpu.enqueue_dma source(%dma_start3A_946 : memref<32x128xf32, #tpu.memory_space<hbm>>) target(%arg47 : memref<32x128xf32, #tpu.memory_space<vmem>>) target_semaphore(%arg55 : memref<!tpu.dma_semaphore, #tpu.memory_space<semaphore_mem>>)
      %dma_wait3A_947 = arith.constant 0 : i32
      %dma_wait3A_948 = arith.constant 0 : i32
      %dma_wait3A_949 = tpu.memref_slice %arg4[%dma_wait3A_947, %dma_wait3A_948] : memref<16x1000000xf32, #tpu.memory_space<hbm>> -> memref<16x128xf32, #tpu.memory_space<hbm>>
      %dma_wait3A_950 = arith.constant 0 : i32
      %dma_wait3A_951 = arith.constant 0 : i32
      %dma_wait3A_952 = tpu.memref_slice %arg4[%dma_wait3A_950, %dma_wait3A_951] : memref<16x1000000xf32, #tpu.memory_space<hbm>> -> memref<16x128xf32, #tpu.memory_space<hbm>>
      tpu.wait_dma2 semaphore(%arg56 : memref<!tpu.dma_semaphore, #tpu.memory_space<semaphore_mem>>) src(%dma_wait3A_952 : memref<16x128xf32, #tpu.memory_space<hbm>>) dst(%arg24 : memref<16x128xf32, #tpu.memory_space<vmem>>)
      %dma_wait3A_953 = arith.constant 0 : i32
      %dma_wait3A_954 = arith.constant 0 : i32
      %dma_wait3A_955 = tpu.memref_slice %arg5[%dma_wait3A_953, %dma_wait3A_954] : memref<16x1000000xf32, #tpu.memory_space<hbm>> -> memref<16x128xf32, #tpu.memory_space<hbm>>
      %dma_wait3A_956 = arith.constant 0 : i32
      %dma_wait3A_957 = arith.constant 0 : i32
      %dma_wait3A_958 = tpu.memref_slice %arg5[%dma_wait3A_956, %dma_wait3A_957] : memref<16x1000000xf32, #tpu.memory_space<hbm>> -> memref<16x128xf32, #tpu.memory_space<hbm>>
      tpu.wait_dma2 semaphore(%arg56 : memref<!tpu.dma_semaphore, #tpu.memory_space<semaphore_mem>>) src(%dma_wait3A_958 : memref<16x128xf32, #tpu.memory_space<hbm>>) dst(%arg32 : memref<16x128xf32, #tpu.memory_space<vmem>>)
      %dma_wait3A_959 = arith.constant 0 : i32
      %dma_wait3A_960 = arith.constant 0 : i32
      %dma_wait3A_961 = tpu.memref_slice %arg6[%dma_wait3A_959, %dma_wait3A_960] : memref<32x1000000xf32, #tpu.memory_space<hbm>> -> memref<32x128xf32, #tpu.memory_space<hbm>>
      %dma_wait3A_962 = arith.constant 0 : i32
      %dma_wait3A_963 = arith.constant 0 : i32
      %dma_wait3A_964 = tpu.memref_slice %arg6[%dma_wait3A_962, %dma_wait3A_963] : memref<32x1000000xf32, #tpu.memory_space<hbm>> -> memref<32x128xf32, #tpu.memory_space<hbm>>
      tpu.wait_dma2 semaphore(%arg56 : memref<!tpu.dma_semaphore, #tpu.memory_space<semaphore_mem>>) src(%dma_wait3A_964 : memref<32x128xf32, #tpu.memory_space<hbm>>) dst(%arg40 : memref<32x128xf32, #tpu.memory_space<vmem>>)
      %dma_wait3A_965 = arith.constant 0 : i32
      %dma_wait3A_966 = arith.constant 0 : i32
      %dma_wait3A_967 = tpu.memref_slice %arg7[%dma_wait3A_965, %dma_wait3A_966] : memref<32x1000000xf32, #tpu.memory_space<hbm>> -> memref<32x128xf32, #tpu.memory_space<hbm>>
      %dma_wait3A_968 = arith.constant 0 : i32
      %dma_wait3A_969 = arith.constant 0 : i32
      %dma_wait3A_970 = tpu.memref_slice %arg7[%dma_wait3A_968, %dma_wait3A_969] : memref<32x1000000xf32, #tpu.memory_space<hbm>> -> memref<32x128xf32, #tpu.memory_space<hbm>>
      tpu.wait_dma2 semaphore(%arg56 : memref<!tpu.dma_semaphore, #tpu.memory_space<semaphore_mem>>) src(%dma_wait3A_970 : memref<32x128xf32, #tpu.memory_space<hbm>>) dst(%arg48 : memref<32x128xf32, #tpu.memory_space<vmem>>)
      %mul3A_971 = arith.constant 16 : i32
      %mul3A_972 = arith.muli %scan3A_438, %mul3A_971 : i32
      %add3A_973 = arith.constant 6 : i32
      %add3A_974 = arith.addi %mul3A_972, %add3A_973 : i32
      %and3A_975 = arith.constant 255 : i32
      %and3A_976 = arith.andi %add3A_974, %and3A_975 : i32
      %broadcast_in_dim3A_977 = vector.broadcast %and3A_976 : i32 to vector<16xi32>
      %slice3A_978 = vector.extract_strided_slice %and3A_483 {offsets = [6], sizes = [1], strides = [1]} : vector<16xi32> to vector<1xi32>
      %squeeze3A_979 = vector.extract %slice3A_978[0] : i32 from vector<1xi32>
      %broadcast_in_dim3A_980 = vector.broadcast %squeeze3A_979 : i32 to vector<16xi32>
      %slice3A_981 = vector.extract_strided_slice %and3A_486 {offsets = [6], sizes = [1], strides = [1]} : vector<16xi32> to vector<1xi32>
      %squeeze3A_982 = vector.extract %slice3A_981[0] : i32 from vector<1xi32>
      %broadcast_in_dim3A_983 = vector.broadcast %squeeze3A_982 : i32 to vector<16xi32>
      %gather3A_984 = tpu.vector_load_idx %arg24[%iota3A, %broadcast_in_dim3A_980] : memref<16x128xf32, #tpu.memory_space<vmem>>[vector<16xi32>, vector<16xi32>], vector<16xf32>,
      tpu.vector_store_idx %arg14[%iota3A, %broadcast_in_dim3A_977], %gather3A_984 : memref<16x256xf32, #tpu.memory_space<vmem>>[vector<16xi32>, vector<16xi32>], vector<16xf32>,
      %gather3A_985 = tpu.vector_load_idx %arg32[%iota3A, %broadcast_in_dim3A_983] : memref<16x128xf32, #tpu.memory_space<vmem>>[vector<16xi32>, vector<16xi32>], vector<16xf32>,
      tpu.vector_store_idx %arg15[%iota3A, %broadcast_in_dim3A_977], %gather3A_985 : memref<16x256xf32, #tpu.memory_space<vmem>>[vector<16xi32>, vector<16xi32>], vector<16xf32>,
      %gather3A_986 = tpu.vector_load_idx %arg40[%iota3A, %broadcast_in_dim3A_980] : memref<32x128xf32, #tpu.memory_space<vmem>>[vector<16xi32>, vector<16xi32>], vector<16xf32>,
      tpu.vector_store_idx %arg16[%iota3A, %broadcast_in_dim3A_977], %gather3A_986 : memref<32x256xf32, #tpu.memory_space<vmem>>[vector<16xi32>, vector<16xi32>], vector<16xf32>,
      %add3A_987 = arith.constant 16 : i32
      %add3A_988 = vector.broadcast %add3A_987 : i32 to vector<16xi32>
      %add3A_989 = arith.addi %iota3A, %add3A_988 : vector<16xi32>
      %add3A_990 = arith.constant 16 : i32
      %add3A_991 = vector.broadcast %add3A_990 : i32 to vector<16xi32>
      %add3A_992 = arith.addi %iota3A, %add3A_991 : vector<16xi32>
      %gather3A_993 = tpu.vector_load_idx %arg40[%add3A_992, %broadcast_in_dim3A_980] : memref<32x128xf32, #tpu.memory_space<vmem>>[vector<16xi32>, vector<16xi32>], vector<16xf32>,
      tpu.vector_store_idx %arg16[%add3A_989, %broadcast_in_dim3A_977], %gather3A_993 : memref<32x256xf32, #tpu.memory_space<vmem>>[vector<16xi32>, vector<16xi32>], vector<16xf32>,
      %gather3A_994 = tpu.vector_load_idx %arg48[%iota3A, %broadcast_in_dim3A_983] : memref<32x128xf32, #tpu.memory_space<vmem>>[vector<16xi32>, vector<16xi32>], vector<16xf32>,
      tpu.vector_store_idx %arg17[%iota3A, %broadcast_in_dim3A_977], %gather3A_994 : memref<32x256xf32, #tpu.memory_space<vmem>>[vector<16xi32>, vector<16xi32>], vector<16xf32>,
      %add3A_995 = arith.constant 16 : i32
      %add3A_996 = vector.broadcast %add3A_995 : i32 to vector<16xi32>
      %add3A_997 = arith.addi %iota3A, %add3A_996 : vector<16xi32>
      %add3A_998 = arith.constant 16 : i32
      %add3A_999 = vector.broadcast %add3A_998 : i32 to vector<16xi32>
      %add3A_1000 = arith.addi %iota3A, %add3A_999 : vector<16xi32>
      %gather3A_1001 = tpu.vector_load_idx %arg48[%add3A_1000, %broadcast_in_dim3A_983] : memref<32x128xf32, #tpu.memory_space<vmem>>[vector<16xi32>, vector<16xi32>], vector<16xf32>,
      tpu.vector_store_idx %arg17[%add3A_997, %broadcast_in_dim3A_977], %gather3A_1001 : memref<32x256xf32, #tpu.memory_space<vmem>>[vector<16xi32>, vector<16xi32>], vector<16xf32>,
      %slice3A_1002 = vector.extract_strided_slice %shift_left3A_463 {offsets = [14], sizes = [1], strides = [1]} : vector<16xi32> to vector<1xi32>
      %squeeze3A_1003 = vector.extract %slice3A_1002[0] : i32 from vector<1xi32>
      %slice3A_1004 = vector.extract_strided_slice %shift_left3A_469 {offsets = [14], sizes = [1], strides = [1]} : vector<16xi32> to vector<1xi32>
      %squeeze3A_1005 = vector.extract %slice3A_1004[0] : i32 from vector<1xi32>
      %multiple_of3A_1006 = tpu.assume_multiple %squeeze3A_1003, 128 : i32
      %multiple_of3A_1007 = tpu.assume_multiple %squeeze3A_1005, 128 : i32
      %dma_start3A_1008 = arith.constant 0 : i32
      %dma_start3A_1009 = tpu.memref_slice %arg4[%dma_start3A_1008, %multiple_of3A_1006] : memref<16x1000000xf32, #tpu.memory_space<hbm>> -> memref<16x128xf32, #tpu.memory_space<hbm>>
      %dma_start3A_1010 = arith.constant 0 : i32
      %dma_start3A_1011 = tpu.memref_slice %arg4[%dma_start3A_1010, %multiple_of3A_1006] : memref<16x1000000xf32, #tpu.memory_space<hbm>> -> memref<16x128xf32, #tpu.memory_space<hbm>>
      tpu.enqueue_dma source(%dma_start3A_1011 : memref<16x128xf32, #tpu.memory_space<hbm>>) target(%arg24 : memref<16x128xf32, #tpu.memory_space<vmem>>) target_semaphore(%arg56 : memref<!tpu.dma_semaphore, #tpu.memory_space<semaphore_mem>>)
      %dma_start3A_1012 = arith.constant 0 : i32
      %dma_start3A_1013 = tpu.memref_slice %arg5[%dma_start3A_1012, %multiple_of3A_1007] : memref<16x1000000xf32, #tpu.memory_space<hbm>> -> memref<16x128xf32, #tpu.memory_space<hbm>>
      %dma_start3A_1014 = arith.constant 0 : i32
      %dma_start3A_1015 = tpu.memref_slice %arg5[%dma_start3A_1014, %multiple_of3A_1007] : memref<16x1000000xf32, #tpu.memory_space<hbm>> -> memref<16x128xf32, #tpu.memory_space<hbm>>
      tpu.enqueue_dma source(%dma_start3A_1015 : memref<16x128xf32, #tpu.memory_space<hbm>>) target(%arg32 : memref<16x128xf32, #tpu.memory_space<vmem>>) target_semaphore(%arg56 : memref<!tpu.dma_semaphore, #tpu.memory_space<semaphore_mem>>)
      %dma_start3A_1016 = arith.constant 0 : i32
      %dma_start3A_1017 = tpu.memref_slice %arg6[%dma_start3A_1016, %multiple_of3A_1006] : memref<32x1000000xf32, #tpu.memory_space<hbm>> -> memref<32x128xf32, #tpu.memory_space<hbm>>
      %dma_start3A_1018 = arith.constant 0 : i32
      %dma_start3A_1019 = tpu.memref_slice %arg6[%dma_start3A_1018, %multiple_of3A_1006] : memref<32x1000000xf32, #tpu.memory_space<hbm>> -> memref<32x128xf32, #tpu.memory_space<hbm>>
      tpu.enqueue_dma source(%dma_start3A_1019 : memref<32x128xf32, #tpu.memory_space<hbm>>) target(%arg40 : memref<32x128xf32, #tpu.memory_space<vmem>>) target_semaphore(%arg56 : memref<!tpu.dma_semaphore, #tpu.memory_space<semaphore_mem>>)
      %dma_start3A_1020 = arith.constant 0 : i32
      %dma_start3A_1021 = tpu.memref_slice %arg7[%dma_start3A_1020, %multiple_of3A_1007] : memref<32x1000000xf32, #tpu.memory_space<hbm>> -> memref<32x128xf32, #tpu.memory_space<hbm>>
      %dma_start3A_1022 = arith.constant 0 : i32
      %dma_start3A_1023 = tpu.memref_slice %arg7[%dma_start3A_1022, %multiple_of3A_1007] : memref<32x1000000xf32, #tpu.memory_space<hbm>> -> memref<32x128xf32, #tpu.memory_space<hbm>>
      tpu.enqueue_dma source(%dma_start3A_1023 : memref<32x128xf32, #tpu.memory_space<hbm>>) target(%arg48 : memref<32x128xf32, #tpu.memory_space<vmem>>) target_semaphore(%arg56 : memref<!tpu.dma_semaphore, #tpu.memory_space<semaphore_mem>>)
      %dma_wait3A_1024 = arith.constant 0 : i32
      %dma_wait3A_1025 = arith.constant 0 : i32
      %dma_wait3A_1026 = tpu.memref_slice %arg4[%dma_wait3A_1024, %dma_wait3A_1025] : memref<16x1000000xf32, #tpu.memory_space<hbm>> -> memref<16x128xf32, #tpu.memory_space<hbm>>
      %dma_wait3A_1027 = arith.constant 0 : i32
      %dma_wait3A_1028 = arith.constant 0 : i32
      %dma_wait3A_1029 = tpu.memref_slice %arg4[%dma_wait3A_1027, %dma_wait3A_1028] : memref<16x1000000xf32, #tpu.memory_space<hbm>> -> memref<16x128xf32, #tpu.memory_space<hbm>>
      tpu.wait_dma2 semaphore(%arg57 : memref<!tpu.dma_semaphore, #tpu.memory_space<semaphore_mem>>) src(%dma_wait3A_1029 : memref<16x128xf32, #tpu.memory_space<hbm>>) dst(%arg25 : memref<16x128xf32, #tpu.memory_space<vmem>>)
      %dma_wait3A_1030 = arith.constant 0 : i32
      %dma_wait3A_1031 = arith.constant 0 : i32
      %dma_wait3A_1032 = tpu.memref_slice %arg5[%dma_wait3A_1030, %dma_wait3A_1031] : memref<16x1000000xf32, #tpu.memory_space<hbm>> -> memref<16x128xf32, #tpu.memory_space<hbm>>
      %dma_wait3A_1033 = arith.constant 0 : i32
      %dma_wait3A_1034 = arith.constant 0 : i32
      %dma_wait3A_1035 = tpu.memref_slice %arg5[%dma_wait3A_1033, %dma_wait3A_1034] : memref<16x1000000xf32, #tpu.memory_space<hbm>> -> memref<16x128xf32, #tpu.memory_space<hbm>>
      tpu.wait_dma2 semaphore(%arg57 : memref<!tpu.dma_semaphore, #tpu.memory_space<semaphore_mem>>) src(%dma_wait3A_1035 : memref<16x128xf32, #tpu.memory_space<hbm>>) dst(%arg33 : memref<16x128xf32, #tpu.memory_space<vmem>>)
      %dma_wait3A_1036 = arith.constant 0 : i32
      %dma_wait3A_1037 = arith.constant 0 : i32
      %dma_wait3A_1038 = tpu.memref_slice %arg6[%dma_wait3A_1036, %dma_wait3A_1037] : memref<32x1000000xf32, #tpu.memory_space<hbm>> -> memref<32x128xf32, #tpu.memory_space<hbm>>
      %dma_wait3A_1039 = arith.constant 0 : i32
      %dma_wait3A_1040 = arith.constant 0 : i32
      %dma_wait3A_1041 = tpu.memref_slice %arg6[%dma_wait3A_1039, %dma_wait3A_1040] : memref<32x1000000xf32, #tpu.memory_space<hbm>> -> memref<32x128xf32, #tpu.memory_space<hbm>>
      tpu.wait_dma2 semaphore(%arg57 : memref<!tpu.dma_semaphore, #tpu.memory_space<semaphore_mem>>) src(%dma_wait3A_1041 : memref<32x128xf32, #tpu.memory_space<hbm>>) dst(%arg41 : memref<32x128xf32, #tpu.memory_space<vmem>>)
      %dma_wait3A_1042 = arith.constant 0 : i32
      %dma_wait3A_1043 = arith.constant 0 : i32
      %dma_wait3A_1044 = tpu.memref_slice %arg7[%dma_wait3A_1042, %dma_wait3A_1043] : memref<32x1000000xf32, #tpu.memory_space<hbm>> -> memref<32x128xf32, #tpu.memory_space<hbm>>
      %dma_wait3A_1045 = arith.constant 0 : i32
      %dma_wait3A_1046 = arith.constant 0 : i32
      %dma_wait3A_1047 = tpu.memref_slice %arg7[%dma_wait3A_1045, %dma_wait3A_1046] : memref<32x1000000xf32, #tpu.memory_space<hbm>> -> memref<32x128xf32, #tpu.memory_space<hbm>>
      tpu.wait_dma2 semaphore(%arg57 : memref<!tpu.dma_semaphore, #tpu.memory_space<semaphore_mem>>) src(%dma_wait3A_1047 : memref<32x128xf32, #tpu.memory_space<hbm>>) dst(%arg49 : memref<32x128xf32, #tpu.memory_space<vmem>>)
      %mul3A_1048 = arith.constant 16 : i32
      %mul3A_1049 = arith.muli %scan3A_438, %mul3A_1048 : i32
      %add3A_1050 = arith.constant 7 : i32
      %add3A_1051 = arith.addi %mul3A_1049, %add3A_1050 : i32
      %and3A_1052 = arith.constant 255 : i32
      %and3A_1053 = arith.andi %add3A_1051, %and3A_1052 : i32
      %broadcast_in_dim3A_1054 = vector.broadcast %and3A_1053 : i32 to vector<16xi32>
      %slice3A_1055 = vector.extract_strided_slice %and3A_483 {offsets = [7], sizes = [1], strides = [1]} : vector<16xi32> to vector<1xi32>
      %squeeze3A_1056 = vector.extract %slice3A_1055[0] : i32 from vector<1xi32>
      %broadcast_in_dim3A_1057 = vector.broadcast %squeeze3A_1056 : i32 to vector<16xi32>
      %slice3A_1058 = vector.extract_strided_slice %and3A_486 {offsets = [7], sizes = [1], strides = [1]} : vector<16xi32> to vector<1xi32>
      %squeeze3A_1059 = vector.extract %slice3A_1058[0] : i32 from vector<1xi32>
      %broadcast_in_dim3A_1060 = vector.broadcast %squeeze3A_1059 : i32 to vector<16xi32>
      %gather3A_1061 = tpu.vector_load_idx %arg25[%iota3A, %broadcast_in_dim3A_1057] : memref<16x128xf32, #tpu.memory_space<vmem>>[vector<16xi32>, vector<16xi32>], vector<16xf32>,
      tpu.vector_store_idx %arg14[%iota3A, %broadcast_in_dim3A_1054], %gather3A_1061 : memref<16x256xf32, #tpu.memory_space<vmem>>[vector<16xi32>, vector<16xi32>], vector<16xf32>,
      %gather3A_1062 = tpu.vector_load_idx %arg33[%iota3A, %broadcast_in_dim3A_1060] : memref<16x128xf32, #tpu.memory_space<vmem>>[vector<16xi32>, vector<16xi32>], vector<16xf32>,
      tpu.vector_store_idx %arg15[%iota3A, %broadcast_in_dim3A_1054], %gather3A_1062 : memref<16x256xf32, #tpu.memory_space<vmem>>[vector<16xi32>, vector<16xi32>], vector<16xf32>,
      %gather3A_1063 = tpu.vector_load_idx %arg41[%iota3A, %broadcast_in_dim3A_1057] : memref<32x128xf32, #tpu.memory_space<vmem>>[vector<16xi32>, vector<16xi32>], vector<16xf32>,
      tpu.vector_store_idx %arg16[%iota3A, %broadcast_in_dim3A_1054], %gather3A_1063 : memref<32x256xf32, #tpu.memory_space<vmem>>[vector<16xi32>, vector<16xi32>], vector<16xf32>,
      %add3A_1064 = arith.constant 16 : i32
      %add3A_1065 = vector.broadcast %add3A_1064 : i32 to vector<16xi32>
      %add3A_1066 = arith.addi %iota3A, %add3A_1065 : vector<16xi32>
      %add3A_1067 = arith.constant 16 : i32
      %add3A_1068 = vector.broadcast %add3A_1067 : i32 to vector<16xi32>
      %add3A_1069 = arith.addi %iota3A, %add3A_1068 : vector<16xi32>
      %gather3A_1070 = tpu.vector_load_idx %arg41[%add3A_1069, %broadcast_in_dim3A_1057] : memref<32x128xf32, #tpu.memory_space<vmem>>[vector<16xi32>, vector<16xi32>], vector<16xf32>,
      tpu.vector_store_idx %arg16[%add3A_1066, %broadcast_in_dim3A_1054], %gather3A_1070 : memref<32x256xf32, #tpu.memory_space<vmem>>[vector<16xi32>, vector<16xi32>], vector<16xf32>,
      %gather3A_1071 = tpu.vector_load_idx %arg49[%iota3A, %broadcast_in_dim3A_1060] : memref<32x128xf32, #tpu.memory_space<vmem>>[vector<16xi32>, vector<16xi32>], vector<16xf32>,
      tpu.vector_store_idx %arg17[%iota3A, %broadcast_in_dim3A_1054], %gather3A_1071 : memref<32x256xf32, #tpu.memory_space<vmem>>[vector<16xi32>, vector<16xi32>], vector<16xf32>,
      %add3A_1072 = arith.constant 16 : i32
      %add3A_1073 = vector.broadcast %add3A_1072 : i32 to vector<16xi32>
      %add3A_1074 = arith.addi %iota3A, %add3A_1073 : vector<16xi32>
      %add3A_1075 = arith.constant 16 : i32
      %add3A_1076 = vector.broadcast %add3A_1075 : i32 to vector<16xi32>
      %add3A_1077 = arith.addi %iota3A, %add3A_1076 : vector<16xi32>
      %gather3A_1078 = tpu.vector_load_idx %arg49[%add3A_1077, %broadcast_in_dim3A_1060] : memref<32x128xf32, #tpu.memory_space<vmem>>[vector<16xi32>, vector<16xi32>], vector<16xf32>,
      tpu.vector_store_idx %arg17[%add3A_1074, %broadcast_in_dim3A_1054], %gather3A_1078 : memref<32x256xf32, #tpu.memory_space<vmem>>[vector<16xi32>, vector<16xi32>], vector<16xf32>,
      %slice3A_1079 = vector.extract_strided_slice %shift_left3A_463 {offsets = [15], sizes = [1], strides = [1]} : vector<16xi32> to vector<1xi32>
      %squeeze3A_1080 = vector.extract %slice3A_1079[0] : i32 from vector<1xi32>
      %slice3A_1081 = vector.extract_strided_slice %shift_left3A_469 {offsets = [15], sizes = [1], strides = [1]} : vector<16xi32> to vector<1xi32>
      %squeeze3A_1082 = vector.extract %slice3A_1081[0] : i32 from vector<1xi32>
      %multiple_of3A_1083 = tpu.assume_multiple %squeeze3A_1080, 128 : i32
      %multiple_of3A_1084 = tpu.assume_multiple %squeeze3A_1082, 128 : i32
      %dma_start3A_1085 = arith.constant 0 : i32
      %dma_start3A_1086 = tpu.memref_slice %arg4[%dma_start3A_1085, %multiple_of3A_1083] : memref<16x1000000xf32, #tpu.memory_space<hbm>> -> memref<16x128xf32, #tpu.memory_space<hbm>>
      %dma_start3A_1087 = arith.constant 0 : i32
      %dma_start3A_1088 = tpu.memref_slice %arg4[%dma_start3A_1087, %multiple_of3A_1083] : memref<16x1000000xf32, #tpu.memory_space<hbm>> -> memref<16x128xf32, #tpu.memory_space<hbm>>
      tpu.enqueue_dma source(%dma_start3A_1088 : memref<16x128xf32, #tpu.memory_space<hbm>>) target(%arg25 : memref<16x128xf32, #tpu.memory_space<vmem>>) target_semaphore(%arg57 : memref<!tpu.dma_semaphore, #tpu.memory_space<semaphore_mem>>)
      %dma_start3A_1089 = arith.constant 0 : i32
      %dma_start3A_1090 = tpu.memref_slice %arg5[%dma_start3A_1089, %multiple_of3A_1084] : memref<16x1000000xf32, #tpu.memory_space<hbm>> -> memref<16x128xf32, #tpu.memory_space<hbm>>
      %dma_start3A_1091 = arith.constant 0 : i32
      %dma_start3A_1092 = tpu.memref_slice %arg5[%dma_start3A_1091, %multiple_of3A_1084] : memref<16x1000000xf32, #tpu.memory_space<hbm>> -> memref<16x128xf32, #tpu.memory_space<hbm>>
      tpu.enqueue_dma source(%dma_start3A_1092 : memref<16x128xf32, #tpu.memory_space<hbm>>) target(%arg33 : memref<16x128xf32, #tpu.memory_space<vmem>>) target_semaphore(%arg57 : memref<!tpu.dma_semaphore, #tpu.memory_space<semaphore_mem>>)
      %dma_start3A_1093 = arith.constant 0 : i32
      %dma_start3A_1094 = tpu.memref_slice %arg6[%dma_start3A_1093, %multiple_of3A_1083] : memref<32x1000000xf32, #tpu.memory_space<hbm>> -> memref<32x128xf32, #tpu.memory_space<hbm>>
      %dma_start3A_1095 = arith.constant 0 : i32
      %dma_start3A_1096 = tpu.memref_slice %arg6[%dma_start3A_1095, %multiple_of3A_1083] : memref<32x1000000xf32, #tpu.memory_space<hbm>> -> memref<32x128xf32, #tpu.memory_space<hbm>>
      tpu.enqueue_dma source(%dma_start3A_1096 : memref<32x128xf32, #tpu.memory_space<hbm>>) target(%arg41 : memref<32x128xf32, #tpu.memory_space<vmem>>) target_semaphore(%arg57 : memref<!tpu.dma_semaphore, #tpu.memory_space<semaphore_mem>>)
      %dma_start3A_1097 = arith.constant 0 : i32
      %dma_start3A_1098 = tpu.memref_slice %arg7[%dma_start3A_1097, %multiple_of3A_1084] : memref<32x1000000xf32, #tpu.memory_space<hbm>> -> memref<32x128xf32, #tpu.memory_space<hbm>>
      %dma_start3A_1099 = arith.constant 0 : i32
      %dma_start3A_1100 = tpu.memref_slice %arg7[%dma_start3A_1099, %multiple_of3A_1084] : memref<32x1000000xf32, #tpu.memory_space<hbm>> -> memref<32x128xf32, #tpu.memory_space<hbm>>
      tpu.enqueue_dma source(%dma_start3A_1100 : memref<32x128xf32, #tpu.memory_space<hbm>>) target(%arg49 : memref<32x128xf32, #tpu.memory_space<vmem>>) target_semaphore(%arg57 : memref<!tpu.dma_semaphore, #tpu.memory_space<semaphore_mem>>)
      %dma_wait3A_1101 = arith.constant 0 : i32
      %dma_wait3A_1102 = arith.constant 0 : i32
      %dma_wait3A_1103 = tpu.memref_slice %arg4[%dma_wait3A_1101, %dma_wait3A_1102] : memref<16x1000000xf32, #tpu.memory_space<hbm>> -> memref<16x128xf32, #tpu.memory_space<hbm>>
      %dma_wait3A_1104 = arith.constant 0 : i32
      %dma_wait3A_1105 = arith.constant 0 : i32
      %dma_wait3A_1106 = tpu.memref_slice %arg4[%dma_wait3A_1104, %dma_wait3A_1105] : memref<16x1000000xf32, #tpu.memory_space<hbm>> -> memref<16x128xf32, #tpu.memory_space<hbm>>
      tpu.wait_dma2 semaphore(%arg50 : memref<!tpu.dma_semaphore, #tpu.memory_space<semaphore_mem>>) src(%dma_wait3A_1106 : memref<16x128xf32, #tpu.memory_space<hbm>>) dst(%arg18 : memref<16x128xf32, #tpu.memory_space<vmem>>)
      %dma_wait3A_1107 = arith.constant 0 : i32
      %dma_wait3A_1108 = arith.constant 0 : i32
      %dma_wait3A_1109 = tpu.memref_slice %arg5[%dma_wait3A_1107, %dma_wait3A_1108] : memref<16x1000000xf32, #tpu.memory_space<hbm>> -> memref<16x128xf32, #tpu.memory_space<hbm>>
      %dma_wait3A_1110 = arith.constant 0 : i32
      %dma_wait3A_1111 = arith.constant 0 : i32
      %dma_wait3A_1112 = tpu.memref_slice %arg5[%dma_wait3A_1110, %dma_wait3A_1111] : memref<16x1000000xf32, #tpu.memory_space<hbm>> -> memref<16x128xf32, #tpu.memory_space<hbm>>
      tpu.wait_dma2 semaphore(%arg50 : memref<!tpu.dma_semaphore, #tpu.memory_space<semaphore_mem>>) src(%dma_wait3A_1112 : memref<16x128xf32, #tpu.memory_space<hbm>>) dst(%arg26 : memref<16x128xf32, #tpu.memory_space<vmem>>)
      %dma_wait3A_1113 = arith.constant 0 : i32
      %dma_wait3A_1114 = arith.constant 0 : i32
      %dma_wait3A_1115 = tpu.memref_slice %arg6[%dma_wait3A_1113, %dma_wait3A_1114] : memref<32x1000000xf32, #tpu.memory_space<hbm>> -> memref<32x128xf32, #tpu.memory_space<hbm>>
      %dma_wait3A_1116 = arith.constant 0 : i32
      %dma_wait3A_1117 = arith.constant 0 : i32
      %dma_wait3A_1118 = tpu.memref_slice %arg6[%dma_wait3A_1116, %dma_wait3A_1117] : memref<32x1000000xf32, #tpu.memory_space<hbm>> -> memref<32x128xf32, #tpu.memory_space<hbm>>
      tpu.wait_dma2 semaphore(%arg50 : memref<!tpu.dma_semaphore, #tpu.memory_space<semaphore_mem>>) src(%dma_wait3A_1118 : memref<32x128xf32, #tpu.memory_space<hbm>>) dst(%arg34 : memref<32x128xf32, #tpu.memory_space<vmem>>)
      %dma_wait3A_1119 = arith.constant 0 : i32
      %dma_wait3A_1120 = arith.constant 0 : i32
      %dma_wait3A_1121 = tpu.memref_slice %arg7[%dma_wait3A_1119, %dma_wait3A_1120] : memref<32x1000000xf32, #tpu.memory_space<hbm>> -> memref<32x128xf32, #tpu.memory_space<hbm>>
      %dma_wait3A_1122 = arith.constant 0 : i32
      %dma_wait3A_1123 = arith.constant 0 : i32
      %dma_wait3A_1124 = tpu.memref_slice %arg7[%dma_wait3A_1122, %dma_wait3A_1123] : memref<32x1000000xf32, #tpu.memory_space<hbm>> -> memref<32x128xf32, #tpu.memory_space<hbm>>
      tpu.wait_dma2 semaphore(%arg50 : memref<!tpu.dma_semaphore, #tpu.memory_space<semaphore_mem>>) src(%dma_wait3A_1124 : memref<32x128xf32, #tpu.memory_space<hbm>>) dst(%arg42 : memref<32x128xf32, #tpu.memory_space<vmem>>)
      %mul3A_1125 = arith.constant 16 : i32
      %mul3A_1126 = arith.muli %scan3A_438, %mul3A_1125 : i32
      %add3A_1127 = arith.constant 8 : i32
      %add3A_1128 = arith.addi %mul3A_1126, %add3A_1127 : i32
      %and3A_1129 = arith.constant 255 : i32
      %and3A_1130 = arith.andi %add3A_1128, %and3A_1129 : i32
      %broadcast_in_dim3A_1131 = vector.broadcast %and3A_1130 : i32 to vector<16xi32>
      %slice3A_1132 = vector.extract_strided_slice %and3A_483 {offsets = [8], sizes = [1], strides = [1]} : vector<16xi32> to vector<1xi32>
      %squeeze3A_1133 = vector.extract %slice3A_1132[0] : i32 from vector<1xi32>
      %broadcast_in_dim3A_1134 = vector.broadcast %squeeze3A_1133 : i32 to vector<16xi32>
      %slice3A_1135 = vector.extract_strided_slice %and3A_486 {offsets = [8], sizes = [1], strides = [1]} : vector<16xi32> to vector<1xi32>
      %squeeze3A_1136 = vector.extract %slice3A_1135[0] : i32 from vector<1xi32>
      %broadcast_in_dim3A_1137 = vector.broadcast %squeeze3A_1136 : i32 to vector<16xi32>
      %gather3A_1138 = tpu.vector_load_idx %arg18[%iota3A, %broadcast_in_dim3A_1134] : memref<16x128xf32, #tpu.memory_space<vmem>>[vector<16xi32>, vector<16xi32>], vector<16xf32>,
      tpu.vector_store_idx %arg14[%iota3A, %broadcast_in_dim3A_1131], %gather3A_1138 : memref<16x256xf32, #tpu.memory_space<vmem>>[vector<16xi32>, vector<16xi32>], vector<16xf32>,
      %gather3A_1139 = tpu.vector_load_idx %arg26[%iota3A, %broadcast_in_dim3A_1137] : memref<16x128xf32, #tpu.memory_space<vmem>>[vector<16xi32>, vector<16xi32>], vector<16xf32>,
      tpu.vector_store_idx %arg15[%iota3A, %broadcast_in_dim3A_1131], %gather3A_1139 : memref<16x256xf32, #tpu.memory_space<vmem>>[vector<16xi32>, vector<16xi32>], vector<16xf32>,
      %gather3A_1140 = tpu.vector_load_idx %arg34[%iota3A, %broadcast_in_dim3A_1134] : memref<32x128xf32, #tpu.memory_space<vmem>>[vector<16xi32>, vector<16xi32>], vector<16xf32>,
      tpu.vector_store_idx %arg16[%iota3A, %broadcast_in_dim3A_1131], %gather3A_1140 : memref<32x256xf32, #tpu.memory_space<vmem>>[vector<16xi32>, vector<16xi32>], vector<16xf32>,
      %add3A_1141 = arith.constant 16 : i32
      %add3A_1142 = vector.broadcast %add3A_1141 : i32 to vector<16xi32>
      %add3A_1143 = arith.addi %iota3A, %add3A_1142 : vector<16xi32>
      %add3A_1144 = arith.constant 16 : i32
      %add3A_1145 = vector.broadcast %add3A_1144 : i32 to vector<16xi32>
      %add3A_1146 = arith.addi %iota3A, %add3A_1145 : vector<16xi32>
      %gather3A_1147 = tpu.vector_load_idx %arg34[%add3A_1146, %broadcast_in_dim3A_1134] : memref<32x128xf32, #tpu.memory_space<vmem>>[vector<16xi32>, vector<16xi32>], vector<16xf32>,
      tpu.vector_store_idx %arg16[%add3A_1143, %broadcast_in_dim3A_1131], %gather3A_1147 : memref<32x256xf32, #tpu.memory_space<vmem>>[vector<16xi32>, vector<16xi32>], vector<16xf32>,
      %gather3A_1148 = tpu.vector_load_idx %arg42[%iota3A, %broadcast_in_dim3A_1137] : memref<32x128xf32, #tpu.memory_space<vmem>>[vector<16xi32>, vector<16xi32>], vector<16xf32>,
      tpu.vector_store_idx %arg17[%iota3A, %broadcast_in_dim3A_1131], %gather3A_1148 : memref<32x256xf32, #tpu.memory_space<vmem>>[vector<16xi32>, vector<16xi32>], vector<16xf32>,
      %add3A_1149 = arith.constant 16 : i32
      %add3A_1150 = vector.broadcast %add3A_1149 : i32 to vector<16xi32>
      %add3A_1151 = arith.addi %iota3A, %add3A_1150 : vector<16xi32>
      %add3A_1152 = arith.constant 16 : i32
      %add3A_1153 = vector.broadcast %add3A_1152 : i32 to vector<16xi32>
      %add3A_1154 = arith.addi %iota3A, %add3A_1153 : vector<16xi32>
      %gather3A_1155 = tpu.vector_load_idx %arg42[%add3A_1154, %broadcast_in_dim3A_1137] : memref<32x128xf32, #tpu.memory_space<vmem>>[vector<16xi32>, vector<16xi32>], vector<16xf32>,
      tpu.vector_store_idx %arg17[%add3A_1151, %broadcast_in_dim3A_1131], %gather3A_1155 : memref<32x256xf32, #tpu.memory_space<vmem>>[vector<16xi32>, vector<16xi32>], vector<16xf32>,
      %slice3A_1156 = vector.extract_strided_slice %shift_left3A_475 {offsets = [0], sizes = [1], strides = [1]} : vector<16xi32> to vector<1xi32>
      %squeeze3A_1157 = vector.extract %slice3A_1156[0] : i32 from vector<1xi32>
      %slice3A_1158 = vector.extract_strided_slice %shift_left3A_481 {offsets = [0], sizes = [1], strides = [1]} : vector<16xi32> to vector<1xi32>
      %squeeze3A_1159 = vector.extract %slice3A_1158[0] : i32 from vector<1xi32>
      %multiple_of3A_1160 = tpu.assume_multiple %squeeze3A_1157, 128 : i32
      %multiple_of3A_1161 = tpu.assume_multiple %squeeze3A_1159, 128 : i32
      %dma_start3A_1162 = arith.constant 0 : i32
      %dma_start3A_1163 = tpu.memref_slice %arg4[%dma_start3A_1162, %multiple_of3A_1160] : memref<16x1000000xf32, #tpu.memory_space<hbm>> -> memref<16x128xf32, #tpu.memory_space<hbm>>
      %dma_start3A_1164 = arith.constant 0 : i32
      %dma_start3A_1165 = tpu.memref_slice %arg4[%dma_start3A_1164, %multiple_of3A_1160] : memref<16x1000000xf32, #tpu.memory_space<hbm>> -> memref<16x128xf32, #tpu.memory_space<hbm>>
      tpu.enqueue_dma source(%dma_start3A_1165 : memref<16x128xf32, #tpu.memory_space<hbm>>) target(%arg18 : memref<16x128xf32, #tpu.memory_space<vmem>>) target_semaphore(%arg50 : memref<!tpu.dma_semaphore, #tpu.memory_space<semaphore_mem>>)
      %dma_start3A_1166 = arith.constant 0 : i32
      %dma_start3A_1167 = tpu.memref_slice %arg5[%dma_start3A_1166, %multiple_of3A_1161] : memref<16x1000000xf32, #tpu.memory_space<hbm>> -> memref<16x128xf32, #tpu.memory_space<hbm>>
      %dma_start3A_1168 = arith.constant 0 : i32
      %dma_start3A_1169 = tpu.memref_slice %arg5[%dma_start3A_1168, %multiple_of3A_1161] : memref<16x1000000xf32, #tpu.memory_space<hbm>> -> memref<16x128xf32, #tpu.memory_space<hbm>>
      tpu.enqueue_dma source(%dma_start3A_1169 : memref<16x128xf32, #tpu.memory_space<hbm>>) target(%arg26 : memref<16x128xf32, #tpu.memory_space<vmem>>) target_semaphore(%arg50 : memref<!tpu.dma_semaphore, #tpu.memory_space<semaphore_mem>>)
      %dma_start3A_1170 = arith.constant 0 : i32
      %dma_start3A_1171 = tpu.memref_slice %arg6[%dma_start3A_1170, %multiple_of3A_1160] : memref<32x1000000xf32, #tpu.memory_space<hbm>> -> memref<32x128xf32, #tpu.memory_space<hbm>>
      %dma_start3A_1172 = arith.constant 0 : i32
      %dma_start3A_1173 = tpu.memref_slice %arg6[%dma_start3A_1172, %multiple_of3A_1160] : memref<32x1000000xf32, #tpu.memory_space<hbm>> -> memref<32x128xf32, #tpu.memory_space<hbm>>
      tpu.enqueue_dma source(%dma_start3A_1173 : memref<32x128xf32, #tpu.memory_space<hbm>>) target(%arg34 : memref<32x128xf32, #tpu.memory_space<vmem>>) target_semaphore(%arg50 : memref<!tpu.dma_semaphore, #tpu.memory_space<semaphore_mem>>)
      %dma_start3A_1174 = arith.constant 0 : i32
      %dma_start3A_1175 = tpu.memref_slice %arg7[%dma_start3A_1174, %multiple_of3A_1161] : memref<32x1000000xf32, #tpu.memory_space<hbm>> -> memref<32x128xf32, #tpu.memory_space<hbm>>
      %dma_start3A_1176 = arith.constant 0 : i32
      %dma_start3A_1177 = tpu.memref_slice %arg7[%dma_start3A_1176, %multiple_of3A_1161] : memref<32x1000000xf32, #tpu.memory_space<hbm>> -> memref<32x128xf32, #tpu.memory_space<hbm>>
      tpu.enqueue_dma source(%dma_start3A_1177 : memref<32x128xf32, #tpu.memory_space<hbm>>) target(%arg42 : memref<32x128xf32, #tpu.memory_space<vmem>>) target_semaphore(%arg50 : memref<!tpu.dma_semaphore, #tpu.memory_space<semaphore_mem>>)
      %dma_wait3A_1178 = arith.constant 0 : i32
      %dma_wait3A_1179 = arith.constant 0 : i32
      %dma_wait3A_1180 = tpu.memref_slice %arg4[%dma_wait3A_1178, %dma_wait3A_1179] : memref<16x1000000xf32, #tpu.memory_space<hbm>> -> memref<16x128xf32, #tpu.memory_space<hbm>>
      %dma_wait3A_1181 = arith.constant 0 : i32
      %dma_wait3A_1182 = arith.constant 0 : i32
      %dma_wait3A_1183 = tpu.memref_slice %arg4[%dma_wait3A_1181, %dma_wait3A_1182] : memref<16x1000000xf32, #tpu.memory_space<hbm>> -> memref<16x128xf32, #tpu.memory_space<hbm>>
      tpu.wait_dma2 semaphore(%arg51 : memref<!tpu.dma_semaphore, #tpu.memory_space<semaphore_mem>>) src(%dma_wait3A_1183 : memref<16x128xf32, #tpu.memory_space<hbm>>) dst(%arg19 : memref<16x128xf32, #tpu.memory_space<vmem>>)
      %dma_wait3A_1184 = arith.constant 0 : i32
      %dma_wait3A_1185 = arith.constant 0 : i32
      %dma_wait3A_1186 = tpu.memref_slice %arg5[%dma_wait3A_1184, %dma_wait3A_1185] : memref<16x1000000xf32, #tpu.memory_space<hbm>> -> memref<16x128xf32, #tpu.memory_space<hbm>>
      %dma_wait3A_1187 = arith.constant 0 : i32
      %dma_wait3A_1188 = arith.constant 0 : i32
      %dma_wait3A_1189 = tpu.memref_slice %arg5[%dma_wait3A_1187, %dma_wait3A_1188] : memref<16x1000000xf32, #tpu.memory_space<hbm>> -> memref<16x128xf32, #tpu.memory_space<hbm>>
      tpu.wait_dma2 semaphore(%arg51 : memref<!tpu.dma_semaphore, #tpu.memory_space<semaphore_mem>>) src(%dma_wait3A_1189 : memref<16x128xf32, #tpu.memory_space<hbm>>) dst(%arg27 : memref<16x128xf32, #tpu.memory_space<vmem>>)
      %dma_wait3A_1190 = arith.constant 0 : i32
      %dma_wait3A_1191 = arith.constant 0 : i32
      %dma_wait3A_1192 = tpu.memref_slice %arg6[%dma_wait3A_1190, %dma_wait3A_1191] : memref<32x1000000xf32, #tpu.memory_space<hbm>> -> memref<32x128xf32, #tpu.memory_space<hbm>>
      %dma_wait3A_1193 = arith.constant 0 : i32
      %dma_wait3A_1194 = arith.constant 0 : i32
      %dma_wait3A_1195 = tpu.memref_slice %arg6[%dma_wait3A_1193, %dma_wait3A_1194] : memref<32x1000000xf32, #tpu.memory_space<hbm>> -> memref<32x128xf32, #tpu.memory_space<hbm>>
      tpu.wait_dma2 semaphore(%arg51 : memref<!tpu.dma_semaphore, #tpu.memory_space<semaphore_mem>>) src(%dma_wait3A_1195 : memref<32x128xf32, #tpu.memory_space<hbm>>) dst(%arg35 : memref<32x128xf32, #tpu.memory_space<vmem>>)
      %dma_wait3A_1196 = arith.constant 0 : i32
      %dma_wait3A_1197 = arith.constant 0 : i32
      %dma_wait3A_1198 = tpu.memref_slice %arg7[%dma_wait3A_1196, %dma_wait3A_1197] : memref<32x1000000xf32, #tpu.memory_space<hbm>> -> memref<32x128xf32, #tpu.memory_space<hbm>>
      %dma_wait3A_1199 = arith.constant 0 : i32
      %dma_wait3A_1200 = arith.constant 0 : i32
      %dma_wait3A_1201 = tpu.memref_slice %arg7[%dma_wait3A_1199, %dma_wait3A_1200] : memref<32x1000000xf32, #tpu.memory_space<hbm>> -> memref<32x128xf32, #tpu.memory_space<hbm>>
      tpu.wait_dma2 semaphore(%arg51 : memref<!tpu.dma_semaphore, #tpu.memory_space<semaphore_mem>>) src(%dma_wait3A_1201 : memref<32x128xf32, #tpu.memory_space<hbm>>) dst(%arg43 : memref<32x128xf32, #tpu.memory_space<vmem>>)
      %mul3A_1202 = arith.constant 16 : i32
      %mul3A_1203 = arith.muli %scan3A_438, %mul3A_1202 : i32
      %add3A_1204 = arith.constant 9 : i32
      %add3A_1205 = arith.addi %mul3A_1203, %add3A_1204 : i32
      %and3A_1206 = arith.constant 255 : i32
      %and3A_1207 = arith.andi %add3A_1205, %and3A_1206 : i32
      %broadcast_in_dim3A_1208 = vector.broadcast %and3A_1207 : i32 to vector<16xi32>
      %slice3A_1209 = vector.extract_strided_slice %and3A_483 {offsets = [9], sizes = [1], strides = [1]} : vector<16xi32> to vector<1xi32>
      %squeeze3A_1210 = vector.extract %slice3A_1209[0] : i32 from vector<1xi32>
      %broadcast_in_dim3A_1211 = vector.broadcast %squeeze3A_1210 : i32 to vector<16xi32>
      %slice3A_1212 = vector.extract_strided_slice %and3A_486 {offsets = [9], sizes = [1], strides = [1]} : vector<16xi32> to vector<1xi32>
      %squeeze3A_1213 = vector.extract %slice3A_1212[0] : i32 from vector<1xi32>
      %broadcast_in_dim3A_1214 = vector.broadcast %squeeze3A_1213 : i32 to vector<16xi32>
      %gather3A_1215 = tpu.vector_load_idx %arg19[%iota3A, %broadcast_in_dim3A_1211] : memref<16x128xf32, #tpu.memory_space<vmem>>[vector<16xi32>, vector<16xi32>], vector<16xf32>,
      tpu.vector_store_idx %arg14[%iota3A, %broadcast_in_dim3A_1208], %gather3A_1215 : memref<16x256xf32, #tpu.memory_space<vmem>>[vector<16xi32>, vector<16xi32>], vector<16xf32>,
      %gather3A_1216 = tpu.vector_load_idx %arg27[%iota3A, %broadcast_in_dim3A_1214] : memref<16x128xf32, #tpu.memory_space<vmem>>[vector<16xi32>, vector<16xi32>], vector<16xf32>,
      tpu.vector_store_idx %arg15[%iota3A, %broadcast_in_dim3A_1208], %gather3A_1216 : memref<16x256xf32, #tpu.memory_space<vmem>>[vector<16xi32>, vector<16xi32>], vector<16xf32>,
      %gather3A_1217 = tpu.vector_load_idx %arg35[%iota3A, %broadcast_in_dim3A_1211] : memref<32x128xf32, #tpu.memory_space<vmem>>[vector<16xi32>, vector<16xi32>], vector<16xf32>,
      tpu.vector_store_idx %arg16[%iota3A, %broadcast_in_dim3A_1208], %gather3A_1217 : memref<32x256xf32, #tpu.memory_space<vmem>>[vector<16xi32>, vector<16xi32>], vector<16xf32>,
      %add3A_1218 = arith.constant 16 : i32
      %add3A_1219 = vector.broadcast %add3A_1218 : i32 to vector<16xi32>
      %add3A_1220 = arith.addi %iota3A, %add3A_1219 : vector<16xi32>
      %add3A_1221 = arith.constant 16 : i32
      %add3A_1222 = vector.broadcast %add3A_1221 : i32 to vector<16xi32>
      %add3A_1223 = arith.addi %iota3A, %add3A_1222 : vector<16xi32>
      %gather3A_1224 = tpu.vector_load_idx %arg35[%add3A_1223, %broadcast_in_dim3A_1211] : memref<32x128xf32, #tpu.memory_space<vmem>>[vector<16xi32>, vector<16xi32>], vector<16xf32>,
      tpu.vector_store_idx %arg16[%add3A_1220, %broadcast_in_dim3A_1208], %gather3A_1224 : memref<32x256xf32, #tpu.memory_space<vmem>>[vector<16xi32>, vector<16xi32>], vector<16xf32>,
      %gather3A_1225 = tpu.vector_load_idx %arg43[%iota3A, %broadcast_in_dim3A_1214] : memref<32x128xf32, #tpu.memory_space<vmem>>[vector<16xi32>, vector<16xi32>], vector<16xf32>,
      tpu.vector_store_idx %arg17[%iota3A, %broadcast_in_dim3A_1208], %gather3A_1225 : memref<32x256xf32, #tpu.memory_space<vmem>>[vector<16xi32>, vector<16xi32>], vector<16xf32>,
      %add3A_1226 = arith.constant 16 : i32
      %add3A_1227 = vector.broadcast %add3A_1226 : i32 to vector<16xi32>
      %add3A_1228 = arith.addi %iota3A, %add3A_1227 : vector<16xi32>
      %add3A_1229 = arith.constant 16 : i32
      %add3A_1230 = vector.broadcast %add3A_1229 : i32 to vector<16xi32>
      %add3A_1231 = arith.addi %iota3A, %add3A_1230 : vector<16xi32>
      %gather3A_1232 = tpu.vector_load_idx %arg43[%add3A_1231, %broadcast_in_dim3A_1214] : memref<32x128xf32, #tpu.memory_space<vmem>>[vector<16xi32>, vector<16xi32>], vector<16xf32>,
      tpu.vector_store_idx %arg17[%add3A_1228, %broadcast_in_dim3A_1208], %gather3A_1232 : memref<32x256xf32, #tpu.memory_space<vmem>>[vector<16xi32>, vector<16xi32>], vector<16xf32>,
      %slice3A_1233 = vector.extract_strided_slice %shift_left3A_475 {offsets = [1], sizes = [1], strides = [1]} : vector<16xi32> to vector<1xi32>
      %squeeze3A_1234 = vector.extract %slice3A_1233[0] : i32 from vector<1xi32>
      %slice3A_1235 = vector.extract_strided_slice %shift_left3A_481 {offsets = [1], sizes = [1], strides = [1]} : vector<16xi32> to vector<1xi32>
      %squeeze3A_1236 = vector.extract %slice3A_1235[0] : i32 from vector<1xi32>
      %multiple_of3A_1237 = tpu.assume_multiple %squeeze3A_1234, 128 : i32
      %multiple_of3A_1238 = tpu.assume_multiple %squeeze3A_1236, 128 : i32
      %dma_start3A_1239 = arith.constant 0 : i32
      %dma_start3A_1240 = tpu.memref_slice %arg4[%dma_start3A_1239, %multiple_of3A_1237] : memref<16x1000000xf32, #tpu.memory_space<hbm>> -> memref<16x128xf32, #tpu.memory_space<hbm>>
      %dma_start3A_1241 = arith.constant 0 : i32
      %dma_start3A_1242 = tpu.memref_slice %arg4[%dma_start3A_1241, %multiple_of3A_1237] : memref<16x1000000xf32, #tpu.memory_space<hbm>> -> memref<16x128xf32, #tpu.memory_space<hbm>>
      tpu.enqueue_dma source(%dma_start3A_1242 : memref<16x128xf32, #tpu.memory_space<hbm>>) target(%arg19 : memref<16x128xf32, #tpu.memory_space<vmem>>) target_semaphore(%arg51 : memref<!tpu.dma_semaphore, #tpu.memory_space<semaphore_mem>>)
      %dma_start3A_1243 = arith.constant 0 : i32
      %dma_start3A_1244 = tpu.memref_slice %arg5[%dma_start3A_1243, %multiple_of3A_1238] : memref<16x1000000xf32, #tpu.memory_space<hbm>> -> memref<16x128xf32, #tpu.memory_space<hbm>>
      %dma_start3A_1245 = arith.constant 0 : i32
      %dma_start3A_1246 = tpu.memref_slice %arg5[%dma_start3A_1245, %multiple_of3A_1238] : memref<16x1000000xf32, #tpu.memory_space<hbm>> -> memref<16x128xf32, #tpu.memory_space<hbm>>
      tpu.enqueue_dma source(%dma_start3A_1246 : memref<16x128xf32, #tpu.memory_space<hbm>>) target(%arg27 : memref<16x128xf32, #tpu.memory_space<vmem>>) target_semaphore(%arg51 : memref<!tpu.dma_semaphore, #tpu.memory_space<semaphore_mem>>)
      %dma_start3A_1247 = arith.constant 0 : i32
      %dma_start3A_1248 = tpu.memref_slice %arg6[%dma_start3A_1247, %multiple_of3A_1237] : memref<32x1000000xf32, #tpu.memory_space<hbm>> -> memref<32x128xf32, #tpu.memory_space<hbm>>
      %dma_start3A_1249 = arith.constant 0 : i32
      %dma_start3A_1250 = tpu.memref_slice %arg6[%dma_start3A_1249, %multiple_of3A_1237] : memref<32x1000000xf32, #tpu.memory_space<hbm>> -> memref<32x128xf32, #tpu.memory_space<hbm>>
      tpu.enqueue_dma source(%dma_start3A_1250 : memref<32x128xf32, #tpu.memory_space<hbm>>) target(%arg35 : memref<32x128xf32, #tpu.memory_space<vmem>>) target_semaphore(%arg51 : memref<!tpu.dma_semaphore, #tpu.memory_space<semaphore_mem>>)
      %dma_start3A_1251 = arith.constant 0 : i32
      %dma_start3A_1252 = tpu.memref_slice %arg7[%dma_start3A_1251, %multiple_of3A_1238] : memref<32x1000000xf32, #tpu.memory_space<hbm>> -> memref<32x128xf32, #tpu.memory_space<hbm>>
      %dma_start3A_1253 = arith.constant 0 : i32
      %dma_start3A_1254 = tpu.memref_slice %arg7[%dma_start3A_1253, %multiple_of3A_1238] : memref<32x1000000xf32, #tpu.memory_space<hbm>> -> memref<32x128xf32, #tpu.memory_space<hbm>>
      tpu.enqueue_dma source(%dma_start3A_1254 : memref<32x128xf32, #tpu.memory_space<hbm>>) target(%arg43 : memref<32x128xf32, #tpu.memory_space<vmem>>) target_semaphore(%arg51 : memref<!tpu.dma_semaphore, #tpu.memory_space<semaphore_mem>>)
      %dma_wait3A_1255 = arith.constant 0 : i32
      %dma_wait3A_1256 = arith.constant 0 : i32
      %dma_wait3A_1257 = tpu.memref_slice %arg4[%dma_wait3A_1255, %dma_wait3A_1256] : memref<16x1000000xf32, #tpu.memory_space<hbm>> -> memref<16x128xf32, #tpu.memory_space<hbm>>
      %dma_wait3A_1258 = arith.constant 0 : i32
      %dma_wait3A_1259 = arith.constant 0 : i32
      %dma_wait3A_1260 = tpu.memref_slice %arg4[%dma_wait3A_1258, %dma_wait3A_1259] : memref<16x1000000xf32, #tpu.memory_space<hbm>> -> memref<16x128xf32, #tpu.memory_space<hbm>>
      tpu.wait_dma2 semaphore(%arg52 : memref<!tpu.dma_semaphore, #tpu.memory_space<semaphore_mem>>) src(%dma_wait3A_1260 : memref<16x128xf32, #tpu.memory_space<hbm>>) dst(%arg20 : memref<16x128xf32, #tpu.memory_space<vmem>>)
      %dma_wait3A_1261 = arith.constant 0 : i32
      %dma_wait3A_1262 = arith.constant 0 : i32
      %dma_wait3A_1263 = tpu.memref_slice %arg5[%dma_wait3A_1261, %dma_wait3A_1262] : memref<16x1000000xf32, #tpu.memory_space<hbm>> -> memref<16x128xf32, #tpu.memory_space<hbm>>
      %dma_wait3A_1264 = arith.constant 0 : i32
      %dma_wait3A_1265 = arith.constant 0 : i32
      %dma_wait3A_1266 = tpu.memref_slice %arg5[%dma_wait3A_1264, %dma_wait3A_1265] : memref<16x1000000xf32, #tpu.memory_space<hbm>> -> memref<16x128xf32, #tpu.memory_space<hbm>>
      tpu.wait_dma2 semaphore(%arg52 : memref<!tpu.dma_semaphore, #tpu.memory_space<semaphore_mem>>) src(%dma_wait3A_1266 : memref<16x128xf32, #tpu.memory_space<hbm>>) dst(%arg28 : memref<16x128xf32, #tpu.memory_space<vmem>>)
      %dma_wait3A_1267 = arith.constant 0 : i32
      %dma_wait3A_1268 = arith.constant 0 : i32
      %dma_wait3A_1269 = tpu.memref_slice %arg6[%dma_wait3A_1267, %dma_wait3A_1268] : memref<32x1000000xf32, #tpu.memory_space<hbm>> -> memref<32x128xf32, #tpu.memory_space<hbm>>
      %dma_wait3A_1270 = arith.constant 0 : i32
      %dma_wait3A_1271 = arith.constant 0 : i32
      %dma_wait3A_1272 = tpu.memref_slice %arg6[%dma_wait3A_1270, %dma_wait3A_1271] : memref<32x1000000xf32, #tpu.memory_space<hbm>> -> memref<32x128xf32, #tpu.memory_space<hbm>>
      tpu.wait_dma2 semaphore(%arg52 : memref<!tpu.dma_semaphore, #tpu.memory_space<semaphore_mem>>) src(%dma_wait3A_1272 : memref<32x128xf32, #tpu.memory_space<hbm>>) dst(%arg36 : memref<32x128xf32, #tpu.memory_space<vmem>>)
      %dma_wait3A_1273 = arith.constant 0 : i32
      %dma_wait3A_1274 = arith.constant 0 : i32
      %dma_wait3A_1275 = tpu.memref_slice %arg7[%dma_wait3A_1273, %dma_wait3A_1274] : memref<32x1000000xf32, #tpu.memory_space<hbm>> -> memref<32x128xf32, #tpu.memory_space<hbm>>
      %dma_wait3A_1276 = arith.constant 0 : i32
      %dma_wait3A_1277 = arith.constant 0 : i32
      %dma_wait3A_1278 = tpu.memref_slice %arg7[%dma_wait3A_1276, %dma_wait3A_1277] : memref<32x1000000xf32, #tpu.memory_space<hbm>> -> memref<32x128xf32, #tpu.memory_space<hbm>>
      tpu.wait_dma2 semaphore(%arg52 : memref<!tpu.dma_semaphore, #tpu.memory_space<semaphore_mem>>) src(%dma_wait3A_1278 : memref<32x128xf32, #tpu.memory_space<hbm>>) dst(%arg44 : memref<32x128xf32, #tpu.memory_space<vmem>>)
      %mul3A_1279 = arith.constant 16 : i32
      %mul3A_1280 = arith.muli %scan3A_438, %mul3A_1279 : i32
      %add3A_1281 = arith.constant 10 : i32
      %add3A_1282 = arith.addi %mul3A_1280, %add3A_1281 : i32
      %and3A_1283 = arith.constant 255 : i32
      %and3A_1284 = arith.andi %add3A_1282, %and3A_1283 : i32
      %broadcast_in_dim3A_1285 = vector.broadcast %and3A_1284 : i32 to vector<16xi32>
      %slice3A_1286 = vector.extract_strided_slice %and3A_483 {offsets = [10], sizes = [1], strides = [1]} : vector<16xi32> to vector<1xi32>
      %squeeze3A_1287 = vector.extract %slice3A_1286[0] : i32 from vector<1xi32>
      %broadcast_in_dim3A_1288 = vector.broadcast %squeeze3A_1287 : i32 to vector<16xi32>
      %slice3A_1289 = vector.extract_strided_slice %and3A_486 {offsets = [10], sizes = [1], strides = [1]} : vector<16xi32> to vector<1xi32>
      %squeeze3A_1290 = vector.extract %slice3A_1289[0] : i32 from vector<1xi32>
      %broadcast_in_dim3A_1291 = vector.broadcast %squeeze3A_1290 : i32 to vector<16xi32>
      %gather3A_1292 = tpu.vector_load_idx %arg20[%iota3A, %broadcast_in_dim3A_1288] : memref<16x128xf32, #tpu.memory_space<vmem>>[vector<16xi32>, vector<16xi32>], vector<16xf32>,
      tpu.vector_store_idx %arg14[%iota3A, %broadcast_in_dim3A_1285], %gather3A_1292 : memref<16x256xf32, #tpu.memory_space<vmem>>[vector<16xi32>, vector<16xi32>], vector<16xf32>,
      %gather3A_1293 = tpu.vector_load_idx %arg28[%iota3A, %broadcast_in_dim3A_1291] : memref<16x128xf32, #tpu.memory_space<vmem>>[vector<16xi32>, vector<16xi32>], vector<16xf32>,
      tpu.vector_store_idx %arg15[%iota3A, %broadcast_in_dim3A_1285], %gather3A_1293 : memref<16x256xf32, #tpu.memory_space<vmem>>[vector<16xi32>, vector<16xi32>], vector<16xf32>,
      %gather3A_1294 = tpu.vector_load_idx %arg36[%iota3A, %broadcast_in_dim3A_1288] : memref<32x128xf32, #tpu.memory_space<vmem>>[vector<16xi32>, vector<16xi32>], vector<16xf32>,
      tpu.vector_store_idx %arg16[%iota3A, %broadcast_in_dim3A_1285], %gather3A_1294 : memref<32x256xf32, #tpu.memory_space<vmem>>[vector<16xi32>, vector<16xi32>], vector<16xf32>,
      %add3A_1295 = arith.constant 16 : i32
      %add3A_1296 = vector.broadcast %add3A_1295 : i32 to vector<16xi32>
      %add3A_1297 = arith.addi %iota3A, %add3A_1296 : vector<16xi32>
      %add3A_1298 = arith.constant 16 : i32
      %add3A_1299 = vector.broadcast %add3A_1298 : i32 to vector<16xi32>
      %add3A_1300 = arith.addi %iota3A, %add3A_1299 : vector<16xi32>
      %gather3A_1301 = tpu.vector_load_idx %arg36[%add3A_1300, %broadcast_in_dim3A_1288] : memref<32x128xf32, #tpu.memory_space<vmem>>[vector<16xi32>, vector<16xi32>], vector<16xf32>,
      tpu.vector_store_idx %arg16[%add3A_1297, %broadcast_in_dim3A_1285], %gather3A_1301 : memref<32x256xf32, #tpu.memory_space<vmem>>[vector<16xi32>, vector<16xi32>], vector<16xf32>,
      %gather3A_1302 = tpu.vector_load_idx %arg44[%iota3A, %broadcast_in_dim3A_1291] : memref<32x128xf32, #tpu.memory_space<vmem>>[vector<16xi32>, vector<16xi32>], vector<16xf32>,
      tpu.vector_store_idx %arg17[%iota3A, %broadcast_in_dim3A_1285], %gather3A_1302 : memref<32x256xf32, #tpu.memory_space<vmem>>[vector<16xi32>, vector<16xi32>], vector<16xf32>,
      %add3A_1303 = arith.constant 16 : i32
      %add3A_1304 = vector.broadcast %add3A_1303 : i32 to vector<16xi32>
      %add3A_1305 = arith.addi %iota3A, %add3A_1304 : vector<16xi32>
      %add3A_1306 = arith.constant 16 : i32
      %add3A_1307 = vector.broadcast %add3A_1306 : i32 to vector<16xi32>
      %add3A_1308 = arith.addi %iota3A, %add3A_1307 : vector<16xi32>
      %gather3A_1309 = tpu.vector_load_idx %arg44[%add3A_1308, %broadcast_in_dim3A_1291] : memref<32x128xf32, #tpu.memory_space<vmem>>[vector<16xi32>, vector<16xi32>], vector<16xf32>,
      tpu.vector_store_idx %arg17[%add3A_1305, %broadcast_in_dim3A_1285], %gather3A_1309 : memref<32x256xf32, #tpu.memory_space<vmem>>[vector<16xi32>, vector<16xi32>], vector<16xf32>,
      %slice3A_1310 = vector.extract_strided_slice %shift_left3A_475 {offsets = [2], sizes = [1], strides = [1]} : vector<16xi32> to vector<1xi32>
      %squeeze3A_1311 = vector.extract %slice3A_1310[0] : i32 from vector<1xi32>
      %slice3A_1312 = vector.extract_strided_slice %shift_left3A_481 {offsets = [2], sizes = [1], strides = [1]} : vector<16xi32> to vector<1xi32>
      %squeeze3A_1313 = vector.extract %slice3A_1312[0] : i32 from vector<1xi32>
      %multiple_of3A_1314 = tpu.assume_multiple %squeeze3A_1311, 128 : i32
      %multiple_of3A_1315 = tpu.assume_multiple %squeeze3A_1313, 128 : i32
      %dma_start3A_1316 = arith.constant 0 : i32
      %dma_start3A_1317 = tpu.memref_slice %arg4[%dma_start3A_1316, %multiple_of3A_1314] : memref<16x1000000xf32, #tpu.memory_space<hbm>> -> memref<16x128xf32, #tpu.memory_space<hbm>>
      %dma_start3A_1318 = arith.constant 0 : i32
      %dma_start3A_1319 = tpu.memref_slice %arg4[%dma_start3A_1318, %multiple_of3A_1314] : memref<16x1000000xf32, #tpu.memory_space<hbm>> -> memref<16x128xf32, #tpu.memory_space<hbm>>
      tpu.enqueue_dma source(%dma_start3A_1319 : memref<16x128xf32, #tpu.memory_space<hbm>>) target(%arg20 : memref<16x128xf32, #tpu.memory_space<vmem>>) target_semaphore(%arg52 : memref<!tpu.dma_semaphore, #tpu.memory_space<semaphore_mem>>)
      %dma_start3A_1320 = arith.constant 0 : i32
      %dma_start3A_1321 = tpu.memref_slice %arg5[%dma_start3A_1320, %multiple_of3A_1315] : memref<16x1000000xf32, #tpu.memory_space<hbm>> -> memref<16x128xf32, #tpu.memory_space<hbm>>
      %dma_start3A_1322 = arith.constant 0 : i32
      %dma_start3A_1323 = tpu.memref_slice %arg5[%dma_start3A_1322, %multiple_of3A_1315] : memref<16x1000000xf32, #tpu.memory_space<hbm>> -> memref<16x128xf32, #tpu.memory_space<hbm>>
      tpu.enqueue_dma source(%dma_start3A_1323 : memref<16x128xf32, #tpu.memory_space<hbm>>) target(%arg28 : memref<16x128xf32, #tpu.memory_space<vmem>>) target_semaphore(%arg52 : memref<!tpu.dma_semaphore, #tpu.memory_space<semaphore_mem>>)
      %dma_start3A_1324 = arith.constant 0 : i32
      %dma_start3A_1325 = tpu.memref_slice %arg6[%dma_start3A_1324, %multiple_of3A_1314] : memref<32x1000000xf32, #tpu.memory_space<hbm>> -> memref<32x128xf32, #tpu.memory_space<hbm>>
      %dma_start3A_1326 = arith.constant 0 : i32
      %dma_start3A_1327 = tpu.memref_slice %arg6[%dma_start3A_1326, %multiple_of3A_1314] : memref<32x1000000xf32, #tpu.memory_space<hbm>> -> memref<32x128xf32, #tpu.memory_space<hbm>>
      tpu.enqueue_dma source(%dma_start3A_1327 : memref<32x128xf32, #tpu.memory_space<hbm>>) target(%arg36 : memref<32x128xf32, #tpu.memory_space<vmem>>) target_semaphore(%arg52 : memref<!tpu.dma_semaphore, #tpu.memory_space<semaphore_mem>>)
      %dma_start3A_1328 = arith.constant 0 : i32
      %dma_start3A_1329 = tpu.memref_slice %arg7[%dma_start3A_1328, %multiple_of3A_1315] : memref<32x1000000xf32, #tpu.memory_space<hbm>> -> memref<32x128xf32, #tpu.memory_space<hbm>>
      %dma_start3A_1330 = arith.constant 0 : i32
      %dma_start3A_1331 = tpu.memref_slice %arg7[%dma_start3A_1330, %multiple_of3A_1315] : memref<32x1000000xf32, #tpu.memory_space<hbm>> -> memref<32x128xf32, #tpu.memory_space<hbm>>
      tpu.enqueue_dma source(%dma_start3A_1331 : memref<32x128xf32, #tpu.memory_space<hbm>>) target(%arg44 : memref<32x128xf32, #tpu.memory_space<vmem>>) target_semaphore(%arg52 : memref<!tpu.dma_semaphore, #tpu.memory_space<semaphore_mem>>)
      %dma_wait3A_1332 = arith.constant 0 : i32
      %dma_wait3A_1333 = arith.constant 0 : i32
      %dma_wait3A_1334 = tpu.memref_slice %arg4[%dma_wait3A_1332, %dma_wait3A_1333] : memref<16x1000000xf32, #tpu.memory_space<hbm>> -> memref<16x128xf32, #tpu.memory_space<hbm>>
      %dma_wait3A_1335 = arith.constant 0 : i32
      %dma_wait3A_1336 = arith.constant 0 : i32
      %dma_wait3A_1337 = tpu.memref_slice %arg4[%dma_wait3A_1335, %dma_wait3A_1336] : memref<16x1000000xf32, #tpu.memory_space<hbm>> -> memref<16x128xf32, #tpu.memory_space<hbm>>
      tpu.wait_dma2 semaphore(%arg53 : memref<!tpu.dma_semaphore, #tpu.memory_space<semaphore_mem>>) src(%dma_wait3A_1337 : memref<16x128xf32, #tpu.memory_space<hbm>>) dst(%arg21 : memref<16x128xf32, #tpu.memory_space<vmem>>)
      %dma_wait3A_1338 = arith.constant 0 : i32
      %dma_wait3A_1339 = arith.constant 0 : i32
      %dma_wait3A_1340 = tpu.memref_slice %arg5[%dma_wait3A_1338, %dma_wait3A_1339] : memref<16x1000000xf32, #tpu.memory_space<hbm>> -> memref<16x128xf32, #tpu.memory_space<hbm>>
      %dma_wait3A_1341 = arith.constant 0 : i32
      %dma_wait3A_1342 = arith.constant 0 : i32
      %dma_wait3A_1343 = tpu.memref_slice %arg5[%dma_wait3A_1341, %dma_wait3A_1342] : memref<16x1000000xf32, #tpu.memory_space<hbm>> -> memref<16x128xf32, #tpu.memory_space<hbm>>
      tpu.wait_dma2 semaphore(%arg53 : memref<!tpu.dma_semaphore, #tpu.memory_space<semaphore_mem>>) src(%dma_wait3A_1343 : memref<16x128xf32, #tpu.memory_space<hbm>>) dst(%arg29 : memref<16x128xf32, #tpu.memory_space<vmem>>)
      %dma_wait3A_1344 = arith.constant 0 : i32
      %dma_wait3A_1345 = arith.constant 0 : i32
      %dma_wait3A_1346 = tpu.memref_slice %arg6[%dma_wait3A_1344, %dma_wait3A_1345] : memref<32x1000000xf32, #tpu.memory_space<hbm>> -> memref<32x128xf32, #tpu.memory_space<hbm>>
      %dma_wait3A_1347 = arith.constant 0 : i32
      %dma_wait3A_1348 = arith.constant 0 : i32
      %dma_wait3A_1349 = tpu.memref_slice %arg6[%dma_wait3A_1347, %dma_wait3A_1348] : memref<32x1000000xf32, #tpu.memory_space<hbm>> -> memref<32x128xf32, #tpu.memory_space<hbm>>
      tpu.wait_dma2 semaphore(%arg53 : memref<!tpu.dma_semaphore, #tpu.memory_space<semaphore_mem>>) src(%dma_wait3A_1349 : memref<32x128xf32, #tpu.memory_space<hbm>>) dst(%arg37 : memref<32x128xf32, #tpu.memory_space<vmem>>)
      %dma_wait3A_1350 = arith.constant 0 : i32
      %dma_wait3A_1351 = arith.constant 0 : i32
      %dma_wait3A_1352 = tpu.memref_slice %arg7[%dma_wait3A_1350, %dma_wait3A_1351] : memref<32x1000000xf32, #tpu.memory_space<hbm>> -> memref<32x128xf32, #tpu.memory_space<hbm>>
      %dma_wait3A_1353 = arith.constant 0 : i32
      %dma_wait3A_1354 = arith.constant 0 : i32
      %dma_wait3A_1355 = tpu.memref_slice %arg7[%dma_wait3A_1353, %dma_wait3A_1354] : memref<32x1000000xf32, #tpu.memory_space<hbm>> -> memref<32x128xf32, #tpu.memory_space<hbm>>
      tpu.wait_dma2 semaphore(%arg53 : memref<!tpu.dma_semaphore, #tpu.memory_space<semaphore_mem>>) src(%dma_wait3A_1355 : memref<32x128xf32, #tpu.memory_space<hbm>>) dst(%arg45 : memref<32x128xf32, #tpu.memory_space<vmem>>)
      %mul3A_1356 = arith.constant 16 : i32
      %mul3A_1357 = arith.muli %scan3A_438, %mul3A_1356 : i32
      %add3A_1358 = arith.constant 11 : i32
      %add3A_1359 = arith.addi %mul3A_1357, %add3A_1358 : i32
      %and3A_1360 = arith.constant 255 : i32
      %and3A_1361 = arith.andi %add3A_1359, %and3A_1360 : i32
      %broadcast_in_dim3A_1362 = vector.broadcast %and3A_1361 : i32 to vector<16xi32>
      %slice3A_1363 = vector.extract_strided_slice %and3A_483 {offsets = [11], sizes = [1], strides = [1]} : vector<16xi32> to vector<1xi32>
      %squeeze3A_1364 = vector.extract %slice3A_1363[0] : i32 from vector<1xi32>
      %broadcast_in_dim3A_1365 = vector.broadcast %squeeze3A_1364 : i32 to vector<16xi32>
      %slice3A_1366 = vector.extract_strided_slice %and3A_486 {offsets = [11], sizes = [1], strides = [1]} : vector<16xi32> to vector<1xi32>
      %squeeze3A_1367 = vector.extract %slice3A_1366[0] : i32 from vector<1xi32>
      %broadcast_in_dim3A_1368 = vector.broadcast %squeeze3A_1367 : i32 to vector<16xi32>
      %gather3A_1369 = tpu.vector_load_idx %arg21[%iota3A, %broadcast_in_dim3A_1365] : memref<16x128xf32, #tpu.memory_space<vmem>>[vector<16xi32>, vector<16xi32>], vector<16xf32>,
      tpu.vector_store_idx %arg14[%iota3A, %broadcast_in_dim3A_1362], %gather3A_1369 : memref<16x256xf32, #tpu.memory_space<vmem>>[vector<16xi32>, vector<16xi32>], vector<16xf32>,
      %gather3A_1370 = tpu.vector_load_idx %arg29[%iota3A, %broadcast_in_dim3A_1368] : memref<16x128xf32, #tpu.memory_space<vmem>>[vector<16xi32>, vector<16xi32>], vector<16xf32>,
      tpu.vector_store_idx %arg15[%iota3A, %broadcast_in_dim3A_1362], %gather3A_1370 : memref<16x256xf32, #tpu.memory_space<vmem>>[vector<16xi32>, vector<16xi32>], vector<16xf32>,
      %gather3A_1371 = tpu.vector_load_idx %arg37[%iota3A, %broadcast_in_dim3A_1365] : memref<32x128xf32, #tpu.memory_space<vmem>>[vector<16xi32>, vector<16xi32>], vector<16xf32>,
      tpu.vector_store_idx %arg16[%iota3A, %broadcast_in_dim3A_1362], %gather3A_1371 : memref<32x256xf32, #tpu.memory_space<vmem>>[vector<16xi32>, vector<16xi32>], vector<16xf32>,
      %add3A_1372 = arith.constant 16 : i32
      %add3A_1373 = vector.broadcast %add3A_1372 : i32 to vector<16xi32>
      %add3A_1374 = arith.addi %iota3A, %add3A_1373 : vector<16xi32>
      %add3A_1375 = arith.constant 16 : i32
      %add3A_1376 = vector.broadcast %add3A_1375 : i32 to vector<16xi32>
      %add3A_1377 = arith.addi %iota3A, %add3A_1376 : vector<16xi32>
      %gather3A_1378 = tpu.vector_load_idx %arg37[%add3A_1377, %broadcast_in_dim3A_1365] : memref<32x128xf32, #tpu.memory_space<vmem>>[vector<16xi32>, vector<16xi32>], vector<16xf32>,
      tpu.vector_store_idx %arg16[%add3A_1374, %broadcast_in_dim3A_1362], %gather3A_1378 : memref<32x256xf32, #tpu.memory_space<vmem>>[vector<16xi32>, vector<16xi32>], vector<16xf32>,
      %gather3A_1379 = tpu.vector_load_idx %arg45[%iota3A, %broadcast_in_dim3A_1368] : memref<32x128xf32, #tpu.memory_space<vmem>>[vector<16xi32>, vector<16xi32>], vector<16xf32>,
      tpu.vector_store_idx %arg17[%iota3A, %broadcast_in_dim3A_1362], %gather3A_1379 : memref<32x256xf32, #tpu.memory_space<vmem>>[vector<16xi32>, vector<16xi32>], vector<16xf32>,
      %add3A_1380 = arith.constant 16 : i32
      %add3A_1381 = vector.broadcast %add3A_1380 : i32 to vector<16xi32>
      %add3A_1382 = arith.addi %iota3A, %add3A_1381 : vector<16xi32>
      %add3A_1383 = arith.constant 16 : i32
      %add3A_1384 = vector.broadcast %add3A_1383 : i32 to vector<16xi32>
      %add3A_1385 = arith.addi %iota3A, %add3A_1384 : vector<16xi32>
      %gather3A_1386 = tpu.vector_load_idx %arg45[%add3A_1385, %broadcast_in_dim3A_1368] : memref<32x128xf32, #tpu.memory_space<vmem>>[vector<16xi32>, vector<16xi32>], vector<16xf32>,
      tpu.vector_store_idx %arg17[%add3A_1382, %broadcast_in_dim3A_1362], %gather3A_1386 : memref<32x256xf32, #tpu.memory_space<vmem>>[vector<16xi32>, vector<16xi32>], vector<16xf32>,
      %slice3A_1387 = vector.extract_strided_slice %shift_left3A_475 {offsets = [3], sizes = [1], strides = [1]} : vector<16xi32> to vector<1xi32>
      %squeeze3A_1388 = vector.extract %slice3A_1387[0] : i32 from vector<1xi32>
      %slice3A_1389 = vector.extract_strided_slice %shift_left3A_481 {offsets = [3], sizes = [1], strides = [1]} : vector<16xi32> to vector<1xi32>
      %squeeze3A_1390 = vector.extract %slice3A_1389[0] : i32 from vector<1xi32>
      %multiple_of3A_1391 = tpu.assume_multiple %squeeze3A_1388, 128 : i32
      %multiple_of3A_1392 = tpu.assume_multiple %squeeze3A_1390, 128 : i32
      %dma_start3A_1393 = arith.constant 0 : i32
      %dma_start3A_1394 = tpu.memref_slice %arg4[%dma_start3A_1393, %multiple_of3A_1391] : memref<16x1000000xf32, #tpu.memory_space<hbm>> -> memref<16x128xf32, #tpu.memory_space<hbm>>
      %dma_start3A_1395 = arith.constant 0 : i32
      %dma_start3A_1396 = tpu.memref_slice %arg4[%dma_start3A_1395, %multiple_of3A_1391] : memref<16x1000000xf32, #tpu.memory_space<hbm>> -> memref<16x128xf32, #tpu.memory_space<hbm>>
      tpu.enqueue_dma source(%dma_start3A_1396 : memref<16x128xf32, #tpu.memory_space<hbm>>) target(%arg21 : memref<16x128xf32, #tpu.memory_space<vmem>>) target_semaphore(%arg53 : memref<!tpu.dma_semaphore, #tpu.memory_space<semaphore_mem>>)
      %dma_start3A_1397 = arith.constant 0 : i32
      %dma_start3A_1398 = tpu.memref_slice %arg5[%dma_start3A_1397, %multiple_of3A_1392] : memref<16x1000000xf32, #tpu.memory_space<hbm>> -> memref<16x128xf32, #tpu.memory_space<hbm>>
      %dma_start3A_1399 = arith.constant 0 : i32
      %dma_start3A_1400 = tpu.memref_slice %arg5[%dma_start3A_1399, %multiple_of3A_1392] : memref<16x1000000xf32, #tpu.memory_space<hbm>> -> memref<16x128xf32, #tpu.memory_space<hbm>>
      tpu.enqueue_dma source(%dma_start3A_1400 : memref<16x128xf32, #tpu.memory_space<hbm>>) target(%arg29 : memref<16x128xf32, #tpu.memory_space<vmem>>) target_semaphore(%arg53 : memref<!tpu.dma_semaphore, #tpu.memory_space<semaphore_mem>>)
      %dma_start3A_1401 = arith.constant 0 : i32
      %dma_start3A_1402 = tpu.memref_slice %arg6[%dma_start3A_1401, %multiple_of3A_1391] : memref<32x1000000xf32, #tpu.memory_space<hbm>> -> memref<32x128xf32, #tpu.memory_space<hbm>>
      %dma_start3A_1403 = arith.constant 0 : i32
      %dma_start3A_1404 = tpu.memref_slice %arg6[%dma_start3A_1403, %multiple_of3A_1391] : memref<32x1000000xf32, #tpu.memory_space<hbm>> -> memref<32x128xf32, #tpu.memory_space<hbm>>
      tpu.enqueue_dma source(%dma_start3A_1404 : memref<32x128xf32, #tpu.memory_space<hbm>>) target(%arg37 : memref<32x128xf32, #tpu.memory_space<vmem>>) target_semaphore(%arg53 : memref<!tpu.dma_semaphore, #tpu.memory_space<semaphore_mem>>)
      %dma_start3A_1405 = arith.constant 0 : i32
      %dma_start3A_1406 = tpu.memref_slice %arg7[%dma_start3A_1405, %multiple_of3A_1392] : memref<32x1000000xf32, #tpu.memory_space<hbm>> -> memref<32x128xf32, #tpu.memory_space<hbm>>
      %dma_start3A_1407 = arith.constant 0 : i32
      %dma_start3A_1408 = tpu.memref_slice %arg7[%dma_start3A_1407, %multiple_of3A_1392] : memref<32x1000000xf32, #tpu.memory_space<hbm>> -> memref<32x128xf32, #tpu.memory_space<hbm>>
      tpu.enqueue_dma source(%dma_start3A_1408 : memref<32x128xf32, #tpu.memory_space<hbm>>) target(%arg45 : memref<32x128xf32, #tpu.memory_space<vmem>>) target_semaphore(%arg53 : memref<!tpu.dma_semaphore, #tpu.memory_space<semaphore_mem>>)
      %dma_wait3A_1409 = arith.constant 0 : i32
      %dma_wait3A_1410 = arith.constant 0 : i32
      %dma_wait3A_1411 = tpu.memref_slice %arg4[%dma_wait3A_1409, %dma_wait3A_1410] : memref<16x1000000xf32, #tpu.memory_space<hbm>> -> memref<16x128xf32, #tpu.memory_space<hbm>>
      %dma_wait3A_1412 = arith.constant 0 : i32
      %dma_wait3A_1413 = arith.constant 0 : i32
      %dma_wait3A_1414 = tpu.memref_slice %arg4[%dma_wait3A_1412, %dma_wait3A_1413] : memref<16x1000000xf32, #tpu.memory_space<hbm>> -> memref<16x128xf32, #tpu.memory_space<hbm>>
      tpu.wait_dma2 semaphore(%arg54 : memref<!tpu.dma_semaphore, #tpu.memory_space<semaphore_mem>>) src(%dma_wait3A_1414 : memref<16x128xf32, #tpu.memory_space<hbm>>) dst(%arg22 : memref<16x128xf32, #tpu.memory_space<vmem>>)
      %dma_wait3A_1415 = arith.constant 0 : i32
      %dma_wait3A_1416 = arith.constant 0 : i32
      %dma_wait3A_1417 = tpu.memref_slice %arg5[%dma_wait3A_1415, %dma_wait3A_1416] : memref<16x1000000xf32, #tpu.memory_space<hbm>> -> memref<16x128xf32, #tpu.memory_space<hbm>>
      %dma_wait3A_1418 = arith.constant 0 : i32
      %dma_wait3A_1419 = arith.constant 0 : i32
      %dma_wait3A_1420 = tpu.memref_slice %arg5[%dma_wait3A_1418, %dma_wait3A_1419] : memref<16x1000000xf32, #tpu.memory_space<hbm>> -> memref<16x128xf32, #tpu.memory_space<hbm>>
      tpu.wait_dma2 semaphore(%arg54 : memref<!tpu.dma_semaphore, #tpu.memory_space<semaphore_mem>>) src(%dma_wait3A_1420 : memref<16x128xf32, #tpu.memory_space<hbm>>) dst(%arg30 : memref<16x128xf32, #tpu.memory_space<vmem>>)
      %dma_wait3A_1421 = arith.constant 0 : i32
      %dma_wait3A_1422 = arith.constant 0 : i32
      %dma_wait3A_1423 = tpu.memref_slice %arg6[%dma_wait3A_1421, %dma_wait3A_1422] : memref<32x1000000xf32, #tpu.memory_space<hbm>> -> memref<32x128xf32, #tpu.memory_space<hbm>>
      %dma_wait3A_1424 = arith.constant 0 : i32
      %dma_wait3A_1425 = arith.constant 0 : i32
      %dma_wait3A_1426 = tpu.memref_slice %arg6[%dma_wait3A_1424, %dma_wait3A_1425] : memref<32x1000000xf32, #tpu.memory_space<hbm>> -> memref<32x128xf32, #tpu.memory_space<hbm>>
      tpu.wait_dma2 semaphore(%arg54 : memref<!tpu.dma_semaphore, #tpu.memory_space<semaphore_mem>>) src(%dma_wait3A_1426 : memref<32x128xf32, #tpu.memory_space<hbm>>) dst(%arg38 : memref<32x128xf32, #tpu.memory_space<vmem>>)
      %dma_wait3A_1427 = arith.constant 0 : i32
      %dma_wait3A_1428 = arith.constant 0 : i32
      %dma_wait3A_1429 = tpu.memref_slice %arg7[%dma_wait3A_1427, %dma_wait3A_1428] : memref<32x1000000xf32, #tpu.memory_space<hbm>> -> memref<32x128xf32, #tpu.memory_space<hbm>>
      %dma_wait3A_1430 = arith.constant 0 : i32
      %dma_wait3A_1431 = arith.constant 0 : i32
      %dma_wait3A_1432 = tpu.memref_slice %arg7[%dma_wait3A_1430, %dma_wait3A_1431] : memref<32x1000000xf32, #tpu.memory_space<hbm>> -> memref<32x128xf32, #tpu.memory_space<hbm>>
      tpu.wait_dma2 semaphore(%arg54 : memref<!tpu.dma_semaphore, #tpu.memory_space<semaphore_mem>>) src(%dma_wait3A_1432 : memref<32x128xf32, #tpu.memory_space<hbm>>) dst(%arg46 : memref<32x128xf32, #tpu.memory_space<vmem>>)
      %mul3A_1433 = arith.constant 16 : i32
      %mul3A_1434 = arith.muli %scan3A_438, %mul3A_1433 : i32
      %add3A_1435 = arith.constant 12 : i32
      %add3A_1436 = arith.addi %mul3A_1434, %add3A_1435 : i32
      %and3A_1437 = arith.constant 255 : i32
      %and3A_1438 = arith.andi %add3A_1436, %and3A_1437 : i32
      %broadcast_in_dim3A_1439 = vector.broadcast %and3A_1438 : i32 to vector<16xi32>
      %slice3A_1440 = vector.extract_strided_slice %and3A_483 {offsets = [12], sizes = [1], strides = [1]} : vector<16xi32> to vector<1xi32>
      %squeeze3A_1441 = vector.extract %slice3A_1440[0] : i32 from vector<1xi32>
      %broadcast_in_dim3A_1442 = vector.broadcast %squeeze3A_1441 : i32 to vector<16xi32>
      %slice3A_1443 = vector.extract_strided_slice %and3A_486 {offsets = [12], sizes = [1], strides = [1]} : vector<16xi32> to vector<1xi32>
      %squeeze3A_1444 = vector.extract %slice3A_1443[0] : i32 from vector<1xi32>
      %broadcast_in_dim3A_1445 = vector.broadcast %squeeze3A_1444 : i32 to vector<16xi32>
      %gather3A_1446 = tpu.vector_load_idx %arg22[%iota3A, %broadcast_in_dim3A_1442] : memref<16x128xf32, #tpu.memory_space<vmem>>[vector<16xi32>, vector<16xi32>], vector<16xf32>,
      tpu.vector_store_idx %arg14[%iota3A, %broadcast_in_dim3A_1439], %gather3A_1446 : memref<16x256xf32, #tpu.memory_space<vmem>>[vector<16xi32>, vector<16xi32>], vector<16xf32>,
      %gather3A_1447 = tpu.vector_load_idx %arg30[%iota3A, %broadcast_in_dim3A_1445] : memref<16x128xf32, #tpu.memory_space<vmem>>[vector<16xi32>, vector<16xi32>], vector<16xf32>,
      tpu.vector_store_idx %arg15[%iota3A, %broadcast_in_dim3A_1439], %gather3A_1447 : memref<16x256xf32, #tpu.memory_space<vmem>>[vector<16xi32>, vector<16xi32>], vector<16xf32>,
      %gather3A_1448 = tpu.vector_load_idx %arg38[%iota3A, %broadcast_in_dim3A_1442] : memref<32x128xf32, #tpu.memory_space<vmem>>[vector<16xi32>, vector<16xi32>], vector<16xf32>,
      tpu.vector_store_idx %arg16[%iota3A, %broadcast_in_dim3A_1439], %gather3A_1448 : memref<32x256xf32, #tpu.memory_space<vmem>>[vector<16xi32>, vector<16xi32>], vector<16xf32>,
      %add3A_1449 = arith.constant 16 : i32
      %add3A_1450 = vector.broadcast %add3A_1449 : i32 to vector<16xi32>
      %add3A_1451 = arith.addi %iota3A, %add3A_1450 : vector<16xi32>
      %add3A_1452 = arith.constant 16 : i32
      %add3A_1453 = vector.broadcast %add3A_1452 : i32 to vector<16xi32>
      %add3A_1454 = arith.addi %iota3A, %add3A_1453 : vector<16xi32>
      %gather3A_1455 = tpu.vector_load_idx %arg38[%add3A_1454, %broadcast_in_dim3A_1442] : memref<32x128xf32, #tpu.memory_space<vmem>>[vector<16xi32>, vector<16xi32>], vector<16xf32>,
      tpu.vector_store_idx %arg16[%add3A_1451, %broadcast_in_dim3A_1439], %gather3A_1455 : memref<32x256xf32, #tpu.memory_space<vmem>>[vector<16xi32>, vector<16xi32>], vector<16xf32>,
      %gather3A_1456 = tpu.vector_load_idx %arg46[%iota3A, %broadcast_in_dim3A_1445] : memref<32x128xf32, #tpu.memory_space<vmem>>[vector<16xi32>, vector<16xi32>], vector<16xf32>,
      tpu.vector_store_idx %arg17[%iota3A, %broadcast_in_dim3A_1439], %gather3A_1456 : memref<32x256xf32, #tpu.memory_space<vmem>>[vector<16xi32>, vector<16xi32>], vector<16xf32>,
      %add3A_1457 = arith.constant 16 : i32
      %add3A_1458 = vector.broadcast %add3A_1457 : i32 to vector<16xi32>
      %add3A_1459 = arith.addi %iota3A, %add3A_1458 : vector<16xi32>
      %add3A_1460 = arith.constant 16 : i32
      %add3A_1461 = vector.broadcast %add3A_1460 : i32 to vector<16xi32>
      %add3A_1462 = arith.addi %iota3A, %add3A_1461 : vector<16xi32>
      %gather3A_1463 = tpu.vector_load_idx %arg46[%add3A_1462, %broadcast_in_dim3A_1445] : memref<32x128xf32, #tpu.memory_space<vmem>>[vector<16xi32>, vector<16xi32>], vector<16xf32>,
      tpu.vector_store_idx %arg17[%add3A_1459, %broadcast_in_dim3A_1439], %gather3A_1463 : memref<32x256xf32, #tpu.memory_space<vmem>>[vector<16xi32>, vector<16xi32>], vector<16xf32>,
      %slice3A_1464 = vector.extract_strided_slice %shift_left3A_475 {offsets = [4], sizes = [1], strides = [1]} : vector<16xi32> to vector<1xi32>
      %squeeze3A_1465 = vector.extract %slice3A_1464[0] : i32 from vector<1xi32>
      %slice3A_1466 = vector.extract_strided_slice %shift_left3A_481 {offsets = [4], sizes = [1], strides = [1]} : vector<16xi32> to vector<1xi32>
      %squeeze3A_1467 = vector.extract %slice3A_1466[0] : i32 from vector<1xi32>
      %multiple_of3A_1468 = tpu.assume_multiple %squeeze3A_1465, 128 : i32
      %multiple_of3A_1469 = tpu.assume_multiple %squeeze3A_1467, 128 : i32
      %dma_start3A_1470 = arith.constant 0 : i32
      %dma_start3A_1471 = tpu.memref_slice %arg4[%dma_start3A_1470, %multiple_of3A_1468] : memref<16x1000000xf32, #tpu.memory_space<hbm>> -> memref<16x128xf32, #tpu.memory_space<hbm>>
      %dma_start3A_1472 = arith.constant 0 : i32
      %dma_start3A_1473 = tpu.memref_slice %arg4[%dma_start3A_1472, %multiple_of3A_1468] : memref<16x1000000xf32, #tpu.memory_space<hbm>> -> memref<16x128xf32, #tpu.memory_space<hbm>>
      tpu.enqueue_dma source(%dma_start3A_1473 : memref<16x128xf32, #tpu.memory_space<hbm>>) target(%arg22 : memref<16x128xf32, #tpu.memory_space<vmem>>) target_semaphore(%arg54 : memref<!tpu.dma_semaphore, #tpu.memory_space<semaphore_mem>>)
      %dma_start3A_1474 = arith.constant 0 : i32
      %dma_start3A_1475 = tpu.memref_slice %arg5[%dma_start3A_1474, %multiple_of3A_1469] : memref<16x1000000xf32, #tpu.memory_space<hbm>> -> memref<16x128xf32, #tpu.memory_space<hbm>>
      %dma_start3A_1476 = arith.constant 0 : i32
      %dma_start3A_1477 = tpu.memref_slice %arg5[%dma_start3A_1476, %multiple_of3A_1469] : memref<16x1000000xf32, #tpu.memory_space<hbm>> -> memref<16x128xf32, #tpu.memory_space<hbm>>
      tpu.enqueue_dma source(%dma_start3A_1477 : memref<16x128xf32, #tpu.memory_space<hbm>>) target(%arg30 : memref<16x128xf32, #tpu.memory_space<vmem>>) target_semaphore(%arg54 : memref<!tpu.dma_semaphore, #tpu.memory_space<semaphore_mem>>)
      %dma_start3A_1478 = arith.constant 0 : i32
      %dma_start3A_1479 = tpu.memref_slice %arg6[%dma_start3A_1478, %multiple_of3A_1468] : memref<32x1000000xf32, #tpu.memory_space<hbm>> -> memref<32x128xf32, #tpu.memory_space<hbm>>
      %dma_start3A_1480 = arith.constant 0 : i32
      %dma_start3A_1481 = tpu.memref_slice %arg6[%dma_start3A_1480, %multiple_of3A_1468] : memref<32x1000000xf32, #tpu.memory_space<hbm>> -> memref<32x128xf32, #tpu.memory_space<hbm>>
      tpu.enqueue_dma source(%dma_start3A_1481 : memref<32x128xf32, #tpu.memory_space<hbm>>) target(%arg38 : memref<32x128xf32, #tpu.memory_space<vmem>>) target_semaphore(%arg54 : memref<!tpu.dma_semaphore, #tpu.memory_space<semaphore_mem>>)
      %dma_start3A_1482 = arith.constant 0 : i32
      %dma_start3A_1483 = tpu.memref_slice %arg7[%dma_start3A_1482, %multiple_of3A_1469] : memref<32x1000000xf32, #tpu.memory_space<hbm>> -> memref<32x128xf32, #tpu.memory_space<hbm>>
      %dma_start3A_1484 = arith.constant 0 : i32
      %dma_start3A_1485 = tpu.memref_slice %arg7[%dma_start3A_1484, %multiple_of3A_1469] : memref<32x1000000xf32, #tpu.memory_space<hbm>> -> memref<32x128xf32, #tpu.memory_space<hbm>>
      tpu.enqueue_dma source(%dma_start3A_1485 : memref<32x128xf32, #tpu.memory_space<hbm>>) target(%arg46 : memref<32x128xf32, #tpu.memory_space<vmem>>) target_semaphore(%arg54 : memref<!tpu.dma_semaphore, #tpu.memory_space<semaphore_mem>>)
      %dma_wait3A_1486 = arith.constant 0 : i32
      %dma_wait3A_1487 = arith.constant 0 : i32
      %dma_wait3A_1488 = tpu.memref_slice %arg4[%dma_wait3A_1486, %dma_wait3A_1487] : memref<16x1000000xf32, #tpu.memory_space<hbm>> -> memref<16x128xf32, #tpu.memory_space<hbm>>
      %dma_wait3A_1489 = arith.constant 0 : i32
      %dma_wait3A_1490 = arith.constant 0 : i32
      %dma_wait3A_1491 = tpu.memref_slice %arg4[%dma_wait3A_1489, %dma_wait3A_1490] : memref<16x1000000xf32, #tpu.memory_space<hbm>> -> memref<16x128xf32, #tpu.memory_space<hbm>>
      tpu.wait_dma2 semaphore(%arg55 : memref<!tpu.dma_semaphore, #tpu.memory_space<semaphore_mem>>) src(%dma_wait3A_1491 : memref<16x128xf32, #tpu.memory_space<hbm>>) dst(%arg23 : memref<16x128xf32, #tpu.memory_space<vmem>>)
      %dma_wait3A_1492 = arith.constant 0 : i32
      %dma_wait3A_1493 = arith.constant 0 : i32
      %dma_wait3A_1494 = tpu.memref_slice %arg5[%dma_wait3A_1492, %dma_wait3A_1493] : memref<16x1000000xf32, #tpu.memory_space<hbm>> -> memref<16x128xf32, #tpu.memory_space<hbm>>
      %dma_wait3A_1495 = arith.constant 0 : i32
      %dma_wait3A_1496 = arith.constant 0 : i32
      %dma_wait3A_1497 = tpu.memref_slice %arg5[%dma_wait3A_1495, %dma_wait3A_1496] : memref<16x1000000xf32, #tpu.memory_space<hbm>> -> memref<16x128xf32, #tpu.memory_space<hbm>>
      tpu.wait_dma2 semaphore(%arg55 : memref<!tpu.dma_semaphore, #tpu.memory_space<semaphore_mem>>) src(%dma_wait3A_1497 : memref<16x128xf32, #tpu.memory_space<hbm>>) dst(%arg31 : memref<16x128xf32, #tpu.memory_space<vmem>>)
      %dma_wait3A_1498 = arith.constant 0 : i32
      %dma_wait3A_1499 = arith.constant 0 : i32
      %dma_wait3A_1500 = tpu.memref_slice %arg6[%dma_wait3A_1498, %dma_wait3A_1499] : memref<32x1000000xf32, #tpu.memory_space<hbm>> -> memref<32x128xf32, #tpu.memory_space<hbm>>
      %dma_wait3A_1501 = arith.constant 0 : i32
      %dma_wait3A_1502 = arith.constant 0 : i32
      %dma_wait3A_1503 = tpu.memref_slice %arg6[%dma_wait3A_1501, %dma_wait3A_1502] : memref<32x1000000xf32, #tpu.memory_space<hbm>> -> memref<32x128xf32, #tpu.memory_space<hbm>>
      tpu.wait_dma2 semaphore(%arg55 : memref<!tpu.dma_semaphore, #tpu.memory_space<semaphore_mem>>) src(%dma_wait3A_1503 : memref<32x128xf32, #tpu.memory_space<hbm>>) dst(%arg39 : memref<32x128xf32, #tpu.memory_space<vmem>>)
      %dma_wait3A_1504 = arith.constant 0 : i32
      %dma_wait3A_1505 = arith.constant 0 : i32
      %dma_wait3A_1506 = tpu.memref_slice %arg7[%dma_wait3A_1504, %dma_wait3A_1505] : memref<32x1000000xf32, #tpu.memory_space<hbm>> -> memref<32x128xf32, #tpu.memory_space<hbm>>
      %dma_wait3A_1507 = arith.constant 0 : i32
      %dma_wait3A_1508 = arith.constant 0 : i32
      %dma_wait3A_1509 = tpu.memref_slice %arg7[%dma_wait3A_1507, %dma_wait3A_1508] : memref<32x1000000xf32, #tpu.memory_space<hbm>> -> memref<32x128xf32, #tpu.memory_space<hbm>>
      tpu.wait_dma2 semaphore(%arg55 : memref<!tpu.dma_semaphore, #tpu.memory_space<semaphore_mem>>) src(%dma_wait3A_1509 : memref<32x128xf32, #tpu.memory_space<hbm>>) dst(%arg47 : memref<32x128xf32, #tpu.memory_space<vmem>>)
      %mul3A_1510 = arith.constant 16 : i32
      %mul3A_1511 = arith.muli %scan3A_438, %mul3A_1510 : i32
      %add3A_1512 = arith.constant 13 : i32
      %add3A_1513 = arith.addi %mul3A_1511, %add3A_1512 : i32
      %and3A_1514 = arith.constant 255 : i32
      %and3A_1515 = arith.andi %add3A_1513, %and3A_1514 : i32
      %broadcast_in_dim3A_1516 = vector.broadcast %and3A_1515 : i32 to vector<16xi32>
      %slice3A_1517 = vector.extract_strided_slice %and3A_483 {offsets = [13], sizes = [1], strides = [1]} : vector<16xi32> to vector<1xi32>
      %squeeze3A_1518 = vector.extract %slice3A_1517[0] : i32 from vector<1xi32>
      %broadcast_in_dim3A_1519 = vector.broadcast %squeeze3A_1518 : i32 to vector<16xi32>
      %slice3A_1520 = vector.extract_strided_slice %and3A_486 {offsets = [13], sizes = [1], strides = [1]} : vector<16xi32> to vector<1xi32>
      %squeeze3A_1521 = vector.extract %slice3A_1520[0] : i32 from vector<1xi32>
      %broadcast_in_dim3A_1522 = vector.broadcast %squeeze3A_1521 : i32 to vector<16xi32>
      %gather3A_1523 = tpu.vector_load_idx %arg23[%iota3A, %broadcast_in_dim3A_1519] : memref<16x128xf32, #tpu.memory_space<vmem>>[vector<16xi32>, vector<16xi32>], vector<16xf32>,
      tpu.vector_store_idx %arg14[%iota3A, %broadcast_in_dim3A_1516], %gather3A_1523 : memref<16x256xf32, #tpu.memory_space<vmem>>[vector<16xi32>, vector<16xi32>], vector<16xf32>,
      %gather3A_1524 = tpu.vector_load_idx %arg31[%iota3A, %broadcast_in_dim3A_1522] : memref<16x128xf32, #tpu.memory_space<vmem>>[vector<16xi32>, vector<16xi32>], vector<16xf32>,
      tpu.vector_store_idx %arg15[%iota3A, %broadcast_in_dim3A_1516], %gather3A_1524 : memref<16x256xf32, #tpu.memory_space<vmem>>[vector<16xi32>, vector<16xi32>], vector<16xf32>,
      %gather3A_1525 = tpu.vector_load_idx %arg39[%iota3A, %broadcast_in_dim3A_1519] : memref<32x128xf32, #tpu.memory_space<vmem>>[vector<16xi32>, vector<16xi32>], vector<16xf32>,
      tpu.vector_store_idx %arg16[%iota3A, %broadcast_in_dim3A_1516], %gather3A_1525 : memref<32x256xf32, #tpu.memory_space<vmem>>[vector<16xi32>, vector<16xi32>], vector<16xf32>,
      %add3A_1526 = arith.constant 16 : i32
      %add3A_1527 = vector.broadcast %add3A_1526 : i32 to vector<16xi32>
      %add3A_1528 = arith.addi %iota3A, %add3A_1527 : vector<16xi32>
      %add3A_1529 = arith.constant 16 : i32
      %add3A_1530 = vector.broadcast %add3A_1529 : i32 to vector<16xi32>
      %add3A_1531 = arith.addi %iota3A, %add3A_1530 : vector<16xi32>
      %gather3A_1532 = tpu.vector_load_idx %arg39[%add3A_1531, %broadcast_in_dim3A_1519] : memref<32x128xf32, #tpu.memory_space<vmem>>[vector<16xi32>, vector<16xi32>], vector<16xf32>,
      tpu.vector_store_idx %arg16[%add3A_1528, %broadcast_in_dim3A_1516], %gather3A_1532 : memref<32x256xf32, #tpu.memory_space<vmem>>[vector<16xi32>, vector<16xi32>], vector<16xf32>,
      %gather3A_1533 = tpu.vector_load_idx %arg47[%iota3A, %broadcast_in_dim3A_1522] : memref<32x128xf32, #tpu.memory_space<vmem>>[vector<16xi32>, vector<16xi32>], vector<16xf32>,
      tpu.vector_store_idx %arg17[%iota3A, %broadcast_in_dim3A_1516], %gather3A_1533 : memref<32x256xf32, #tpu.memory_space<vmem>>[vector<16xi32>, vector<16xi32>], vector<16xf32>,
      %add3A_1534 = arith.constant 16 : i32
      %add3A_1535 = vector.broadcast %add3A_1534 : i32 to vector<16xi32>
      %add3A_1536 = arith.addi %iota3A, %add3A_1535 : vector<16xi32>
      %add3A_1537 = arith.constant 16 : i32
      %add3A_1538 = vector.broadcast %add3A_1537 : i32 to vector<16xi32>
      %add3A_1539 = arith.addi %iota3A, %add3A_1538 : vector<16xi32>
      %gather3A_1540 = tpu.vector_load_idx %arg47[%add3A_1539, %broadcast_in_dim3A_1522] : memref<32x128xf32, #tpu.memory_space<vmem>>[vector<16xi32>, vector<16xi32>], vector<16xf32>,
      tpu.vector_store_idx %arg17[%add3A_1536, %broadcast_in_dim3A_1516], %gather3A_1540 : memref<32x256xf32, #tpu.memory_space<vmem>>[vector<16xi32>, vector<16xi32>], vector<16xf32>,
      %slice3A_1541 = vector.extract_strided_slice %shift_left3A_475 {offsets = [5], sizes = [1], strides = [1]} : vector<16xi32> to vector<1xi32>
      %squeeze3A_1542 = vector.extract %slice3A_1541[0] : i32 from vector<1xi32>
      %slice3A_1543 = vector.extract_strided_slice %shift_left3A_481 {offsets = [5], sizes = [1], strides = [1]} : vector<16xi32> to vector<1xi32>
      %squeeze3A_1544 = vector.extract %slice3A_1543[0] : i32 from vector<1xi32>
      %multiple_of3A_1545 = tpu.assume_multiple %squeeze3A_1542, 128 : i32
      %multiple_of3A_1546 = tpu.assume_multiple %squeeze3A_1544, 128 : i32
      %dma_start3A_1547 = arith.constant 0 : i32
      %dma_start3A_1548 = tpu.memref_slice %arg4[%dma_start3A_1547, %multiple_of3A_1545] : memref<16x1000000xf32, #tpu.memory_space<hbm>> -> memref<16x128xf32, #tpu.memory_space<hbm>>
      %dma_start3A_1549 = arith.constant 0 : i32
      %dma_start3A_1550 = tpu.memref_slice %arg4[%dma_start3A_1549, %multiple_of3A_1545] : memref<16x1000000xf32, #tpu.memory_space<hbm>> -> memref<16x128xf32, #tpu.memory_space<hbm>>
      tpu.enqueue_dma source(%dma_start3A_1550 : memref<16x128xf32, #tpu.memory_space<hbm>>) target(%arg23 : memref<16x128xf32, #tpu.memory_space<vmem>>) target_semaphore(%arg55 : memref<!tpu.dma_semaphore, #tpu.memory_space<semaphore_mem>>)
      %dma_start3A_1551 = arith.constant 0 : i32
      %dma_start3A_1552 = tpu.memref_slice %arg5[%dma_start3A_1551, %multiple_of3A_1546] : memref<16x1000000xf32, #tpu.memory_space<hbm>> -> memref<16x128xf32, #tpu.memory_space<hbm>>
      %dma_start3A_1553 = arith.constant 0 : i32
      %dma_start3A_1554 = tpu.memref_slice %arg5[%dma_start3A_1553, %multiple_of3A_1546] : memref<16x1000000xf32, #tpu.memory_space<hbm>> -> memref<16x128xf32, #tpu.memory_space<hbm>>
      tpu.enqueue_dma source(%dma_start3A_1554 : memref<16x128xf32, #tpu.memory_space<hbm>>) target(%arg31 : memref<16x128xf32, #tpu.memory_space<vmem>>) target_semaphore(%arg55 : memref<!tpu.dma_semaphore, #tpu.memory_space<semaphore_mem>>)
      %dma_start3A_1555 = arith.constant 0 : i32
      %dma_start3A_1556 = tpu.memref_slice %arg6[%dma_start3A_1555, %multiple_of3A_1545] : memref<32x1000000xf32, #tpu.memory_space<hbm>> -> memref<32x128xf32, #tpu.memory_space<hbm>>
      %dma_start3A_1557 = arith.constant 0 : i32
      %dma_start3A_1558 = tpu.memref_slice %arg6[%dma_start3A_1557, %multiple_of3A_1545] : memref<32x1000000xf32, #tpu.memory_space<hbm>> -> memref<32x128xf32, #tpu.memory_space<hbm>>
      tpu.enqueue_dma source(%dma_start3A_1558 : memref<32x128xf32, #tpu.memory_space<hbm>>) target(%arg39 : memref<32x128xf32, #tpu.memory_space<vmem>>) target_semaphore(%arg55 : memref<!tpu.dma_semaphore, #tpu.memory_space<semaphore_mem>>)
      %dma_start3A_1559 = arith.constant 0 : i32
      %dma_start3A_1560 = tpu.memref_slice %arg7[%dma_start3A_1559, %multiple_of3A_1546] : memref<32x1000000xf32, #tpu.memory_space<hbm>> -> memref<32x128xf32, #tpu.memory_space<hbm>>
      %dma_start3A_1561 = arith.constant 0 : i32
      %dma_start3A_1562 = tpu.memref_slice %arg7[%dma_start3A_1561, %multiple_of3A_1546] : memref<32x1000000xf32, #tpu.memory_space<hbm>> -> memref<32x128xf32, #tpu.memory_space<hbm>>
      tpu.enqueue_dma source(%dma_start3A_1562 : memref<32x128xf32, #tpu.memory_space<hbm>>) target(%arg47 : memref<32x128xf32, #tpu.memory_space<vmem>>) target_semaphore(%arg55 : memref<!tpu.dma_semaphore, #tpu.memory_space<semaphore_mem>>)
      %dma_wait3A_1563 = arith.constant 0 : i32
      %dma_wait3A_1564 = arith.constant 0 : i32
      %dma_wait3A_1565 = tpu.memref_slice %arg4[%dma_wait3A_1563, %dma_wait3A_1564] : memref<16x1000000xf32, #tpu.memory_space<hbm>> -> memref<16x128xf32, #tpu.memory_space<hbm>>
      %dma_wait3A_1566 = arith.constant 0 : i32
      %dma_wait3A_1567 = arith.constant 0 : i32
      %dma_wait3A_1568 = tpu.memref_slice %arg4[%dma_wait3A_1566, %dma_wait3A_1567] : memref<16x1000000xf32, #tpu.memory_space<hbm>> -> memref<16x128xf32, #tpu.memory_space<hbm>>
      tpu.wait_dma2 semaphore(%arg56 : memref<!tpu.dma_semaphore, #tpu.memory_space<semaphore_mem>>) src(%dma_wait3A_1568 : memref<16x128xf32, #tpu.memory_space<hbm>>) dst(%arg24 : memref<16x128xf32, #tpu.memory_space<vmem>>)
      %dma_wait3A_1569 = arith.constant 0 : i32
      %dma_wait3A_1570 = arith.constant 0 : i32
      %dma_wait3A_1571 = tpu.memref_slice %arg5[%dma_wait3A_1569, %dma_wait3A_1570] : memref<16x1000000xf32, #tpu.memory_space<hbm>> -> memref<16x128xf32, #tpu.memory_space<hbm>>
      %dma_wait3A_1572 = arith.constant 0 : i32
      %dma_wait3A_1573 = arith.constant 0 : i32
      %dma_wait3A_1574 = tpu.memref_slice %arg5[%dma_wait3A_1572, %dma_wait3A_1573] : memref<16x1000000xf32, #tpu.memory_space<hbm>> -> memref<16x128xf32, #tpu.memory_space<hbm>>
      tpu.wait_dma2 semaphore(%arg56 : memref<!tpu.dma_semaphore, #tpu.memory_space<semaphore_mem>>) src(%dma_wait3A_1574 : memref<16x128xf32, #tpu.memory_space<hbm>>) dst(%arg32 : memref<16x128xf32, #tpu.memory_space<vmem>>)
      %dma_wait3A_1575 = arith.constant 0 : i32
      %dma_wait3A_1576 = arith.constant 0 : i32
      %dma_wait3A_1577 = tpu.memref_slice %arg6[%dma_wait3A_1575, %dma_wait3A_1576] : memref<32x1000000xf32, #tpu.memory_space<hbm>> -> memref<32x128xf32, #tpu.memory_space<hbm>>
      %dma_wait3A_1578 = arith.constant 0 : i32
      %dma_wait3A_1579 = arith.constant 0 : i32
      %dma_wait3A_1580 = tpu.memref_slice %arg6[%dma_wait3A_1578, %dma_wait3A_1579] : memref<32x1000000xf32, #tpu.memory_space<hbm>> -> memref<32x128xf32, #tpu.memory_space<hbm>>
      tpu.wait_dma2 semaphore(%arg56 : memref<!tpu.dma_semaphore, #tpu.memory_space<semaphore_mem>>) src(%dma_wait3A_1580 : memref<32x128xf32, #tpu.memory_space<hbm>>) dst(%arg40 : memref<32x128xf32, #tpu.memory_space<vmem>>)
      %dma_wait3A_1581 = arith.constant 0 : i32
      %dma_wait3A_1582 = arith.constant 0 : i32
      %dma_wait3A_1583 = tpu.memref_slice %arg7[%dma_wait3A_1581, %dma_wait3A_1582] : memref<32x1000000xf32, #tpu.memory_space<hbm>> -> memref<32x128xf32, #tpu.memory_space<hbm>>
      %dma_wait3A_1584 = arith.constant 0 : i32
      %dma_wait3A_1585 = arith.constant 0 : i32
      %dma_wait3A_1586 = tpu.memref_slice %arg7[%dma_wait3A_1584, %dma_wait3A_1585] : memref<32x1000000xf32, #tpu.memory_space<hbm>> -> memref<32x128xf32, #tpu.memory_space<hbm>>
      tpu.wait_dma2 semaphore(%arg56 : memref<!tpu.dma_semaphore, #tpu.memory_space<semaphore_mem>>) src(%dma_wait3A_1586 : memref<32x128xf32, #tpu.memory_space<hbm>>) dst(%arg48 : memref<32x128xf32, #tpu.memory_space<vmem>>)
      %mul3A_1587 = arith.constant 16 : i32
      %mul3A_1588 = arith.muli %scan3A_438, %mul3A_1587 : i32
      %add3A_1589 = arith.constant 14 : i32
      %add3A_1590 = arith.addi %mul3A_1588, %add3A_1589 : i32
      %and3A_1591 = arith.constant 255 : i32
      %and3A_1592 = arith.andi %add3A_1590, %and3A_1591 : i32
      %broadcast_in_dim3A_1593 = vector.broadcast %and3A_1592 : i32 to vector<16xi32>
      %slice3A_1594 = vector.extract_strided_slice %and3A_483 {offsets = [14], sizes = [1], strides = [1]} : vector<16xi32> to vector<1xi32>
      %squeeze3A_1595 = vector.extract %slice3A_1594[0] : i32 from vector<1xi32>
      %broadcast_in_dim3A_1596 = vector.broadcast %squeeze3A_1595 : i32 to vector<16xi32>
      %slice3A_1597 = vector.extract_strided_slice %and3A_486 {offsets = [14], sizes = [1], strides = [1]} : vector<16xi32> to vector<1xi32>
      %squeeze3A_1598 = vector.extract %slice3A_1597[0] : i32 from vector<1xi32>
      %broadcast_in_dim3A_1599 = vector.broadcast %squeeze3A_1598 : i32 to vector<16xi32>
      %gather3A_1600 = tpu.vector_load_idx %arg24[%iota3A, %broadcast_in_dim3A_1596] : memref<16x128xf32, #tpu.memory_space<vmem>>[vector<16xi32>, vector<16xi32>], vector<16xf32>,
      tpu.vector_store_idx %arg14[%iota3A, %broadcast_in_dim3A_1593], %gather3A_1600 : memref<16x256xf32, #tpu.memory_space<vmem>>[vector<16xi32>, vector<16xi32>], vector<16xf32>,
      %gather3A_1601 = tpu.vector_load_idx %arg32[%iota3A, %broadcast_in_dim3A_1599] : memref<16x128xf32, #tpu.memory_space<vmem>>[vector<16xi32>, vector<16xi32>], vector<16xf32>,
      tpu.vector_store_idx %arg15[%iota3A, %broadcast_in_dim3A_1593], %gather3A_1601 : memref<16x256xf32, #tpu.memory_space<vmem>>[vector<16xi32>, vector<16xi32>], vector<16xf32>,
      %gather3A_1602 = tpu.vector_load_idx %arg40[%iota3A, %broadcast_in_dim3A_1596] : memref<32x128xf32, #tpu.memory_space<vmem>>[vector<16xi32>, vector<16xi32>], vector<16xf32>,
      tpu.vector_store_idx %arg16[%iota3A, %broadcast_in_dim3A_1593], %gather3A_1602 : memref<32x256xf32, #tpu.memory_space<vmem>>[vector<16xi32>, vector<16xi32>], vector<16xf32>,
      %add3A_1603 = arith.constant 16 : i32
      %add3A_1604 = vector.broadcast %add3A_1603 : i32 to vector<16xi32>
      %add3A_1605 = arith.addi %iota3A, %add3A_1604 : vector<16xi32>
      %add3A_1606 = arith.constant 16 : i32
      %add3A_1607 = vector.broadcast %add3A_1606 : i32 to vector<16xi32>
      %add3A_1608 = arith.addi %iota3A, %add3A_1607 : vector<16xi32>
      %gather3A_1609 = tpu.vector_load_idx %arg40[%add3A_1608, %broadcast_in_dim3A_1596] : memref<32x128xf32, #tpu.memory_space<vmem>>[vector<16xi32>, vector<16xi32>], vector<16xf32>,
      tpu.vector_store_idx %arg16[%add3A_1605, %broadcast_in_dim3A_1593], %gather3A_1609 : memref<32x256xf32, #tpu.memory_space<vmem>>[vector<16xi32>, vector<16xi32>], vector<16xf32>,
      %gather3A_1610 = tpu.vector_load_idx %arg48[%iota3A, %broadcast_in_dim3A_1599] : memref<32x128xf32, #tpu.memory_space<vmem>>[vector<16xi32>, vector<16xi32>], vector<16xf32>,
      tpu.vector_store_idx %arg17[%iota3A, %broadcast_in_dim3A_1593], %gather3A_1610 : memref<32x256xf32, #tpu.memory_space<vmem>>[vector<16xi32>, vector<16xi32>], vector<16xf32>,
      %add3A_1611 = arith.constant 16 : i32
      %add3A_1612 = vector.broadcast %add3A_1611 : i32 to vector<16xi32>
      %add3A_1613 = arith.addi %iota3A, %add3A_1612 : vector<16xi32>
      %add3A_1614 = arith.constant 16 : i32
      %add3A_1615 = vector.broadcast %add3A_1614 : i32 to vector<16xi32>
      %add3A_1616 = arith.addi %iota3A, %add3A_1615 : vector<16xi32>
      %gather3A_1617 = tpu.vector_load_idx %arg48[%add3A_1616, %broadcast_in_dim3A_1599] : memref<32x128xf32, #tpu.memory_space<vmem>>[vector<16xi32>, vector<16xi32>], vector<16xf32>,
      tpu.vector_store_idx %arg17[%add3A_1613, %broadcast_in_dim3A_1593], %gather3A_1617 : memref<32x256xf32, #tpu.memory_space<vmem>>[vector<16xi32>, vector<16xi32>], vector<16xf32>,
      %slice3A_1618 = vector.extract_strided_slice %shift_left3A_475 {offsets = [6], sizes = [1], strides = [1]} : vector<16xi32> to vector<1xi32>
      %squeeze3A_1619 = vector.extract %slice3A_1618[0] : i32 from vector<1xi32>
      %slice3A_1620 = vector.extract_strided_slice %shift_left3A_481 {offsets = [6], sizes = [1], strides = [1]} : vector<16xi32> to vector<1xi32>
      %squeeze3A_1621 = vector.extract %slice3A_1620[0] : i32 from vector<1xi32>
      %multiple_of3A_1622 = tpu.assume_multiple %squeeze3A_1619, 128 : i32
      %multiple_of3A_1623 = tpu.assume_multiple %squeeze3A_1621, 128 : i32
      %dma_start3A_1624 = arith.constant 0 : i32
      %dma_start3A_1625 = tpu.memref_slice %arg4[%dma_start3A_1624, %multiple_of3A_1622] : memref<16x1000000xf32, #tpu.memory_space<hbm>> -> memref<16x128xf32, #tpu.memory_space<hbm>>
      %dma_start3A_1626 = arith.constant 0 : i32
      %dma_start3A_1627 = tpu.memref_slice %arg4[%dma_start3A_1626, %multiple_of3A_1622] : memref<16x1000000xf32, #tpu.memory_space<hbm>> -> memref<16x128xf32, #tpu.memory_space<hbm>>
      tpu.enqueue_dma source(%dma_start3A_1627 : memref<16x128xf32, #tpu.memory_space<hbm>>) target(%arg24 : memref<16x128xf32, #tpu.memory_space<vmem>>) target_semaphore(%arg56 : memref<!tpu.dma_semaphore, #tpu.memory_space<semaphore_mem>>)
      %dma_start3A_1628 = arith.constant 0 : i32
      %dma_start3A_1629 = tpu.memref_slice %arg5[%dma_start3A_1628, %multiple_of3A_1623] : memref<16x1000000xf32, #tpu.memory_space<hbm>> -> memref<16x128xf32, #tpu.memory_space<hbm>>
      %dma_start3A_1630 = arith.constant 0 : i32
      %dma_start3A_1631 = tpu.memref_slice %arg5[%dma_start3A_1630, %multiple_of3A_1623] : memref<16x1000000xf32, #tpu.memory_space<hbm>> -> memref<16x128xf32, #tpu.memory_space<hbm>>
      tpu.enqueue_dma source(%dma_start3A_1631 : memref<16x128xf32, #tpu.memory_space<hbm>>) target(%arg32 : memref<16x128xf32, #tpu.memory_space<vmem>>) target_semaphore(%arg56 : memref<!tpu.dma_semaphore, #tpu.memory_space<semaphore_mem>>)
      %dma_start3A_1632 = arith.constant 0 : i32
      %dma_start3A_1633 = tpu.memref_slice %arg6[%dma_start3A_1632, %multiple_of3A_1622] : memref<32x1000000xf32, #tpu.memory_space<hbm>> -> memref<32x128xf32, #tpu.memory_space<hbm>>
      %dma_start3A_1634 = arith.constant 0 : i32
      %dma_start3A_1635 = tpu.memref_slice %arg6[%dma_start3A_1634, %multiple_of3A_1622] : memref<32x1000000xf32, #tpu.memory_space<hbm>> -> memref<32x128xf32, #tpu.memory_space<hbm>>
      tpu.enqueue_dma source(%dma_start3A_1635 : memref<32x128xf32, #tpu.memory_space<hbm>>) target(%arg40 : memref<32x128xf32, #tpu.memory_space<vmem>>) target_semaphore(%arg56 : memref<!tpu.dma_semaphore, #tpu.memory_space<semaphore_mem>>)
      %dma_start3A_1636 = arith.constant 0 : i32
      %dma_start3A_1637 = tpu.memref_slice %arg7[%dma_start3A_1636, %multiple_of3A_1623] : memref<32x1000000xf32, #tpu.memory_space<hbm>> -> memref<32x128xf32, #tpu.memory_space<hbm>>
      %dma_start3A_1638 = arith.constant 0 : i32
      %dma_start3A_1639 = tpu.memref_slice %arg7[%dma_start3A_1638, %multiple_of3A_1623] : memref<32x1000000xf32, #tpu.memory_space<hbm>> -> memref<32x128xf32, #tpu.memory_space<hbm>>
      tpu.enqueue_dma source(%dma_start3A_1639 : memref<32x128xf32, #tpu.memory_space<hbm>>) target(%arg48 : memref<32x128xf32, #tpu.memory_space<vmem>>) target_semaphore(%arg56 : memref<!tpu.dma_semaphore, #tpu.memory_space<semaphore_mem>>)
      %dma_wait3A_1640 = arith.constant 0 : i32
      %dma_wait3A_1641 = arith.constant 0 : i32
      %dma_wait3A_1642 = tpu.memref_slice %arg4[%dma_wait3A_1640, %dma_wait3A_1641] : memref<16x1000000xf32, #tpu.memory_space<hbm>> -> memref<16x128xf32, #tpu.memory_space<hbm>>
      %dma_wait3A_1643 = arith.constant 0 : i32
      %dma_wait3A_1644 = arith.constant 0 : i32
      %dma_wait3A_1645 = tpu.memref_slice %arg4[%dma_wait3A_1643, %dma_wait3A_1644] : memref<16x1000000xf32, #tpu.memory_space<hbm>> -> memref<16x128xf32, #tpu.memory_space<hbm>>
      tpu.wait_dma2 semaphore(%arg57 : memref<!tpu.dma_semaphore, #tpu.memory_space<semaphore_mem>>) src(%dma_wait3A_1645 : memref<16x128xf32, #tpu.memory_space<hbm>>) dst(%arg25 : memref<16x128xf32, #tpu.memory_space<vmem>>)
      %dma_wait3A_1646 = arith.constant 0 : i32
      %dma_wait3A_1647 = arith.constant 0 : i32
      %dma_wait3A_1648 = tpu.memref_slice %arg5[%dma_wait3A_1646, %dma_wait3A_1647] : memref<16x1000000xf32, #tpu.memory_space<hbm>> -> memref<16x128xf32, #tpu.memory_space<hbm>>
      %dma_wait3A_1649 = arith.constant 0 : i32
      %dma_wait3A_1650 = arith.constant 0 : i32
      %dma_wait3A_1651 = tpu.memref_slice %arg5[%dma_wait3A_1649, %dma_wait3A_1650] : memref<16x1000000xf32, #tpu.memory_space<hbm>> -> memref<16x128xf32, #tpu.memory_space<hbm>>
      tpu.wait_dma2 semaphore(%arg57 : memref<!tpu.dma_semaphore, #tpu.memory_space<semaphore_mem>>) src(%dma_wait3A_1651 : memref<16x128xf32, #tpu.memory_space<hbm>>) dst(%arg33 : memref<16x128xf32, #tpu.memory_space<vmem>>)
      %dma_wait3A_1652 = arith.constant 0 : i32
      %dma_wait3A_1653 = arith.constant 0 : i32
      %dma_wait3A_1654 = tpu.memref_slice %arg6[%dma_wait3A_1652, %dma_wait3A_1653] : memref<32x1000000xf32, #tpu.memory_space<hbm>> -> memref<32x128xf32, #tpu.memory_space<hbm>>
      %dma_wait3A_1655 = arith.constant 0 : i32
      %dma_wait3A_1656 = arith.constant 0 : i32
      %dma_wait3A_1657 = tpu.memref_slice %arg6[%dma_wait3A_1655, %dma_wait3A_1656] : memref<32x1000000xf32, #tpu.memory_space<hbm>> -> memref<32x128xf32, #tpu.memory_space<hbm>>
      tpu.wait_dma2 semaphore(%arg57 : memref<!tpu.dma_semaphore, #tpu.memory_space<semaphore_mem>>) src(%dma_wait3A_1657 : memref<32x128xf32, #tpu.memory_space<hbm>>) dst(%arg41 : memref<32x128xf32, #tpu.memory_space<vmem>>)
      %dma_wait3A_1658 = arith.constant 0 : i32
      %dma_wait3A_1659 = arith.constant 0 : i32
      %dma_wait3A_1660 = tpu.memref_slice %arg7[%dma_wait3A_1658, %dma_wait3A_1659] : memref<32x1000000xf32, #tpu.memory_space<hbm>> -> memref<32x128xf32, #tpu.memory_space<hbm>>
      %dma_wait3A_1661 = arith.constant 0 : i32
      %dma_wait3A_1662 = arith.constant 0 : i32
      %dma_wait3A_1663 = tpu.memref_slice %arg7[%dma_wait3A_1661, %dma_wait3A_1662] : memref<32x1000000xf32, #tpu.memory_space<hbm>> -> memref<32x128xf32, #tpu.memory_space<hbm>>
      tpu.wait_dma2 semaphore(%arg57 : memref<!tpu.dma_semaphore, #tpu.memory_space<semaphore_mem>>) src(%dma_wait3A_1663 : memref<32x128xf32, #tpu.memory_space<hbm>>) dst(%arg49 : memref<32x128xf32, #tpu.memory_space<vmem>>)
      %mul3A_1664 = arith.constant 16 : i32
      %mul3A_1665 = arith.muli %scan3A_438, %mul3A_1664 : i32
      %add3A_1666 = arith.constant 15 : i32
      %add3A_1667 = arith.addi %mul3A_1665, %add3A_1666 : i32
      %and3A_1668 = arith.constant 255 : i32
      %and3A_1669 = arith.andi %add3A_1667, %and3A_1668 : i32
      %broadcast_in_dim3A_1670 = vector.broadcast %and3A_1669 : i32 to vector<16xi32>
      %slice3A_1671 = vector.extract_strided_slice %and3A_483 {offsets = [15], sizes = [1], strides = [1]} : vector<16xi32> to vector<1xi32>
      %squeeze3A_1672 = vector.extract %slice3A_1671[0] : i32 from vector<1xi32>
      %broadcast_in_dim3A_1673 = vector.broadcast %squeeze3A_1672 : i32 to vector<16xi32>
      %slice3A_1674 = vector.extract_strided_slice %and3A_486 {offsets = [15], sizes = [1], strides = [1]} : vector<16xi32> to vector<1xi32>
      %squeeze3A_1675 = vector.extract %slice3A_1674[0] : i32 from vector<1xi32>
      %broadcast_in_dim3A_1676 = vector.broadcast %squeeze3A_1675 : i32 to vector<16xi32>
      %gather3A_1677 = tpu.vector_load_idx %arg25[%iota3A, %broadcast_in_dim3A_1673] : memref<16x128xf32, #tpu.memory_space<vmem>>[vector<16xi32>, vector<16xi32>], vector<16xf32>,
      tpu.vector_store_idx %arg14[%iota3A, %broadcast_in_dim3A_1670], %gather3A_1677 : memref<16x256xf32, #tpu.memory_space<vmem>>[vector<16xi32>, vector<16xi32>], vector<16xf32>,
      %gather3A_1678 = tpu.vector_load_idx %arg33[%iota3A, %broadcast_in_dim3A_1676] : memref<16x128xf32, #tpu.memory_space<vmem>>[vector<16xi32>, vector<16xi32>], vector<16xf32>,
      tpu.vector_store_idx %arg15[%iota3A, %broadcast_in_dim3A_1670], %gather3A_1678 : memref<16x256xf32, #tpu.memory_space<vmem>>[vector<16xi32>, vector<16xi32>], vector<16xf32>,
      %gather3A_1679 = tpu.vector_load_idx %arg41[%iota3A, %broadcast_in_dim3A_1673] : memref<32x128xf32, #tpu.memory_space<vmem>>[vector<16xi32>, vector<16xi32>], vector<16xf32>,
      tpu.vector_store_idx %arg16[%iota3A, %broadcast_in_dim3A_1670], %gather3A_1679 : memref<32x256xf32, #tpu.memory_space<vmem>>[vector<16xi32>, vector<16xi32>], vector<16xf32>,
      %add3A_1680 = arith.constant 16 : i32
      %add3A_1681 = vector.broadcast %add3A_1680 : i32 to vector<16xi32>
      %add3A_1682 = arith.addi %iota3A, %add3A_1681 : vector<16xi32>
      %add3A_1683 = arith.constant 16 : i32
      %add3A_1684 = vector.broadcast %add3A_1683 : i32 to vector<16xi32>
      %add3A_1685 = arith.addi %iota3A, %add3A_1684 : vector<16xi32>
      %gather3A_1686 = tpu.vector_load_idx %arg41[%add3A_1685, %broadcast_in_dim3A_1673] : memref<32x128xf32, #tpu.memory_space<vmem>>[vector<16xi32>, vector<16xi32>], vector<16xf32>,
      tpu.vector_store_idx %arg16[%add3A_1682, %broadcast_in_dim3A_1670], %gather3A_1686 : memref<32x256xf32, #tpu.memory_space<vmem>>[vector<16xi32>, vector<16xi32>], vector<16xf32>,
      %gather3A_1687 = tpu.vector_load_idx %arg49[%iota3A, %broadcast_in_dim3A_1676] : memref<32x128xf32, #tpu.memory_space<vmem>>[vector<16xi32>, vector<16xi32>], vector<16xf32>,
      tpu.vector_store_idx %arg17[%iota3A, %broadcast_in_dim3A_1670], %gather3A_1687 : memref<32x256xf32, #tpu.memory_space<vmem>>[vector<16xi32>, vector<16xi32>], vector<16xf32>,
      %add3A_1688 = arith.constant 16 : i32
      %add3A_1689 = vector.broadcast %add3A_1688 : i32 to vector<16xi32>
      %add3A_1690 = arith.addi %iota3A, %add3A_1689 : vector<16xi32>
      %add3A_1691 = arith.constant 16 : i32
      %add3A_1692 = vector.broadcast %add3A_1691 : i32 to vector<16xi32>
      %add3A_1693 = arith.addi %iota3A, %add3A_1692 : vector<16xi32>
      %gather3A_1694 = tpu.vector_load_idx %arg49[%add3A_1693, %broadcast_in_dim3A_1676] : memref<32x128xf32, #tpu.memory_space<vmem>>[vector<16xi32>, vector<16xi32>], vector<16xf32>,
      tpu.vector_store_idx %arg17[%add3A_1690, %broadcast_in_dim3A_1670], %gather3A_1694 : memref<32x256xf32, #tpu.memory_space<vmem>>[vector<16xi32>, vector<16xi32>], vector<16xf32>,
      %slice3A_1695 = vector.extract_strided_slice %shift_left3A_475 {offsets = [7], sizes = [1], strides = [1]} : vector<16xi32> to vector<1xi32>
      %squeeze3A_1696 = vector.extract %slice3A_1695[0] : i32 from vector<1xi32>
      %slice3A_1697 = vector.extract_strided_slice %shift_left3A_481 {offsets = [7], sizes = [1], strides = [1]} : vector<16xi32> to vector<1xi32>
      %squeeze3A_1698 = vector.extract %slice3A_1697[0] : i32 from vector<1xi32>
      %multiple_of3A_1699 = tpu.assume_multiple %squeeze3A_1696, 128 : i32
      %multiple_of3A_1700 = tpu.assume_multiple %squeeze3A_1698, 128 : i32
      %dma_start3A_1701 = arith.constant 0 : i32
      %dma_start3A_1702 = tpu.memref_slice %arg4[%dma_start3A_1701, %multiple_of3A_1699] : memref<16x1000000xf32, #tpu.memory_space<hbm>> -> memref<16x128xf32, #tpu.memory_space<hbm>>
      %dma_start3A_1703 = arith.constant 0 : i32
      %dma_start3A_1704 = tpu.memref_slice %arg4[%dma_start3A_1703, %multiple_of3A_1699] : memref<16x1000000xf32, #tpu.memory_space<hbm>> -> memref<16x128xf32, #tpu.memory_space<hbm>>
      tpu.enqueue_dma source(%dma_start3A_1704 : memref<16x128xf32, #tpu.memory_space<hbm>>) target(%arg25 : memref<16x128xf32, #tpu.memory_space<vmem>>) target_semaphore(%arg57 : memref<!tpu.dma_semaphore, #tpu.memory_space<semaphore_mem>>)
      %dma_start3A_1705 = arith.constant 0 : i32
      %dma_start3A_1706 = tpu.memref_slice %arg5[%dma_start3A_1705, %multiple_of3A_1700] : memref<16x1000000xf32, #tpu.memory_space<hbm>> -> memref<16x128xf32, #tpu.memory_space<hbm>>
      %dma_start3A_1707 = arith.constant 0 : i32
      %dma_start3A_1708 = tpu.memref_slice %arg5[%dma_start3A_1707, %multiple_of3A_1700] : memref<16x1000000xf32, #tpu.memory_space<hbm>> -> memref<16x128xf32, #tpu.memory_space<hbm>>
      tpu.enqueue_dma source(%dma_start3A_1708 : memref<16x128xf32, #tpu.memory_space<hbm>>) target(%arg33 : memref<16x128xf32, #tpu.memory_space<vmem>>) target_semaphore(%arg57 : memref<!tpu.dma_semaphore, #tpu.memory_space<semaphore_mem>>)
      %dma_start3A_1709 = arith.constant 0 : i32
      %dma_start3A_1710 = tpu.memref_slice %arg6[%dma_start3A_1709, %multiple_of3A_1699] : memref<32x1000000xf32, #tpu.memory_space<hbm>> -> memref<32x128xf32, #tpu.memory_space<hbm>>
      %dma_start3A_1711 = arith.constant 0 : i32
      %dma_start3A_1712 = tpu.memref_slice %arg6[%dma_start3A_1711, %multiple_of3A_1699] : memref<32x1000000xf32, #tpu.memory_space<hbm>> -> memref<32x128xf32, #tpu.memory_space<hbm>>
      tpu.enqueue_dma source(%dma_start3A_1712 : memref<32x128xf32, #tpu.memory_space<hbm>>) target(%arg41 : memref<32x128xf32, #tpu.memory_space<vmem>>) target_semaphore(%arg57 : memref<!tpu.dma_semaphore, #tpu.memory_space<semaphore_mem>>)
      %dma_start3A_1713 = arith.constant 0 : i32
      %dma_start3A_1714 = tpu.memref_slice %arg7[%dma_start3A_1713, %multiple_of3A_1700] : memref<32x1000000xf32, #tpu.memory_space<hbm>> -> memref<32x128xf32, #tpu.memory_space<hbm>>
      %dma_start3A_1715 = arith.constant 0 : i32
      %dma_start3A_1716 = tpu.memref_slice %arg7[%dma_start3A_1715, %multiple_of3A_1700] : memref<32x1000000xf32, #tpu.memory_space<hbm>> -> memref<32x128xf32, #tpu.memory_space<hbm>>
      tpu.enqueue_dma source(%dma_start3A_1716 : memref<32x128xf32, #tpu.memory_space<hbm>>) target(%arg49 : memref<32x128xf32, #tpu.memory_space<vmem>>) target_semaphore(%arg57 : memref<!tpu.dma_semaphore, #tpu.memory_space<semaphore_mem>>)
      %eq3A = arith.constant 15 : i32
      %eq3A_1717 = arith.cmpi eq, %scan3A_438, %eq3A : i32
      %convert_element_type3A = arith.extui %eq3A_1717 : i1 to i32
      %cond3A = arith.constant 0 : i32
      %cond3A_1718 = arith.cmpi ne, %convert_element_type3A, %cond3A : i32
      scf.if %cond3A_1718 {
        "tpu.region"() ({
          %run_scoped3A = tpu.sem_alloc : memref<!tpu.dma_semaphore, #tpu.memory_space<semaphore_mem>>
          %dma_start3A_1719 = arith.constant 0 : i32
          %dma_start3A_1720 = tpu.memref_slice %arg8[%dma_start3A_1719, %mul3A_2] : memref<16x16384xf32, #tpu.memory_space<hbm>> -> memref<16x256xf32, #tpu.memory_space<hbm>>
          %dma_start3A_1721 = arith.constant 0 : i32
          %dma_start3A_1722 = tpu.memref_slice %arg8[%dma_start3A_1721, %mul3A_2] : memref<16x16384xf32, #tpu.memory_space<hbm>> -> memref<16x256xf32, #tpu.memory_space<hbm>>
          tpu.enqueue_dma source(%arg14 : memref<16x256xf32, #tpu.memory_space<vmem>>) target(%dma_start3A_1722 : memref<16x256xf32, #tpu.memory_space<hbm>>) target_semaphore(%run_scoped3A : memref<!tpu.dma_semaphore, #tpu.memory_space<semaphore_mem>>)
          %dma_wait3A_1723 = arith.constant 0 : i32
          %dma_wait3A_1724 = tpu.memref_slice %arg8[%dma_wait3A_1723, %mul3A_2] : memref<16x16384xf32, #tpu.memory_space<hbm>> -> memref<16x256xf32, #tpu.memory_space<hbm>>
          %dma_wait3A_1725 = arith.constant 0 : i32
          %dma_wait3A_1726 = tpu.memref_slice %arg8[%dma_wait3A_1725, %mul3A_2] : memref<16x16384xf32, #tpu.memory_space<hbm>> -> memref<16x256xf32, #tpu.memory_space<hbm>>
          tpu.wait_dma2 semaphore(%run_scoped3A : memref<!tpu.dma_semaphore, #tpu.memory_space<semaphore_mem>>) src(%arg14 : memref<16x256xf32, #tpu.memory_space<vmem>>) dst(%dma_wait3A_1726 : memref<16x256xf32, #tpu.memory_space<hbm>>)
          tpu.yield
        }) : () -> ()
        "tpu.region"() ({
          %run_scoped3A = tpu.sem_alloc : memref<!tpu.dma_semaphore, #tpu.memory_space<semaphore_mem>>
          %dma_start3A_1719 = arith.constant 0 : i32
          %dma_start3A_1720 = tpu.memref_slice %arg9[%dma_start3A_1719, %mul3A_2] : memref<16x16384xf32, #tpu.memory_space<hbm>> -> memref<16x256xf32, #tpu.memory_space<hbm>>
          %dma_start3A_1721 = arith.constant 0 : i32
          %dma_start3A_1722 = tpu.memref_slice %arg9[%dma_start3A_1721, %mul3A_2] : memref<16x16384xf32, #tpu.memory_space<hbm>> -> memref<16x256xf32, #tpu.memory_space<hbm>>
          tpu.enqueue_dma source(%arg15 : memref<16x256xf32, #tpu.memory_space<vmem>>) target(%dma_start3A_1722 : memref<16x256xf32, #tpu.memory_space<hbm>>) target_semaphore(%run_scoped3A : memref<!tpu.dma_semaphore, #tpu.memory_space<semaphore_mem>>)
          %dma_wait3A_1723 = arith.constant 0 : i32
          %dma_wait3A_1724 = tpu.memref_slice %arg9[%dma_wait3A_1723, %mul3A_2] : memref<16x16384xf32, #tpu.memory_space<hbm>> -> memref<16x256xf32, #tpu.memory_space<hbm>>
          %dma_wait3A_1725 = arith.constant 0 : i32
          %dma_wait3A_1726 = tpu.memref_slice %arg9[%dma_wait3A_1725, %mul3A_2] : memref<16x16384xf32, #tpu.memory_space<hbm>> -> memref<16x256xf32, #tpu.memory_space<hbm>>
          tpu.wait_dma2 semaphore(%run_scoped3A : memref<!tpu.dma_semaphore, #tpu.memory_space<semaphore_mem>>) src(%arg15 : memref<16x256xf32, #tpu.memory_space<vmem>>) dst(%dma_wait3A_1726 : memref<16x256xf32, #tpu.memory_space<hbm>>)
          tpu.yield
        }) : () -> ()
        "tpu.region"() ({
          %run_scoped3A = tpu.sem_alloc : memref<!tpu.dma_semaphore, #tpu.memory_space<semaphore_mem>>
          %dma_start3A_1719 = arith.constant 0 : i32
          %dma_start3A_1720 = tpu.memref_slice %arg10[%dma_start3A_1719, %mul3A_2] : memref<32x16384xf32, #tpu.memory_space<hbm>> -> memref<32x256xf32, #tpu.memory_space<hbm>>
          %dma_start3A_1721 = arith.constant 0 : i32
          %dma_start3A_1722 = tpu.memref_slice %arg10[%dma_start3A_1721, %mul3A_2] : memref<32x16384xf32, #tpu.memory_space<hbm>> -> memref<32x256xf32, #tpu.memory_space<hbm>>
          tpu.enqueue_dma source(%arg16 : memref<32x256xf32, #tpu.memory_space<vmem>>) target(%dma_start3A_1722 : memref<32x256xf32, #tpu.memory_space<hbm>>) target_semaphore(%run_scoped3A : memref<!tpu.dma_semaphore, #tpu.memory_space<semaphore_mem>>)
          %dma_wait3A_1723 = arith.constant 0 : i32
          %dma_wait3A_1724 = tpu.memref_slice %arg10[%dma_wait3A_1723, %mul3A_2] : memref<32x16384xf32, #tpu.memory_space<hbm>> -> memref<32x256xf32, #tpu.memory_space<hbm>>
          %dma_wait3A_1725 = arith.constant 0 : i32
          %dma_wait3A_1726 = tpu.memref_slice %arg10[%dma_wait3A_1725, %mul3A_2] : memref<32x16384xf32, #tpu.memory_space<hbm>> -> memref<32x256xf32, #tpu.memory_space<hbm>>
          tpu.wait_dma2 semaphore(%run_scoped3A : memref<!tpu.dma_semaphore, #tpu.memory_space<semaphore_mem>>) src(%arg16 : memref<32x256xf32, #tpu.memory_space<vmem>>) dst(%dma_wait3A_1726 : memref<32x256xf32, #tpu.memory_space<hbm>>)
          tpu.yield
        }) : () -> ()
        "tpu.region"() ({
          %run_scoped3A = tpu.sem_alloc : memref<!tpu.dma_semaphore, #tpu.memory_space<semaphore_mem>>
          %dma_start3A_1719 = arith.constant 0 : i32
          %dma_start3A_1720 = tpu.memref_slice %arg11[%dma_start3A_1719, %mul3A_2] : memref<32x16384xf32, #tpu.memory_space<hbm>> -> memref<32x256xf32, #tpu.memory_space<hbm>>
          %dma_start3A_1721 = arith.constant 0 : i32
          %dma_start3A_1722 = tpu.memref_slice %arg11[%dma_start3A_1721, %mul3A_2] : memref<32x16384xf32, #tpu.memory_space<hbm>> -> memref<32x256xf32, #tpu.memory_space<hbm>>
          tpu.enqueue_dma source(%arg17 : memref<32x256xf32, #tpu.memory_space<vmem>>) target(%dma_start3A_1722 : memref<32x256xf32, #tpu.memory_space<hbm>>) target_semaphore(%run_scoped3A : memref<!tpu.dma_semaphore, #tpu.memory_space<semaphore_mem>>)
          %dma_wait3A_1723 = arith.constant 0 : i32
          %dma_wait3A_1724 = tpu.memref_slice %arg11[%dma_wait3A_1723, %mul3A_2] : memref<32x16384xf32, #tpu.memory_space<hbm>> -> memref<32x256xf32, #tpu.memory_space<hbm>>
          %dma_wait3A_1725 = arith.constant 0 : i32
          %dma_wait3A_1726 = tpu.memref_slice %arg11[%dma_wait3A_1725, %mul3A_2] : memref<32x16384xf32, #tpu.memory_space<hbm>> -> memref<32x256xf32, #tpu.memory_space<hbm>>
          tpu.wait_dma2 semaphore(%run_scoped3A : memref<!tpu.dma_semaphore, #tpu.memory_space<semaphore_mem>>) src(%arg17 : memref<32x256xf32, #tpu.memory_space<vmem>>) dst(%dma_wait3A_1726 : memref<32x256xf32, #tpu.memory_space<hbm>>)
          tpu.yield
        }) : () -> ()
      } else {
      }
    }
    %scan3A_244 = arith.constant 32 : i32
    %dma_wait3A = arith.constant 0 : i32
    %dma_wait3A_245 = arith.constant 0 : i32
    %dma_wait3A_246 = tpu.memref_slice %arg4[%dma_wait3A, %dma_wait3A_245] : memref<16x1000000xf32, #tpu.memory_space<hbm>> -> memref<16x128xf32, #tpu.memory_space<hbm>>
    %dma_wait3A_247 = arith.constant 0 : i32
    %dma_wait3A_248 = arith.constant 0 : i32
    %dma_wait3A_249 = tpu.memref_slice %arg4[%dma_wait3A_247, %dma_wait3A_248] : memref<16x1000000xf32, #tpu.memory_space<hbm>> -> memref<16x128xf32, #tpu.memory_space<hbm>>
    tpu.wait_dma2 semaphore(%arg50 : memref<!tpu.dma_semaphore, #tpu.memory_space<semaphore_mem>>) src(%dma_wait3A_249 : memref<16x128xf32, #tpu.memory_space<hbm>>) dst(%arg18 : memref<16x128xf32, #tpu.memory_space<vmem>>)
    %dma_wait3A_250 = arith.constant 0 : i32
    %dma_wait3A_251 = arith.constant 0 : i32
    %dma_wait3A_252 = tpu.memref_slice %arg5[%dma_wait3A_250, %dma_wait3A_251] : memref<16x1000000xf32, #tpu.memory_space<hbm>> -> memref<16x128xf32, #tpu.memory_space<hbm>>
    %dma_wait3A_253 = arith.constant 0 : i32
    %dma_wait3A_254 = arith.constant 0 : i32
    %dma_wait3A_255 = tpu.memref_slice %arg5[%dma_wait3A_253, %dma_wait3A_254] : memref<16x1000000xf32, #tpu.memory_space<hbm>> -> memref<16x128xf32, #tpu.memory_space<hbm>>
    tpu.wait_dma2 semaphore(%arg50 : memref<!tpu.dma_semaphore, #tpu.memory_space<semaphore_mem>>) src(%dma_wait3A_255 : memref<16x128xf32, #tpu.memory_space<hbm>>) dst(%arg26 : memref<16x128xf32, #tpu.memory_space<vmem>>)
    %dma_wait3A_256 = arith.constant 0 : i32
    %dma_wait3A_257 = arith.constant 0 : i32
    %dma_wait3A_258 = tpu.memref_slice %arg6[%dma_wait3A_256, %dma_wait3A_257] : memref<32x1000000xf32, #tpu.memory_space<hbm>> -> memref<32x128xf32, #tpu.memory_space<hbm>>
    %dma_wait3A_259 = arith.constant 0 : i32
    %dma_wait3A_260 = arith.constant 0 : i32
    %dma_wait3A_261 = tpu.memref_slice %arg6[%dma_wait3A_259, %dma_wait3A_260] : memref<32x1000000xf32, #tpu.memory_space<hbm>> -> memref<32x128xf32, #tpu.memory_space<hbm>>
    tpu.wait_dma2 semaphore(%arg50 : memref<!tpu.dma_semaphore, #tpu.memory_space<semaphore_mem>>) src(%dma_wait3A_261 : memref<32x128xf32, #tpu.memory_space<hbm>>) dst(%arg34 : memref<32x128xf32, #tpu.memory_space<vmem>>)
    %dma_wait3A_262 = arith.constant 0 : i32
    %dma_wait3A_263 = arith.constant 0 : i32
    %dma_wait3A_264 = tpu.memref_slice %arg7[%dma_wait3A_262, %dma_wait3A_263] : memref<32x1000000xf32, #tpu.memory_space<hbm>> -> memref<32x128xf32, #tpu.memory_space<hbm>>
    %dma_wait3A_265 = arith.constant 0 : i32
    %dma_wait3A_266 = arith.constant 0 : i32
    %dma_wait3A_267 = tpu.memref_slice %arg7[%dma_wait3A_265, %dma_wait3A_266] : memref<32x1000000xf32, #tpu.memory_space<hbm>> -> memref<32x128xf32, #tpu.memory_space<hbm>>
    tpu.wait_dma2 semaphore(%arg50 : memref<!tpu.dma_semaphore, #tpu.memory_space<semaphore_mem>>) src(%dma_wait3A_267 : memref<32x128xf32, #tpu.memory_space<hbm>>) dst(%arg42 : memref<32x128xf32, #tpu.memory_space<vmem>>)
    %dma_wait3A_268 = arith.constant 0 : i32
    %dma_wait3A_269 = arith.constant 0 : i32
    %dma_wait3A_270 = tpu.memref_slice %arg4[%dma_wait3A_268, %dma_wait3A_269] : memref<16x1000000xf32, #tpu.memory_space<hbm>> -> memref<16x128xf32, #tpu.memory_space<hbm>>
    %dma_wait3A_271 = arith.constant 0 : i32
    %dma_wait3A_272 = arith.constant 0 : i32
    %dma_wait3A_273 = tpu.memref_slice %arg4[%dma_wait3A_271, %dma_wait3A_272] : memref<16x1000000xf32, #tpu.memory_space<hbm>> -> memref<16x128xf32, #tpu.memory_space<hbm>>
    tpu.wait_dma2 semaphore(%arg51 : memref<!tpu.dma_semaphore, #tpu.memory_space<semaphore_mem>>) src(%dma_wait3A_273 : memref<16x128xf32, #tpu.memory_space<hbm>>) dst(%arg19 : memref<16x128xf32, #tpu.memory_space<vmem>>)
    %dma_wait3A_274 = arith.constant 0 : i32
    %dma_wait3A_275 = arith.constant 0 : i32
    %dma_wait3A_276 = tpu.memref_slice %arg5[%dma_wait3A_274, %dma_wait3A_275] : memref<16x1000000xf32, #tpu.memory_space<hbm>> -> memref<16x128xf32, #tpu.memory_space<hbm>>
    %dma_wait3A_277 = arith.constant 0 : i32
    %dma_wait3A_278 = arith.constant 0 : i32
    %dma_wait3A_279 = tpu.memref_slice %arg5[%dma_wait3A_277, %dma_wait3A_278] : memref<16x1000000xf32, #tpu.memory_space<hbm>> -> memref<16x128xf32, #tpu.memory_space<hbm>>
    tpu.wait_dma2 semaphore(%arg51 : memref<!tpu.dma_semaphore, #tpu.memory_space<semaphore_mem>>) src(%dma_wait3A_279 : memref<16x128xf32, #tpu.memory_space<hbm>>) dst(%arg27 : memref<16x128xf32, #tpu.memory_space<vmem>>)
    %dma_wait3A_280 = arith.constant 0 : i32
    %dma_wait3A_281 = arith.constant 0 : i32
    %dma_wait3A_282 = tpu.memref_slice %arg6[%dma_wait3A_280, %dma_wait3A_281] : memref<32x1000000xf32, #tpu.memory_space<hbm>> -> memref<32x128xf32, #tpu.memory_space<hbm>>
    %dma_wait3A_283 = arith.constant 0 : i32
    %dma_wait3A_284 = arith.constant 0 : i32
    %dma_wait3A_285 = tpu.memref_slice %arg6[%dma_wait3A_283, %dma_wait3A_284] : memref<32x1000000xf32, #tpu.memory_space<hbm>> -> memref<32x128xf32, #tpu.memory_space<hbm>>
    tpu.wait_dma2 semaphore(%arg51 : memref<!tpu.dma_semaphore, #tpu.memory_space<semaphore_mem>>) src(%dma_wait3A_285 : memref<32x128xf32, #tpu.memory_space<hbm>>) dst(%arg35 : memref<32x128xf32, #tpu.memory_space<vmem>>)
    %dma_wait3A_286 = arith.constant 0 : i32
    %dma_wait3A_287 = arith.constant 0 : i32
    %dma_wait3A_288 = tpu.memref_slice %arg7[%dma_wait3A_286, %dma_wait3A_287] : memref<32x1000000xf32, #tpu.memory_space<hbm>> -> memref<32x128xf32, #tpu.memory_space<hbm>>
    %dma_wait3A_289 = arith.constant 0 : i32
    %dma_wait3A_290 = arith.constant 0 : i32
    %dma_wait3A_291 = tpu.memref_slice %arg7[%dma_wait3A_289, %dma_wait3A_290] : memref<32x1000000xf32, #tpu.memory_space<hbm>> -> memref<32x128xf32, #tpu.memory_space<hbm>>
    tpu.wait_dma2 semaphore(%arg51 : memref<!tpu.dma_semaphore, #tpu.memory_space<semaphore_mem>>) src(%dma_wait3A_291 : memref<32x128xf32, #tpu.memory_space<hbm>>) dst(%arg43 : memref<32x128xf32, #tpu.memory_space<vmem>>)
    %dma_wait3A_292 = arith.constant 0 : i32
    %dma_wait3A_293 = arith.constant 0 : i32
    %dma_wait3A_294 = tpu.memref_slice %arg4[%dma_wait3A_292, %dma_wait3A_293] : memref<16x1000000xf32, #tpu.memory_space<hbm>> -> memref<16x128xf32, #tpu.memory_space<hbm>>
    %dma_wait3A_295 = arith.constant 0 : i32
    %dma_wait3A_296 = arith.constant 0 : i32
    %dma_wait3A_297 = tpu.memref_slice %arg4[%dma_wait3A_295, %dma_wait3A_296] : memref<16x1000000xf32, #tpu.memory_space<hbm>> -> memref<16x128xf32, #tpu.memory_space<hbm>>
    tpu.wait_dma2 semaphore(%arg52 : memref<!tpu.dma_semaphore, #tpu.memory_space<semaphore_mem>>) src(%dma_wait3A_297 : memref<16x128xf32, #tpu.memory_space<hbm>>) dst(%arg20 : memref<16x128xf32, #tpu.memory_space<vmem>>)
    %dma_wait3A_298 = arith.constant 0 : i32
    %dma_wait3A_299 = arith.constant 0 : i32
    %dma_wait3A_300 = tpu.memref_slice %arg5[%dma_wait3A_298, %dma_wait3A_299] : memref<16x1000000xf32, #tpu.memory_space<hbm>> -> memref<16x128xf32, #tpu.memory_space<hbm>>
    %dma_wait3A_301 = arith.constant 0 : i32
    %dma_wait3A_302 = arith.constant 0 : i32
    %dma_wait3A_303 = tpu.memref_slice %arg5[%dma_wait3A_301, %dma_wait3A_302] : memref<16x1000000xf32, #tpu.memory_space<hbm>> -> memref<16x128xf32, #tpu.memory_space<hbm>>
    tpu.wait_dma2 semaphore(%arg52 : memref<!tpu.dma_semaphore, #tpu.memory_space<semaphore_mem>>) src(%dma_wait3A_303 : memref<16x128xf32, #tpu.memory_space<hbm>>) dst(%arg28 : memref<16x128xf32, #tpu.memory_space<vmem>>)
    %dma_wait3A_304 = arith.constant 0 : i32
    %dma_wait3A_305 = arith.constant 0 : i32
    %dma_wait3A_306 = tpu.memref_slice %arg6[%dma_wait3A_304, %dma_wait3A_305] : memref<32x1000000xf32, #tpu.memory_space<hbm>> -> memref<32x128xf32, #tpu.memory_space<hbm>>
    %dma_wait3A_307 = arith.constant 0 : i32
    %dma_wait3A_308 = arith.constant 0 : i32
    %dma_wait3A_309 = tpu.memref_slice %arg6[%dma_wait3A_307, %dma_wait3A_308] : memref<32x1000000xf32, #tpu.memory_space<hbm>> -> memref<32x128xf32, #tpu.memory_space<hbm>>
    tpu.wait_dma2 semaphore(%arg52 : memref<!tpu.dma_semaphore, #tpu.memory_space<semaphore_mem>>) src(%dma_wait3A_309 : memref<32x128xf32, #tpu.memory_space<hbm>>) dst(%arg36 : memref<32x128xf32, #tpu.memory_space<vmem>>)
    %dma_wait3A_310 = arith.constant 0 : i32
    %dma_wait3A_311 = arith.constant 0 : i32
    %dma_wait3A_312 = tpu.memref_slice %arg7[%dma_wait3A_310, %dma_wait3A_311] : memref<32x1000000xf32, #tpu.memory_space<hbm>> -> memref<32x128xf32, #tpu.memory_space<hbm>>
    %dma_wait3A_313 = arith.constant 0 : i32
    %dma_wait3A_314 = arith.constant 0 : i32
    %dma_wait3A_315 = tpu.memref_slice %arg7[%dma_wait3A_313, %dma_wait3A_314] : memref<32x1000000xf32, #tpu.memory_space<hbm>> -> memref<32x128xf32, #tpu.memory_space<hbm>>
    tpu.wait_dma2 semaphore(%arg52 : memref<!tpu.dma_semaphore, #tpu.memory_space<semaphore_mem>>) src(%dma_wait3A_315 : memref<32x128xf32, #tpu.memory_space<hbm>>) dst(%arg44 : memref<32x128xf32, #tpu.memory_space<vmem>>)
    %dma_wait3A_316 = arith.constant 0 : i32
    %dma_wait3A_317 = arith.constant 0 : i32
    %dma_wait3A_318 = tpu.memref_slice %arg4[%dma_wait3A_316, %dma_wait3A_317] : memref<16x1000000xf32, #tpu.memory_space<hbm>> -> memref<16x128xf32, #tpu.memory_space<hbm>>
    %dma_wait3A_319 = arith.constant 0 : i32
    %dma_wait3A_320 = arith.constant 0 : i32
    %dma_wait3A_321 = tpu.memref_slice %arg4[%dma_wait3A_319, %dma_wait3A_320] : memref<16x1000000xf32, #tpu.memory_space<hbm>> -> memref<16x128xf32, #tpu.memory_space<hbm>>
    tpu.wait_dma2 semaphore(%arg53 : memref<!tpu.dma_semaphore, #tpu.memory_space<semaphore_mem>>) src(%dma_wait3A_321 : memref<16x128xf32, #tpu.memory_space<hbm>>) dst(%arg21 : memref<16x128xf32, #tpu.memory_space<vmem>>)
    %dma_wait3A_322 = arith.constant 0 : i32
    %dma_wait3A_323 = arith.constant 0 : i32
    %dma_wait3A_324 = tpu.memref_slice %arg5[%dma_wait3A_322, %dma_wait3A_323] : memref<16x1000000xf32, #tpu.memory_space<hbm>> -> memref<16x128xf32, #tpu.memory_space<hbm>>
    %dma_wait3A_325 = arith.constant 0 : i32
    %dma_wait3A_326 = arith.constant 0 : i32
    %dma_wait3A_327 = tpu.memref_slice %arg5[%dma_wait3A_325, %dma_wait3A_326] : memref<16x1000000xf32, #tpu.memory_space<hbm>> -> memref<16x128xf32, #tpu.memory_space<hbm>>
    tpu.wait_dma2 semaphore(%arg53 : memref<!tpu.dma_semaphore, #tpu.memory_space<semaphore_mem>>) src(%dma_wait3A_327 : memref<16x128xf32, #tpu.memory_space<hbm>>) dst(%arg29 : memref<16x128xf32, #tpu.memory_space<vmem>>)
    %dma_wait3A_328 = arith.constant 0 : i32
    %dma_wait3A_329 = arith.constant 0 : i32
    %dma_wait3A_330 = tpu.memref_slice %arg6[%dma_wait3A_328, %dma_wait3A_329] : memref<32x1000000xf32, #tpu.memory_space<hbm>> -> memref<32x128xf32, #tpu.memory_space<hbm>>
    %dma_wait3A_331 = arith.constant 0 : i32
    %dma_wait3A_332 = arith.constant 0 : i32
    %dma_wait3A_333 = tpu.memref_slice %arg6[%dma_wait3A_331, %dma_wait3A_332] : memref<32x1000000xf32, #tpu.memory_space<hbm>> -> memref<32x128xf32, #tpu.memory_space<hbm>>
    tpu.wait_dma2 semaphore(%arg53 : memref<!tpu.dma_semaphore, #tpu.memory_space<semaphore_mem>>) src(%dma_wait3A_333 : memref<32x128xf32, #tpu.memory_space<hbm>>) dst(%arg37 : memref<32x128xf32, #tpu.memory_space<vmem>>)
    %dma_wait3A_334 = arith.constant 0 : i32
    %dma_wait3A_335 = arith.constant 0 : i32
    %dma_wait3A_336 = tpu.memref_slice %arg7[%dma_wait3A_334, %dma_wait3A_335] : memref<32x1000000xf32, #tpu.memory_space<hbm>> -> memref<32x128xf32, #tpu.memory_space<hbm>>
    %dma_wait3A_337 = arith.constant 0 : i32
    %dma_wait3A_338 = arith.constant 0 : i32
    %dma_wait3A_339 = tpu.memref_slice %arg7[%dma_wait3A_337, %dma_wait3A_338] : memref<32x1000000xf32, #tpu.memory_space<hbm>> -> memref<32x128xf32, #tpu.memory_space<hbm>>
    tpu.wait_dma2 semaphore(%arg53 : memref<!tpu.dma_semaphore, #tpu.memory_space<semaphore_mem>>) src(%dma_wait3A_339 : memref<32x128xf32, #tpu.memory_space<hbm>>) dst(%arg45 : memref<32x128xf32, #tpu.memory_space<vmem>>)
    %dma_wait3A_340 = arith.constant 0 : i32
    %dma_wait3A_341 = arith.constant 0 : i32
    %dma_wait3A_342 = tpu.memref_slice %arg4[%dma_wait3A_340, %dma_wait3A_341] : memref<16x1000000xf32, #tpu.memory_space<hbm>> -> memref<16x128xf32, #tpu.memory_space<hbm>>
    %dma_wait3A_343 = arith.constant 0 : i32
    %dma_wait3A_344 = arith.constant 0 : i32
    %dma_wait3A_345 = tpu.memref_slice %arg4[%dma_wait3A_343, %dma_wait3A_344] : memref<16x1000000xf32, #tpu.memory_space<hbm>> -> memref<16x128xf32, #tpu.memory_space<hbm>>
    tpu.wait_dma2 semaphore(%arg54 : memref<!tpu.dma_semaphore, #tpu.memory_space<semaphore_mem>>) src(%dma_wait3A_345 : memref<16x128xf32, #tpu.memory_space<hbm>>) dst(%arg22 : memref<16x128xf32, #tpu.memory_space<vmem>>)
    %dma_wait3A_346 = arith.constant 0 : i32
    %dma_wait3A_347 = arith.constant 0 : i32
    %dma_wait3A_348 = tpu.memref_slice %arg5[%dma_wait3A_346, %dma_wait3A_347] : memref<16x1000000xf32, #tpu.memory_space<hbm>> -> memref<16x128xf32, #tpu.memory_space<hbm>>
    %dma_wait3A_349 = arith.constant 0 : i32
    %dma_wait3A_350 = arith.constant 0 : i32
    %dma_wait3A_351 = tpu.memref_slice %arg5[%dma_wait3A_349, %dma_wait3A_350] : memref<16x1000000xf32, #tpu.memory_space<hbm>> -> memref<16x128xf32, #tpu.memory_space<hbm>>
    tpu.wait_dma2 semaphore(%arg54 : memref<!tpu.dma_semaphore, #tpu.memory_space<semaphore_mem>>) src(%dma_wait3A_351 : memref<16x128xf32, #tpu.memory_space<hbm>>) dst(%arg30 : memref<16x128xf32, #tpu.memory_space<vmem>>)
    %dma_wait3A_352 = arith.constant 0 : i32
    %dma_wait3A_353 = arith.constant 0 : i32
    %dma_wait3A_354 = tpu.memref_slice %arg6[%dma_wait3A_352, %dma_wait3A_353] : memref<32x1000000xf32, #tpu.memory_space<hbm>> -> memref<32x128xf32, #tpu.memory_space<hbm>>
    %dma_wait3A_355 = arith.constant 0 : i32
    %dma_wait3A_356 = arith.constant 0 : i32
    %dma_wait3A_357 = tpu.memref_slice %arg6[%dma_wait3A_355, %dma_wait3A_356] : memref<32x1000000xf32, #tpu.memory_space<hbm>> -> memref<32x128xf32, #tpu.memory_space<hbm>>
    tpu.wait_dma2 semaphore(%arg54 : memref<!tpu.dma_semaphore, #tpu.memory_space<semaphore_mem>>) src(%dma_wait3A_357 : memref<32x128xf32, #tpu.memory_space<hbm>>) dst(%arg38 : memref<32x128xf32, #tpu.memory_space<vmem>>)
    %dma_wait3A_358 = arith.constant 0 : i32
    %dma_wait3A_359 = arith.constant 0 : i32
    %dma_wait3A_360 = tpu.memref_slice %arg7[%dma_wait3A_358, %dma_wait3A_359] : memref<32x1000000xf32, #tpu.memory_space<hbm>> -> memref<32x128xf32, #tpu.memory_space<hbm>>
    %dma_wait3A_361 = arith.constant 0 : i32
    %dma_wait3A_362 = arith.constant 0 : i32
    %dma_wait3A_363 = tpu.memref_slice %arg7[%dma_wait3A_361, %dma_wait3A_362] : memref<32x1000000xf32, #tpu.memory_space<hbm>> -> memref<32x128xf32, #tpu.memory_space<hbm>>
    tpu.wait_dma2 semaphore(%arg54 : memref<!tpu.dma_semaphore, #tpu.memory_space<semaphore_mem>>) src(%dma_wait3A_363 : memref<32x128xf32, #tpu.memory_space<hbm>>) dst(%arg46 : memref<32x128xf32, #tpu.memory_space<vmem>>)
    %dma_wait3A_364 = arith.constant 0 : i32
    %dma_wait3A_365 = arith.constant 0 : i32
    %dma_wait3A_366 = tpu.memref_slice %arg4[%dma_wait3A_364, %dma_wait3A_365] : memref<16x1000000xf32, #tpu.memory_space<hbm>> -> memref<16x128xf32, #tpu.memory_space<hbm>>
    %dma_wait3A_367 = arith.constant 0 : i32
    %dma_wait3A_368 = arith.constant 0 : i32
    %dma_wait3A_369 = tpu.memref_slice %arg4[%dma_wait3A_367, %dma_wait3A_368] : memref<16x1000000xf32, #tpu.memory_space<hbm>> -> memref<16x128xf32, #tpu.memory_space<hbm>>
    tpu.wait_dma2 semaphore(%arg55 : memref<!tpu.dma_semaphore, #tpu.memory_space<semaphore_mem>>) src(%dma_wait3A_369 : memref<16x128xf32, #tpu.memory_space<hbm>>) dst(%arg23 : memref<16x128xf32, #tpu.memory_space<vmem>>)
    %dma_wait3A_370 = arith.constant 0 : i32
    %dma_wait3A_371 = arith.constant 0 : i32
    %dma_wait3A_372 = tpu.memref_slice %arg5[%dma_wait3A_370, %dma_wait3A_371] : memref<16x1000000xf32, #tpu.memory_space<hbm>> -> memref<16x128xf32, #tpu.memory_space<hbm>>
    %dma_wait3A_373 = arith.constant 0 : i32
    %dma_wait3A_374 = arith.constant 0 : i32
    %dma_wait3A_375 = tpu.memref_slice %arg5[%dma_wait3A_373, %dma_wait3A_374] : memref<16x1000000xf32, #tpu.memory_space<hbm>> -> memref<16x128xf32, #tpu.memory_space<hbm>>
    tpu.wait_dma2 semaphore(%arg55 : memref<!tpu.dma_semaphore, #tpu.memory_space<semaphore_mem>>) src(%dma_wait3A_375 : memref<16x128xf32, #tpu.memory_space<hbm>>) dst(%arg31 : memref<16x128xf32, #tpu.memory_space<vmem>>)
    %dma_wait3A_376 = arith.constant 0 : i32
    %dma_wait3A_377 = arith.constant 0 : i32
    %dma_wait3A_378 = tpu.memref_slice %arg6[%dma_wait3A_376, %dma_wait3A_377] : memref<32x1000000xf32, #tpu.memory_space<hbm>> -> memref<32x128xf32, #tpu.memory_space<hbm>>
    %dma_wait3A_379 = arith.constant 0 : i32
    %dma_wait3A_380 = arith.constant 0 : i32
    %dma_wait3A_381 = tpu.memref_slice %arg6[%dma_wait3A_379, %dma_wait3A_380] : memref<32x1000000xf32, #tpu.memory_space<hbm>> -> memref<32x128xf32, #tpu.memory_space<hbm>>
    tpu.wait_dma2 semaphore(%arg55 : memref<!tpu.dma_semaphore, #tpu.memory_space<semaphore_mem>>) src(%dma_wait3A_381 : memref<32x128xf32, #tpu.memory_space<hbm>>) dst(%arg39 : memref<32x128xf32, #tpu.memory_space<vmem>>)
    %dma_wait3A_382 = arith.constant 0 : i32
    %dma_wait3A_383 = arith.constant 0 : i32
    %dma_wait3A_384 = tpu.memref_slice %arg7[%dma_wait3A_382, %dma_wait3A_383] : memref<32x1000000xf32, #tpu.memory_space<hbm>> -> memref<32x128xf32, #tpu.memory_space<hbm>>
    %dma_wait3A_385 = arith.constant 0 : i32
    %dma_wait3A_386 = arith.constant 0 : i32
    %dma_wait3A_387 = tpu.memref_slice %arg7[%dma_wait3A_385, %dma_wait3A_386] : memref<32x1000000xf32, #tpu.memory_space<hbm>> -> memref<32x128xf32, #tpu.memory_space<hbm>>
    tpu.wait_dma2 semaphore(%arg55 : memref<!tpu.dma_semaphore, #tpu.memory_space<semaphore_mem>>) src(%dma_wait3A_387 : memref<32x128xf32, #tpu.memory_space<hbm>>) dst(%arg47 : memref<32x128xf32, #tpu.memory_space<vmem>>)
    %dma_wait3A_388 = arith.constant 0 : i32
    %dma_wait3A_389 = arith.constant 0 : i32
    %dma_wait3A_390 = tpu.memref_slice %arg4[%dma_wait3A_388, %dma_wait3A_389] : memref<16x1000000xf32, #tpu.memory_space<hbm>> -> memref<16x128xf32, #tpu.memory_space<hbm>>
    %dma_wait3A_391 = arith.constant 0 : i32
    %dma_wait3A_392 = arith.constant 0 : i32
    %dma_wait3A_393 = tpu.memref_slice %arg4[%dma_wait3A_391, %dma_wait3A_392] : memref<16x1000000xf32, #tpu.memory_space<hbm>> -> memref<16x128xf32, #tpu.memory_space<hbm>>
    tpu.wait_dma2 semaphore(%arg56 : memref<!tpu.dma_semaphore, #tpu.memory_space<semaphore_mem>>) src(%dma_wait3A_393 : memref<16x128xf32, #tpu.memory_space<hbm>>) dst(%arg24 : memref<16x128xf32, #tpu.memory_space<vmem>>)
    %dma_wait3A_394 = arith.constant 0 : i32
    %dma_wait3A_395 = arith.constant 0 : i32
    %dma_wait3A_396 = tpu.memref_slice %arg5[%dma_wait3A_394, %dma_wait3A_395] : memref<16x1000000xf32, #tpu.memory_space<hbm>> -> memref<16x128xf32, #tpu.memory_space<hbm>>
    %dma_wait3A_397 = arith.constant 0 : i32
    %dma_wait3A_398 = arith.constant 0 : i32
    %dma_wait3A_399 = tpu.memref_slice %arg5[%dma_wait3A_397, %dma_wait3A_398] : memref<16x1000000xf32, #tpu.memory_space<hbm>> -> memref<16x128xf32, #tpu.memory_space<hbm>>
    tpu.wait_dma2 semaphore(%arg56 : memref<!tpu.dma_semaphore, #tpu.memory_space<semaphore_mem>>) src(%dma_wait3A_399 : memref<16x128xf32, #tpu.memory_space<hbm>>) dst(%arg32 : memref<16x128xf32, #tpu.memory_space<vmem>>)
    %dma_wait3A_400 = arith.constant 0 : i32
    %dma_wait3A_401 = arith.constant 0 : i32
    %dma_wait3A_402 = tpu.memref_slice %arg6[%dma_wait3A_400, %dma_wait3A_401] : memref<32x1000000xf32, #tpu.memory_space<hbm>> -> memref<32x128xf32, #tpu.memory_space<hbm>>
    %dma_wait3A_403 = arith.constant 0 : i32
    %dma_wait3A_404 = arith.constant 0 : i32
    %dma_wait3A_405 = tpu.memref_slice %arg6[%dma_wait3A_403, %dma_wait3A_404] : memref<32x1000000xf32, #tpu.memory_space<hbm>> -> memref<32x128xf32, #tpu.memory_space<hbm>>
    tpu.wait_dma2 semaphore(%arg56 : memref<!tpu.dma_semaphore, #tpu.memory_space<semaphore_mem>>) src(%dma_wait3A_405 : memref<32x128xf32, #tpu.memory_space<hbm>>) dst(%arg40 : memref<32x128xf32, #tpu.memory_space<vmem>>)
    %dma_wait3A_406 = arith.constant 0 : i32
    %dma_wait3A_407 = arith.constant 0 : i32
    %dma_wait3A_408 = tpu.memref_slice %arg7[%dma_wait3A_406, %dma_wait3A_407] : memref<32x1000000xf32, #tpu.memory_space<hbm>> -> memref<32x128xf32, #tpu.memory_space<hbm>>
    %dma_wait3A_409 = arith.constant 0 : i32
    %dma_wait3A_410 = arith.constant 0 : i32
    %dma_wait3A_411 = tpu.memref_slice %arg7[%dma_wait3A_409, %dma_wait3A_410] : memref<32x1000000xf32, #tpu.memory_space<hbm>> -> memref<32x128xf32, #tpu.memory_space<hbm>>
    tpu.wait_dma2 semaphore(%arg56 : memref<!tpu.dma_semaphore, #tpu.memory_space<semaphore_mem>>) src(%dma_wait3A_411 : memref<32x128xf32, #tpu.memory_space<hbm>>) dst(%arg48 : memref<32x128xf32, #tpu.memory_space<vmem>>)
    %dma_wait3A_412 = arith.constant 0 : i32
    %dma_wait3A_413 = arith.constant 0 : i32
    %dma_wait3A_414 = tpu.memref_slice %arg4[%dma_wait3A_412, %dma_wait3A_413] : memref<16x1000000xf32, #tpu.memory_space<hbm>> -> memref<16x128xf32, #tpu.memory_space<hbm>>
    %dma_wait3A_415 = arith.constant 0 : i32
    %dma_wait3A_416 = arith.constant 0 : i32
    %dma_wait3A_417 = tpu.memref_slice %arg4[%dma_wait3A_415, %dma_wait3A_416] : memref<16x1000000xf32, #tpu.memory_space<hbm>> -> memref<16x128xf32, #tpu.memory_space<hbm>>
    tpu.wait_dma2 semaphore(%arg57 : memref<!tpu.dma_semaphore, #tpu.memory_space<semaphore_mem>>) src(%dma_wait3A_417 : memref<16x128xf32, #tpu.memory_space<hbm>>) dst(%arg25 : memref<16x128xf32, #tpu.memory_space<vmem>>)
    %dma_wait3A_418 = arith.constant 0 : i32
    %dma_wait3A_419 = arith.constant 0 : i32
    %dma_wait3A_420 = tpu.memref_slice %arg5[%dma_wait3A_418, %dma_wait3A_419] : memref<16x1000000xf32, #tpu.memory_space<hbm>> -> memref<16x128xf32, #tpu.memory_space<hbm>>
    %dma_wait3A_421 = arith.constant 0 : i32
    %dma_wait3A_422 = arith.constant 0 : i32
    %dma_wait3A_423 = tpu.memref_slice %arg5[%dma_wait3A_421, %dma_wait3A_422] : memref<16x1000000xf32, #tpu.memory_space<hbm>> -> memref<16x128xf32, #tpu.memory_space<hbm>>
    tpu.wait_dma2 semaphore(%arg57 : memref<!tpu.dma_semaphore, #tpu.memory_space<semaphore_mem>>) src(%dma_wait3A_423 : memref<16x128xf32, #tpu.memory_space<hbm>>) dst(%arg33 : memref<16x128xf32, #tpu.memory_space<vmem>>)
    %dma_wait3A_424 = arith.constant 0 : i32
    %dma_wait3A_425 = arith.constant 0 : i32
    %dma_wait3A_426 = tpu.memref_slice %arg6[%dma_wait3A_424, %dma_wait3A_425] : memref<32x1000000xf32, #tpu.memory_space<hbm>> -> memref<32x128xf32, #tpu.memory_space<hbm>>
    %dma_wait3A_427 = arith.constant 0 : i32
    %dma_wait3A_428 = arith.constant 0 : i32
    %dma_wait3A_429 = tpu.memref_slice %arg6[%dma_wait3A_427, %dma_wait3A_428] : memref<32x1000000xf32, #tpu.memory_space<hbm>> -> memref<32x128xf32, #tpu.memory_space<hbm>>
    tpu.wait_dma2 semaphore(%arg57 : memref<!tpu.dma_semaphore, #tpu.memory_space<semaphore_mem>>) src(%dma_wait3A_429 : memref<32x128xf32, #tpu.memory_space<hbm>>) dst(%arg41 : memref<32x128xf32, #tpu.memory_space<vmem>>)
    %dma_wait3A_430 = arith.constant 0 : i32
    %dma_wait3A_431 = arith.constant 0 : i32
    %dma_wait3A_432 = tpu.memref_slice %arg7[%dma_wait3A_430, %dma_wait3A_431] : memref<32x1000000xf32, #tpu.memory_space<hbm>> -> memref<32x128xf32, #tpu.memory_space<hbm>>
    %dma_wait3A_433 = arith.constant 0 : i32
    %dma_wait3A_434 = arith.constant 0 : i32
    %dma_wait3A_435 = tpu.memref_slice %arg7[%dma_wait3A_433, %dma_wait3A_434] : memref<32x1000000xf32, #tpu.memory_space<hbm>> -> memref<32x128xf32, #tpu.memory_space<hbm>>
    tpu.wait_dma2 semaphore(%arg57 : memref<!tpu.dma_semaphore, #tpu.memory_space<semaphore_mem>>) src(%dma_wait3A_435 : memref<32x128xf32, #tpu.memory_space<hbm>>) dst(%arg49 : memref<32x128xf32, #tpu.memory_space<vmem>>)
    %add3A_436 = arith.constant 256 : i32
    %add3A_437 = arith.addi %mul3A_2, %add3A_436 : i32
    "tpu.region"() ({
      %run_scoped3A = tpu.sem_alloc : memref<!tpu.dma_semaphore, #tpu.memory_space<semaphore_mem>>
      %dma_start3A_438 = arith.constant 0 : i32
      %dma_start3A_439 = tpu.memref_slice %arg8[%dma_start3A_438, %add3A_437] : memref<16x16384xf32, #tpu.memory_space<hbm>> -> memref<16x256xf32, #tpu.memory_space<hbm>>
      %dma_start3A_440 = arith.constant 0 : i32
      %dma_start3A_441 = tpu.memref_slice %arg8[%dma_start3A_440, %add3A_437] : memref<16x16384xf32, #tpu.memory_space<hbm>> -> memref<16x256xf32, #tpu.memory_space<hbm>>
      tpu.enqueue_dma source(%arg14 : memref<16x256xf32, #tpu.memory_space<vmem>>) target(%dma_start3A_441 : memref<16x256xf32, #tpu.memory_space<hbm>>) target_semaphore(%run_scoped3A : memref<!tpu.dma_semaphore, #tpu.memory_space<semaphore_mem>>)
      %dma_wait3A_442 = arith.constant 0 : i32
      %dma_wait3A_443 = tpu.memref_slice %arg8[%dma_wait3A_442, %add3A_437] : memref<16x16384xf32, #tpu.memory_space<hbm>> -> memref<16x256xf32, #tpu.memory_space<hbm>>
      %dma_wait3A_444 = arith.constant 0 : i32
      %dma_wait3A_445 = tpu.memref_slice %arg8[%dma_wait3A_444, %add3A_437] : memref<16x16384xf32, #tpu.memory_space<hbm>> -> memref<16x256xf32, #tpu.memory_space<hbm>>
      tpu.wait_dma2 semaphore(%run_scoped3A : memref<!tpu.dma_semaphore, #tpu.memory_space<semaphore_mem>>) src(%arg14 : memref<16x256xf32, #tpu.memory_space<vmem>>) dst(%dma_wait3A_445 : memref<16x256xf32, #tpu.memory_space<hbm>>)
      tpu.yield
    }) : () -> ()
    "tpu.region"() ({
      %run_scoped3A = tpu.sem_alloc : memref<!tpu.dma_semaphore, #tpu.memory_space<semaphore_mem>>
      %dma_start3A_438 = arith.constant 0 : i32
      %dma_start3A_439 = tpu.memref_slice %arg9[%dma_start3A_438, %add3A_437] : memref<16x16384xf32, #tpu.memory_space<hbm>> -> memref<16x256xf32, #tpu.memory_space<hbm>>
      %dma_start3A_440 = arith.constant 0 : i32
      %dma_start3A_441 = tpu.memref_slice %arg9[%dma_start3A_440, %add3A_437] : memref<16x16384xf32, #tpu.memory_space<hbm>> -> memref<16x256xf32, #tpu.memory_space<hbm>>
      tpu.enqueue_dma source(%arg15 : memref<16x256xf32, #tpu.memory_space<vmem>>) target(%dma_start3A_441 : memref<16x256xf32, #tpu.memory_space<hbm>>) target_semaphore(%run_scoped3A : memref<!tpu.dma_semaphore, #tpu.memory_space<semaphore_mem>>)
      %dma_wait3A_442 = arith.constant 0 : i32
      %dma_wait3A_443 = tpu.memref_slice %arg9[%dma_wait3A_442, %add3A_437] : memref<16x16384xf32, #tpu.memory_space<hbm>> -> memref<16x256xf32, #tpu.memory_space<hbm>>
      %dma_wait3A_444 = arith.constant 0 : i32
      %dma_wait3A_445 = tpu.memref_slice %arg9[%dma_wait3A_444, %add3A_437] : memref<16x16384xf32, #tpu.memory_space<hbm>> -> memref<16x256xf32, #tpu.memory_space<hbm>>
      tpu.wait_dma2 semaphore(%run_scoped3A : memref<!tpu.dma_semaphore, #tpu.memory_space<semaphore_mem>>) src(%arg15 : memref<16x256xf32, #tpu.memory_space<vmem>>) dst(%dma_wait3A_445 : memref<16x256xf32, #tpu.memory_space<hbm>>)
      tpu.yield
    }) : () -> ()
    "tpu.region"() ({
      %run_scoped3A = tpu.sem_alloc : memref<!tpu.dma_semaphore, #tpu.memory_space<semaphore_mem>>
      %dma_start3A_438 = arith.constant 0 : i32
      %dma_start3A_439 = tpu.memref_slice %arg10[%dma_start3A_438, %add3A_437] : memref<32x16384xf32, #tpu.memory_space<hbm>> -> memref<32x256xf32, #tpu.memory_space<hbm>>
      %dma_start3A_440 = arith.constant 0 : i32
      %dma_start3A_441 = tpu.memref_slice %arg10[%dma_start3A_440, %add3A_437] : memref<32x16384xf32, #tpu.memory_space<hbm>> -> memref<32x256xf32, #tpu.memory_space<hbm>>
      tpu.enqueue_dma source(%arg16 : memref<32x256xf32, #tpu.memory_space<vmem>>) target(%dma_start3A_441 : memref<32x256xf32, #tpu.memory_space<hbm>>) target_semaphore(%run_scoped3A : memref<!tpu.dma_semaphore, #tpu.memory_space<semaphore_mem>>)
      %dma_wait3A_442 = arith.constant 0 : i32
      %dma_wait3A_443 = tpu.memref_slice %arg10[%dma_wait3A_442, %add3A_437] : memref<32x16384xf32, #tpu.memory_space<hbm>> -> memref<32x256xf32, #tpu.memory_space<hbm>>
      %dma_wait3A_444 = arith.constant 0 : i32
      %dma_wait3A_445 = tpu.memref_slice %arg10[%dma_wait3A_444, %add3A_437] : memref<32x16384xf32, #tpu.memory_space<hbm>> -> memref<32x256xf32, #tpu.memory_space<hbm>>
      tpu.wait_dma2 semaphore(%run_scoped3A : memref<!tpu.dma_semaphore, #tpu.memory_space<semaphore_mem>>) src(%arg16 : memref<32x256xf32, #tpu.memory_space<vmem>>) dst(%dma_wait3A_445 : memref<32x256xf32, #tpu.memory_space<hbm>>)
      tpu.yield
    }) : () -> ()
    "tpu.region"() ({
      %run_scoped3A = tpu.sem_alloc : memref<!tpu.dma_semaphore, #tpu.memory_space<semaphore_mem>>
      %dma_start3A_438 = arith.constant 0 : i32
      %dma_start3A_439 = tpu.memref_slice %arg11[%dma_start3A_438, %add3A_437] : memref<32x16384xf32, #tpu.memory_space<hbm>> -> memref<32x256xf32, #tpu.memory_space<hbm>>
      %dma_start3A_440 = arith.constant 0 : i32
      %dma_start3A_441 = tpu.memref_slice %arg11[%dma_start3A_440, %add3A_437] : memref<32x16384xf32, #tpu.memory_space<hbm>> -> memref<32x256xf32, #tpu.memory_space<hbm>>
      tpu.enqueue_dma source(%arg17 : memref<32x256xf32, #tpu.memory_space<vmem>>) target(%dma_start3A_441 : memref<32x256xf32, #tpu.memory_space<hbm>>) target_semaphore(%run_scoped3A : memref<!tpu.dma_semaphore, #tpu.memory_space<semaphore_mem>>)
      %dma_wait3A_442 = arith.constant 0 : i32
      %dma_wait3A_443 = tpu.memref_slice %arg11[%dma_wait3A_442, %add3A_437] : memref<32x16384xf32, #tpu.memory_space<hbm>> -> memref<32x256xf32, #tpu.memory_space<hbm>>
      %dma_wait3A_444 = arith.constant 0 : i32
      %dma_wait3A_445 = tpu.memref_slice %arg11[%dma_wait3A_444, %add3A_437] : memref<32x16384xf32, #tpu.memory_space<hbm>> -> memref<32x256xf32, #tpu.memory_space<hbm>>
      tpu.wait_dma2 semaphore(%run_scoped3A : memref<!tpu.dma_semaphore, #tpu.memory_space<semaphore_mem>>) src(%arg17 : memref<32x256xf32, #tpu.memory_space<vmem>>) dst(%dma_wait3A_445 : memref<32x256xf32, #tpu.memory_space<hbm>>)
      tpu.yield
    }) : () -> ()
    return
  }
}

module attributes {stable_mosaic.version = 14 : i64} {
  func.func @_tc_mlp_body(%arg0: i32, %arg1: memref<16x4096xf32, #tpu.memory_space<vmem>>, %arg2: memref<16x4096xf32, #tpu.memory_space<vmem>>, %arg3: memref<32x4096xf32, #tpu.memory_space<vmem>>, %arg4: memref<32x4096xf32, #tpu.memory_space<vmem>>, %arg5: memref<64x32xf32, #tpu.memory_space<vmem>>, %arg6: memref<1x32xf32, #tpu.memory_space<vmem>>, %arg7: memref<32x16xf32, #tpu.memory_space<vmem>>, %arg8: memref<1x16xf32, #tpu.memory_space<vmem>>, %arg9: memref<32x1xf32, #tpu.memory_space<vmem>>, %arg10: memref<1x1xf32, #tpu.memory_space<vmem>>, %arg11: memref<1x4096xf32, #tpu.memory_space<vmem>>) attributes {dimension_semantics = [#tpu.dimension_semantics<arbitrary>], iteration_bounds = array<i64: 4>, scalar_prefetch = 0 : i64, scratch_operands = 0 : i64, tpu.core_type = #tpu.core_type<tc>, window_params = [{transform_indices = @transform_0, window_bounds = array<i64: 16, 4096>}, {transform_indices = @transform_1, window_bounds = array<i64: 16, 4096>}, {transform_indices = @transform_2, window_bounds = array<i64: 32, 4096>}, {transform_indices = @transform_3, window_bounds = array<i64: 32, 4096>}, {pipeline_mode = #tpu.pipeline_mode<synchronous>, transform_indices = @transform_4, window_bounds = array<i64: 64, 32>}, {pipeline_mode = #tpu.pipeline_mode<synchronous>, transform_indices = @transform_5, window_bounds = array<i64: 1, 32>}, {pipeline_mode = #tpu.pipeline_mode<synchronous>, transform_indices = @transform_6, window_bounds = array<i64: 32, 16>}, {pipeline_mode = #tpu.pipeline_mode<synchronous>, transform_indices = @transform_7, window_bounds = array<i64: 1, 16>}, {pipeline_mode = #tpu.pipeline_mode<synchronous>, transform_indices = @transform_8, window_bounds = array<i64: 32, 1>}, {pipeline_mode = #tpu.pipeline_mode<synchronous>, transform_indices = @transform_9, window_bounds = array<i64: 1, 1>}, {transform_indices = @transform_10, window_bounds = array<i64: 1, 4096>}]} {
    %get3A = arith.constant 0 : index
    %get3A_0 = arith.constant 0 : index
    %get3A_1 = vector.load %arg3[%get3A, %get3A_0] : memref<32x4096xf32, #tpu.memory_space<vmem>>, vector<32x4096xf32>
    %get3A_2 = arith.constant 0 : index
    %get3A_3 = arith.constant 0 : index
    %get3A_4 = vector.load %arg4[%get3A_2, %get3A_3] : memref<32x4096xf32, #tpu.memory_space<vmem>>, vector<32x4096xf32>
    %concatenate3A = tpu.concatenate %get3A_1, %get3A_4 in 0 : vector<32x4096xf32>, vector<32x4096xf32> -> vector<64x4096xf32>
    %get3A_5 = arith.constant 0 : index
    %get3A_6 = arith.constant 0 : index
    %get3A_7 = vector.load %arg5[%get3A_5, %get3A_6] : memref<64x32xf32, #tpu.memory_space<vmem>>, vector<64x32xf32>
    %dot_general3A = arith.constant dense<0.000000e+00> : vector<32x4096xf32>
    %dot_general3A_8 = tpu.matmul %get3A_7, %concatenate3A, %dot_general3A {dimension_numbers = #tpu.dot_dimension_numbers<[0], [0], [1], [1], [0, 1, 1, 1], [], []>, transpose_lhs_hint = false} : vector<64x32xf32>, vector<64x4096xf32>, vector<32x4096xf32> -> vector<32x4096xf32>
    %get3A_9 = arith.constant 0 : index
    %get3A_10 = arith.constant 0 : index
    %get3A_11 = vector.load %arg6[%get3A_9, %get3A_10] : memref<1x32xf32, #tpu.memory_space<vmem>>, vector<1x32xf32>
    %transpose3A = tpu.transpose %get3A_11, [1, 0] : vector<1x32xf32> -> vector<32x1xf32>
    %add3A = vector.broadcast %transpose3A : vector<32x1xf32> to vector<32x4096xf32>
    %add3A_12 = arith.addf %dot_general3A_8, %add3A : vector<32x4096xf32>
    %max3A = arith.constant 0.000000e+00 : f32
    %max3A_13 = vector.broadcast %max3A : f32 to vector<32x4096xf32>
    %max3A_14 = arith.maximumf %add3A_12, %max3A_13 : vector<32x4096xf32>
    %get3A_15 = arith.constant 0 : index
    %get3A_16 = arith.constant 0 : index
    %get3A_17 = vector.load %arg7[%get3A_15, %get3A_16] : memref<32x16xf32, #tpu.memory_space<vmem>>, vector<32x16xf32>
    %dot_general3A_18 = arith.constant dense<0.000000e+00> : vector<16x4096xf32>
    %dot_general3A_19 = tpu.matmul %get3A_17, %max3A_14, %dot_general3A_18 {dimension_numbers = #tpu.dot_dimension_numbers<[0], [0], [1], [1], [0, 1, 1, 1], [], []>, transpose_lhs_hint = false} : vector<32x16xf32>, vector<32x4096xf32>, vector<16x4096xf32> -> vector<16x4096xf32>
    %get3A_20 = arith.constant 0 : index
    %get3A_21 = arith.constant 0 : index
    %get3A_22 = vector.load %arg8[%get3A_20, %get3A_21] : memref<1x16xf32, #tpu.memory_space<vmem>>, vector<1x16xf32>
    %transpose3A_23 = tpu.transpose %get3A_22, [1, 0] : vector<1x16xf32> -> vector<16x1xf32>
    %add3A_24 = vector.broadcast %transpose3A_23 : vector<16x1xf32> to vector<16x4096xf32>
    %add3A_25 = arith.addf %dot_general3A_19, %add3A_24 : vector<16x4096xf32>
    %max3A_26 = arith.constant 0.000000e+00 : f32
    %max3A_27 = vector.broadcast %max3A_26 : f32 to vector<16x4096xf32>
    %max3A_28 = arith.maximumf %add3A_25, %max3A_27 : vector<16x4096xf32>
    %get3A_29 = arith.constant 0 : index
    %get3A_30 = arith.constant 0 : index
    %get3A_31 = vector.load %arg1[%get3A_29, %get3A_30] : memref<16x4096xf32, #tpu.memory_space<vmem>>, vector<16x4096xf32>
    %get3A_32 = arith.constant 0 : index
    %get3A_33 = arith.constant 0 : index
    %get3A_34 = vector.load %arg2[%get3A_32, %get3A_33] : memref<16x4096xf32, #tpu.memory_space<vmem>>, vector<16x4096xf32>
    %mul3A = arith.mulf %get3A_31, %get3A_34 : vector<16x4096xf32>
    %concatenate3A_35 = tpu.concatenate %mul3A, %max3A_28 in 0 : vector<16x4096xf32>, vector<16x4096xf32> -> vector<32x4096xf32>
    %get3A_36 = arith.constant 0 : index
    %get3A_37 = arith.constant 0 : index
    %get3A_38 = vector.load %arg9[%get3A_36, %get3A_37] : memref<32x1xf32, #tpu.memory_space<vmem>>, vector<32x1xf32>
    %dot_general3A_39 = arith.constant dense<0.000000e+00> : vector<1x4096xf32>
    %dot_general3A_40 = tpu.matmul %get3A_38, %concatenate3A_35, %dot_general3A_39 {dimension_numbers = #tpu.dot_dimension_numbers<[0], [0], [1], [1], [0, 1, 1, 1], [], []>, transpose_lhs_hint = false} : vector<32x1xf32>, vector<32x4096xf32>, vector<1x4096xf32> -> vector<1x4096xf32>
    %get3A_41 = arith.constant 0 : index
    %get3A_42 = arith.constant 0 : index
    %get3A_43 = vector.load %arg10[%get3A_41, %get3A_42] : memref<1x1xf32, #tpu.memory_space<vmem>>, vector<1x1xf32>
    %add3A_44 = vector.broadcast %get3A_43 : vector<1x1xf32> to vector<1x4096xf32>
    %add3A_45 = arith.addf %dot_general3A_40, %add3A_44 : vector<1x4096xf32>
    %logistic3A = arith.negf %add3A_45 : vector<1x4096xf32>
    %logistic3A_46 = math.exp %logistic3A : vector<1x4096xf32>
    %logistic3A_47 = arith.constant 1.000000e+00 : f32
    %logistic3A_48 = vector.broadcast %logistic3A_47 : f32 to vector<1x4096xf32>
    %logistic3A_49 = arith.addf %logistic3A_48, %logistic3A_46 : vector<1x4096xf32>
    %logistic3A_50 = arith.divf %logistic3A_48, %logistic3A_49 : vector<1x4096xf32>
    %swap3A = arith.constant 0 : index
    %swap3A_51 = arith.constant 0 : index
    %swap3A_52 = vector.load %arg11[%swap3A, %swap3A_51] : memref<1x4096xf32, #tpu.memory_space<vmem>>, vector<1x4096xf32>
    tpu.vector_store %arg11[%swap3A, %swap3A_51], %logistic3A_50 {strides = array<i32>} : memref<1x4096xf32, #tpu.memory_space<vmem>>, vector<1x4096xf32>,
    return
  }
  func.func @transform_0(%arg0: i32) -> (i32, i32) {
    %c0_i32 = arith.constant 0 : i32
    %c0_i32_0 = arith.constant 0 : i32
    return %c0_i32, %arg0 : i32, i32
  }
  func.func @transform_1(%arg0: i32) -> (i32, i32) {
    %c0_i32 = arith.constant 0 : i32
    %c0_i32_0 = arith.constant 0 : i32
    return %c0_i32, %arg0 : i32, i32
  }
  func.func @transform_2(%arg0: i32) -> (i32, i32) {
    %c0_i32 = arith.constant 0 : i32
    %c0_i32_0 = arith.constant 0 : i32
    return %c0_i32, %arg0 : i32, i32
  }
  func.func @transform_3(%arg0: i32) -> (i32, i32) {
    %c0_i32 = arith.constant 0 : i32
    %c0_i32_0 = arith.constant 0 : i32
    return %c0_i32, %arg0 : i32, i32
  }
  func.func @transform_4(%arg0: i32) -> (i32, i32) {
    %c0_i32 = arith.constant 0 : i32
    %c0_i32_0 = arith.constant 0 : i32
    %c0_i32_1 = arith.constant 0 : i32
    return %c0_i32, %c0_i32_0 : i32, i32
  }
  func.func @transform_5(%arg0: i32) -> (i32, i32) {
    %c0_i32 = arith.constant 0 : i32
    %c0_i32_0 = arith.constant 0 : i32
    %c0_i32_1 = arith.constant 0 : i32
    return %c0_i32, %c0_i32_0 : i32, i32
  }
  func.func @transform_6(%arg0: i32) -> (i32, i32) {
    %c0_i32 = arith.constant 0 : i32
    %c0_i32_0 = arith.constant 0 : i32
    %c0_i32_1 = arith.constant 0 : i32
    return %c0_i32, %c0_i32_0 : i32, i32
  }
  func.func @transform_7(%arg0: i32) -> (i32, i32) {
    %c0_i32 = arith.constant 0 : i32
    %c0_i32_0 = arith.constant 0 : i32
    %c0_i32_1 = arith.constant 0 : i32
    return %c0_i32, %c0_i32_0 : i32, i32
  }
  func.func @transform_8(%arg0: i32) -> (i32, i32) {
    %c0_i32 = arith.constant 0 : i32
    %c0_i32_0 = arith.constant 0 : i32
    %c0_i32_1 = arith.constant 0 : i32
    return %c0_i32, %c0_i32_0 : i32, i32
  }
  func.func @transform_9(%arg0: i32) -> (i32, i32) {
    %c0_i32 = arith.constant 0 : i32
    %c0_i32_0 = arith.constant 0 : i32
    %c0_i32_1 = arith.constant 0 : i32
    return %c0_i32, %c0_i32_0 : i32, i32
  }
  func.func @transform_10(%arg0: i32) -> (i32, i32) {
    %c0_i32 = arith.constant 0 : i32
    %c0_i32_0 = arith.constant 0 : i32
    return %c0_i32, %arg0 : i32, i32
  }
}

</mosaic_0001>

<sc_bundles>
// kernel: kernel.4.cloned.1.call-start
scs
__scs_entry_jumppad:
0x0: {  	(pc) =	sbr.rel $0x88, $3  }
0x1: {  	(tag) =	ssettag $0x0;
	lr =	simm.s32 $0x1  }
0x2: {  	[smem:$0x3F95] =	sst lr;
	_ =	strace $0xD0000000  }
0x3: {  	_ = 	snop  }
0x4: {  	_ = 	snop  }
0x5: {  	_ = 	snop  }
0x6: {  	_ = 	snop  }
0x7: {  	_ = 	snop  }
__scs_overlays_trampoline_lowered:
0x8: {  	[smem:$0x3FA4] =	sst s0  }
0x9: {  	[smem:$0x3FA5] =	sst s1  }
0xa: {  	[smem:$0x3FA6] =	sst s2  }
0xb: {  	[smem:$0x3FA7] =	sst s3  }
0xc: {  	[smem:$0x3FA8] =	sst s4  }
0xd: {  	[smem:$0x3FA9] =	sst s5  }
0xe: {  	[smem:$0x3FAA] =	sst s6  }
0xf: {  	[smem:$0x3FAB] =	sst s7  }
0x10: {  	[smem:$0x3FAC] =	sst s8  }
0x11: {  	[smem:$0x3FAD] =	sst s9;
	s0 =	simm.s32 @!p0 $0x0  }
0x12: {  	s1 =	sld [smem:$0x3F93];
	s0 =	simm.s32 @p0 $0x1  }
0x13: {  	[smem:$0x3FAE] =	sst s0;
	s0 =	simm.s32 @!p1 $0x0  }
0x14: {  	s2 =	sld [smem:$0x3F92];
	s0 =	simm.s32 @p1 $0x1  }
0x15: {  	[smem:$0x3FAF] =	sst s0;
	s0 =	simm.s32 @!p2 $0x0  }
0x16: {  	s3 =	sld [smem:$0x3FDB];
	s0 =	simm.s32 @p2 $0x1  }
0x17: {  	s4 =	simm.s32 $0x1BF5;
	[smem:$0x3FB1] =	sst s0  }
0x18: {  	s0 =	sld [smem:$0x3F94];
	_ =	swait.ge [sflag:s4], $0x0  }
0x19: {  	s7 =	sld [smem:$0x3F95]  }
0x1a: {  	s8 =	sadd.s32 $0xFFFFE003, lr  }
0x1b: {  	s9 =	sadd.s32 $0xFFFFFEF7, lr;
	s5 =	simm.s32 $0xFFFFFFFF;
	p2 =	slt.u32 s8, $0xFFFFF086  }
0x1c: {  	p1 =	slt.u32 s9, $0xF7A;
	s5 =	simm.s32 @!p2 $0x0  }
0x1d: {  	s5 =	simm.s32 @p1 $0x1;
	p0 =	seq.s32 s7, s2  }
0x1e: {  	s7 =	smul.u32 @!p0 $0xF7A, s2;
	p2 =	seq.s32 @!p0 s5, $0x0  }
0x1f: {  	s9 =	smul.u32 $0xF7A, s1;
	s8 =	simm.s32 @!p0 $0x1BF5;
	p2 =	por !p2, p0  }
0x20: {  	[sflag:s8] =	ssyncset.s32 @!p0 $0xFFFFF086;
	s6 =	sadd.s32 @!p0 s3, s7;
	s7 =	simm.s32 @!p0 $0x108  }
0x21: {  	s3 =	sadd.s32 s3, s9;
	s6 =	sadd.s32 @!p0 $0x88, s6;
	s7 =	simm.s32 @p2 $0x1082  }
0x22: {  	[simem:s7], [sflag:s8] =	dma.local @!p0 [hbm:s6], $0xF7A  }
0x23: {  	s9 =	sor.u32 $0xD0000000, s2;
	s6 =	simm.s32 $0x108;
	_ =	swait.ge @!p0 [sflag:s8], $0x0  }
0x24: {  	s3 =	sadd.s32 $0x88, s3;
	s6 =	simm.s32 @!p1 $0x1082;
	[sflag:s4] =	ssyncset.s32 $0xFFFFF086  }
0x25: {  	[simem:s6], [sflag:s4] =	dma.local [hbm:s3], $0xF7A  }
0x26: {  	[smem:$0x3F95] =	sst s1;
	(tag) =	ssettag s2;
	_ =	strace s9  }
0x27: {  	s1 =	sld [smem:$0x3FA5]  }
0x28: {  	s2 =	sld [smem:$0x3FA6]  }
0x29: {  	s4 =	sld [smem:$0x3FA8]  }
0x2a: {  	p0 =	seq.s32 s5, $0x0;
	s5 =	sld [smem:$0x3FA9]  }
0x2b: {  	s6 =	sld [smem:$0x3FAA]  }
0x2c: {  	s7 =	sld [smem:$0x3FAB]  }
0x2d: {  	s3 =	simm.s32 $0x108;
	s8 =	sld [smem:$0x3FAC]  }
0x2e: {  	s3 =	simm.s32 @!p0 $0x1082;
	s9 =	sld [smem:$0x3FAD]  }
0x2f: {  	lr =	sadd.s32 s0, s3;
	s0 =	sld [smem:$0x3FA4]  }
0x30: {  	s3 =	sld [smem:$0x3FA7]  }
0x31: {  	[smem:$0x3FB0] =	sst s10  }
0x32: {  	s10 =	sld [smem:$0x3FAE];
	_ =	sdelay $0x3  }
0x33: {  	p0 =	seq.s32 s10, $0x1;
	s10 =	sld [smem:$0x3FB0];
	_ =	sdelay $0x3  }
0x34: {  	[smem:$0x3FB0] =	sst s10  }
0x35: {  	s10 =	sld [smem:$0x3FAF];
	_ =	sdelay $0x3  }
0x36: {  	p1 =	seq.s32 s10, $0x1;
	s10 =	sld [smem:$0x3FB0];
	_ =	sdelay $0x3  }
0x37: {  	[smem:$0x3FB0] =	sst s10  }
0x38: {  	s10 =	sld [smem:$0x3FB1]  }
0x39: {  	_ = 	snop;
	(pc) =	sbr.ind lr, $3  }
0x3a: {  	_ = 	snop  }
0x3b: {  	_ = 	snop  }
0x3c: {  	p2 =	seq.s32 s10, $0x1;
	s10 =	sld [smem:$0x3FB0]  }
0x3d: {  	_ =	shalt  }
0x3e: {  	_ =	shalt  }
0x3f: {  	_ =	shalt  }
0x40: {  	_ =	shalt  }
0x41: {  	_ =	shalt  }
0x42: {  	_ =	shalt  }
0x43: {  	_ =	shalt  }
0x44: {  	_ =	shalt  }
0x45: {  	_ =	shalt  }
0x46: {  	_ =	shalt  }
0x47: {  	_ =	shalt  }
0x48: {  	_ =	shalt  }
0x49: {  	_ =	shalt  }
0x4a: {  	_ =	shalt  }
0x4b: {  	_ =	shalt  }
0x4c: {  	_ =	shalt  }
0x4d: {  	_ =	shalt  }
0x4e: {  	_ =	shalt  }
0x4f: {  	_ =	shalt  }
0x50: {  	_ =	shalt  }
0x51: {  	_ =	shalt  }
0x52: {  	_ =	shalt  }
0x53: {  	_ =	shalt  }
0x54: {  	_ =	shalt  }
0x55: {  	_ =	shalt  }
0x56: {  	_ =	shalt  }
0x57: {  	_ =	shalt  }
0x58: {  	_ =	shalt  }
0x59: {  	_ =	shalt  }
0x5a: {  	_ =	shalt  }
0x5b: {  	_ =	shalt  }
0x5c: {  	_ =	shalt  }
0x5d: {  	_ =	shalt  }
0x5e: {  	_ =	shalt  }
0x5f: {  	_ =	shalt  }
0x60: {  	_ =	shalt  }
0x61: {  	_ =	shalt  }
0x62: {  	_ =	shalt  }
0x63: {  	_ =	shalt  }
0x64: {  	_ =	shalt  }
0x65: {  	_ =	shalt  }
0x66: {  	_ =	shalt  }
0x67: {  	_ =	shalt  }
0x68: {  	_ =	shalt  }
0x69: {  	_ =	shalt  }
0x6a: {  	_ =	shalt  }
0x6b: {  	_ =	shalt  }
0x6c: {  	_ =	shalt  }
0x6d: {  	_ =	shalt  }
0x6e: {  	_ =	shalt  }
0x6f: {  	_ =	shalt  }
0x70: {  	_ =	shalt  }
0x71: {  	_ =	shalt  }
0x72: {  	_ =	shalt  }
0x73: {  	_ =	shalt  }
0x74: {  	_ =	shalt  }
0x75: {  	_ =	shalt  }
0x76: {  	_ =	shalt  }
0x77: {  	_ =	shalt  }
0x78: {  	_ =	shalt  }
0x79: {  	_ =	shalt  }
0x7a: {  	_ =	shalt  }
0x7b: {  	_ =	shalt  }
0x7c: {  	_ =	shalt  }
0x7d: {  	_ =	shalt  }
0x7e: {  	_ =	shalt  }
0x7f: {  	_ =	shalt  }
0x80: {  	_ =	shalt  }
0x81: {  	_ =	shalt  }
0x82: {  	_ =	shalt  }
0x83: {  	_ =	shalt  }
0x84: {  	_ =	shalt  }
0x85: {  	_ =	shalt  }
0x86: {  	_ =	shalt  }
0x87: {  	_ =	shalt  }
.Lfunc_end0:
.L_simem_size_0:
called_computation_lowered:
.L_overlay_start_0:
0x88: {  	s2 =	sld [smem:$0x3FD9]  }
0x89: {  	s3 =	sld [smem:$0x3FFE];
	_ =	sdelay $0x1  }
0x8a: {  	s1 =	srdreg.scid  }
0x8b: {  	s0 =	sand.u32 $0x1, s1  }
0x8c: {  	s17 =	sshll.u32 s0, $0xA;
	s2 =	sadd.s32 s3, s2  }
0x8d: {  	s2 =	sadd.s32 s2, s17  }
0x8e: {  	[smem:$0x3FBC] =	sst s2  }
0x8f: {  	_ = 	snop  }
0x90: {  	s2 =	sld [smem:$0x3FC9]  }
0x91: {  	s18 =	sld [smem:$0x3FC8]  }
0x92: {  	s4 =	sld [smem:$0x3FC7]  }
0x93: {  	s5 =	sld [smem:$0x3FC6]  }
0x94: {  	s6 =	sld [smem:$0x3FC5]  }
0x95: {  	s7 =	sld [smem:$0x3FC4];
	(tm) =	ssettm $0x1  }
0x96: {  	s8 =	sld [smem:$0x3FFB];
	_ =	sdelay $0x3  }
0x97: {  	_ =	strace s8  }
0x98: {  	s8 =	sld [smem:$0x3FFC];
	_ =	sdelay $0x3  }
0x99: {  	_ =	strace s8  }
0x9a: {  	s8 =	sld [smem:$0x3FFD];
	_ =	sdelay $0x3  }
0x9b: {  	_ =	strace s8  }
0x9c: {  	_ =	strace $0x8FFFFFFF  }
0x9d: {  	s19 =	sld [smem:$0x3FDB];
	_ =	sdelay $0x1  }
0x9e: {  	s9 =	simm.s32 $_scs_section_size  }
0x9f: {  	s10 =	simm.s32 $_size__tile_overlayer_lowered;
	s11 =	simm.s32 $_tile_overlayer_lowered  }
0xa0: {  	s22 =	simm.s32 $0x1BFF;
	s21 =	sshll.u32 s11, $0x1;
	s8 =	sadd.s32 s9, s19  }
0xa1: {  	s12 =	simm.s32 $0x0;
	s20 =	sshll.u32 s10, $0x1;
	s10 =	sadd.s32 s21, s8  }
0xa2: {  	[timem:s12], [sflag:s22] =	dma.local [hbm:s10], s20  }
0xa3: {  	_ =	swait.ge [sflag:s22], s20  }
0xa4: {  	s9 =	ssub.s32 $0x0, s20;
	[sflag:s22] =	ssyncset.done $0x0  }
0xa5: {  	[sflag:s22] =	ssyncadd.s32 s9;
	_ =	sdelay $0x1  }
0xa6: {  	s23 =	simm.s32 $0x1B8B  }
0xa7: {  	_ =	swait.ge [sflag:s23], $0x1  }
0xa8: {  	[sflag:s23] =	ssyncset.done $0x0  }
0xa9: {  	s25 =	simm.s32 $0x1B8E;
	s24 =	sld [smem:$0x3FFE];
	[sflag:s23] =	ssyncadd.s32 $0xFFFFFFFF  }
0xaa: {  	s26 =	simm.s32 $execute0_lowered;
	[smem:$0x3FD2] =	sst s25  }
0xab: {  	s10 =	sshll.u32 s26, $0x1;
	_ =	strace $0x80000046;
	[dreg:$0x1] =	wrdreg $0xFFFFFFFF  }
0xac: {  	s28 =	simm.s32 $_size_execute0_lowered;
	s8 =	sadd.s32 s8, s10;
	[dreg:$0x0] =	wrdreg $0x0  }
0xad: {  	s10 =	sshll.u32 s28, $0x1;
	[dreg:$0x2] =	wrdreg s8  }
0xae: {  	[dreg:$0x3] =	wrdreg s10  }
0xaf: {  	[dreg:$0x4] =	wrdreg $0xC0  }
0xb0: {  	_ =	task [dreg:s12], $0x5FFFF  }
0xb1: {  	[dreg:$0x1] =	wrdreg $0xFFFFFFFF  }
0xb2: {  	[dreg:$0x0] =	wrdreg $0x60  }
0xb3: {  	[dreg:$0x2] =	wrdreg s2  }
0xb4: {  	[dreg:$0x3] =	wrdreg s18  }
0xb5: {  	[dreg:$0x4] =	wrdreg s4  }
0xb6: {  	[dreg:$0x5] =	wrdreg s5  }
0xb7: {  	[dreg:$0x6] =	wrdreg s6  }
0xb8: {  	[dreg:$0x7] =	wrdreg s7  }
0xb9: {  	[dreg:$0x8] =	wrdreg s24  }
0xba: {  	[dreg:$0x9] =	wrdreg $0x9  }
0xbb: {  	_ =	task.clear_ibuf [dreg:s12], $0xAFFFF;
	_ =	strace $0x90000046  }
0xbc: {  	s29 =	simm.s32 $0x9;
	_ =	strace $0x80000048  }
0xbd: {  	_ =	swait.ge [sflag:s29], $0x1  }
0xbe: {  	[sflag:s29] =	ssyncadd.s32 $0xFFFFFFFF  }
0xbf: {  	_ =	strace $0x90000048  }
0xc0: {  	_ =	sfence  }
0xc1: {  	s30 =	sld [smem:$0x0];
	_ =	sdelay $0x2  }
0xc2: {  	s31 =	sshll.u32 s1, $0xD;
	s1 =	sshrl.u32 s1, $0x2  }
0xc3: {  	s3 =	sand.u32 $0x4000, s31;
	s1 =	sadd.s32 s1, s30  }
0xc4: {  	s0 =	sor.u32 s3, s0;
	s1 =	sshll.u32 s1, $0x11  }
0xc5: {  	s0 =	sor.u32 s1, s0  }
0xc6: {  	s0 =	sadd.s32 $0x8F2B, s0  }
0xc7: {  	[sflag:s0] =	ssyncadd.remote.s32 $0x1  }
0xc8: {  	_ =	sfence.sel $0xFFFF  }
0xc9: {  	[dreg:$0x0] =	wrdreg $0xFFFFFFFF;
	(pc) =	sbr.abs _section_cstart, $3  }
0xca: {  	[dreg:$0x1] =	wrdreg $0xFFFFFFFF  }
0xcb: {  	_ =	task.clear_ibuf [dreg:s12], $0x2FFFF;
	_ =	strace $0x9FFFFFFF  }
0xcc: {  	(tm) =	ssettm $0x7FFFFFFF  }
0xcd: {  	_ =	shalt  }
tec
execute0_lowered:
.L_overlay_start_1:
0x0: {  	(tag) =	ssettag $0x1  }
0x1: {  	s0 =	rddreg [dreg:$0x0]  }
0x2: {  	s5 =	rddreg [dreg:$0x1]  }
0x3: {  	s12 =	rddreg [dreg:$0x2]  }
0x4: {  	s2 =	rddreg [dreg:$0x3]  }
0x5: {  	s3 =	rddreg [dreg:$0x4]  }
0x6: {  	s4 =	rddreg [dreg:$0x5]  }
0x7: {  	s6 =	rddreg [dreg:$0x6];
	s7 =	simm.s32 $0x0;
	s8 =	srdreg.scid  }
0x8: {  	s11 =	stileid.u32;
	s15 =	simm.s32 $0x400;
	s17 =	simm.s32 $0x7A1400  }
0x9: {  	v0 =	vlaneseq.u32;
	s30 =	simm.s32 $0x6400;
	v1 =	vimm.s32 $0xB80;
	s18 =	simm.s32 $0x4;
	[smem:$0x7FF] =	sst s7  }
0xa: {  	vm0 =	vcmask $0x300;
	v2 =	vimm.s32 $0x1B80;
	vm1 =	vcmask $0x704;
	s20 =	sadd.s32 $0x21A00, s6;
	s9 =	sadd.s32 $0x29A00, s6;
	s8 =	sand.u32 $0x1, s8  }
0xb: {  	vm15 =	vcmask $0xB08;
	s11 =	sshll.u32 s11, $0xA;
	v1 =	vsel vm0, $0x0, v1;
	v2 =	vsel vm0, $0x1000, v2;
	s10 =	ssub.s32 $0x2, s8;
	s8 =	sshll.u32 s8, $0x9  }
0xc: {  	vm4 =	vcmask $0xF0C;
	s1 =	sadd.s32 $0x1A00, s6;
	s6 =	sadd.s32 $0x11A00, s6;
	v1 =	vsel vm1, $0x80, v1;
	v2 =	vsel vm1, $0x1080, v2;
	s8 =	sor.u32 s8, s11  }
0xd: {  	vm5 =	vcmask $0x1310;
	s7 =	simm.s32 $0x2400;
	_ =	strace $0x80000047;
	v1 =	vsel vm15, $0x100, v1;
	v2 =	vsel vm15, $0x1100, v2;
	s11 =	sadd.s32 s20, s8  }
0xe: {  	vm6 =	vcmask $0x1714;
	s13 =	sshrl.u32 s10, $0x1;
	s22 =	sadd.s32 s9, s8;
	v1 =	vsel vm4, $0x180, v1;
	v2 =	vsel vm4, $0x1180, v2;
	[dreg:$0x8] =	wrdreg s11  }
0xf: {  	vm7 =	vcmask $0x1B18;
	s10 =	ssub.s32 s10, s13;
	s23 =	sadd.s32 s1, s8;
	[dreg:$0x9] =	wrdreg s22;
	v1 =	vsel vm5, $0x200, v1;
	v2 =	vsel vm5, $0x1200, v2  }
0x10: {  	vm8 =	vcmask $0x1F1C;
	s21 =	sshrl.u32 s8, $0x3;
	s24 =	sadd.s32 s6, s8;
	[dreg:$0xa] =	wrdreg s23;
	v1 =	vsel vm6, $0x280, v1;
	v2 =	vsel vm6, $0x1280, v2  }
0x11: {  	vm9 =	vcmask $0x2320;
	s8 =	sor.u32 $0x100, s8;
	s0 =	sadd.s32 s0, s21;
	[dreg:$0xb] =	wrdreg s24;
	v1 =	vsel vm7, $0x300, v1;
	v2 =	vsel vm7, $0x1300, v2  }
0x12: {  	vm10 =	vcmask $0x2724;
	s13 =	simm.s32 $0x3;
	s5 =	sadd.s32 s5, s21;
	[dreg:$0xc] =	wrdreg s0;
	v1 =	vsel vm8, $0x380, v1;
	v2 =	vsel vm8, $0x1380, v2  }
0x13: {  	vm11 =	vcmask $0x2B28;
	s25 =	sadd.s32 s20, s8;
	s26 =	sadd.s32 s9, s8;
	[dreg:$0xd] =	wrdreg s5;
	v1 =	vsel vm9, $0x800, v1;
	v2 =	vsel vm9, $0x1800, v2  }
0x14: {  	vm12 =	vcmask $0x2F2C;
	s28 =	sadd.s32 s1, s8;
	s29 =	sadd.s32 s6, s8;
	[dreg:$0xe] =	wrdreg s25;
	v1 =	vsel vm10, $0x880, v1;
	v2 =	vsel vm10, $0x1880, v2  }
0x15: {  	vm13 =	vcmask $0x3330;
	s9 =	simm.s32 $0x9;
	s31 =	smax.u32 s10, $0x1;
	[dreg:$0xf] =	wrdreg s26;
	v1 =	vsel vm11, $0x900, v1;
	v2 =	vsel vm11, $0x1900, v2  }
0x16: {  	vm14 =	vcmask $0x3734;
	s10 =	simm.s32 $0x4400;
	s11 =	simm.s32 $0x2;
	[dreg:$0x10] =	wrdreg s28;
	v1 =	vsel vm12, $0x980, v1;
	v2 =	vsel vm12, $0x1980, v2  }
0x17: {  	v0 =	vmul.u32 $0x80, v0;
	s23 =	simm.s32 $0x5;
	s20 =	simm.s32 $0x7;
	[dreg:$0x11] =	wrdreg s29;
	v1 =	vsel vm13, $0xA00, v1;
	v2 =	vsel vm13, $0x1A00, v2  }
0x18: {  	vm15 =	vcmask $0x3B38;
	s21 =	simm.s32 $0x8;
	s8 =	simm.s32 $0x0;
	[dreg:$0x12] =	wrdreg s31;
	v1 =	vsel vm14, $0xA80, v1;
	v3 =	vsel vm14, $0x1A80, v2  }
0x19: {  	s0 =	simm.s32 $0x1;
	s5 =	simm.s32 $0x1400;
	s26 =	simm.s32 $0x6;
	v2 =	vor.u32 $0x800, v0;
	v1 =	vsel vm15, $0xB00, v1;
	v3 =	vsel vm15, $0x1B00, v3  }
.LBB2_1:
0x1a: {  	[dreg:$0x13] =	wrdreg s8  }
0x1b: {  	s6 =	simm.s32 $0x0;
	s28 =	rddreg [dreg:$0xc]  }
0x1c: {  	[tilespmem:s6], [sflag:$0x9] =	stream.linear.gather [hbm4b:s28+s6], $0x200, $0x38;
	[tilespmem:$0x1E400] =	vst v63  }
0x1d: {  	_ =	swait.ge [sflag:s9], $0x200  }
0x1e: {  	[sflag:s9] =	ssyncset.done $0x0  }
0x1f: {  	s14 =	simm.s32 $0x200;
	s29 =	rddreg [dreg:$0xd];
	[sflag:s9] =	ssyncadd.s32 $0xFFFFFE00  }
0x20: {  	[tilespmem:s14], [sflag:$0x9] =	stream.linear.gather [hbm4b:s29+s6], $0x200, $0x38;
	[tilespmem:$0x1E400] =	vst v63  }
0x21: {  	_ =	swait.ge [sflag:s9], $0x200  }
0x22: {  	[sflag:s9] =	ssyncset.done $0x0  }
0x23: {  	[sflag:s9] =	ssyncadd.s32 $0xFFFFFE00  }
0x24: {  	v4 =	vld [tilespmem:$0x0]  }
0x25: {  	v5 =	vld [tilespmem:$0x200];
	_ =	sdelay $0x3  }
0x26: {  	(v2sf) =	vpush v4, $0x0  }
0x27: {  	(v2sf) =	vpush v5, $0x0;
	_ =	sdelay $0x4  }
0x28: {  	(v2sf) =	vpush v4, $0x1;
	_ =	sdelay $0x1  }
0x29: {  	(v2sf) =	vpush v5, $0x1;
	_ =	sdelay $0x6  }
0x2a: {  	s24 =	spop (v2sf)  }
0x2b: {  	(v2sf) =	vpush v4, $0x2;
	s24 =	sand.u32 $0xFFFFF80, s24;
	s25 =	spop (v2sf)  }
0x2c: {  	(v2sf) =	vpush v5, $0x2;
	s29 =	sadd.s32 s12, s24;
	s25 =	sand.u32 $0xFFFFF80, s25  }
0x2d: {  	[tilespmem:s30], [sflag:$0x1] =	stream.strided.gather [hbm4b:s29+s15], $0x800, s17, s15, $0x38;
	[tilespmem:$0x1E400] =	vst v63  }
0x2e: {  	s1 =	simm.s32 $0xA400;
	s8 =	simm.s32 $0xE400;
	s31 =	sadd.s32 s2, s25  }
0x2f: {  	[tilespmem:s1], [sflag:$0x1] =	stream.strided.gather [hbm4b:s31+s15], $0x800, s17, s15, $0x38;
	[tilespmem:$0x1E400] =	vst v63  }
0x30: {  	s14 =	simm.s32 $0x16400;
	s24 =	sadd.s32 s3, s24;
	s16 =	spop (v2sf)  }
0x31: {  	[tilespmem:s8], [sflag:$0x1] =	stream.strided.gather [hbm4b:s24+s15], $0x1000, s17, s15, $0x38;
	[tilespmem:$0x1E400] =	vst v63  }
0x32: {  	(v2sf) =	vpush v4, $0x3;
	s9 =	sadd.s32 s4, s25;
	s19 =	spop (v2sf);
	s24 =	sand.u32 $0xFFFFF80, s16  }
0x33: {  	[tilespmem:s14], [sflag:$0x1] =	stream.strided.gather [hbm4b:s9+s15], $0x1000, s17, s15, $0x38;
	[tilespmem:$0x1E400] =	vst v63  }
0x34: {  	s28 =	simm.s32 $0x6C00;
	(v2sf) =	vpush v5, $0x3;
	s25 =	sand.u32 $0xFFFFF80, s19;
	s22 =	sadd.s32 s12, s24  }
0x35: {  	[tilespmem:s28], [sflag:$0x2] =	stream.strided.gather [hbm4b:s22+s15], $0x800, s17, s15, $0x38;
	[tilespmem:$0x1E400] =	vst v63  }
0x36: {  	s30 =	sadd.s32 s2, s25;
	s31 =	simm.s32 $0xAC00  }
0x37: {  	[tilespmem:s31], [sflag:$0x2] =	stream.strided.gather [hbm4b:s30+s15], $0x800, s17, s15, $0x38;
	[tilespmem:$0x1E400] =	vst v63  }
0x38: {  	s1 =	simm.s32 $0xF400;
	s24 =	sadd.s32 s3, s24  }
0x39: {  	[tilespmem:s1], [sflag:$0x2] =	stream.strided.gather [hbm4b:s24+s15], $0x1000, s17, s15, $0x38;
	[tilespmem:$0x1E400] =	vst v63  }
0x3a: {  	s6 =	sadd.s32 s4, s25;
	s9 =	spop (v2sf);
	(v2sf) =	vpush v4, $0x4  }
0x3b: {  	s8 =	simm.s32 $0x17400;
	s24 =	sand.u32 $0xFFFFF80, s9;
	s14 =	spop (v2sf)  }
0x3c: {  	(v2sf) =	vpush v5, $0x4;
	[tilespmem:s8], [sflag:$0x2] =	stream.strided.gather [hbm4b:s6+s15], $0x1000, s17, s15, $0x38;
	[tilespmem:$0x1E400] =	vst v63  }
0x3d: {  	s19 =	simm.s32 $0x7400;
	s16 =	sadd.s32 s12, s24;
	s25 =	sand.u32 $0xFFFFF80, s14  }
0x3e: {  	[tilespmem:s19], [sflag:$0x3] =	stream.strided.gather [hbm4b:s16+s15], $0x800, s17, s15, $0x38;
	[tilespmem:$0x1E400] =	vst v63  }
0x3f: {  	s28 =	simm.s32 $0xB400;
	s31 =	simm.s32 $0x18400;
	s22 =	sadd.s32 s2, s25  }
0x40: {  	[tilespmem:s28], [sflag:$0x3] =	stream.strided.gather [hbm4b:s22+s15], $0x800, s17, s15, $0x38;
	[tilespmem:$0x1E400] =	vst v63  }
0x41: {  	s1 =	simm.s32 $0x10400;
	s24 =	sadd.s32 s3, s24;
	s6 =	spop (v2sf)  }
0x42: {  	(v2sf) =	vpush v4, $0x5;
	[tilespmem:s1], [sflag:$0x3] =	stream.strided.gather [hbm4b:s24+s15], $0x1000, s17, s15, $0x38;
	[tilespmem:$0x1E400] =	vst v63  }
0x43: {  	s30 =	sadd.s32 s4, s25;
	s8 =	spop (v2sf);
	s24 =	sand.u32 $0xFFFFF80, s6  }
0x44: {  	(v2sf) =	vpush v5, $0x5;
	[tilespmem:s31], [sflag:$0x3] =	stream.strided.gather [hbm4b:s30+s15], $0x1000, s17, s15, $0x38;
	[tilespmem:$0x1E400] =	vst v63  }
0x45: {  	s14 =	simm.s32 $0x7C00;
	s25 =	sand.u32 $0xFFFFF80, s8;
	s9 =	sadd.s32 s12, s24  }
0x46: {  	[tilespmem:s14], [sflag:$0x4] =	stream.strided.gather [hbm4b:s9+s15], $0x800, s17, s15, $0x38;
	[tilespmem:$0x1E400] =	vst v63  }
0x47: {  	s29 =	simm.s32 $0x19400;
	s19 =	simm.s32 $0xBC00;
	s16 =	sadd.s32 s2, s25  }
0x48: {  	[tilespmem:s19], [sflag:$0x4] =	stream.strided.gather [hbm4b:s16+s15], $0x800, s17, s15, $0x38;
	[tilespmem:$0x1E400] =	vst v63  }
0x49: {  	s22 =	simm.s32 $0x11400;
	s24 =	sadd.s32 s3, s24;
	s30 =	spop (v2sf)  }
0x4a: {  	(v2sf) =	vpush v4, $0x6;
	[tilespmem:s22], [sflag:$0x4] =	stream.strided.gather [hbm4b:s24+s15], $0x1000, s17, s15, $0x38;
	[tilespmem:$0x1E400] =	vst v63  }
0x4b: {  	s28 =	sadd.s32 s4, s25;
	s24 =	sand.u32 $0xFFFFF80, s30;
	s31 =	spop (v2sf)  }
0x4c: {  	(v2sf) =	vpush v5, $0x6;
	[tilespmem:s29], [sflag:$0x4] =	stream.strided.gather [hbm4b:s28+s15], $0x1000, s17, s15, $0x38;
	[tilespmem:$0x1E400] =	vst v63  }
0x4d: {  	s8 =	simm.s32 $0x8400;
	s6 =	sadd.s32 s12, s24;
	s25 =	sand.u32 $0xFFFFF80, s31  }
0x4e: {  	[tilespmem:s8], [sflag:$0x5] =	stream.strided.gather [hbm4b:s6+s15], $0x800, s17, s15, $0x38;
	[tilespmem:$0x1E400] =	vst v63  }
0x4f: {  	s14 =	simm.s32 $0xC400;
	s16 =	simm.s32 $0x12400;
	s9 =	sadd.s32 s2, s25  }
0x50: {  	[tilespmem:s14], [sflag:$0x5] =	stream.strided.gather [hbm4b:s9+s15], $0x800, s17, s15, $0x38;
	[tilespmem:$0x1E400] =	vst v63  }
0x51: {  	s24 =	sadd.s32 s3, s24;
	s19 =	sadd.s32 s4, s25;
	s25 =	spop (v2sf)  }
0x52: {  	(v2sf) =	vpush v4, $0x7;
	[tilespmem:s16], [sflag:$0x5] =	stream.strided.gather [hbm4b:s24+s15], $0x1000, s17, s15, $0x38;
	[tilespmem:$0x1E400] =	vst v63  }
0x53: {  	s22 =	simm.s32 $0x1A400;
	s28 =	spop (v2sf);
	s24 =	sand.u32 $0xFFFFF80, s25  }
0x54: {  	(v2sf) =	vpush v5, $0x7;
	[tilespmem:s22], [sflag:$0x5] =	stream.strided.gather [hbm4b:s19+s15], $0x1000, s17, s15, $0x38;
	[tilespmem:$0x1E400] =	vst v63  }
0x55: {  	s31 =	simm.s32 $0x8C00;
	s25 =	sand.u32 $0xFFFFF80, s28;
	s30 =	sadd.s32 s12, s24  }
0x56: {  	[tilespmem:s31], [sflag:$0x6] =	stream.strided.gather [hbm4b:s30+s15], $0x800, s17, s15, $0x38;
	[tilespmem:$0x1E400] =	vst v63  }
0x57: {  	s8 =	simm.s32 $0xCC00;
	s9 =	simm.s32 $0x13400;
	s6 =	sadd.s32 s2, s25  }
0x58: {  	[tilespmem:s8], [sflag:$0x6] =	stream.strided.gather [hbm4b:s6+s15], $0x800, s17, s15, $0x38;
	[tilespmem:$0x1E400] =	vst v63  }
0x59: {  	s16 =	simm.s32 $0x1B400;
	s24 =	sadd.s32 s3, s24;
	s14 =	spop (v2sf)  }
0x5a: {  	[tilespmem:s9], [sflag:$0x6] =	stream.strided.gather [hbm4b:s24+s15], $0x1000, s17, s15, $0x38;
	[tilespmem:$0x1E400] =	vst v63  }
0x5b: {  	s25 =	sadd.s32 s4, s25;
	s19 =	spop (v2sf);
	s24 =	sand.u32 $0xFFFFF80, s14  }
0x5c: {  	[tilespmem:s16], [sflag:$0x6] =	stream.strided.gather [hbm4b:s25+s15], $0x1000, s17, s15, $0x38;
	[tilespmem:$0x1E400] =	vst v63  }
0x5d: {  	s28 =	simm.s32 $0x9400;
	s22 =	sadd.s32 s12, s24;
	s25 =	sand.u32 $0xFFFFF80, s19  }
0x5e: {  	[tilespmem:s28], [sflag:$0x7] =	stream.strided.gather [hbm4b:s22+s15], $0x800, s17, s15, $0x38;
	[tilespmem:$0x1E400] =	vst v63  }
0x5f: {  	s31 =	simm.s32 $0xD400;
	s6 =	simm.s32 $0x14400;
	s30 =	sadd.s32 s2, s25  }
0x60: {  	[tilespmem:s31], [sflag:$0x7] =	stream.strided.gather [hbm4b:s30+s15], $0x800, s17, s15, $0x38;
	[tilespmem:$0x1E400] =	vst v63  }
0x61: {  	s9 =	simm.s32 $0x1C400;
	s24 =	sadd.s32 s3, s24;
	s8 =	spop (v2sf)  }
0x62: {  	[tilespmem:s6], [sflag:$0x7] =	stream.strided.gather [hbm4b:s24+s15], $0x1000, s17, s15, $0x38;
	[tilespmem:$0x1E400] =	vst v63  }
0x63: {  	s14 =	spop (v2sf);
	s25 =	sadd.s32 s4, s25;
	s24 =	sand.u32 $0xFFFFF80, s8  }
0x64: {  	[tilespmem:s9], [sflag:$0x7] =	stream.strided.gather [hbm4b:s25+s15], $0x1000, s17, s15, $0x38;
	[tilespmem:$0x1E400] =	vst v63  }
0x65: {  	s19 =	simm.s32 $0x9C00;
	s16 =	sadd.s32 s12, s24;
	s25 =	sand.u32 $0xFFFFF80, s14  }
0x66: {  	[tilespmem:s19], [sflag:$0x8] =	stream.strided.gather [hbm4b:s16+s15], $0x800, s17, s15, $0x38;
	[tilespmem:$0x1E400] =	vst v63  }
0x67: {  	s1 =	simm.s32 $0x0;
	s28 =	simm.s32 $0xDC00;
	s22 =	sadd.s32 s2, s25  }
0x68: {  	[tilespmem:s28], [sflag:$0x8] =	stream.strided.gather [hbm4b:s22+s15], $0x800, s17, s15, $0x38;
	[tilespmem:$0x1E400] =	vst v63  }
0x69: {  	s29 =	simm.s32 $0x15400;
	s31 =	simm.s32 $0x1D400;
	s24 =	sadd.s32 s3, s24  }
0x6a: {  	[tilespmem:s29], [sflag:$0x8] =	stream.strided.gather [hbm4b:s24+s15], $0x1000, s17, s15, $0x38;
	[tilespmem:$0x1E400] =	vst v63  }
0x6b: {  	s6 =	simm.s32 $0x1;
	s8 =	simm.s32 $0x0;
	s30 =	sadd.s32 s4, s25  }
0x6c: {  	[tilespmem:s31], [sflag:$0x8] =	stream.strided.gather [hbm4b:s30+s15], $0x1000, s17, s15, $0x38;
	[tilespmem:$0x1E400] =	vst v63  }
.LBB2_2:
0x6d: {  	[dreg:$0x15] =	wrdreg s6  }
0x6e: {  	s30 =	sshra.s32 s8, $0x2;
	s6 =	rddreg [dreg:$0x15]  }
0x6f: {  	v8 =	vld [tilespmem:s30+$0x0];
	s6 =	smin.u32 s6, $0x1F  }
0x70: {  	[dreg:$0x16] =	wrdreg s8;
	v9 =	vld [tilespmem:s30+$0x200];
	s6 =	sshll.u32 s6, $0x4  }
0x71: {  	[dreg:$0x14] =	wrdreg s1;
	v7 =	vld [tilespmem:s6+$0x0]  }
0x72: {  	v6 =	vld [tilespmem:s6+$0x200];
	_ =	swait.ge [sflag:s0], $0x800  }
0x73: {  	[sflag:s0] =	ssyncset.done $0x0  }
0x74: {  	[sflag:s0] =	ssyncadd.s32 $0xFFFFF800  }
0x75: {  	_ =	swait.ge [sflag:s0], $0x800  }
0x76: {  	v5 =	vand.u32 $0x7F, v8;
	[sflag:s0] =	ssyncset.done $0x0  }
0x77: {  	v10 =	vbroadcast v5, $0x0;
	[sflag:s0] =	ssyncadd.s32 $0xFFFFF800  }
0x78: {  	_ =	swait.ge [sflag:s0], $0x1000  }
0x79: {  	s30 =	sand.u32 $0xF0, s1;
	v11 =	vor.u32 v0, v10;
	[sflag:s0] =	ssyncset.done $0x0  }
0x7a: {  	v12 =	vmov s30;
	[sflag:s0] =	ssyncadd.s32 $0xFFFFF000  }
0x7b: {  	v13 =	vshll.u32 v12, $0x3;
	_ =	swait.ge [sflag:s0], $0x1000  }
0x7c: {  	v12 =	vand.u32 $0x70, v12;
	v13 =	vand.u32 $0x400, v13;
	v4 =	vand.u32 $0x7F, v9;
	[sflag:s0] =	ssyncset.done $0x0  }
0x7d: {  	s19 =	simm.s32 $0x6400;
	v12 =	vor.u32 v12, v13;
	v14 =	vbroadcast v4, $0x0;
	[sflag:s0] =	ssyncadd.s32 $0xFFFFF000  }
0x7e: {  	v15 =	vor.u32 v1, v12;
	v50 =	vld.idx.msk [tilespmem:v11+s19+$0x0], $0xffff  }
0x7f: {  	v16 =	vor.u32 v0, v14;
	_ =	sdelay $0x3  }
0x80: {  	s24 =	simm.s32 $0xA400;
	[tilespmem:v15+s15+$0x0] =	vst.idx.msk $0xffff, v50  }
0x81: {  	v13 =	vld.idx.msk [tilespmem:v16+s24+$0x0], $0xffff;
	_ =	sdelay $0x4  }
0x82: {  	s25 =	simm.s32 $0xE400;
	[tilespmem:v15+s5+$0x0] =	vst.idx.msk $0xffff, v13  }
0x83: {  	v11 =	vld.idx.msk [tilespmem:v11+s25+$0x0], $0xffff  }
0x84: {  	v10 =	vor.u32 v2, v10;
	_ =	sdelay $0x3  }
0x85: {  	[tilespmem:v15+s7+$0x0] =	vst.idx.msk $0xffff, v11  }
0x86: {  	v8 =	vand.u32 $0xFFFFFF80, v8;
	v51 =	vor.u32 v3, v12;
	v10 =	vld.idx.msk [tilespmem:v10+s25+$0x0], $0xffff  }
0x87: {  	v9 =	vand.u32 $0xFFFFFF80, v9;
	(v2sf) =	vpush v8, $0x8  }
0x88: {  	(v2sf) =	vpush v9, $0x8;
	_ =	sdelay $0x2  }
0x89: {  	s28 =	simm.s32 $0x16400;
	[tilespmem:v51+s7+$0x0] =	vst.idx.msk $0xffff, v10  }
0x8a: {  	v10 =	vld.idx.msk [tilespmem:v16+s28+$0x0], $0xffff  }
0x8b: {  	v52 =	vor.u32 v2, v14;
	_ =	sdelay $0x3  }
0x8c: {  	[tilespmem:v15+s10+$0x0] =	vst.idx.msk $0xffff, v10  }
0x8d: {  	v10 =	vld.idx.msk [tilespmem:v52+s28+$0x0], $0xffff;
	_ =	sdelay $0x3  }
0x8e: {  	s29 =	spop (v2sf)  }
0x8f: {  	s22 =	simm.s32 $0x6400;
	s14 =	spop (v2sf);
	s31 =	sadd.s32 s12, s29;
	[tilespmem:v51+s10+$0x0] =	vst.idx.msk $0xffff, v10  }
0x90: {  	[tilespmem:s22], [sflag:$0x1] =	stream.strided.gather [hbm4b:s31+s15], $0x800, s17, s15, $0x38;
	[tilespmem:$0x1E400] =	vst v63  }
0x91: {  	s9 =	simm.s32 $0xA400;
	s1 =	sadd.s32 s2, s14  }
0x92: {  	[tilespmem:s9], [sflag:$0x1] =	stream.strided.gather [hbm4b:s1+s15], $0x800, s17, s15, $0x38;
	[tilespmem:$0x1E400] =	vst v63  }
0x93: {  	s16 =	simm.s32 $0xE400;
	s6 =	sadd.s32 s3, s29  }
0x94: {  	[tilespmem:s16], [sflag:$0x1] =	stream.strided.gather [hbm4b:s6+s15], $0x1000, s17, s15, $0x38;
	[tilespmem:$0x1E400] =	vst v63  }
0x95: {  	s19 =	simm.s32 $0x16400;
	s9 =	sadd.s32 s4, s14  }
0x96: {  	[tilespmem:s19], [sflag:$0x1] =	stream.strided.gather [hbm4b:s9+s15], $0x1000, s17, s15, $0x38;
	[tilespmem:$0x1E400] =	vst v63  }
0x97: {  	_ =	swait.ge [sflag:s11], $0x800  }
0x98: {  	[sflag:s11] =	ssyncset.done $0x0  }
0x99: {  	[sflag:s11] =	ssyncadd.s32 $0xFFFFF800  }
0x9a: {  	_ =	swait.ge [sflag:s11], $0x800  }
0x9b: {  	[sflag:s11] =	ssyncset.done $0x0  }
0x9c: {  	v53 =	vbroadcast v5, $0x1;
	[sflag:s11] =	ssyncadd.s32 $0xFFFFF800  }
0x9d: {  	_ =	swait.ge [sflag:s11], $0x1000  }
0x9e: {  	v54 =	vor.u32 v0, v53;
	s14 =	sor.u32 $0x1, s30;
	[sflag:s11] =	ssyncset.done $0x0  }
0x9f: {  	v55 =	vmov s14;
	[sflag:s11] =	ssyncadd.s32 $0xFFFFF000  }
0xa0: {  	v56 =	vshll.u32 v55, $0x3;
	_ =	swait.ge [sflag:s11], $0x1000  }
0xa1: {  	v12 =	vand.u32 $0x71, v55;
	v13 =	vand.u32 $0x400, v56;
	[sflag:s11] =	ssyncset.done $0x0  }
0xa2: {  	v57 =	vbroadcast v4, $0x1;
	s16 =	simm.s32 $0x6C00;
	v12 =	vor.u32 v12, v13;
	[sflag:s11] =	ssyncadd.s32 $0xFFFFF000  }
0xa3: {  	v59 =	vor.u32 v1, v12;
	v58 =	vld.idx.msk [tilespmem:v54+s16+$0x0], $0xffff  }
0xa4: {  	v60 =	vor.u32 v0, v57;
	_ =	sdelay $0x3  }
0xa5: {  	s22 =	simm.s32 $0xAC00;
	[tilespmem:v59+s15+$0x0] =	vst.idx.msk $0xffff, v58  }
0xa6: {  	v13 =	vld.idx.msk [tilespmem:v60+s22+$0x0], $0xffff;
	_ =	sdelay $0x4  }
0xa7: {  	s25 =	simm.s32 $0xF400;
	[tilespmem:v59+s5+$0x0] =	vst.idx.msk $0xffff, v13  }
0xa8: {  	v11 =	vld.idx.msk [tilespmem:v54+s25+$0x0], $0xffff  }
0xa9: {  	v10 =	vor.u32 v2, v53;
	_ =	sdelay $0x3  }
0xaa: {  	[tilespmem:v59+s7+$0x0] =	vst.idx.msk $0xffff, v11  }
0xab: {  	v61 =	vor.u32 v3, v12;
	v10 =	vld.idx.msk [tilespmem:v10+s25+$0x0], $0xffff  }
0xac: {  	(v2sf) =	vpush v8, $0x9  }
0xad: {  	(v2sf) =	vpush v9, $0x9;
	_ =	sdelay $0x2  }
0xae: {  	s22 =	simm.s32 $0x17400;
	[tilespmem:v61+s7+$0x0] =	vst.idx.msk $0xffff, v10  }
0xaf: {  	v10 =	vld.idx.msk [tilespmem:v60+s22+$0x0], $0xffff  }
0xb0: {  	v62 =	vor.u32 v2, v57;
	_ =	sdelay $0x3  }
0xb1: {  	[tilespmem:v59+s10+$0x0] =	vst.idx.msk $0xffff, v10  }
0xb2: {  	v10 =	vld.idx.msk [tilespmem:v62+s22+$0x0], $0xffff;
	_ =	sdelay $0x3  }
0xb3: {  	s29 =	spop (v2sf)  }
0xb4: {  	s19 =	simm.s32 $0x6C00;
	s31 =	spop (v2sf);
	s11 =	sadd.s32 s12, s29;
	[tilespmem:v61+s10+$0x0] =	vst.idx.msk $0xffff, v10  }
0xb5: {  	[tilespmem:s19], [sflag:$0x2] =	stream.strided.gather [hbm4b:s11+s15], $0x800, s17, s15, $0x38;
	[tilespmem:$0x1E400] =	vst v63  }
0xb6: {  	s24 =	simm.s32 $0xAC00;
	s19 =	sadd.s32 s2, s31  }
0xb7: {  	[tilespmem:s24], [sflag:$0x2] =	stream.strided.gather [hbm4b:s19+s15], $0x800, s17, s15, $0x38;
	[tilespmem:$0x1E400] =	vst v63  }
0xb8: {  	s28 =	simm.s32 $0xF400;
	s6 =	sadd.s32 s3, s29  }
0xb9: {  	[tilespmem:s28], [sflag:$0x2] =	stream.strided.gather [hbm4b:s6+s15], $0x1000, s17, s15, $0x38;
	[tilespmem:$0x1E400] =	vst v63  }
0xba: {  	s24 =	sadd.s32 s4, s31  }
0xbb: {  	[tilespmem:s22], [sflag:$0x2] =	stream.strided.gather [hbm4b:s24+s15], $0x1000, s17, s15, $0x38;
	[tilespmem:$0x1E400] =	vst v63  }
0xbc: {  	_ =	swait.ge [sflag:s13], $0x800  }
0xbd: {  	[sflag:s13] =	ssyncset.done $0x0  }
0xbe: {  	[sflag:s13] =	ssyncadd.s32 $0xFFFFF800  }
0xbf: {  	_ =	swait.ge [sflag:s13], $0x800  }
0xc0: {  	[sflag:s13] =	ssyncset.done $0x0  }
0xc1: {  	v63 =	vbroadcast v5, $0x2;
	[sflag:s13] =	ssyncadd.s32 $0xFFFFF800  }
0xc2: {  	_ =	swait.ge [sflag:s13], $0x1000  }
0xc3: {  	v20 =	vor.u32 v0, v63;
	s25 =	sor.u32 $0x2, s30;
	[sflag:s13] =	ssyncset.done $0x0  }
0xc4: {  	v21 =	vmov s25;
	[sflag:s13] =	ssyncadd.s32 $0xFFFFF000  }
0xc5: {  	v22 =	vshll.u32 v21, $0x3;
	_ =	swait.ge [sflag:s13], $0x1000  }
0xc6: {  	v12 =	vand.u32 $0x72, v21;
	v13 =	vand.u32 $0x400, v22;
	[sflag:s13] =	ssyncset.done $0x0  }
0xc7: {  	v23 =	vbroadcast v4, $0x2;
	v12 =	vor.u32 v12, v13;
	s28 =	simm.s32 $0x7400;
	[sflag:s13] =	ssyncadd.s32 $0xFFFFF000  }
0xc8: {  	v25 =	vor.u32 v1, v12;
	v24 =	vld.idx.msk [tilespmem:v20+s28+$0x0], $0xffff  }
0xc9: {  	v26 =	vor.u32 v0, v23;
	_ =	sdelay $0x3  }
0xca: {  	s31 =	simm.s32 $0xB400;
	[tilespmem:v25+s15+$0x0] =	vst.idx.msk $0xffff, v24  }
0xcb: {  	v13 =	vld.idx.msk [tilespmem:v26+s31+$0x0], $0xffff;
	_ =	sdelay $0x4  }
0xcc: {  	s11 =	simm.s32 $0x10400;
	[tilespmem:v25+s5+$0x0] =	vst.idx.msk $0xffff, v13  }
0xcd: {  	v11 =	vld.idx.msk [tilespmem:v20+s11+$0x0], $0xffff  }
0xce: {  	v10 =	vor.u32 v2, v63;
	_ =	sdelay $0x3  }
0xcf: {  	[tilespmem:v25+s7+$0x0] =	vst.idx.msk $0xffff, v11  }
0xd0: {  	v27 =	vor.u32 v3, v12;
	v10 =	vld.idx.msk [tilespmem:v10+s11+$0x0], $0xffff  }
0xd1: {  	(v2sf) =	vpush v8, $0xA  }
0xd2: {  	(v2sf) =	vpush v9, $0xA;
	_ =	sdelay $0x2  }
0xd3: {  	s5 =	simm.s32 $0x18400;
	[tilespmem:v27+s7+$0x0] =	vst.idx.msk $0xffff, v10  }
0xd4: {  	v10 =	vld.idx.msk [tilespmem:v26+s5+$0x0], $0xffff  }
0xd5: {  	v28 =	vor.u32 v2, v23;
	_ =	sdelay $0x3  }
0xd6: {  	[tilespmem:v25+s10+$0x0] =	vst.idx.msk $0xffff, v10  }
0xd7: {  	v10 =	vld.idx.msk [tilespmem:v28+s5+$0x0], $0xffff;
	_ =	sdelay $0x3  }
0xd8: {  	s19 =	spop (v2sf)  }
0xd9: {  	s29 =	simm.s32 $0x7400;
	s25 =	spop (v2sf);
	s28 =	sadd.s32 s12, s19;
	[tilespmem:v27+s10+$0x0] =	vst.idx.msk $0xffff, v10  }
0xda: {  	[tilespmem:s29], [sflag:$0x3] =	stream.strided.gather [hbm4b:s28+s15], $0x800, s17, s15, $0x38;
	[tilespmem:$0x1E400] =	vst v63  }
0xdb: {  	s8 =	simm.s32 $0xB400;
	s29 =	sadd.s32 s2, s25  }
0xdc: {  	[tilespmem:s8], [sflag:$0x3] =	stream.strided.gather [hbm4b:s29+s15], $0x800, s17, s15, $0x38;
	[tilespmem:$0x1E400] =	vst v63  }
0xdd: {  	s13 =	simm.s32 $0x10400;
	s6 =	sadd.s32 s3, s19  }
0xde: {  	[tilespmem:s13], [sflag:$0x3] =	stream.strided.gather [hbm4b:s6+s15], $0x1000, s17, s15, $0x38;
	[tilespmem:$0x1E400] =	vst v63  }
0xdf: {  	s31 =	sadd.s32 s4, s25  }
0xe0: {  	[tilespmem:s5], [sflag:$0x3] =	stream.strided.gather [hbm4b:s31+s15], $0x1000, s17, s15, $0x38;
	[tilespmem:$0x1E400] =	vst v63  }
0xe1: {  	_ =	swait.ge [sflag:s18], $0x800  }
0xe2: {  	[sflag:s18] =	ssyncset.done $0x0  }
0xe3: {  	[sflag:s18] =	ssyncadd.s32 $0xFFFFF800  }
0xe4: {  	_ =	swait.ge [sflag:s18], $0x800  }
0xe5: {  	[sflag:s18] =	ssyncset.done $0x0  }
0xe6: {  	v29 =	vbroadcast v5, $0x3;
	[sflag:s18] =	ssyncadd.s32 $0xFFFFF800  }
0xe7: {  	_ =	swait.ge [sflag:s18], $0x1000  }
0xe8: {  	v30 =	vor.u32 v0, v29;
	s1 =	sor.u32 $0x3, s30;
	[sflag:s18] =	ssyncset.done $0x0  }
0xe9: {  	v31 =	vmov s1;
	[sflag:s18] =	ssyncadd.s32 $0xFFFFF000  }
0xea: {  	v32 =	vshll.u32 v31, $0x3;
	_ =	swait.ge [sflag:s18], $0x1000  }
0xeb: {  	v12 =	vand.u32 $0x73, v31;
	v13 =	vand.u32 $0x400, v32;
	[sflag:s18] =	ssyncset.done $0x0  }
0xec: {  	v33 =	vbroadcast v4, $0x3;
	v12 =	vor.u32 v12, v13;
	s6 =	simm.s32 $0x7C00;
	[sflag:s18] =	ssyncadd.s32 $0xFFFFF000  }
0xed: {  	v35 =	vor.u32 v1, v12;
	v34 =	vld.idx.msk [tilespmem:v30+s6+$0x0], $0xffff  }
0xee: {  	v36 =	vor.u32 v0, v33;
	_ =	sdelay $0x3  }
0xef: {  	s11 =	simm.s32 $0xBC00;
	[tilespmem:v35+s15+$0x0] =	vst.idx.msk $0xffff, v34  }
0xf0: {  	v13 =	vld.idx.msk [tilespmem:v36+s11+$0x0], $0xffff;
	_ =	sdelay $0x3  }
0xf1: {  	s24 =	simm.s32 $0x1400  }
0xf2: {  	s19 =	simm.s32 $0x11400;
	[tilespmem:v35+s24+$0x0] =	vst.idx.msk $0xffff, v13  }
0xf3: {  	v11 =	vld.idx.msk [tilespmem:v30+s19+$0x0], $0xffff  }
0xf4: {  	v10 =	vor.u32 v2, v29;
	_ =	sdelay $0x3  }
0xf5: {  	[tilespmem:v35+s7+$0x0] =	vst.idx.msk $0xffff, v11  }
0xf6: {  	v37 =	vor.u32 v3, v12;
	v10 =	vld.idx.msk [tilespmem:v10+s19+$0x0], $0xffff  }
0xf7: {  	(v2sf) =	vpush v8, $0xB  }
0xf8: {  	(v2sf) =	vpush v9, $0xB;
	_ =	sdelay $0x2  }
0xf9: {  	s1 =	simm.s32 $0x19400;
	[tilespmem:v37+s7+$0x0] =	vst.idx.msk $0xffff, v10  }
0xfa: {  	v10 =	vld.idx.msk [tilespmem:v36+s1+$0x0], $0xffff  }
0xfb: {  	v38 =	vor.u32 v2, v33;
	_ =	sdelay $0x3  }
0xfc: {  	[tilespmem:v35+s10+$0x0] =	vst.idx.msk $0xffff, v10  }
0xfd: {  	v10 =	vld.idx.msk [tilespmem:v38+s1+$0x0], $0xffff;
	_ =	sdelay $0x3  }
0xfe: {  	s28 =	spop (v2sf)  }
0xff: {  	s8 =	simm.s32 $0x7C00;
	s29 =	spop (v2sf);
	s31 =	sadd.s32 s12, s28;
	[tilespmem:v37+s10+$0x0] =	vst.idx.msk $0xffff, v10  }
0x100: {  	[tilespmem:s8], [sflag:$0x4] =	stream.strided.gather [hbm4b:s31+s15], $0x800, s17, s15, $0x38;
	[tilespmem:$0x1E400] =	vst v63  }
0x101: {  	s13 =	simm.s32 $0xBC00;
	s11 =	sadd.s32 s2, s29  }
0x102: {  	[tilespmem:s13], [sflag:$0x4] =	stream.strided.gather [hbm4b:s11+s15], $0x800, s17, s15, $0x38;
	[tilespmem:$0x1E400] =	vst v63  }
0x103: {  	s25 =	simm.s32 $0x11400;
	s6 =	sadd.s32 s3, s28  }
0x104: {  	[tilespmem:s25], [sflag:$0x4] =	stream.strided.gather [hbm4b:s6+s15], $0x1000, s17, s15, $0x38;
	[tilespmem:$0x1E400] =	vst v63  }
0x105: {  	s13 =	sadd.s32 s4, s29  }
0x106: {  	[tilespmem:s1], [sflag:$0x4] =	stream.strided.gather [hbm4b:s13+s15], $0x1000, s17, s15, $0x38;
	[tilespmem:$0x1E400] =	vst v63  }
0x107: {  	_ =	swait.ge [sflag:s23], $0x800  }
0x108: {  	[sflag:s23] =	ssyncset.done $0x0  }
0x109: {  	[sflag:s23] =	ssyncadd.s32 $0xFFFFF800  }
0x10a: {  	_ =	swait.ge [sflag:s23], $0x800  }
0x10b: {  	[sflag:s23] =	ssyncset.done $0x0  }
0x10c: {  	v39 =	vbroadcast v5, $0x4;
	[sflag:s23] =	ssyncadd.s32 $0xFFFFF800  }
0x10d: {  	_ =	swait.ge [sflag:s23], $0x1000  }
0x10e: {  	v40 =	vor.u32 v0, v39;
	s14 =	sor.u32 $0x4, s30;
	[sflag:s23] =	ssyncset.done $0x0  }
0x10f: {  	v41 =	vmov s14;
	[sflag:s23] =	ssyncadd.s32 $0xFFFFF000  }
0x110: {  	v42 =	vshll.u32 v41, $0x3;
	_ =	swait.ge [sflag:s23], $0x1000  }
0x111: {  	v12 =	vand.u32 $0x74, v41;
	v13 =	vand.u32 $0x400, v42;
	[sflag:s23] =	ssyncset.done $0x0  }
0x112: {  	v43 =	vbroadcast v4, $0x4;
	s16 =	simm.s32 $0x8400;
	v12 =	vor.u32 v12, v13;
	[sflag:s23] =	ssyncadd.s32 $0xFFFFF000  }
0x113: {  	v45 =	vor.u32 v1, v12;
	v44 =	vld.idx.msk [tilespmem:v40+s16+$0x0], $0xffff  }
0x114: {  	v46 =	vor.u32 v0, v43;
	_ =	sdelay $0x3  }
0x115: {  	s31 =	simm.s32 $0xC400;
	[tilespmem:v45+s15+$0x0] =	vst.idx.msk $0xffff, v44  }
0x116: {  	v13 =	vld.idx.msk [tilespmem:v46+s31+$0x0], $0xffff;
	_ =	sdelay $0x4  }
0x117: {  	s28 =	simm.s32 $0x12400;
	[tilespmem:v45+s24+$0x0] =	vst.idx.msk $0xffff, v13  }
0x118: {  	v11 =	vld.idx.msk [tilespmem:v40+s28+$0x0], $0xffff  }
0x119: {  	v10 =	vor.u32 v2, v39;
	_ =	sdelay $0x3  }
0x11a: {  	[tilespmem:v45+s7+$0x0] =	vst.idx.msk $0xffff, v11  }
0x11b: {  	v47 =	vor.u32 v3, v12;
	v10 =	vld.idx.msk [tilespmem:v10+s28+$0x0], $0xffff  }
0x11c: {  	(v2sf) =	vpush v8, $0xC  }
0x11d: {  	(v2sf) =	vpush v9, $0xC;
	_ =	sdelay $0x2  }
0x11e: {  	s9 =	simm.s32 $0x1A400;
	[tilespmem:v47+s7+$0x0] =	vst.idx.msk $0xffff, v10  }
0x11f: {  	v10 =	vld.idx.msk [tilespmem:v46+s9+$0x0], $0xffff  }
0x120: {  	v48 =	vor.u32 v2, v43;
	_ =	sdelay $0x3  }
0x121: {  	[tilespmem:v45+s10+$0x0] =	vst.idx.msk $0xffff, v10  }
0x122: {  	v10 =	vld.idx.msk [tilespmem:v48+s9+$0x0], $0xffff;
	_ =	sdelay $0x3  }
0x123: {  	s29 =	spop (v2sf)  }
0x124: {  	s19 =	simm.s32 $0x8400;
	s31 =	spop (v2sf);
	s11 =	sadd.s32 s12, s29;
	[tilespmem:v47+s10+$0x0] =	vst.idx.msk $0xffff, v10  }
0x125: {  	[tilespmem:s19], [sflag:$0x5] =	stream.strided.gather [hbm4b:s11+s15], $0x800, s17, s15, $0x38;
	[tilespmem:$0x1E400] =	vst v63  }
0x126: {  	s8 =	simm.s32 $0xC400;
	s13 =	sadd.s32 s2, s31  }
0x127: {  	[tilespmem:s8], [sflag:$0x5] =	stream.strided.gather [hbm4b:s13+s15], $0x800, s17, s15, $0x38;
	[tilespmem:$0x1E400] =	vst v63  }
0x128: {  	s25 =	simm.s32 $0x12400;
	s6 =	sadd.s32 s3, s29  }
0x129: {  	[tilespmem:s25], [sflag:$0x5] =	stream.strided.gather [hbm4b:s6+s15], $0x1000, s17, s15, $0x38;
	[tilespmem:$0x1E400] =	vst v63  }
0x12a: {  	s14 =	sadd.s32 s4, s31  }
0x12b: {  	[tilespmem:s9], [sflag:$0x5] =	stream.strided.gather [hbm4b:s14+s15], $0x1000, s17, s15, $0x38;
	[tilespmem:$0x1E400] =	vst v63  }
0x12c: {  	_ =	swait.ge [sflag:s26], $0x800  }
0x12d: {  	[sflag:s26] =	ssyncset.done $0x0  }
0x12e: {  	[sflag:s26] =	ssyncadd.s32 $0xFFFFF800  }
0x12f: {  	_ =	swait.ge [sflag:s26], $0x800  }
0x130: {  	[sflag:s26] =	ssyncset.done $0x0  }
0x131: {  	v49 =	vbroadcast v5, $0x5;
	[sflag:s26] =	ssyncadd.s32 $0xFFFFF800  }
0x132: {  	_ =	swait.ge [sflag:s26], $0x1000  }
0x133: {  	v50 =	vor.u32 v0, v49;
	s16 =	sor.u32 $0x5, s30;
	[sflag:s26] =	ssyncset.done $0x0  }
0x134: {  	v51 =	vmov s16;
	[sflag:s26] =	ssyncadd.s32 $0xFFFFF000  }
0x135: {  	v52 =	vshll.u32 v51, $0x3;
	_ =	swait.ge [sflag:s26], $0x1000  }
0x136: {  	v12 =	vand.u32 $0x75, v51;
	v13 =	vand.u32 $0x400, v52;
	[sflag:s26] =	ssyncset.done $0x0  }
0x137: {  	v53 =	vbroadcast v4, $0x5;
	v12 =	vor.u32 v12, v13;
	s19 =	simm.s32 $0x8C00;
	[sflag:s26] =	ssyncadd.s32 $0xFFFFF000  }
0x138: {  	v55 =	vor.u32 v1, v12;
	v54 =	vld.idx.msk [tilespmem:v50+s19+$0x0], $0xffff  }
0x139: {  	v56 =	vor.u32 v0, v53;
	_ =	sdelay $0x3  }
0x13a: {  	s31 =	simm.s32 $0xCC00;
	[tilespmem:v55+s15+$0x0] =	vst.idx.msk $0xffff, v54  }
0x13b: {  	v13 =	vld.idx.msk [tilespmem:v56+s31+$0x0], $0xffff;
	_ =	sdelay $0x4  }
0x13c: {  	s28 =	simm.s32 $0x13400;
	[tilespmem:v55+s24+$0x0] =	vst.idx.msk $0xffff, v13  }
0x13d: {  	v11 =	vld.idx.msk [tilespmem:v50+s28+$0x0], $0xffff  }
0x13e: {  	v10 =	vor.u32 v2, v49;
	_ =	sdelay $0x3  }
0x13f: {  	[tilespmem:v55+s7+$0x0] =	vst.idx.msk $0xffff, v11  }
0x140: {  	v57 =	vor.u32 v3, v12;
	v10 =	vld.idx.msk [tilespmem:v10+s28+$0x0], $0xffff  }
0x141: {  	(v2sf) =	vpush v8, $0xD  }
0x142: {  	(v2sf) =	vpush v9, $0xD;
	_ =	sdelay $0x2  }
0x143: {  	s16 =	simm.s32 $0x1B400;
	[tilespmem:v57+s7+$0x0] =	vst.idx.msk $0xffff, v10  }
0x144: {  	v10 =	vld.idx.msk [tilespmem:v56+s16+$0x0], $0xffff  }
0x145: {  	v58 =	vor.u32 v2, v53;
	_ =	sdelay $0x3  }
0x146: {  	[tilespmem:v55+s10+$0x0] =	vst.idx.msk $0xffff, v10  }
0x147: {  	v10 =	vld.idx.msk [tilespmem:v58+s16+$0x0], $0xffff;
	_ =	sdelay $0x3  }
0x148: {  	s29 =	spop (v2sf)  }
0x149: {  	s25 =	simm.s32 $0x8C00;
	s31 =	spop (v2sf);
	s11 =	sadd.s32 s12, s29;
	[tilespmem:v57+s10+$0x0] =	vst.idx.msk $0xffff, v10  }
0x14a: {  	[tilespmem:s25], [sflag:$0x6] =	stream.strided.gather [hbm4b:s11+s15], $0x800, s17, s15, $0x38;
	[tilespmem:$0x1E400] =	vst v63  }
0x14b: {  	s8 =	simm.s32 $0xCC00;
	s13 =	sadd.s32 s2, s31  }
0x14c: {  	[tilespmem:s8], [sflag:$0x6] =	stream.strided.gather [hbm4b:s13+s15], $0x800, s17, s15, $0x38;
	[tilespmem:$0x1E400] =	vst v63  }
0x14d: {  	s6 =	sadd.s32 s3, s29;
	s28 =	simm.s32 $0x13400  }
0x14e: {  	[tilespmem:s28], [sflag:$0x6] =	stream.strided.gather [hbm4b:s6+s15], $0x1000, s17, s15, $0x38;
	[tilespmem:$0x1E400] =	vst v63  }
0x14f: {  	s19 =	sadd.s32 s4, s31  }
0x150: {  	[tilespmem:s16], [sflag:$0x6] =	stream.strided.gather [hbm4b:s19+s15], $0x1000, s17, s15, $0x38;
	[tilespmem:$0x1E400] =	vst v63  }
0x151: {  	_ =	swait.ge [sflag:s20], $0x800  }
0x152: {  	[sflag:s20] =	ssyncset.done $0x0  }
0x153: {  	[sflag:s20] =	ssyncadd.s32 $0xFFFFF800  }
0x154: {  	_ =	swait.ge [sflag:s20], $0x800  }
0x155: {  	[sflag:s20] =	ssyncset.done $0x0  }
0x156: {  	v59 =	vbroadcast v5, $0x6;
	[sflag:s20] =	ssyncadd.s32 $0xFFFFF800  }
0x157: {  	_ =	swait.ge [sflag:s20], $0x1000  }
0x158: {  	v60 =	vor.u32 v0, v59;
	s25 =	sor.u32 $0x6, s30;
	[sflag:s20] =	ssyncset.done $0x0  }
0x159: {  	v61 =	vmov s25;
	[sflag:s20] =	ssyncadd.s32 $0xFFFFF000  }
0x15a: {  	v62 =	vshll.u32 v61, $0x3;
	_ =	swait.ge [sflag:s20], $0x1000  }
0x15b: {  	v12 =	vand.u32 $0x76, v61;
	v13 =	vand.u32 $0x400, v62;
	[sflag:s20] =	ssyncset.done $0x0  }
0x15c: {  	v63 =	vbroadcast v4, $0x6;
	v12 =	vor.u32 v12, v13;
	s28 =	simm.s32 $0x9400;
	[sflag:s20] =	ssyncadd.s32 $0xFFFFF000  }
0x15d: {  	v21 =	vor.u32 v1, v12;
	v20 =	vld.idx.msk [tilespmem:v60+s28+$0x0], $0xffff  }
0x15e: {  	v22 =	vor.u32 v0, v63;
	_ =	sdelay $0x3  }
0x15f: {  	s31 =	simm.s32 $0xD400;
	[tilespmem:v21+s15+$0x0] =	vst.idx.msk $0xffff, v20  }
0x160: {  	v13 =	vld.idx.msk [tilespmem:v22+s31+$0x0], $0xffff;
	_ =	sdelay $0x4  }
0x161: {  	s31 =	simm.s32 $0x14400;
	[tilespmem:v21+s24+$0x0] =	vst.idx.msk $0xffff, v13  }
0x162: {  	v11 =	vld.idx.msk [tilespmem:v60+s31+$0x0], $0xffff  }
0x163: {  	v10 =	vor.u32 v2, v59;
	_ =	sdelay $0x3  }
0x164: {  	[tilespmem:v21+s7+$0x0] =	vst.idx.msk $0xffff, v11  }
0x165: {  	v23 =	vor.u32 v3, v12;
	v10 =	vld.idx.msk [tilespmem:v10+s31+$0x0], $0xffff  }
0x166: {  	(v2sf) =	vpush v8, $0xE  }
0x167: {  	(v2sf) =	vpush v9, $0xE;
	_ =	sdelay $0x2  }
0x168: {  	s19 =	simm.s32 $0x1C400;
	[tilespmem:v23+s7+$0x0] =	vst.idx.msk $0xffff, v10  }
0x169: {  	v10 =	vld.idx.msk [tilespmem:v22+s19+$0x0], $0xffff  }
0x16a: {  	v24 =	vor.u32 v2, v63;
	_ =	sdelay $0x3  }
0x16b: {  	[tilespmem:v21+s10+$0x0] =	vst.idx.msk $0xffff, v10  }
0x16c: {  	v10 =	vld.idx.msk [tilespmem:v24+s19+$0x0], $0xffff;
	_ =	sdelay $0x3  }
0x16d: {  	s8 =	spop (v2sf)  }
0x16e: {  	s29 =	simm.s32 $0x9400;
	s11 =	spop (v2sf);
	s13 =	sadd.s32 s12, s8;
	[tilespmem:v23+s10+$0x0] =	vst.idx.msk $0xffff, v10  }
0x16f: {  	[tilespmem:s29], [sflag:$0x7] =	stream.strided.gather [hbm4b:s13+s15], $0x800, s17, s15, $0x38;
	[tilespmem:$0x1E400] =	vst v63  }
0x170: {  	s6 =	simm.s32 $0xD400;
	s28 =	sadd.s32 s2, s11  }
0x171: {  	[tilespmem:s6], [sflag:$0x7] =	stream.strided.gather [hbm4b:s28+s15], $0x800, s17, s15, $0x38;
	[tilespmem:$0x1E400] =	vst v63  }
0x172: {  	s6 =	sadd.s32 s3, s8  }
0x173: {  	[tilespmem:s31], [sflag:$0x7] =	stream.strided.gather [hbm4b:s6+s15], $0x1000, s17, s15, $0x38;
	[tilespmem:$0x1E400] =	vst v63  }
0x174: {  	s29 =	sadd.s32 s4, s11  }
0x175: {  	[tilespmem:s19], [sflag:$0x7] =	stream.strided.gather [hbm4b:s29+s15], $0x1000, s17, s15, $0x38;
	[tilespmem:$0x1E400] =	vst v63  }
0x176: {  	_ =	swait.ge [sflag:s21], $0x800  }
0x177: {  	[sflag:s21] =	ssyncset.done $0x0  }
0x178: {  	[sflag:s21] =	ssyncadd.s32 $0xFFFFF800  }
0x179: {  	_ =	swait.ge [sflag:s21], $0x800  }
0x17a: {  	[sflag:s21] =	ssyncset.done $0x0  }
0x17b: {  	v25 =	vbroadcast v5, $0x7;
	[sflag:s21] =	ssyncadd.s32 $0xFFFFF800  }
0x17c: {  	_ =	swait.ge [sflag:s21], $0x1000  }
0x17d: {  	v26 =	vor.u32 v0, v25;
	s31 =	sor.u32 $0x7, s30;
	[sflag:s21] =	ssyncset.done $0x0  }
0x17e: {  	v27 =	vmov s31;
	[sflag:s21] =	ssyncadd.s32 $0xFFFFF000  }
0x17f: {  	v28 =	vshll.u32 v27, $0x3;
	_ =	swait.ge [sflag:s21], $0x1000  }
0x180: {  	v12 =	vand.u32 $0x77, v27;
	v13 =	vand.u32 $0x400, v28;
	[sflag:s21] =	ssyncset.done $0x0  }
0x181: {  	v29 =	vbroadcast v4, $0x7;
	s8 =	simm.s32 $0x9C00;
	v12 =	vor.u32 v12, v13;
	[sflag:s21] =	ssyncadd.s32 $0xFFFFF000  }
0x182: {  	v31 =	vor.u32 v1, v12;
	v30 =	vld.idx.msk [tilespmem:v26+s8+$0x0], $0xffff  }
0x183: {  	v32 =	vor.u32 v0, v29;
	_ =	sdelay $0x3  }
0x184: {  	s31 =	simm.s32 $0xDC00;
	[tilespmem:v31+s15+$0x0] =	vst.idx.msk $0xffff, v30  }
0x185: {  	v13 =	vld.idx.msk [tilespmem:v32+s31+$0x0], $0xffff;
	_ =	sdelay $0x4  }
0x186: {  	s25 =	simm.s32 $0x15400;
	[tilespmem:v31+s24+$0x0] =	vst.idx.msk $0xffff, v13  }
0x187: {  	v11 =	vld.idx.msk [tilespmem:v26+s25+$0x0], $0xffff  }
0x188: {  	v10 =	vor.u32 v2, v25;
	_ =	sdelay $0x3  }
0x189: {  	[tilespmem:v31+s7+$0x0] =	vst.idx.msk $0xffff, v11  }
0x18a: {  	v33 =	vor.u32 v3, v12;
	v10 =	vld.idx.msk [tilespmem:v10+s25+$0x0], $0xffff  }
0x18b: {  	(v2sf) =	vpush v8, $0xF  }
0x18c: {  	(v2sf) =	vpush v9, $0xF;
	_ =	sdelay $0x2  }
0x18d: {  	s29 =	simm.s32 $0x1D400;
	[tilespmem:v33+s7+$0x0] =	vst.idx.msk $0xffff, v10  }
0x18e: {  	v34 =	vld.idx.msk [tilespmem:v32+s29+$0x0], $0xffff  }
0x18f: {  	v35 =	vor.u32 v2, v29;
	_ =	sdelay $0x3  }
0x190: {  	[tilespmem:v31+s10+$0x0] =	vst.idx.msk $0xffff, v34  }
0x191: {  	v8 =	vld.idx.msk [tilespmem:v35+s29+$0x0], $0xffff;
	_ =	sdelay $0x3  }
0x192: {  	s6 =	spop (v2sf)  }
0x193: {  	s28 =	simm.s32 $0x9C00;
	s8 =	spop (v2sf);
	s11 =	sadd.s32 s12, s6;
	[tilespmem:v33+s10+$0x0] =	vst.idx.msk $0xffff, v8  }
0x194: {  	[tilespmem:s28], [sflag:$0x8] =	stream.strided.gather [hbm4b:s11+s15], $0x800, s17, s15, $0x38;
	[tilespmem:$0x1E400] =	vst v63  }
0x195: {  	s13 =	sadd.s32 s2, s8  }
0x196: {  	[tilespmem:s31], [sflag:$0x8] =	stream.strided.gather [hbm4b:s13+s15], $0x800, s17, s15, $0x38;
	[tilespmem:$0x1E400] =	vst v63  }
0x197: {  	s6 =	sadd.s32 s3, s6  }
0x198: {  	[tilespmem:s25], [sflag:$0x8] =	stream.strided.gather [hbm4b:s6+s15], $0x1000, s17, s15, $0x38;
	[tilespmem:$0x1E400] =	vst v63  }
0x199: {  	s11 =	sadd.s32 s4, s8  }
0x19a: {  	[tilespmem:s29], [sflag:$0x8] =	stream.strided.gather [hbm4b:s11+s15], $0x1000, s17, s15, $0x38;
	[tilespmem:$0x1E400] =	vst v63  }
0x19b: {  	_ =	swait.ge [sflag:s0], $0x800  }
0x19c: {  	[sflag:s0] =	ssyncset.done $0x0  }
0x19d: {  	[sflag:s0] =	ssyncadd.s32 $0xFFFFF800  }
0x19e: {  	_ =	swait.ge [sflag:s0], $0x800  }
0x19f: {  	[sflag:s0] =	ssyncset.done $0x0  }
0x1a0: {  	v36 =	vbroadcast v5, $0x8;
	[sflag:s0] =	ssyncadd.s32 $0xFFFFF800  }
0x1a1: {  	_ =	swait.ge [sflag:s0], $0x1000  }
0x1a2: {  	v37 =	vor.u32 v0, v36;
	s13 =	sor.u32 $0x8, s30;
	[sflag:s0] =	ssyncset.done $0x0  }
0x1a3: {  	v38 =	vmov s13;
	[sflag:s0] =	ssyncadd.s32 $0xFFFFF000  }
0x1a4: {  	v39 =	vshll.u32 v38, $0x3;
	_ =	swait.ge [sflag:s0], $0x1000  }
0x1a5: {  	v10 =	vand.u32 $0x78, v38;
	v11 =	vand.u32 $0x400, v39;
	[sflag:s0] =	ssyncset.done $0x0  }
0x1a6: {  	v40 =	vbroadcast v4, $0x8;
	s14 =	simm.s32 $0x6400;
	v10 =	vor.u32 v10, v11;
	[sflag:s0] =	ssyncadd.s32 $0xFFFFF000  }
0x1a7: {  	v42 =	vor.u32 v1, v10;
	v41 =	vld.idx.msk [tilespmem:v37+s14+$0x0], $0xffff  }
0x1a8: {  	v43 =	vor.u32 v0, v40;
	_ =	sdelay $0x3  }
0x1a9: {  	s11 =	simm.s32 $0xA400;
	[tilespmem:v42+s15+$0x0] =	vst.idx.msk $0xffff, v41  }
0x1aa: {  	v11 =	vld.idx.msk [tilespmem:v43+s11+$0x0], $0xffff;
	_ =	sdelay $0x4  }
0x1ab: {  	s29 =	simm.s32 $0xE400;
	[tilespmem:v42+s24+$0x0] =	vst.idx.msk $0xffff, v11  }
0x1ac: {  	v9 =	vld.idx.msk [tilespmem:v37+s29+$0x0], $0xffff  }
0x1ad: {  	v8 =	vor.u32 v2, v36;
	_ =	sdelay $0x3  }
0x1ae: {  	[tilespmem:v42+s7+$0x0] =	vst.idx.msk $0xffff, v9  }
0x1af: {  	v7 =	vand.u32 $0xFFFFFF80, v7;
	v44 =	vor.u32 v3, v10;
	v8 =	vld.idx.msk [tilespmem:v8+s29+$0x0], $0xffff  }
0x1b0: {  	v6 =	vand.u32 $0xFFFFFF80, v6;
	(v2sf) =	vpush v7, $0x0  }
0x1b1: {  	(v2sf) =	vpush v6, $0x0;
	_ =	sdelay $0x2  }
0x1b2: {  	s8 =	simm.s32 $0x16400;
	[tilespmem:v44+s7+$0x0] =	vst.idx.msk $0xffff, v8  }
0x1b3: {  	v8 =	vld.idx.msk [tilespmem:v43+s8+$0x0], $0xffff  }
0x1b4: {  	v45 =	vor.u32 v2, v40;
	_ =	sdelay $0x3  }
0x1b5: {  	[tilespmem:v42+s10+$0x0] =	vst.idx.msk $0xffff, v8  }
0x1b6: {  	v8 =	vld.idx.msk [tilespmem:v45+s8+$0x0], $0xffff;
	_ =	sdelay $0x3  }
0x1b7: {  	s6 =	spop (v2sf)  }
0x1b8: {  	s13 =	sadd.s32 s12, s6;
	s8 =	spop (v2sf);
	[tilespmem:v44+s10+$0x0] =	vst.idx.msk $0xffff, v8  }
0x1b9: {  	[tilespmem:s14], [sflag:$0x1] =	stream.strided.gather [hbm4b:s13+s15], $0x800, s17, s15, $0x38;
	[tilespmem:$0x1E400] =	vst v63  }
0x1ba: {  	s13 =	sadd.s32 s2, s8  }
0x1bb: {  	[tilespmem:s11], [sflag:$0x1] =	stream.strided.gather [hbm4b:s13+s15], $0x800, s17, s15, $0x38;
	[tilespmem:$0x1E400] =	vst v63  }
0x1bc: {  	s25 =	simm.s32 $0xE400;
	s6 =	sadd.s32 s3, s6  }
0x1bd: {  	[tilespmem:s25], [sflag:$0x1] =	stream.strided.gather [hbm4b:s6+s15], $0x1000, s17, s15, $0x38;
	[tilespmem:$0x1E400] =	vst v63  }
0x1be: {  	s29 =	simm.s32 $0x16400;
	s11 =	simm.s32 $0x2;
	s13 =	sadd.s32 s4, s8  }
0x1bf: {  	[tilespmem:s29], [sflag:$0x1] =	stream.strided.gather [hbm4b:s13+s15], $0x1000, s17, s15, $0x38;
	[tilespmem:$0x1E400] =	vst v63  }
0x1c0: {  	_ =	swait.ge [sflag:s11], $0x800  }
0x1c1: {  	[sflag:s11] =	ssyncset.done $0x0  }
0x1c2: {  	[sflag:s11] =	ssyncadd.s32 $0xFFFFF800  }
0x1c3: {  	_ =	swait.ge [sflag:s11], $0x800  }
0x1c4: {  	[sflag:s11] =	ssyncset.done $0x0  }
0x1c5: {  	v46 =	vbroadcast v5, $0x9;
	[sflag:s11] =	ssyncadd.s32 $0xFFFFF800  }
0x1c6: {  	_ =	swait.ge [sflag:s11], $0x1000  }
0x1c7: {  	v47 =	vor.u32 v0, v46;
	s14 =	sor.u32 $0x9, s30;
	[sflag:s11] =	ssyncset.done $0x0  }
0x1c8: {  	v48 =	vmov s14;
	[sflag:s11] =	ssyncadd.s32 $0xFFFFF000  }
0x1c9: {  	v49 =	vshll.u32 v48, $0x3;
	_ =	swait.ge [sflag:s11], $0x1000  }
0x1ca: {  	v10 =	vand.u32 $0x79, v48;
	v11 =	vand.u32 $0x400, v49;
	[sflag:s11] =	ssyncset.done $0x0  }
0x1cb: {  	v50 =	vbroadcast v4, $0x9;
	v10 =	vor.u32 v10, v11;
	s29 =	simm.s32 $0x6C00;
	[sflag:s11] =	ssyncadd.s32 $0xFFFFF000  }
0x1cc: {  	v52 =	vor.u32 v1, v10;
	v51 =	vld.idx.msk [tilespmem:v47+s29+$0x0], $0xffff  }
0x1cd: {  	v53 =	vor.u32 v0, v50;
	_ =	sdelay $0x3  }
0x1ce: {  	s13 =	simm.s32 $0xAC00;
	[tilespmem:v52+s15+$0x0] =	vst.idx.msk $0xffff, v51  }
0x1cf: {  	v11 =	vld.idx.msk [tilespmem:v53+s13+$0x0], $0xffff;
	_ =	sdelay $0x4  }
0x1d0: {  	s25 =	simm.s32 $0xF400;
	[tilespmem:v52+s24+$0x0] =	vst.idx.msk $0xffff, v11  }
0x1d1: {  	v9 =	vld.idx.msk [tilespmem:v47+s25+$0x0], $0xffff  }
0x1d2: {  	v8 =	vor.u32 v2, v46;
	_ =	sdelay $0x3  }
0x1d3: {  	[tilespmem:v52+s7+$0x0] =	vst.idx.msk $0xffff, v9  }
0x1d4: {  	v54 =	vor.u32 v3, v10;
	v8 =	vld.idx.msk [tilespmem:v8+s25+$0x0], $0xffff  }
0x1d5: {  	(v2sf) =	vpush v7, $0x1  }
0x1d6: {  	(v2sf) =	vpush v6, $0x1;
	_ =	sdelay $0x2  }
0x1d7: {  	[tilespmem:v54+s7+$0x0] =	vst.idx.msk $0xffff, v8  }
0x1d8: {  	v8 =	vld.idx.msk [tilespmem:v53+s22+$0x0], $0xffff  }
0x1d9: {  	v55 =	vor.u32 v2, v50;
	_ =	sdelay $0x3  }
0x1da: {  	[tilespmem:v52+s10+$0x0] =	vst.idx.msk $0xffff, v8  }
0x1db: {  	v8 =	vld.idx.msk [tilespmem:v55+s22+$0x0], $0xffff;
	_ =	sdelay $0x3  }
0x1dc: {  	s6 =	spop (v2sf)  }
0x1dd: {  	s8 =	spop (v2sf);
	s14 =	sadd.s32 s12, s6;
	[tilespmem:v54+s10+$0x0] =	vst.idx.msk $0xffff, v8  }
0x1de: {  	[tilespmem:s29], [sflag:$0x2] =	stream.strided.gather [hbm4b:s14+s15], $0x800, s17, s15, $0x38;
	[tilespmem:$0x1E400] =	vst v63  }
0x1df: {  	s29 =	sadd.s32 s2, s8  }
0x1e0: {  	[tilespmem:s13], [sflag:$0x2] =	stream.strided.gather [hbm4b:s29+s15], $0x800, s17, s15, $0x38;
	[tilespmem:$0x1E400] =	vst v63  }
0x1e1: {  	s6 =	sadd.s32 s3, s6;
	s25 =	simm.s32 $0xF400  }
0x1e2: {  	[tilespmem:s25], [sflag:$0x2] =	stream.strided.gather [hbm4b:s6+s15], $0x1000, s17, s15, $0x38;
	[tilespmem:$0x1E400] =	vst v63  }
0x1e3: {  	s13 =	simm.s32 $0x3;
	s29 =	sadd.s32 s4, s8  }
0x1e4: {  	[tilespmem:s22], [sflag:$0x2] =	stream.strided.gather [hbm4b:s29+s15], $0x1000, s17, s15, $0x38;
	[tilespmem:$0x1E400] =	vst v63  }
0x1e5: {  	_ =	swait.ge [sflag:s13], $0x800  }
0x1e6: {  	[sflag:s13] =	ssyncset.done $0x0  }
0x1e7: {  	[sflag:s13] =	ssyncadd.s32 $0xFFFFF800  }
0x1e8: {  	_ =	swait.ge [sflag:s13], $0x800  }
0x1e9: {  	[sflag:s13] =	ssyncset.done $0x0  }
0x1ea: {  	v56 =	vbroadcast v5, $0xA;
	[sflag:s13] =	ssyncadd.s32 $0xFFFFF800  }
0x1eb: {  	_ =	swait.ge [sflag:s13], $0x1000  }
0x1ec: {  	v57 =	vor.u32 v0, v56;
	s8 =	sor.u32 $0xA, s30;
	[sflag:s13] =	ssyncset.done $0x0  }
0x1ed: {  	v58 =	vmov s8;
	[sflag:s13] =	ssyncadd.s32 $0xFFFFF000  }
0x1ee: {  	v59 =	vshll.u32 v58, $0x3;
	_ =	swait.ge [sflag:s13], $0x1000  }
0x1ef: {  	v10 =	vand.u32 $0x7A, v58;
	v11 =	vand.u32 $0x400, v59;
	[sflag:s13] =	ssyncset.done $0x0  }
0x1f0: {  	v60 =	vbroadcast v4, $0xA;
	s14 =	simm.s32 $0x7400;
	v10 =	vor.u32 v10, v11;
	[sflag:s13] =	ssyncadd.s32 $0xFFFFF000  }
0x1f1: {  	v62 =	vor.u32 v1, v10;
	v61 =	vld.idx.msk [tilespmem:v57+s14+$0x0], $0xffff  }
0x1f2: {  	v63 =	vor.u32 v0, v60;
	_ =	sdelay $0x3  }
0x1f3: {  	s29 =	simm.s32 $0xB400;
	[tilespmem:v62+s15+$0x0] =	vst.idx.msk $0xffff, v61  }
0x1f4: {  	v11 =	vld.idx.msk [tilespmem:v63+s29+$0x0], $0xffff;
	_ =	sdelay $0x4  }
0x1f5: {  	s22 =	simm.s32 $0x10400;
	[tilespmem:v62+s24+$0x0] =	vst.idx.msk $0xffff, v11  }
0x1f6: {  	v9 =	vld.idx.msk [tilespmem:v57+s22+$0x0], $0xffff  }
0x1f7: {  	v8 =	vor.u32 v2, v56;
	_ =	sdelay $0x3  }
0x1f8: {  	[tilespmem:v62+s7+$0x0] =	vst.idx.msk $0xffff, v9  }
0x1f9: {  	v15 =	vor.u32 v3, v10;
	v8 =	vld.idx.msk [tilespmem:v8+s22+$0x0], $0xffff  }
0x1fa: {  	(v2sf) =	vpush v7, $0x2  }
0x1fb: {  	(v2sf) =	vpush v6, $0x2;
	_ =	sdelay $0x2  }
0x1fc: {  	[tilespmem:v15+s7+$0x0] =	vst.idx.msk $0xffff, v8  }
0x1fd: {  	v8 =	vld.idx.msk [tilespmem:v63+s5+$0x0], $0xffff  }
0x1fe: {  	v16 =	vor.u32 v2, v60;
	_ =	sdelay $0x3  }
0x1ff: {  	[tilespmem:v62+s10+$0x0] =	vst.idx.msk $0xffff, v8  }
0x200: {  	v8 =	vld.idx.msk [tilespmem:v16+s5+$0x0], $0xffff;
	_ =	sdelay $0x3  }
0x201: {  	s6 =	spop (v2sf)  }
0x202: {  	s8 =	spop (v2sf);
	s24 =	sadd.s32 s12, s6;
	[tilespmem:v15+s10+$0x0] =	vst.idx.msk $0xffff, v8  }
0x203: {  	[tilespmem:s14], [sflag:$0x3] =	stream.strided.gather [hbm4b:s24+s15], $0x800, s17, s15, $0x38;
	[tilespmem:$0x1E400] =	vst v63  }
0x204: {  	s25 =	sadd.s32 s2, s8  }
0x205: {  	[tilespmem:s29], [sflag:$0x3] =	stream.strided.gather [hbm4b:s25+s15], $0x800, s17, s15, $0x38;
	[tilespmem:$0x1E400] =	vst v63  }
0x206: {  	s6 =	sadd.s32 s3, s6;
	s22 =	simm.s32 $0x10400  }
0x207: {  	[tilespmem:s22], [sflag:$0x3] =	stream.strided.gather [hbm4b:s6+s15], $0x1000, s17, s15, $0x38;
	[tilespmem:$0x1E400] =	vst v63  }
0x208: {  	s29 =	sadd.s32 s4, s8  }
0x209: {  	[tilespmem:s5], [sflag:$0x3] =	stream.strided.gather [hbm4b:s29+s15], $0x1000, s17, s15, $0x38;
	[tilespmem:$0x1E400] =	vst v63  }
0x20a: {  	_ =	swait.ge [sflag:s18], $0x800  }
0x20b: {  	[sflag:s18] =	ssyncset.done $0x0  }
0x20c: {  	[sflag:s18] =	ssyncadd.s32 $0xFFFFF800  }
0x20d: {  	_ =	swait.ge [sflag:s18], $0x800  }
0x20e: {  	[sflag:s18] =	ssyncset.done $0x0  }
0x20f: {  	v17 =	vbroadcast v5, $0xB;
	[sflag:s18] =	ssyncadd.s32 $0xFFFFF800  }
0x210: {  	_ =	swait.ge [sflag:s18], $0x1000  }
0x211: {  	v18 =	vor.u32 v0, v17;
	s8 =	sor.u32 $0xB, s30;
	[sflag:s18] =	ssyncset.done $0x0  }
0x212: {  	v19 =	vmov s8;
	[sflag:s18] =	ssyncadd.s32 $0xFFFFF000  }
0x213: {  	v20 =	vshll.u32 v19, $0x3;
	_ =	swait.ge [sflag:s18], $0x1000  }
0x214: {  	v10 =	vand.u32 $0x7B, v19;
	v11 =	vand.u32 $0x400, v20;
	[sflag:s18] =	ssyncset.done $0x0  }
0x215: {  	v21 =	vbroadcast v4, $0xB;
	s14 =	simm.s32 $0x7C00;
	v10 =	vor.u32 v10, v11;
	[sflag:s18] =	ssyncadd.s32 $0xFFFFF000  }
0x216: {  	v23 =	vor.u32 v1, v10;
	v22 =	vld.idx.msk [tilespmem:v18+s14+$0x0], $0xffff  }
0x217: {  	v24 =	vor.u32 v0, v21;
	_ =	sdelay $0x3  }
0x218: {  	s25 =	simm.s32 $0xBC00;
	[tilespmem:v23+s15+$0x0] =	vst.idx.msk $0xffff, v22  }
0x219: {  	v11 =	vld.idx.msk [tilespmem:v24+s25+$0x0], $0xffff;
	_ =	sdelay $0x3  }
0x21a: {  	s5 =	simm.s32 $0x1400  }
0x21b: {  	s24 =	simm.s32 $0x11400;
	[tilespmem:v23+s5+$0x0] =	vst.idx.msk $0xffff, v11  }
0x21c: {  	v9 =	vld.idx.msk [tilespmem:v18+s24+$0x0], $0xffff  }
0x21d: {  	v8 =	vor.u32 v2, v17;
	_ =	sdelay $0x3  }
0x21e: {  	[tilespmem:v23+s7+$0x0] =	vst.idx.msk $0xffff, v9  }
0x21f: {  	v25 =	vor.u32 v3, v10;
	v8 =	vld.idx.msk [tilespmem:v8+s24+$0x0], $0xffff  }
0x220: {  	(v2sf) =	vpush v7, $0x3  }
0x221: {  	(v2sf) =	vpush v6, $0x3;
	_ =	sdelay $0x2  }
0x222: {  	[tilespmem:v25+s7+$0x0] =	vst.idx.msk $0xffff, v8  }
0x223: {  	v8 =	vld.idx.msk [tilespmem:v24+s1+$0x0], $0xffff  }
0x224: {  	v26 =	vor.u32 v2, v21;
	_ =	sdelay $0x3  }
0x225: {  	[tilespmem:v23+s10+$0x0] =	vst.idx.msk $0xffff, v8  }
0x226: {  	v8 =	vld.idx.msk [tilespmem:v26+s1+$0x0], $0xffff;
	_ =	sdelay $0x3  }
0x227: {  	s6 =	spop (v2sf)  }
0x228: {  	s8 =	spop (v2sf);
	s29 =	sadd.s32 s12, s6;
	[tilespmem:v25+s10+$0x0] =	vst.idx.msk $0xffff, v8  }
0x229: {  	[tilespmem:s14], [sflag:$0x4] =	stream.strided.gather [hbm4b:s29+s15], $0x800, s17, s15, $0x38;
	[tilespmem:$0x1E400] =	vst v63  }
0x22a: {  	s22 =	sadd.s32 s2, s8  }
0x22b: {  	[tilespmem:s25], [sflag:$0x4] =	stream.strided.gather [hbm4b:s22+s15], $0x800, s17, s15, $0x38;
	[tilespmem:$0x1E400] =	vst v63  }
0x22c: {  	s6 =	sadd.s32 s3, s6;
	s24 =	simm.s32 $0x11400  }
0x22d: {  	[tilespmem:s24], [sflag:$0x4] =	stream.strided.gather [hbm4b:s6+s15], $0x1000, s17, s15, $0x38;
	[tilespmem:$0x1E400] =	vst v63  }
0x22e: {  	s29 =	sadd.s32 s4, s8  }
0x22f: {  	[tilespmem:s1], [sflag:$0x4] =	stream.strided.gather [hbm4b:s29+s15], $0x1000, s17, s15, $0x38;
	[tilespmem:$0x1E400] =	vst v63  }
0x230: {  	_ =	swait.ge [sflag:s23], $0x800  }
0x231: {  	[sflag:s23] =	ssyncset.done $0x0  }
0x232: {  	[sflag:s23] =	ssyncadd.s32 $0xFFFFF800  }
0x233: {  	_ =	swait.ge [sflag:s23], $0x800  }
0x234: {  	[sflag:s23] =	ssyncset.done $0x0  }
0x235: {  	v27 =	vbroadcast v5, $0xC;
	[sflag:s23] =	ssyncadd.s32 $0xFFFFF800  }
0x236: {  	_ =	swait.ge [sflag:s23], $0x1000  }
0x237: {  	v28 =	vor.u32 v0, v27;
	s8 =	sor.u32 $0xC, s30;
	[sflag:s23] =	ssyncset.done $0x0  }
0x238: {  	v29 =	vmov s8;
	[sflag:s23] =	ssyncadd.s32 $0xFFFFF000  }
0x239: {  	v30 =	vshll.u32 v29, $0x3;
	_ =	swait.ge [sflag:s23], $0x1000  }
0x23a: {  	v10 =	vand.u32 $0x7C, v29;
	v11 =	vand.u32 $0x400, v30;
	[sflag:s23] =	ssyncset.done $0x0  }
0x23b: {  	v31 =	vbroadcast v4, $0xC;
	s14 =	simm.s32 $0x8400;
	v10 =	vor.u32 v10, v11;
	[sflag:s23] =	ssyncadd.s32 $0xFFFFF000  }
0x23c: {  	v33 =	vor.u32 v1, v10;
	v32 =	vld.idx.msk [tilespmem:v28+s14+$0x0], $0xffff  }
0x23d: {  	v34 =	vor.u32 v0, v31;
	_ =	sdelay $0x3  }
0x23e: {  	s24 =	simm.s32 $0xC400;
	[tilespmem:v33+s15+$0x0] =	vst.idx.msk $0xffff, v32  }
0x23f: {  	v11 =	vld.idx.msk [tilespmem:v34+s24+$0x0], $0xffff;
	_ =	sdelay $0x4  }
0x240: {  	s29 =	simm.s32 $0x12400;
	[tilespmem:v33+s5+$0x0] =	vst.idx.msk $0xffff, v11  }
0x241: {  	v9 =	vld.idx.msk [tilespmem:v28+s29+$0x0], $0xffff  }
0x242: {  	v8 =	vor.u32 v2, v27;
	_ =	sdelay $0x3  }
0x243: {  	[tilespmem:v33+s7+$0x0] =	vst.idx.msk $0xffff, v9  }
0x244: {  	v35 =	vor.u32 v3, v10;
	v8 =	vld.idx.msk [tilespmem:v8+s29+$0x0], $0xffff  }
0x245: {  	(v2sf) =	vpush v7, $0x4  }
0x246: {  	(v2sf) =	vpush v6, $0x4;
	_ =	sdelay $0x2  }
0x247: {  	[tilespmem:v35+s7+$0x0] =	vst.idx.msk $0xffff, v8  }
0x248: {  	v8 =	vld.idx.msk [tilespmem:v34+s9+$0x0], $0xffff  }
0x249: {  	v36 =	vor.u32 v2, v31;
	_ =	sdelay $0x3  }
0x24a: {  	[tilespmem:v33+s10+$0x0] =	vst.idx.msk $0xffff, v8  }
0x24b: {  	v8 =	vld.idx.msk [tilespmem:v36+s9+$0x0], $0xffff;
	_ =	sdelay $0x3  }
0x24c: {  	s8 =	spop (v2sf)  }
0x24d: {  	s25 =	spop (v2sf);
	s29 =	sadd.s32 s12, s8;
	[tilespmem:v35+s10+$0x0] =	vst.idx.msk $0xffff, v8  }
0x24e: {  	[tilespmem:s14], [sflag:$0x5] =	stream.strided.gather [hbm4b:s29+s15], $0x800, s17, s15, $0x38;
	[tilespmem:$0x1E400] =	vst v63  }
0x24f: {  	s1 =	sadd.s32 s2, s25  }
0x250: {  	[tilespmem:s24], [sflag:$0x5] =	stream.strided.gather [hbm4b:s1+s15], $0x800, s17, s15, $0x38;
	[tilespmem:$0x1E400] =	vst v63  }
0x251: {  	s22 =	simm.s32 $0x12400;
	s6 =	sadd.s32 s3, s8  }
0x252: {  	[tilespmem:s22], [sflag:$0x5] =	stream.strided.gather [hbm4b:s6+s15], $0x1000, s17, s15, $0x38;
	[tilespmem:$0x1E400] =	vst v63  }
0x253: {  	s8 =	sadd.s32 s4, s25  }
0x254: {  	[tilespmem:s9], [sflag:$0x5] =	stream.strided.gather [hbm4b:s8+s15], $0x1000, s17, s15, $0x38;
	[tilespmem:$0x1E400] =	vst v63  }
0x255: {  	_ =	swait.ge [sflag:s26], $0x800  }
0x256: {  	[sflag:s26] =	ssyncset.done $0x0  }
0x257: {  	[sflag:s26] =	ssyncadd.s32 $0xFFFFF800  }
0x258: {  	_ =	swait.ge [sflag:s26], $0x800  }
0x259: {  	[sflag:s26] =	ssyncset.done $0x0  }
0x25a: {  	v37 =	vbroadcast v5, $0xD;
	[sflag:s26] =	ssyncadd.s32 $0xFFFFF800  }
0x25b: {  	_ =	swait.ge [sflag:s26], $0x1000  }
0x25c: {  	v38 =	vor.u32 v0, v37;
	s14 =	sor.u32 $0xD, s30;
	[sflag:s26] =	ssyncset.done $0x0  }
0x25d: {  	v39 =	vmov s14;
	[sflag:s26] =	ssyncadd.s32 $0xFFFFF000  }
0x25e: {  	v40 =	vshll.u32 v39, $0x3;
	_ =	swait.ge [sflag:s26], $0x1000  }
0x25f: {  	v10 =	vand.u32 $0x7D, v39;
	v11 =	vand.u32 $0x400, v40;
	[sflag:s26] =	ssyncset.done $0x0  }
0x260: {  	v41 =	vbroadcast v4, $0xD;
	v10 =	vor.u32 v10, v11;
	s22 =	simm.s32 $0x8C00;
	[sflag:s26] =	ssyncadd.s32 $0xFFFFF000  }
0x261: {  	v43 =	vor.u32 v1, v10;
	v42 =	vld.idx.msk [tilespmem:v38+s22+$0x0], $0xffff  }
0x262: {  	v44 =	vor.u32 v0, v41;
	_ =	sdelay $0x3  }
0x263: {  	s9 =	simm.s32 $0xCC00;
	[tilespmem:v43+s15+$0x0] =	vst.idx.msk $0xffff, v42  }
0x264: {  	v11 =	vld.idx.msk [tilespmem:v44+s9+$0x0], $0xffff;
	_ =	sdelay $0x4  }
0x265: {  	s29 =	simm.s32 $0x13400;
	[tilespmem:v43+s5+$0x0] =	vst.idx.msk $0xffff, v11  }
0x266: {  	v9 =	vld.idx.msk [tilespmem:v38+s29+$0x0], $0xffff  }
0x267: {  	v8 =	vor.u32 v2, v37;
	_ =	sdelay $0x3  }
0x268: {  	[tilespmem:v43+s7+$0x0] =	vst.idx.msk $0xffff, v9  }
0x269: {  	v45 =	vor.u32 v3, v10;
	v8 =	vld.idx.msk [tilespmem:v8+s29+$0x0], $0xffff  }
0x26a: {  	(v2sf) =	vpush v7, $0x5  }
0x26b: {  	(v2sf) =	vpush v6, $0x5;
	_ =	sdelay $0x2  }
0x26c: {  	[tilespmem:v45+s7+$0x0] =	vst.idx.msk $0xffff, v8  }
0x26d: {  	v8 =	vld.idx.msk [tilespmem:v44+s16+$0x0], $0xffff  }
0x26e: {  	v46 =	vor.u32 v2, v41;
	_ =	sdelay $0x3  }
0x26f: {  	[tilespmem:v43+s10+$0x0] =	vst.idx.msk $0xffff, v8  }
0x270: {  	v8 =	vld.idx.msk [tilespmem:v46+s16+$0x0], $0xffff;
	_ =	sdelay $0x3  }
0x271: {  	s24 =	spop (v2sf)  }
0x272: {  	s25 =	spop (v2sf);
	s29 =	sadd.s32 s12, s24;
	[tilespmem:v45+s10+$0x0] =	vst.idx.msk $0xffff, v8  }
0x273: {  	[tilespmem:s22], [sflag:$0x6] =	stream.strided.gather [hbm4b:s29+s15], $0x800, s17, s15, $0x38;
	[tilespmem:$0x1E400] =	vst v63  }
0x274: {  	s1 =	sadd.s32 s2, s25  }
0x275: {  	[tilespmem:s9], [sflag:$0x6] =	stream.strided.gather [hbm4b:s1+s15], $0x800, s17, s15, $0x38;
	[tilespmem:$0x1E400] =	vst v63  }
0x276: {  	s8 =	simm.s32 $0x13400;
	s6 =	sadd.s32 s3, s24  }
0x277: {  	[tilespmem:s8], [sflag:$0x6] =	stream.strided.gather [hbm4b:s6+s15], $0x1000, s17, s15, $0x38;
	[tilespmem:$0x1E400] =	vst v63  }
0x278: {  	s9 =	sadd.s32 s4, s25  }
0x279: {  	[tilespmem:s16], [sflag:$0x6] =	stream.strided.gather [hbm4b:s9+s15], $0x1000, s17, s15, $0x38;
	[tilespmem:$0x1E400] =	vst v63  }
0x27a: {  	_ =	swait.ge [sflag:s20], $0x800  }
0x27b: {  	[sflag:s20] =	ssyncset.done $0x0  }
0x27c: {  	[sflag:s20] =	ssyncadd.s32 $0xFFFFF800  }
0x27d: {  	_ =	swait.ge [sflag:s20], $0x800  }
0x27e: {  	[sflag:s20] =	ssyncset.done $0x0  }
0x27f: {  	v47 =	vbroadcast v5, $0xE;
	[sflag:s20] =	ssyncadd.s32 $0xFFFFF800  }
0x280: {  	_ =	swait.ge [sflag:s20], $0x1000  }
0x281: {  	v48 =	vor.u32 v0, v47;
	s14 =	sor.u32 $0xE, s30;
	[sflag:s20] =	ssyncset.done $0x0  }
0x282: {  	v49 =	vmov s14;
	[sflag:s20] =	ssyncadd.s32 $0xFFFFF000  }
0x283: {  	v50 =	vshll.u32 v49, $0x3;
	_ =	swait.ge [sflag:s20], $0x1000  }
0x284: {  	v10 =	vand.u32 $0x7E, v49;
	v11 =	vand.u32 $0x400, v50;
	[sflag:s20] =	ssyncset.done $0x0  }
0x285: {  	v51 =	vbroadcast v4, $0xE;
	v10 =	vor.u32 v10, v11;
	s16 =	simm.s32 $0x9400;
	[sflag:s20] =	ssyncadd.s32 $0xFFFFF000  }
0x286: {  	v53 =	vor.u32 v1, v10;
	v52 =	vld.idx.msk [tilespmem:v48+s16+$0x0], $0xffff  }
0x287: {  	v54 =	vor.u32 v0, v51;
	_ =	sdelay $0x3  }
0x288: {  	s9 =	simm.s32 $0xD400;
	[tilespmem:v53+s15+$0x0] =	vst.idx.msk $0xffff, v52  }
0x289: {  	v11 =	vld.idx.msk [tilespmem:v54+s9+$0x0], $0xffff;
	_ =	sdelay $0x4  }
0x28a: {  	s29 =	simm.s32 $0x14400;
	[tilespmem:v53+s5+$0x0] =	vst.idx.msk $0xffff, v11  }
0x28b: {  	v9 =	vld.idx.msk [tilespmem:v48+s29+$0x0], $0xffff  }
0x28c: {  	v8 =	vor.u32 v2, v47;
	_ =	sdelay $0x3  }
0x28d: {  	[tilespmem:v53+s7+$0x0] =	vst.idx.msk $0xffff, v9  }
0x28e: {  	v55 =	vor.u32 v3, v10;
	v8 =	vld.idx.msk [tilespmem:v8+s29+$0x0], $0xffff  }
0x28f: {  	(v2sf) =	vpush v7, $0x6  }
0x290: {  	(v2sf) =	vpush v6, $0x6;
	_ =	sdelay $0x2  }
0x291: {  	[tilespmem:v55+s7+$0x0] =	vst.idx.msk $0xffff, v8  }
0x292: {  	v8 =	vld.idx.msk [tilespmem:v54+s19+$0x0], $0xffff  }
0x293: {  	v56 =	vor.u32 v2, v51;
	_ =	sdelay $0x3  }
0x294: {  	[tilespmem:v53+s10+$0x0] =	vst.idx.msk $0xffff, v8  }
0x295: {  	v8 =	vld.idx.msk [tilespmem:v56+s19+$0x0], $0xffff;
	_ =	sdelay $0x3  }
0x296: {  	s22 =	spop (v2sf)  }
0x297: {  	s24 =	spop (v2sf);
	s25 =	sadd.s32 s12, s22;
	[tilespmem:v55+s10+$0x0] =	vst.idx.msk $0xffff, v8  }
0x298: {  	[tilespmem:s16], [sflag:$0x7] =	stream.strided.gather [hbm4b:s25+s15], $0x800, s17, s15, $0x38;
	[tilespmem:$0x1E400] =	vst v63  }
0x299: {  	s29 =	sadd.s32 s2, s24  }
0x29a: {  	[tilespmem:s9], [sflag:$0x7] =	stream.strided.gather [hbm4b:s29+s15], $0x800, s17, s15, $0x38;
	[tilespmem:$0x1E400] =	vst v63  }
0x29b: {  	s8 =	simm.s32 $0x14400;
	s6 =	sadd.s32 s3, s22  }
0x29c: {  	[tilespmem:s8], [sflag:$0x7] =	stream.strided.gather [hbm4b:s6+s15], $0x1000, s17, s15, $0x38;
	[tilespmem:$0x1E400] =	vst v63  }
0x29d: {  	s8 =	sadd.s32 s4, s24  }
0x29e: {  	[tilespmem:s19], [sflag:$0x7] =	stream.strided.gather [hbm4b:s8+s15], $0x1000, s17, s15, $0x38;
	[tilespmem:$0x1E400] =	vst v63  }
0x29f: {  	s1 =	rddreg [dreg:$0x14];
	_ =	swait.ge [sflag:s21], $0x800  }
0x2a0: {  	[sflag:s21] =	ssyncset.done $0x0  }
0x2a1: {  	[sflag:s21] =	ssyncadd.s32 $0xFFFFF800  }
0x2a2: {  	_ =	swait.ge [sflag:s21], $0x800  }
0x2a3: {  	[sflag:s21] =	ssyncset.done $0x0  }
0x2a4: {  	v5 =	vbroadcast v5, $0xF;
	[sflag:s21] =	ssyncadd.s32 $0xFFFFF800  }
0x2a5: {  	_ =	swait.ge [sflag:s21], $0x1000  }
0x2a6: {  	v57 =	vor.u32 v0, v5;
	s9 =	sor.u32 $0xF, s30;
	[sflag:s21] =	ssyncset.done $0x0  }
0x2a7: {  	v58 =	vmov s9;
	[sflag:s21] =	ssyncadd.s32 $0xFFFFF000  }
0x2a8: {  	v59 =	vshll.u32 v58, $0x3;
	_ =	swait.ge [sflag:s21], $0x1000  }
0x2a9: {  	v9 =	vand.u32 $0x7F, v58;
	v10 =	vand.u32 $0x400, v59;
	[sflag:s21] =	ssyncset.done $0x0  }
0x2aa: {  	v4 =	vbroadcast v4, $0xF;
	v9 =	vor.u32 v9, v10;
	[sflag:s21] =	ssyncadd.s32 $0xFFFFF000  }
0x2ab: {  	v61 =	vor.u32 v1, v9;
	v60 =	vld.idx.msk [tilespmem:v57+s28+$0x0], $0xffff  }
0x2ac: {  	v62 =	vor.u32 v0, v4;
	_ =	sdelay $0x3  }
0x2ad: {  	[tilespmem:v61+s15+$0x0] =	vst.idx.msk $0xffff, v60  }
0x2ae: {  	v10 =	vld.idx.msk [tilespmem:v62+s31+$0x0], $0xffff;
	_ =	sdelay $0x4  }
0x2af: {  	s14 =	simm.s32 $0x15400;
	[tilespmem:v61+s5+$0x0] =	vst.idx.msk $0xffff, v10  }
0x2b0: {  	v8 =	vld.idx.msk [tilespmem:v57+s14+$0x0], $0xffff  }
0x2b1: {  	v5 =	vor.u32 v2, v5;
	_ =	sdelay $0x3  }
0x2b2: {  	[tilespmem:v61+s7+$0x0] =	vst.idx.msk $0xffff, v8  }
0x2b3: {  	v63 =	vor.u32 v3, v9;
	v5 =	vld.idx.msk [tilespmem:v5+s14+$0x0], $0xffff  }
0x2b4: {  	(v2sf) =	vpush v7, $0x7  }
0x2b5: {  	(v2sf) =	vpush v6, $0x7;
	_ =	sdelay $0x2  }
0x2b6: {  	s29 =	simm.s32 $0x1D400;
	[tilespmem:v63+s7+$0x0] =	vst.idx.msk $0xffff, v5  }
0x2b7: {  	v5 =	vld.idx.msk [tilespmem:v62+s29+$0x0], $0xffff  }
0x2b8: {  	v4 =	vor.u32 v2, v4;
	_ =	sdelay $0x3  }
0x2b9: {  	[tilespmem:v61+s10+$0x0] =	vst.idx.msk $0xffff, v5  }
0x2ba: {  	v4 =	vld.idx.msk [tilespmem:v4+s29+$0x0], $0xffff;
	_ =	sdelay $0x3  }
0x2bb: {  	s19 =	spop (v2sf)  }
0x2bc: {  	s22 =	spop (v2sf);
	s24 =	sadd.s32 s12, s19;
	[tilespmem:v63+s10+$0x0] =	vst.idx.msk $0xffff, v4  }
0x2bd: {  	[tilespmem:s28], [sflag:$0x8] =	stream.strided.gather [hbm4b:s24+s15], $0x800, s17, s15, $0x38;
	[tilespmem:$0x1E400] =	vst v63  }
0x2be: {  	s25 =	sadd.s32 s2, s22;
	s29 =	rddreg [dreg:$0x16]  }
0x2bf: {  	[tilespmem:s31], [sflag:$0x8] =	stream.strided.gather [hbm4b:s25+s15], $0x800, s17, s15, $0x38;
	[tilespmem:$0x1E400] =	vst v63  }
0x2c0: {  	s16 =	simm.s32 $0x15400;
	s6 =	sadd.s32 s3, s19;
	p0 =	sne.s32 s29, $0x3C0  }
0x2c1: {  	[tilespmem:s16], [sflag:$0x8] =	stream.strided.gather [hbm4b:s6+s15], $0x1000, s17, s15, $0x38;
	[tilespmem:$0x1E400] =	vst v63  }
0x2c2: {  	s30 =	simm.s32 $0x1D400;
	s8 =	simm.s32 @!p0 $0x800;
	s28 =	sadd.s32 s4, s22  }
0x2c3: {  	[tilespmem:s30], [sflag:$0x8] =	stream.strided.gather [hbm4b:s28+s15], $0x1000, s17, s15, $0x38;
	[tilespmem:$0x1E400] =	vst v63  }
0x2c4: {  	s14 =	simm.s32 @!p0 $0x20000;
	s6 =	rddreg [dreg:$0x8];
	s30 =	simm.s32 @!p0 $0x400  }
0x2c5: {  	[hbm4b:s6+s8] =	stream.strided.scatter @!p0 [tilespmem:s30], [sflag:$0xA], $0x1000, s14, s8, $0x38;
	[tilespmem:$0x1E400] =	vst v63  }
0x2c6: {  	s6 =	simm.s32 @!p0 $0xA  }
0x2c7: {  	_ =	swait.ge @!p0 [sflag:s6], $0x1000  }
0x2c8: {  	[sflag:s6] =	ssyncset.done @!p0 $0x0  }
0x2c9: {  	s9 =	simm.s32 @!p0 $0x1400;
	s30 =	rddreg [dreg:$0x9];
	[sflag:s6] =	ssyncadd.s32 @!p0 $0xFFFFF000  }
0x2ca: {  	[hbm4b:s30+s8] =	stream.strided.scatter @!p0 [tilespmem:s9], [sflag:$0xA], $0x1000, s14, s8, $0x38;
	[tilespmem:$0x1E400] =	vst v63  }
0x2cb: {  	_ =	swait.ge @!p0 [sflag:s6], $0x1000  }
0x2cc: {  	[sflag:s6] =	ssyncset.done @!p0 $0x0  }
0x2cd: {  	s30 =	simm.s32 @!p0 $0x2400;
	s9 =	rddreg [dreg:$0xa];
	[sflag:s6] =	ssyncadd.s32 @!p0 $0xFFFFF000  }
0x2ce: {  	[hbm4b:s9+s8] =	stream.strided.scatter @!p0 [tilespmem:s30], [sflag:$0xA], $0x2000, s14, s8, $0x38;
	[tilespmem:$0x1E400] =	vst v63  }
0x2cf: {  	_ =	swait.ge @!p0 [sflag:s6], $0x2000  }
0x2d0: {  	s9 =	rddreg [dreg:$0xb];
	[sflag:s6] =	ssyncset.done @!p0 $0x0  }
0x2d1: {  	s30 =	rddreg [dreg:$0x16];
	[sflag:s6] =	ssyncadd.s32 @!p0 $0xFFFFE000;
	s6 =	simm.s32 @!p0 $0x4400  }
0x2d2: {  	[hbm4b:s9+s8] =	stream.strided.scatter @!p0 [tilespmem:s6], [sflag:$0x9], $0x2000, s14, s8, $0x38;
	[tilespmem:$0x1E400] =	vst v63  }
0x2d3: {  	s8 =	sadd.s32 $0x40, s30  }
0x2d4: {  	p1 =	sne.s32 s8, $0x800  }
.Ltmp0:
0x2d5: {  	_ = 	snop;
	(pc) =	sbr.rel @p1 .LBB2_2-.Ltmp0, $4  }
0x2d6: {  	s6 =	simm.s32 @!p0 $0x9  }
0x2d7: {  	_ =	swait.ge @!p0 [sflag:s6], $0x2000  }
0x2d8: {  	s0 =	simm.s32 $0x1;
	[sflag:s6] =	ssyncset.done @!p0 $0x0;
	s31 =	rddreg [dreg:$0x15]  }
0x2d9: {  	s1 =	sadd.s32 $0x10, s1;
	[sflag:s6] =	ssyncadd.s32 @!p0 $0xFFFFE000;
	s6 =	sadd.s32 $0x1, s31  }
0x2da: {  	_ =	swait.ge [sflag:s0], $0x800  }
0x2db: {  	[sflag:s0] =	ssyncset.done $0x0  }
0x2dc: {  	[sflag:s0] =	ssyncadd.s32 $0xFFFFF800  }
0x2dd: {  	_ =	swait.ge [sflag:s0], $0x800  }
0x2de: {  	[sflag:s0] =	ssyncset.done $0x0  }
0x2df: {  	[sflag:s0] =	ssyncadd.s32 $0xFFFFF800  }
0x2e0: {  	_ =	swait.ge [sflag:s0], $0x1000  }
0x2e1: {  	[sflag:s0] =	ssyncset.done $0x0  }
0x2e2: {  	[sflag:s0] =	ssyncadd.s32 $0xFFFFF000  }
0x2e3: {  	_ =	swait.ge [sflag:s0], $0x1000  }
0x2e4: {  	[sflag:s0] =	ssyncset.done $0x0  }
0x2e5: {  	[sflag:s0] =	ssyncadd.s32 $0xFFFFF000  }
0x2e6: {  	_ =	swait.ge [sflag:s11], $0x800  }
0x2e7: {  	[sflag:s11] =	ssyncset.done $0x0  }
0x2e8: {  	[sflag:s11] =	ssyncadd.s32 $0xFFFFF800  }
0x2e9: {  	_ =	swait.ge [sflag:s11], $0x800  }
0x2ea: {  	[sflag:s11] =	ssyncset.done $0x0  }
0x2eb: {  	[sflag:s11] =	ssyncadd.s32 $0xFFFFF800  }
0x2ec: {  	_ =	swait.ge [sflag:s11], $0x1000  }
0x2ed: {  	[sflag:s11] =	ssyncset.done $0x0  }
0x2ee: {  	[sflag:s11] =	ssyncadd.s32 $0xFFFFF000  }
0x2ef: {  	_ =	swait.ge [sflag:s11], $0x1000  }
0x2f0: {  	[sflag:s11] =	ssyncset.done $0x0  }
0x2f1: {  	[sflag:s11] =	ssyncadd.s32 $0xFFFFF000  }
0x2f2: {  	_ =	swait.ge [sflag:s13], $0x800  }
0x2f3: {  	[sflag:s13] =	ssyncset.done $0x0  }
0x2f4: {  	[sflag:s13] =	ssyncadd.s32 $0xFFFFF800  }
0x2f5: {  	_ =	swait.ge [sflag:s13], $0x800  }
0x2f6: {  	[sflag:s13] =	ssyncset.done $0x0  }
0x2f7: {  	[sflag:s13] =	ssyncadd.s32 $0xFFFFF800  }
0x2f8: {  	_ =	swait.ge [sflag:s13], $0x1000  }
0x2f9: {  	[sflag:s13] =	ssyncset.done $0x0  }
0x2fa: {  	[sflag:s13] =	ssyncadd.s32 $0xFFFFF000  }
0x2fb: {  	_ =	swait.ge [sflag:s13], $0x1000  }
0x2fc: {  	[sflag:s13] =	ssyncset.done $0x0  }
0x2fd: {  	[sflag:s13] =	ssyncadd.s32 $0xFFFFF000  }
0x2fe: {  	_ =	swait.ge [sflag:s18], $0x800  }
0x2ff: {  	[sflag:s18] =	ssyncset.done $0x0  }
0x300: {  	[sflag:s18] =	ssyncadd.s32 $0xFFFFF800  }
0x301: {  	_ =	swait.ge [sflag:s18], $0x800  }
0x302: {  	[sflag:s18] =	ssyncset.done $0x0  }
0x303: {  	[sflag:s18] =	ssyncadd.s32 $0xFFFFF800  }
0x304: {  	_ =	swait.ge [sflag:s18], $0x1000  }
0x305: {  	[sflag:s18] =	ssyncset.done $0x0  }
0x306: {  	[sflag:s18] =	ssyncadd.s32 $0xFFFFF000  }
0x307: {  	_ =	swait.ge [sflag:s18], $0x1000  }
0x308: {  	[sflag:s18] =	ssyncset.done $0x0  }
0x309: {  	[sflag:s18] =	ssyncadd.s32 $0xFFFFF000  }
0x30a: {  	_ =	swait.ge [sflag:s23], $0x800  }
0x30b: {  	[sflag:s23] =	ssyncset.done $0x0  }
0x30c: {  	[sflag:s23] =	ssyncadd.s32 $0xFFFFF800  }
0x30d: {  	_ =	swait.ge [sflag:s23], $0x800  }
0x30e: {  	[sflag:s23] =	ssyncset.done $0x0  }
0x30f: {  	[sflag:s23] =	ssyncadd.s32 $0xFFFFF800  }
0x310: {  	_ =	swait.ge [sflag:s23], $0x1000  }
0x311: {  	[sflag:s23] =	ssyncset.done $0x0  }
0x312: {  	[sflag:s23] =	ssyncadd.s32 $0xFFFFF000  }
0x313: {  	_ =	swait.ge [sflag:s23], $0x1000  }
0x314: {  	[sflag:s23] =	ssyncset.done $0x0  }
0x315: {  	[sflag:s23] =	ssyncadd.s32 $0xFFFFF000  }
0x316: {  	_ =	swait.ge [sflag:s26], $0x800  }
0x317: {  	[sflag:s26] =	ssyncset.done $0x0  }
0x318: {  	[sflag:s26] =	ssyncadd.s32 $0xFFFFF800  }
0x319: {  	_ =	swait.ge [sflag:s26], $0x800  }
0x31a: {  	[sflag:s26] =	ssyncset.done $0x0  }
0x31b: {  	[sflag:s26] =	ssyncadd.s32 $0xFFFFF800  }
0x31c: {  	_ =	swait.ge [sflag:s26], $0x1000  }
0x31d: {  	[sflag:s26] =	ssyncset.done $0x0  }
0x31e: {  	[sflag:s26] =	ssyncadd.s32 $0xFFFFF000  }
0x31f: {  	_ =	swait.ge [sflag:s26], $0x1000  }
0x320: {  	[sflag:s26] =	ssyncset.done $0x0  }
0x321: {  	[sflag:s26] =	ssyncadd.s32 $0xFFFFF000  }
0x322: {  	_ =	swait.ge [sflag:s20], $0x800  }
0x323: {  	[sflag:s20] =	ssyncset.done $0x0  }
0x324: {  	[sflag:s20] =	ssyncadd.s32 $0xFFFFF800  }
0x325: {  	_ =	swait.ge [sflag:s20], $0x800  }
0x326: {  	[sflag:s20] =	ssyncset.done $0x0  }
0x327: {  	[sflag:s20] =	ssyncadd.s32 $0xFFFFF800  }
0x328: {  	_ =	swait.ge [sflag:s20], $0x1000  }
0x329: {  	[sflag:s20] =	ssyncset.done $0x0  }
0x32a: {  	[sflag:s20] =	ssyncadd.s32 $0xFFFFF000  }
0x32b: {  	_ =	swait.ge [sflag:s20], $0x1000  }
0x32c: {  	[sflag:s20] =	ssyncset.done $0x0  }
0x32d: {  	[sflag:s20] =	ssyncadd.s32 $0xFFFFF000  }
0x32e: {  	_ =	swait.ge [sflag:s21], $0x800  }
0x32f: {  	[sflag:s21] =	ssyncset.done $0x0  }
0x330: {  	[sflag:s21] =	ssyncadd.s32 $0xFFFFF800  }
0x331: {  	_ =	swait.ge [sflag:s21], $0x800  }
0x332: {  	[sflag:s21] =	ssyncset.done $0x0  }
0x333: {  	[sflag:s21] =	ssyncadd.s32 $0xFFFFF800  }
0x334: {  	_ =	swait.ge [sflag:s21], $0x1000  }
0x335: {  	[sflag:s21] =	ssyncset.done $0x0  }
0x336: {  	[sflag:s21] =	ssyncadd.s32 $0xFFFFF000  }
0x337: {  	_ =	swait.ge [sflag:s21], $0x1000  }
0x338: {  	s8 =	simm.s32 $0x800;
	s1 =	simm.s32 $0x20000;
	[sflag:s21] =	ssyncset.done $0x0  }
0x339: {  	s9 =	simm.s32 $0x9;
	s6 =	rddreg [dreg:$0xe];
	[sflag:s21] =	ssyncadd.s32 $0xFFFFF000  }
0x33a: {  	[hbm4b:s6+s8] =	stream.strided.scatter [tilespmem:s15], [sflag:$0x9], $0x1000, s1, s8, $0x38;
	[tilespmem:$0x1E400] =	vst v63  }
0x33b: {  	_ =	swait.ge [sflag:s9], $0x1000  }
0x33c: {  	[sflag:s9] =	ssyncset.done $0x0  }
0x33d: {  	s24 =	rddreg [dreg:$0xf];
	[sflag:s9] =	ssyncadd.s32 $0xFFFFF000  }
0x33e: {  	[hbm4b:s24+s8] =	stream.strided.scatter [tilespmem:s5], [sflag:$0x9], $0x1000, s1, s8, $0x38;
	[tilespmem:$0x1E400] =	vst v63  }
0x33f: {  	_ =	swait.ge [sflag:s9], $0x1000  }
0x340: {  	[sflag:s9] =	ssyncset.done $0x0  }
0x341: {  	s25 =	rddreg [dreg:$0x10];
	[sflag:s9] =	ssyncadd.s32 $0xFFFFF000  }
0x342: {  	[hbm4b:s25+s8] =	stream.strided.scatter [tilespmem:s7], [sflag:$0x9], $0x2000, s1, s8, $0x38;
	[tilespmem:$0x1E400] =	vst v63  }
0x343: {  	_ =	swait.ge [sflag:s9], $0x2000  }
0x344: {  	[sflag:s9] =	ssyncset.done $0x0  }
0x345: {  	s28 =	rddreg [dreg:$0x11];
	[sflag:s9] =	ssyncadd.s32 $0xFFFFE000  }
0x346: {  	[hbm4b:s28+s8] =	stream.strided.scatter [tilespmem:s10], [sflag:$0x9], $0x2000, s1, s8, $0x38;
	[tilespmem:$0x1E400] =	vst v63  }
0x347: {  	_ =	swait.ge [sflag:s9], $0x2000  }
0x348: {  	s29 =	rddreg [dreg:$0x13]  }
0x349: {  	s31 =	rddreg [dreg:$0x12];
	s8 =	sadd.s32 $0x1, s29  }
0x34a: {  	p0 =	sne.s32 s8, s31  }
.Ltmp1:
0x34b: {  	_ = 	snop;
	(pc) =	sbr.rel @p0 .LBB2_1-.Ltmp1, $3  }
0x34c: {  	_ =	sdelay $0x1  }
0x34d: {  	[sflag:s9] =	ssyncset.done $0x0  }
0x34e: {  	s30 =	simm.s32 $0x6400;
	[sflag:s9] =	ssyncadd.s32 $0xFFFFE000  }
0x34f: {  	_ =	sfence.sel $0x180000  }
0x350: {  	[bflag:$0x0] =	sbarrier.arrive $0xFFFF  }
0x351: {  	_ =	strace $0x90000047  }
0x352: {  	s0 =	stileid.u32;
	[bflag:$0x2] =	sbarrier.arrive $0xFFFF  }
0x353: {  	p0 =	sne.s32 s0, $0x0;
	s0 =	rddreg [dreg:$0x7]  }
0x354: {  	s0 =	sadd.s32 @!p0 $0x100000, s0  }
0x355: {  	[sflag:s0] =	ssyncadd.tile.s32 @!p0 $0x1;
	_ =	shalt  }
.Lfunc_end2:
_tile_overlayer_lowered:
.L_overlay_start_2:
0x356: {  	(tag) =	ssettag $0x2  }
0x357: {  	s0 =	rddreg [dreg:$0x0];
	s2 =	stileid.u32  }
0x358: {  	s1 =	rddreg [dreg:$0x1];
	p0 =	sne.s32 s2, $0x0  }
0x359: {  	s3 =	rddreg [dreg:$0x2];
	[bflag:$0x3] =	sbarrier.arrive $0xFFFF;
	s2 =	simm.s32 @!p0 $0x1C09  }
0x35a: {  	[timem:s3], [sflag:s2] =	dma.local @!p0 [hbm:s0], s1  }
0x35b: {  	s0 =	simm.s32 @!p0 $0x9  }
0x35c: {  	_ =	swait.ge @!p0 [sflag:s0], s1  }
0x35d: {  	s1 =	ssub.s32 @!p0 $0x0, s1;
	[sflag:s0] =	ssyncset.done @!p0 $0x0  }
0x35e: {  	[sflag:s0] =	ssyncadd.s32 @!p0 s1  }
0x35f: {  	[bflag:$0x3] =	sbarrier.arrive $0xFFFF  }
0x360: {  	_ =	shalt  }

</sc_bundles>
